<compile_context>
chip_gen: v7x
topology: tpu7x:2x2x1
jax: 0.10.2.dev20260603
libtpu: 0.0.44.dev20260713+nightly
codegen_flags: <defaults>
</compile_context>

<pallas_src>
import functools

import jax
import jax.numpy as jnp
from jax import lax
from jax.experimental import pallas as pl
from jax.experimental.pallas import tpu as pltpu
from jax.experimental.pallas import tpu_sc as plsc

_EPS_BN = 1e-5
_EPS_D = 1e-8


def _p0_body(nsteps, N, uf_ref, Wu_ref, bu_ref, gu_ref, betau_ref,
             A_ref, c_ref, s1_ref, s2_ref):
    i = pl.program_id(0) * pl.num_programs(1) + pl.program_id(1)
    blk = uf_ref[0]

    @pl.when(i == 0)
    def _init():
        s1_ref[...] = jnp.zeros_like(s1_ref)
        s2_ref[...] = jnp.zeros_like(s2_ref)

    s1_ref[...] += jnp.sum(blk, axis=1, keepdims=True)
    s2_ref[...] += lax.dot_general(blk, blk, (((1,), (1,)), ((), ())),
                                   preferred_element_type=jnp.float32)

    @pl.when(i == nsteps - 1)
    def _fin():
        Wu = Wu_ref[...]
        mean_uf = s1_ref[...] / N
        mu_lin = jnp.dot(Wu, mean_uf, preferred_element_type=jnp.float32)
        e2 = jnp.sum(
            jnp.dot(Wu, s2_ref[...], preferred_element_type=jnp.float32) * Wu,
            axis=1, keepdims=True) / N
        var = e2 - mu_lin * mu_lin
        scale = gu_ref[...] * lax.rsqrt(var + _EPS_BN)
        A_ref[...] = Wu * scale
        c_ref[...] = betau_ref[...] - mu_lin * scale


def _p1_body(nsteps, N, m,
             un_ref, kn_ref, uf_ref, kf_ref,
             A_ref, cu_ref, W1_ref, b1_ref, g1_ref, beta1_ref,
             y1_ref, sc1_ref, sh1_ref, s1_ref, s2_ref):
    step = pl.program_id(0) * pl.num_programs(1) + pl.program_id(1)
    U = un_ref[0]
    K = kn_ref[0]
    e0 = K[:, 0:1] - U[0:1, :]
    e1 = K[:, 1:2] - U[1:2, :]
    e2 = K[:, 2:3] - U[2:3, :]
    d2 = e0 * e0 + e1 * e1 + e2 * e2

    rio = lax.broadcasted_iota(jnp.int32, d2.shape, 0)
    kk = (lax.bitcast_convert_type(d2, jnp.int32) & jnp.int32(-1024)) | rio
    vals, idxs = [], []
    for _ in range(3):
        kmin = jnp.min(kk, axis=0, keepdims=True)
        idxs.append(kmin & jnp.int32(1023))
        vals.append(lax.bitcast_convert_type(kmin & jnp.int32(-1024),
                                             jnp.float32))
        kk = jnp.where(kk == kmin, jnp.int32(2147483647), kk)

    r = [1.0 / (v + _EPS_D) for v in vals]
    norm = r[0] + r[1] + r[2]
    w = [ri / norm for ri in r]

    onehot = (jnp.where(rio == idxs[0], w[0], 0.0)
              + jnp.where(rio == idxs[1], w[1], 0.0)
              + jnp.where(rio == idxs[2], w[2], 0.0))
    interp = jnp.dot(kf_ref[0], onehot,
                     preferred_element_type=jnp.float32)

    x = interp + jnp.dot(A_ref[...], uf_ref[0],
                         preferred_element_type=jnp.float32) + cu_ref[...]
    y1 = jnp.dot(W1_ref[...], x,
                 preferred_element_type=jnp.float32) + b1_ref[...]
    y1_ref[0] = y1

    @pl.when(step == 0)
    def _init():
        s1_ref[...] = jnp.zeros_like(s1_ref)
        s2_ref[...] = jnp.zeros_like(s2_ref)

    s1_ref[...] += jnp.sum(y1, axis=1, keepdims=True)
    s2_ref[...] += jnp.sum(y1 * y1, axis=1, keepdims=True)

    @pl.when(step == nsteps - 1)
    def _fin():
        mean = s1_ref[...] / N
        var = s2_ref[...] / N - mean * mean
        scale = g1_ref[...] * lax.rsqrt(var + _EPS_BN)
        sc1_ref[...] = scale
        sh1_ref[...] = beta1_ref[...] - mean * scale


def _p1a_body(m, un_ref, kn_ref, gidx_ref, w_ref):
    b = pl.program_id(0)
    U = un_ref[0]
    K = kn_ref[0]
    e0 = K[:, 0:1] - U[0:1, :]
    e1 = K[:, 1:2] - U[1:2, :]
    e2 = K[:, 2:3] - U[2:3, :]
    d2 = e0 * e0 + e1 * e1 + e2 * e2

    rio = lax.broadcasted_iota(jnp.int32, d2.shape, 0)
    kk = (lax.bitcast_convert_type(d2, jnp.int32) & jnp.int32(-1024)) | rio
    vals, idxs = [], []
    for _ in range(3):
        kmin = jnp.min(kk, axis=0, keepdims=True)
        idxs.append(kmin & jnp.int32(1023))
        vals.append(lax.bitcast_convert_type(kmin & jnp.int32(-1024),
                                             jnp.float32))
        kk = jnp.where(kk == kmin, jnp.int32(2147483647), kk)

    r = [1.0 / (v + _EPS_D) for v in vals]
    norm = r[0] + r[1] + r[2]
    gidx_ref[...] = jnp.concatenate(idxs, axis=0) + b * m
    w_ref[...] = jnp.concatenate([ri / norm for ri in r], axis=0)


_SC_NW = 32
_SC_G = 64


def _make_sc_interp(N, C2):
    QW = N // _SC_NW
    G = _SC_G
    mesh = plsc.VectorSubcoreMesh(core_axis_name="c", subcore_axis_name="s")
    f32, i32 = jnp.float32, jnp.int32

    NCH = QW // G

    @functools.partial(
        pl.kernel, mesh=mesh,
        out_type=jax.ShapeDtypeStruct((N, C2), f32),
        scratch_types=[
            pltpu.VMEM((2, G), i32), pltpu.VMEM((2, G), i32),
            pltpu.VMEM((2, G), i32),
            pltpu.VMEM((2, G + 16), f32), pltpu.VMEM((2, G + 16), f32),
            pltpu.VMEM((2, G + 16), f32),
            pltpu.VMEM((G, C2), f32), pltpu.VMEM((G, C2), f32),
            pltpu.VMEM((G, C2), f32),
            pltpu.VMEM((G, C2), f32), pltpu.VMEM((G, C2), f32),
            pltpu.VMEM((G, C2), f32),
            pltpu.SemaphoreType.DMA, pltpu.SemaphoreType.DMA,
        ],
    )
    def sc_interp(tab_hbm, gidx_hbm, w_hbm, out_hbm,
                  i0_v, i1_v, i2_v, w0_v, w1_v, w2_v,
                  r0a, r1a, r2a, r0b, r1b, r2b, sema, semb):
        wid = lax.axis_index("s") * 2 + lax.axis_index("c")
        base = wid * QW
        bufs = ((r0a, r1a, r2a, sema), (r0b, r1b, r2b, semb))

        def issue(ci, s):
            q0 = base + ci * G
            r0, r1, r2, sem = bufs[s]
            pltpu.sync_copy(gidx_hbm.at[0, pl.ds(q0, G)], i0_v.at[s])
            pltpu.sync_copy(gidx_hbm.at[1, pl.ds(q0, G)], i1_v.at[s])
            pltpu.sync_copy(gidx_hbm.at[2, pl.ds(q0, G)], i2_v.at[s])
            pltpu.sync_copy(w_hbm.at[0, pl.ds(q0, G)],
                            w0_v.at[s, pl.ds(0, G)])
            pltpu.sync_copy(w_hbm.at[1, pl.ds(q0, G)],
                            w1_v.at[s, pl.ds(0, G)])
            pltpu.sync_copy(w_hbm.at[2, pl.ds(q0, G)],
                            w2_v.at[s, pl.ds(0, G)])
            pltpu.async_copy(tab_hbm.at[i0_v.at[s]], r0, sem)
            pltpu.async_copy(tab_hbm.at[i1_v.at[s]], r1, sem)
            pltpu.async_copy(tab_hbm.at[i2_v.at[s]], r2, sem)

        def consume(ci, s):
            q0 = base + ci * G
            r0, r1, r2, sem = bufs[s]
            pltpu.make_async_copy(tab_hbm.at[i0_v.at[s]], r0, sem).wait()
            pltpu.make_async_copy(tab_hbm.at[i1_v.at[s]], r1, sem).wait()
            pltpu.make_async_copy(tab_hbm.at[i2_v.at[s]], r2, sem).wait()

            def per_q(q, c2):
                w0 = w0_v[s, pl.ds(q, 16)][0]
                w1 = w1_v[s, pl.ds(q, 16)][0]
                w2 = w2_v[s, pl.ds(q, 16)][0]
                for c in range(C2 // 16):
                    sl = pl.ds(c * 16, 16)
                    r0[q, sl] = (w0 * r0[q, sl] + w1 * r1[q, sl]
                                 + w2 * r2[q, sl])
                return c2

            lax.fori_loop(0, G, per_q, 0)
            pltpu.sync_copy(r0, out_hbm.at[pl.ds(q0, G)])

        issue(0, 0)
        issue(1, 1)

        def pair(i, carry):
            consume(2 * i, 0)

            @pl.when(2 * i + 2 < NCH)
            def _():
                issue(2 * i + 2, 0)

            consume(2 * i + 1, 1)

            @pl.when(2 * i + 3 < NCH)
            def _():
                issue(2 * i + 3, 1)

            return carry

        lax.fori_loop(0, NCH // 2, pair, 0)

    return sc_interp


def _p1b_body(nsteps, N, it_ref, uf_ref,
              A_ref, cu_ref, W1_ref, b1_ref, g1_ref, beta1_ref,
              y1_ref, sc1_ref, sh1_ref, s1_ref, s2_ref):
    step = pl.program_id(0) * pl.num_programs(1) + pl.program_id(1)
    interp = jnp.transpose(it_ref[...])
    x = interp + jnp.dot(A_ref[...], uf_ref[0],
                         preferred_element_type=jnp.float32) + cu_ref[...]
    y1 = jnp.dot(W1_ref[...], x,
                 preferred_element_type=jnp.float32) + b1_ref[...]
    y1_ref[0] = y1

    @pl.when(step == 0)
    def _init():
        s1_ref[...] = jnp.zeros_like(s1_ref)
        s2_ref[...] = jnp.zeros_like(s2_ref)

    s1_ref[...] += jnp.sum(y1, axis=1, keepdims=True)
    s2_ref[...] += jnp.sum(y1 * y1, axis=1, keepdims=True)

    @pl.when(step == nsteps - 1)
    def _fin():
        mean = s1_ref[...] / N
        var = s2_ref[...] / N - mean * mean
        scale = g1_ref[...] * lax.rsqrt(var + _EPS_BN)
        sc1_ref[...] = scale
        sh1_ref[...] = beta1_ref[...] - mean * scale


def _p2_body(nsteps, N, y1_ref, sc1_ref, sh1_ref, W2_ref, b2_ref,
             g2_ref, beta2_ref, y2_ref, sc2_ref, sh2_ref, s1_ref, s2_ref):
    step = pl.program_id(0) * pl.num_programs(1) + pl.program_id(1)
    x1 = jnp.maximum(y1_ref[0] * sc1_ref[...] + sh1_ref[...], 0.0)
    y2 = jnp.dot(W2_ref[...], x1,
                 preferred_element_type=jnp.float32) + b2_ref[...]
    y2_ref[0] = y2

    @pl.when(step == 0)
    def _init():
        s1_ref[...] = jnp.zeros_like(s1_ref)
        s2_ref[...] = jnp.zeros_like(s2_ref)

    s1_ref[...] += jnp.sum(y2, axis=1, keepdims=True)
    s2_ref[...] += jnp.sum(y2 * y2, axis=1, keepdims=True)

    @pl.when(step == nsteps - 1)
    def _fin():
        mean = s1_ref[...] / N
        var = s2_ref[...] / N - mean * mean
        scale = g2_ref[...] * lax.rsqrt(var + _EPS_BN)
        sc2_ref[...] = scale
        sh2_ref[...] = beta2_ref[...] - mean * scale


def _p3_body(y2_ref, sc2_ref, sh2_ref, out_ref):
    out_ref[0] = jnp.maximum(y2_ref[0] * sc2_ref[...] + sh2_ref[...], 0.0)


def kernel(unknown, known, unknow_feats, known_feats, Wu, bu, gu, betau,
           W1, b1, g1, beta1, W2, b2, g2, beta2):
    B, n, _ = unknown.shape
    m = known.shape[1]
    C1 = unknow_feats.shape[1]
    C2 = known_feats.shape[1]
    N = B * n
    f32 = jnp.float32

    un_t = jnp.transpose(unknown, (0, 2, 1))
    col = lambda v: v.reshape(-1, 1)

    NB0 = 4096
    g0 = (B, n // NB0)
    A_u, c_u = pl.pallas_call(
        functools.partial(_p0_body, g0[0] * g0[1], float(N)),
        grid=g0,
        in_specs=[
            pl.BlockSpec((1, C1, NB0), lambda b, j: (b, 0, j)),
            pl.BlockSpec((C2, C1), lambda b, j: (0, 0)),
            pl.BlockSpec((C2, 1), lambda b, j: (0, 0)),
            pl.BlockSpec((C2, 1), lambda b, j: (0, 0)),
            pl.BlockSpec((C2, 1), lambda b, j: (0, 0)),
        ],
        out_specs=[
            pl.BlockSpec((C2, C1), lambda b, j: (0, 0)),
            pl.BlockSpec((C2, 1), lambda b, j: (0, 0)),
        ],
        out_shape=[
            jax.ShapeDtypeStruct((C2, C1), f32),
            jax.ShapeDtypeStruct((C2, 1), f32),
        ],
        scratch_shapes=[
            pltpu.VMEM((C1, 1), f32),
            pltpu.VMEM((C1, C1), f32),
        ],
    )(unknow_feats, Wu, col(bu), col(gu), col(betau))

    NB1 = 1024
    g1grid = (B, n // NB1)
    nbk = n // NB1
    gidx, wght = pl.pallas_call(
        functools.partial(_p1a_body, m),
        grid=g1grid,
        in_specs=[
            pl.BlockSpec((1, 3, NB1), lambda b, j: (b, 0, j)),
            pl.BlockSpec((1, m, 3), lambda b, j: (b, 0, 0)),
        ],
        out_specs=[
            pl.BlockSpec((3, NB1), lambda b, j, _n=nbk: (0, b * _n + j)),
            pl.BlockSpec((3, NB1), lambda b, j, _n=nbk: (0, b * _n + j)),
        ],
        out_shape=[
            jax.ShapeDtypeStruct((3, N), jnp.int32),
            jax.ShapeDtypeStruct((3, N), f32),
        ],
    )(un_t, known)

    tab = jnp.transpose(known_feats, (0, 2, 1)).reshape(B * m, C2)
    interp_rows = _make_sc_interp(N, C2)(tab, gidx, wght)

    y1, sc1, sh1 = pl.pallas_call(
        functools.partial(_p1b_body, g1grid[0] * g1grid[1], float(N)),
        grid=g1grid,
        in_specs=[
            pl.BlockSpec((NB1, C2), lambda b, j, _n=nbk: (b * _n + j, 0)),
            pl.BlockSpec((1, C1, NB1), lambda b, j: (b, 0, j)),
            pl.BlockSpec((C2, C1), lambda b, j: (0, 0)),
            pl.BlockSpec((C2, 1), lambda b, j: (0, 0)),
            pl.BlockSpec((C2, C2), lambda b, j: (0, 0)),
            pl.BlockSpec((C2, 1), lambda b, j: (0, 0)),
            pl.BlockSpec((C2, 1), lambda b, j: (0, 0)),
            pl.BlockSpec((C2, 1), lambda b, j: (0, 0)),
        ],
        out_specs=[
            pl.BlockSpec((1, C2, NB1), lambda b, j: (b, 0, j)),
            pl.BlockSpec((C2, 1), lambda b, j: (0, 0)),
            pl.BlockSpec((C2, 1), lambda b, j: (0, 0)),
        ],
        out_shape=[
            jax.ShapeDtypeStruct((B, C2, n), f32),
            jax.ShapeDtypeStruct((C2, 1), f32),
            jax.ShapeDtypeStruct((C2, 1), f32),
        ],
        scratch_shapes=[
            pltpu.VMEM((C2, 1), f32),
            pltpu.VMEM((C2, 1), f32),
        ],
    )(interp_rows, unknow_feats, A_u, c_u, W1, col(b1),
      col(g1), col(beta1))

    NB2 = 4096
    g2grid = (B, n // NB2)
    y2, sc2, sh2 = pl.pallas_call(
        functools.partial(_p2_body, g2grid[0] * g2grid[1], float(N)),
        grid=g2grid,
        in_specs=[
            pl.BlockSpec((1, C2, NB2), lambda b, j: (b, 0, j)),
            pl.BlockSpec((C2, 1), lambda b, j: (0, 0)),
            pl.BlockSpec((C2, 1), lambda b, j: (0, 0)),
            pl.BlockSpec((C2, C2), lambda b, j: (0, 0)),
            pl.BlockSpec((C2, 1), lambda b, j: (0, 0)),
            pl.BlockSpec((C2, 1), lambda b, j: (0, 0)),
            pl.BlockSpec((C2, 1), lambda b, j: (0, 0)),
        ],
        out_specs=[
            pl.BlockSpec((1, C2, NB2), lambda b, j: (b, 0, j)),
            pl.BlockSpec((C2, 1), lambda b, j: (0, 0)),
            pl.BlockSpec((C2, 1), lambda b, j: (0, 0)),
        ],
        out_shape=[
            jax.ShapeDtypeStruct((B, C2, n), f32),
            jax.ShapeDtypeStruct((C2, 1), f32),
            jax.ShapeDtypeStruct((C2, 1), f32),
        ],
        scratch_shapes=[
            pltpu.VMEM((C2, 1), f32),
            pltpu.VMEM((C2, 1), f32),
        ],
    )(y1, sc1, sh1, W2, col(b2), col(g2), col(beta2))

    NB3 = 4096
    out = pl.pallas_call(
        _p3_body,
        grid=(B, n // NB3),
        in_specs=[
            pl.BlockSpec((1, C2, NB3), lambda b, j: (b, 0, j)),
            pl.BlockSpec((C2, 1), lambda b, j: (0, 0)),
            pl.BlockSpec((C2, 1), lambda b, j: (0, 0)),
        ],
        out_specs=pl.BlockSpec((1, C2, NB3), lambda b, j: (b, 0, j)),
        out_shape=jax.ShapeDtypeStruct((B, C2, n), f32),
    )(y2, sc2, sh2)

    return out

# --- scband reference (transcript-rebuilt; emitter-appended) ---
"""Pipeline reference for scband-pointnet-fpmodule-28922309771871 (READ-ONLY COPY).

The authoritative reference and input builder live on the scoring server;
editing this copy changes nothing except your own understanding.
"""

import jax, jax.numpy as jnp
import numpy as np


def _bn(x, g, b, eps=1e-5):
    # training-mode BatchNorm1d over (B, C, N): stats over batch and spatial dims
    mean = jnp.mean(x, axis=(0, 2), keepdims=True)
    var = jnp.var(x, axis=(0, 2), keepdims=True)
    return (x - mean) / jnp.sqrt(var + eps) * g[None, :, None] + b[None, :, None]


def setup_inputs(seed: int = 0) -> dict:
    key = jax.random.key(seed)
    ks = jax.random.split(key, 12)
    B, n, m, C1, C2 = 8, 4096, 1024, 128, 256
    inp = {
        "unknown": jax.random.uniform(ks[0], (B, n, 3), dtype=jnp.float32),
        "known": jax.random.uniform(ks[1], (B, m, 3), dtype=jnp.float32),
        "unknow_feats": jax.random.normal(ks[2], (B, C1, n), dtype=jnp.float32),
        "known_feats": jax.random.normal(ks[3], (B, C2, m), dtype=jnp.float32),
        # mlp_unknow: Conv1d(128->256, k=1) + BN(256)
        "Wu": jax.random.normal(ks[4], (256, C1), dtype=jnp.float32) * 0.05,
        "bu": jnp.zeros((256,), jnp.float32),
        "gu": jnp.ones((256,), jnp.float32),
        "betau": jnp.zeros((256,), jnp.float32),
        # conv1: 256->256 + BN
        "W1": jax.random.normal(ks[5], (256, 256), dtype=jnp.float32) * 0.05,
        "b1": jnp.zeros((256,), jnp.float32),
        "g1": jnp.ones((256,), jnp.float32),
        "beta1": jnp.zeros((256,), jnp.float32),
        # conv2: 256->256 + BN
        "W2": jax.random.normal(ks[6], (256, 256), dtype=jnp.float32) * 0.05,
        "b2": jnp.zeros((256,), jnp.float32),
        "g2": jnp.ones((256,), jnp.float32),
        "beta2": jnp.zeros((256,), jnp.float32),
    }
    return inp


def reference(unknown, known, unknow_feats, known_feats, Wu, bu, gu, betau, W1, b1, g1, beta1, W2, b2, g2, beta2):
    # three_nn: 3 nearest known points for each unknown point (squared distances,
    # matching the pointnet2 CUDA kernel semantics)
    d2 = jnp.sum((unknown[:, :, None, :] - known[:, None, :, :]) ** 2, axis=-1)  # [B, n, m]
    neg_d, idx = jax.lax.top_k(-d2, 3)  # [B, n, 3]
    dist = -neg_d
    dist_recip = 1.0 / (dist + 1e-8)
    norm = jnp.sum(dist_recip, axis=2, keepdims=True)
    weight = dist_recip / norm  # [B, n, 3]
    # three_interpolate: gather + weighted sum
    feats_t = jnp.transpose(known_feats, (0, 2, 1))  # [B, m, C2]
    gathered = jax.vmap(lambda f, i: f[i])(feats_t, idx)  # [B, n, 3, C2]
    interp = jnp.sum(gathered * weight[..., None], axis=2)  # [B, n, C2]
    interp = jnp.transpose(interp, (0, 2, 1))  # [B, C2, n]
    # mlp_unknow on skip features (conv1x1 + BN, no relu)
    u = jnp.einsum('oc,bcn->bon', Wu, unknow_feats) + bu[None, :, None]
    u = _bn(u, gu, betau)
    x = interp + u
    # MLP convs: relu(bn(conv(x)))
    x = jax.nn.relu(_bn(jnp.einsum('oc,bcn->bon', W1, x) + b1[None, :, None], g1, beta1))
    x = jax.nn.relu(_bn(jnp.einsum('oc,bcn->bon', W2, x) + b2[None, :, None], g2, beta2))
    return x

if __name__ == "__main__":
    import jax
    _d = setup_inputs()
    print(jax.jit(kernel)(*tuple(_d.values())))

</pallas_src>

<mosaic_0001>
#map = affine_map<(d0, d1) -> (0, 0)>
module attributes {stable_mosaic.version = 14 : i64} {
  func.func @sc_interp(%arg0: i32, %arg1: i32, %arg2: memref<8192x256xf32, #tpu.memory_space<hbm>>, %arg3: memref<3x32768xi32, #tpu.memory_space<hbm>>, %arg4: memref<3x32768xf32, #tpu.memory_space<hbm>>, %arg5: memref<32768x256xf32, #tpu.memory_space<hbm>>, %arg6: memref<2x64xi32, #tpu.memory_space<vmem>>, %arg7: memref<2x64xi32, #tpu.memory_space<vmem>>, %arg8: memref<2x64xi32, #tpu.memory_space<vmem>>, %arg9: memref<2x80xf32, #tpu.memory_space<vmem>>, %arg10: memref<2x80xf32, #tpu.memory_space<vmem>>, %arg11: memref<2x80xf32, #tpu.memory_space<vmem>>, %arg12: memref<64x256xf32, #tpu.memory_space<vmem>>, %arg13: memref<64x256xf32, #tpu.memory_space<vmem>>, %arg14: memref<64x256xf32, #tpu.memory_space<vmem>>, %arg15: memref<64x256xf32, #tpu.memory_space<vmem>>, %arg16: memref<64x256xf32, #tpu.memory_space<vmem>>, %arg17: memref<64x256xf32, #tpu.memory_space<vmem>>, %arg18: memref<!tpu.dma_semaphore, #tpu.memory_space<semaphore_mem>>, %arg19: memref<!tpu.dma_semaphore, #tpu.memory_space<semaphore_mem>>) attributes {dimension_semantics = [#tpu.dimension_semantics<core_parallel>, #tpu.dimension_semantics<subcore_parallel>], iteration_bounds = array<i64: 2, 16>, scalar_prefetch = 0 : i64, scratch_operands = 14 : i64, tpu.core_type = #tpu.core_type<sc_vector_subcore>, window_params = [{transform_indices = #map}, {transform_indices = #map}, {transform_indices = #map}, {transform_indices = #map}]} {
    %mul3A = arith.constant 2 : i32
    %mul3A_0 = arith.muli %arg1, %mul3A : i32
    %add3A = arith.addi %mul3A_0, %arg0 : i32
    %mul3A_1 = arith.constant 1024 : i32
    %mul3A_2 = arith.muli %add3A, %mul3A_1 : i32
    %add3A_3 = arith.constant 0 : i32
    %add3A_4 = arith.addi %mul3A_2, %add3A_3 : i32
    %run_scoped3A = arith.constant 0 : i32
    %run_scoped3A_5 = arith.constant 0 : i32
    "tpu.region"() ({
      %run_scoped3A_76 = tpu.sem_alloc : memref<!tpu.dma_semaphore, #tpu.memory_space<semaphore_mem>>
      %dma_start3A_77 = arith.constant 0 : i32
      %dma_start3A_78 = tpu.memref_slice %arg6[%run_scoped3A_5, %dma_start3A_77] : memref<2x64xi32, #tpu.memory_space<vmem>> -> memref<1x64xi32, #tpu.memory_space<vmem>>
      %dma_start3A_79 = tpu.memref_squeeze %dma_start3A_78 : memref<1x64xi32, #tpu.memory_space<vmem>> -> memref<64xi32, #tpu.memory_space<vmem>>
      %dma_start3A_80 = tpu.memref_slice %arg3[%run_scoped3A, %add3A_4] : memref<3x32768xi32, #tpu.memory_space<hbm>> -> memref<1x64xi32, #tpu.memory_space<hbm>>
      %dma_start3A_81 = tpu.memref_squeeze %dma_start3A_80 : memref<1x64xi32, #tpu.memory_space<hbm>> -> memref<64xi32, #tpu.memory_space<hbm>>
      %dma_start3A_82 = arith.constant 0 : i32
      %dma_start3A_83 = tpu.memref_slice %arg6[%run_scoped3A_5, %dma_start3A_82] : memref<2x64xi32, #tpu.memory_space<vmem>> -> memref<1x64xi32, #tpu.memory_space<vmem>>
      %dma_start3A_84 = tpu.memref_squeeze %dma_start3A_83 : memref<1x64xi32, #tpu.memory_space<vmem>> -> memref<64xi32, #tpu.memory_space<vmem>>
      %dma_start3A_85 = tpu.memref_slice %arg3[%run_scoped3A, %add3A_4] : memref<3x32768xi32, #tpu.memory_space<hbm>> -> memref<1x64xi32, #tpu.memory_space<hbm>>
      %dma_start3A_86 = tpu.memref_squeeze %dma_start3A_85 : memref<1x64xi32, #tpu.memory_space<hbm>> -> memref<64xi32, #tpu.memory_space<hbm>>
      tpu.enqueue_dma source(%dma_start3A_86 : memref<64xi32, #tpu.memory_space<hbm>>) target(%dma_start3A_84 : memref<64xi32, #tpu.memory_space<vmem>>) target_semaphore(%run_scoped3A_76 : memref<!tpu.dma_semaphore, #tpu.memory_space<semaphore_mem>>)
      %dma_wait3A = arith.constant 0 : i32
      %dma_wait3A_87 = tpu.memref_slice %arg6[%run_scoped3A_5, %dma_wait3A] : memref<2x64xi32, #tpu.memory_space<vmem>> -> memref<1x64xi32, #tpu.memory_space<vmem>>
      %dma_wait3A_88 = tpu.memref_squeeze %dma_wait3A_87 : memref<1x64xi32, #tpu.memory_space<vmem>> -> memref<64xi32, #tpu.memory_space<vmem>>
      %dma_wait3A_89 = tpu.memref_slice %arg3[%run_scoped3A, %add3A_4] : memref<3x32768xi32, #tpu.memory_space<hbm>> -> memref<1x64xi32, #tpu.memory_space<hbm>>
      %dma_wait3A_90 = tpu.memref_squeeze %dma_wait3A_89 : memref<1x64xi32, #tpu.memory_space<hbm>> -> memref<64xi32, #tpu.memory_space<hbm>>
      %dma_wait3A_91 = arith.constant 0 : i32
      %dma_wait3A_92 = tpu.memref_slice %arg6[%run_scoped3A_5, %dma_wait3A_91] : memref<2x64xi32, #tpu.memory_space<vmem>> -> memref<1x64xi32, #tpu.memory_space<vmem>>
      %dma_wait3A_93 = tpu.memref_squeeze %dma_wait3A_92 : memref<1x64xi32, #tpu.memory_space<vmem>> -> memref<64xi32, #tpu.memory_space<vmem>>
      %dma_wait3A_94 = tpu.memref_slice %arg3[%run_scoped3A, %add3A_4] : memref<3x32768xi32, #tpu.memory_space<hbm>> -> memref<1x64xi32, #tpu.memory_space<hbm>>
      %dma_wait3A_95 = tpu.memref_squeeze %dma_wait3A_94 : memref<1x64xi32, #tpu.memory_space<hbm>> -> memref<64xi32, #tpu.memory_space<hbm>>
      tpu.wait_dma2 semaphore(%run_scoped3A_76 : memref<!tpu.dma_semaphore, #tpu.memory_space<semaphore_mem>>) src(%dma_wait3A_95 : memref<64xi32, #tpu.memory_space<hbm>>) dst(%dma_wait3A_93 : memref<64xi32, #tpu.memory_space<vmem>>)
      tpu.yield
    }) : () -> ()
    %run_scoped3A_6 = arith.constant 1 : i32
    %run_scoped3A_7 = arith.constant 0 : i32
    "tpu.region"() ({
      %run_scoped3A_76 = tpu.sem_alloc : memref<!tpu.dma_semaphore, #tpu.memory_space<semaphore_mem>>
      %dma_start3A_77 = arith.constant 0 : i32
      %dma_start3A_78 = tpu.memref_slice %arg7[%run_scoped3A_7, %dma_start3A_77] : memref<2x64xi32, #tpu.memory_space<vmem>> -> memref<1x64xi32, #tpu.memory_space<vmem>>
      %dma_start3A_79 = tpu.memref_squeeze %dma_start3A_78 : memref<1x64xi32, #tpu.memory_space<vmem>> -> memref<64xi32, #tpu.memory_space<vmem>>
      %dma_start3A_80 = tpu.memref_slice %arg3[%run_scoped3A_6, %add3A_4] : memref<3x32768xi32, #tpu.memory_space<hbm>> -> memref<1x64xi32, #tpu.memory_space<hbm>>
      %dma_start3A_81 = tpu.memref_squeeze %dma_start3A_80 : memref<1x64xi32, #tpu.memory_space<hbm>> -> memref<64xi32, #tpu.memory_space<hbm>>
      %dma_start3A_82 = arith.constant 0 : i32
      %dma_start3A_83 = tpu.memref_slice %arg7[%run_scoped3A_7, %dma_start3A_82] : memref<2x64xi32, #tpu.memory_space<vmem>> -> memref<1x64xi32, #tpu.memory_space<vmem>>
      %dma_start3A_84 = tpu.memref_squeeze %dma_start3A_83 : memref<1x64xi32, #tpu.memory_space<vmem>> -> memref<64xi32, #tpu.memory_space<vmem>>
      %dma_start3A_85 = tpu.memref_slice %arg3[%run_scoped3A_6, %add3A_4] : memref<3x32768xi32, #tpu.memory_space<hbm>> -> memref<1x64xi32, #tpu.memory_space<hbm>>
      %dma_start3A_86 = tpu.memref_squeeze %dma_start3A_85 : memref<1x64xi32, #tpu.memory_space<hbm>> -> memref<64xi32, #tpu.memory_space<hbm>>
      tpu.enqueue_dma source(%dma_start3A_86 : memref<64xi32, #tpu.memory_space<hbm>>) target(%dma_start3A_84 : memref<64xi32, #tpu.memory_space<vmem>>) target_semaphore(%run_scoped3A_76 : memref<!tpu.dma_semaphore, #tpu.memory_space<semaphore_mem>>)
      %dma_wait3A = arith.constant 0 : i32
      %dma_wait3A_87 = tpu.memref_slice %arg7[%run_scoped3A_7, %dma_wait3A] : memref<2x64xi32, #tpu.memory_space<vmem>> -> memref<1x64xi32, #tpu.memory_space<vmem>>
      %dma_wait3A_88 = tpu.memref_squeeze %dma_wait3A_87 : memref<1x64xi32, #tpu.memory_space<vmem>> -> memref<64xi32, #tpu.memory_space<vmem>>
      %dma_wait3A_89 = tpu.memref_slice %arg3[%run_scoped3A_6, %add3A_4] : memref<3x32768xi32, #tpu.memory_space<hbm>> -> memref<1x64xi32, #tpu.memory_space<hbm>>
      %dma_wait3A_90 = tpu.memref_squeeze %dma_wait3A_89 : memref<1x64xi32, #tpu.memory_space<hbm>> -> memref<64xi32, #tpu.memory_space<hbm>>
      %dma_wait3A_91 = arith.constant 0 : i32
      %dma_wait3A_92 = tpu.memref_slice %arg7[%run_scoped3A_7, %dma_wait3A_91] : memref<2x64xi32, #tpu.memory_space<vmem>> -> memref<1x64xi32, #tpu.memory_space<vmem>>
      %dma_wait3A_93 = tpu.memref_squeeze %dma_wait3A_92 : memref<1x64xi32, #tpu.memory_space<vmem>> -> memref<64xi32, #tpu.memory_space<vmem>>
      %dma_wait3A_94 = tpu.memref_slice %arg3[%run_scoped3A_6, %add3A_4] : memref<3x32768xi32, #tpu.memory_space<hbm>> -> memref<1x64xi32, #tpu.memory_space<hbm>>
      %dma_wait3A_95 = tpu.memref_squeeze %dma_wait3A_94 : memref<1x64xi32, #tpu.memory_space<hbm>> -> memref<64xi32, #tpu.memory_space<hbm>>
      tpu.wait_dma2 semaphore(%run_scoped3A_76 : memref<!tpu.dma_semaphore, #tpu.memory_space<semaphore_mem>>) src(%dma_wait3A_95 : memref<64xi32, #tpu.memory_space<hbm>>) dst(%dma_wait3A_93 : memref<64xi32, #tpu.memory_space<vmem>>)
      tpu.yield
    }) : () -> ()
    %run_scoped3A_8 = arith.constant 2 : i32
    %run_scoped3A_9 = arith.constant 0 : i32
    "tpu.region"() ({
      %run_scoped3A_76 = tpu.sem_alloc : memref<!tpu.dma_semaphore, #tpu.memory_space<semaphore_mem>>
      %dma_start3A_77 = arith.constant 0 : i32
      %dma_start3A_78 = tpu.memref_slice %arg8[%run_scoped3A_9, %dma_start3A_77] : memref<2x64xi32, #tpu.memory_space<vmem>> -> memref<1x64xi32, #tpu.memory_space<vmem>>
      %dma_start3A_79 = tpu.memref_squeeze %dma_start3A_78 : memref<1x64xi32, #tpu.memory_space<vmem>> -> memref<64xi32, #tpu.memory_space<vmem>>
      %dma_start3A_80 = tpu.memref_slice %arg3[%run_scoped3A_8, %add3A_4] : memref<3x32768xi32, #tpu.memory_space<hbm>> -> memref<1x64xi32, #tpu.memory_space<hbm>>
      %dma_start3A_81 = tpu.memref_squeeze %dma_start3A_80 : memref<1x64xi32, #tpu.memory_space<hbm>> -> memref<64xi32, #tpu.memory_space<hbm>>
      %dma_start3A_82 = arith.constant 0 : i32
      %dma_start3A_83 = tpu.memref_slice %arg8[%run_scoped3A_9, %dma_start3A_82] : memref<2x64xi32, #tpu.memory_space<vmem>> -> memref<1x64xi32, #tpu.memory_space<vmem>>
      %dma_start3A_84 = tpu.memref_squeeze %dma_start3A_83 : memref<1x64xi32, #tpu.memory_space<vmem>> -> memref<64xi32, #tpu.memory_space<vmem>>
      %dma_start3A_85 = tpu.memref_slice %arg3[%run_scoped3A_8, %add3A_4] : memref<3x32768xi32, #tpu.memory_space<hbm>> -> memref<1x64xi32, #tpu.memory_space<hbm>>
      %dma_start3A_86 = tpu.memref_squeeze %dma_start3A_85 : memref<1x64xi32, #tpu.memory_space<hbm>> -> memref<64xi32, #tpu.memory_space<hbm>>
      tpu.enqueue_dma source(%dma_start3A_86 : memref<64xi32, #tpu.memory_space<hbm>>) target(%dma_start3A_84 : memref<64xi32, #tpu.memory_space<vmem>>) target_semaphore(%run_scoped3A_76 : memref<!tpu.dma_semaphore, #tpu.memory_space<semaphore_mem>>)
      %dma_wait3A = arith.constant 0 : i32
      %dma_wait3A_87 = tpu.memref_slice %arg8[%run_scoped3A_9, %dma_wait3A] : memref<2x64xi32, #tpu.memory_space<vmem>> -> memref<1x64xi32, #tpu.memory_space<vmem>>
      %dma_wait3A_88 = tpu.memref_squeeze %dma_wait3A_87 : memref<1x64xi32, #tpu.memory_space<vmem>> -> memref<64xi32, #tpu.memory_space<vmem>>
      %dma_wait3A_89 = tpu.memref_slice %arg3[%run_scoped3A_8, %add3A_4] : memref<3x32768xi32, #tpu.memory_space<hbm>> -> memref<1x64xi32, #tpu.memory_space<hbm>>
      %dma_wait3A_90 = tpu.memref_squeeze %dma_wait3A_89 : memref<1x64xi32, #tpu.memory_space<hbm>> -> memref<64xi32, #tpu.memory_space<hbm>>
      %dma_wait3A_91 = arith.constant 0 : i32
      %dma_wait3A_92 = tpu.memref_slice %arg8[%run_scoped3A_9, %dma_wait3A_91] : memref<2x64xi32, #tpu.memory_space<vmem>> -> memref<1x64xi32, #tpu.memory_space<vmem>>
      %dma_wait3A_93 = tpu.memref_squeeze %dma_wait3A_92 : memref<1x64xi32, #tpu.memory_space<vmem>> -> memref<64xi32, #tpu.memory_space<vmem>>
      %dma_wait3A_94 = tpu.memref_slice %arg3[%run_scoped3A_8, %add3A_4] : memref<3x32768xi32, #tpu.memory_space<hbm>> -> memref<1x64xi32, #tpu.memory_space<hbm>>
      %dma_wait3A_95 = tpu.memref_squeeze %dma_wait3A_94 : memref<1x64xi32, #tpu.memory_space<hbm>> -> memref<64xi32, #tpu.memory_space<hbm>>
      tpu.wait_dma2 semaphore(%run_scoped3A_76 : memref<!tpu.dma_semaphore, #tpu.memory_space<semaphore_mem>>) src(%dma_wait3A_95 : memref<64xi32, #tpu.memory_space<hbm>>) dst(%dma_wait3A_93 : memref<64xi32, #tpu.memory_space<vmem>>)
      tpu.yield
    }) : () -> ()
    %run_scoped3A_10 = arith.constant 0 : i32
    %run_scoped3A_11 = arith.constant 0 : i32
    "tpu.region"() ({
      %run_scoped3A_76 = tpu.sem_alloc : memref<!tpu.dma_semaphore, #tpu.memory_space<semaphore_mem>>
      %dma_start3A_77 = arith.constant 0 : i32
      %dma_start3A_78 = tpu.memref_slice %arg9[%run_scoped3A_11, %dma_start3A_77] : memref<2x80xf32, #tpu.memory_space<vmem>> -> memref<1x64xf32, #tpu.memory_space<vmem>>
      %dma_start3A_79 = tpu.memref_squeeze %dma_start3A_78 : memref<1x64xf32, #tpu.memory_space<vmem>> -> memref<64xf32, #tpu.memory_space<vmem>>
      %dma_start3A_80 = tpu.memref_slice %arg4[%run_scoped3A_10, %add3A_4] : memref<3x32768xf32, #tpu.memory_space<hbm>> -> memref<1x64xf32, #tpu.memory_space<hbm>>
      %dma_start3A_81 = tpu.memref_squeeze %dma_start3A_80 : memref<1x64xf32, #tpu.memory_space<hbm>> -> memref<64xf32, #tpu.memory_space<hbm>>
      %dma_start3A_82 = arith.constant 0 : i32
      %dma_start3A_83 = tpu.memref_slice %arg9[%run_scoped3A_11, %dma_start3A_82] : memref<2x80xf32, #tpu.memory_space<vmem>> -> memref<1x64xf32, #tpu.memory_space<vmem>>
      %dma_start3A_84 = tpu.memref_squeeze %dma_start3A_83 : memref<1x64xf32, #tpu.memory_space<vmem>> -> memref<64xf32, #tpu.memory_space<vmem>>
      %dma_start3A_85 = tpu.memref_slice %arg4[%run_scoped3A_10, %add3A_4] : memref<3x32768xf32, #tpu.memory_space<hbm>> -> memref<1x64xf32, #tpu.memory_space<hbm>>
      %dma_start3A_86 = tpu.memref_squeeze %dma_start3A_85 : memref<1x64xf32, #tpu.memory_space<hbm>> -> memref<64xf32, #tpu.memory_space<hbm>>
      tpu.enqueue_dma source(%dma_start3A_86 : memref<64xf32, #tpu.memory_space<hbm>>) target(%dma_start3A_84 : memref<64xf32, #tpu.memory_space<vmem>>) target_semaphore(%run_scoped3A_76 : memref<!tpu.dma_semaphore, #tpu.memory_space<semaphore_mem>>)
      %dma_wait3A = arith.constant 0 : i32
      %dma_wait3A_87 = tpu.memref_slice %arg9[%run_scoped3A_11, %dma_wait3A] : memref<2x80xf32, #tpu.memory_space<vmem>> -> memref<1x64xf32, #tpu.memory_space<vmem>>
      %dma_wait3A_88 = tpu.memref_squeeze %dma_wait3A_87 : memref<1x64xf32, #tpu.memory_space<vmem>> -> memref<64xf32, #tpu.memory_space<vmem>>
      %dma_wait3A_89 = tpu.memref_slice %arg4[%run_scoped3A_10, %add3A_4] : memref<3x32768xf32, #tpu.memory_space<hbm>> -> memref<1x64xf32, #tpu.memory_space<hbm>>
      %dma_wait3A_90 = tpu.memref_squeeze %dma_wait3A_89 : memref<1x64xf32, #tpu.memory_space<hbm>> -> memref<64xf32, #tpu.memory_space<hbm>>
      %dma_wait3A_91 = arith.constant 0 : i32
      %dma_wait3A_92 = tpu.memref_slice %arg9[%run_scoped3A_11, %dma_wait3A_91] : memref<2x80xf32, #tpu.memory_space<vmem>> -> memref<1x64xf32, #tpu.memory_space<vmem>>
      %dma_wait3A_93 = tpu.memref_squeeze %dma_wait3A_92 : memref<1x64xf32, #tpu.memory_space<vmem>> -> memref<64xf32, #tpu.memory_space<vmem>>
      %dma_wait3A_94 = tpu.memref_slice %arg4[%run_scoped3A_10, %add3A_4] : memref<3x32768xf32, #tpu.memory_space<hbm>> -> memref<1x64xf32, #tpu.memory_space<hbm>>
      %dma_wait3A_95 = tpu.memref_squeeze %dma_wait3A_94 : memref<1x64xf32, #tpu.memory_space<hbm>> -> memref<64xf32, #tpu.memory_space<hbm>>
      tpu.wait_dma2 semaphore(%run_scoped3A_76 : memref<!tpu.dma_semaphore, #tpu.memory_space<semaphore_mem>>) src(%dma_wait3A_95 : memref<64xf32, #tpu.memory_space<hbm>>) dst(%dma_wait3A_93 : memref<64xf32, #tpu.memory_space<vmem>>)
      tpu.yield
    }) : () -> ()
    %run_scoped3A_12 = arith.constant 1 : i32
    %run_scoped3A_13 = arith.constant 0 : i32
    "tpu.region"() ({
      %run_scoped3A_76 = tpu.sem_alloc : memref<!tpu.dma_semaphore, #tpu.memory_space<semaphore_mem>>
      %dma_start3A_77 = arith.constant 0 : i32
      %dma_start3A_78 = tpu.memref_slice %arg10[%run_scoped3A_13, %dma_start3A_77] : memref<2x80xf32, #tpu.memory_space<vmem>> -> memref<1x64xf32, #tpu.memory_space<vmem>>
      %dma_start3A_79 = tpu.memref_squeeze %dma_start3A_78 : memref<1x64xf32, #tpu.memory_space<vmem>> -> memref<64xf32, #tpu.memory_space<vmem>>
      %dma_start3A_80 = tpu.memref_slice %arg4[%run_scoped3A_12, %add3A_4] : memref<3x32768xf32, #tpu.memory_space<hbm>> -> memref<1x64xf32, #tpu.memory_space<hbm>>
      %dma_start3A_81 = tpu.memref_squeeze %dma_start3A_80 : memref<1x64xf32, #tpu.memory_space<hbm>> -> memref<64xf32, #tpu.memory_space<hbm>>
      %dma_start3A_82 = arith.constant 0 : i32
      %dma_start3A_83 = tpu.memref_slice %arg10[%run_scoped3A_13, %dma_start3A_82] : memref<2x80xf32, #tpu.memory_space<vmem>> -> memref<1x64xf32, #tpu.memory_space<vmem>>
      %dma_start3A_84 = tpu.memref_squeeze %dma_start3A_83 : memref<1x64xf32, #tpu.memory_space<vmem>> -> memref<64xf32, #tpu.memory_space<vmem>>
      %dma_start3A_85 = tpu.memref_slice %arg4[%run_scoped3A_12, %add3A_4] : memref<3x32768xf32, #tpu.memory_space<hbm>> -> memref<1x64xf32, #tpu.memory_space<hbm>>
      %dma_start3A_86 = tpu.memref_squeeze %dma_start3A_85 : memref<1x64xf32, #tpu.memory_space<hbm>> -> memref<64xf32, #tpu.memory_space<hbm>>
      tpu.enqueue_dma source(%dma_start3A_86 : memref<64xf32, #tpu.memory_space<hbm>>) target(%dma_start3A_84 : memref<64xf32, #tpu.memory_space<vmem>>) target_semaphore(%run_scoped3A_76 : memref<!tpu.dma_semaphore, #tpu.memory_space<semaphore_mem>>)
      %dma_wait3A = arith.constant 0 : i32
      %dma_wait3A_87 = tpu.memref_slice %arg10[%run_scoped3A_13, %dma_wait3A] : memref<2x80xf32, #tpu.memory_space<vmem>> -> memref<1x64xf32, #tpu.memory_space<vmem>>
      %dma_wait3A_88 = tpu.memref_squeeze %dma_wait3A_87 : memref<1x64xf32, #tpu.memory_space<vmem>> -> memref<64xf32, #tpu.memory_space<vmem>>
      %dma_wait3A_89 = tpu.memref_slice %arg4[%run_scoped3A_12, %add3A_4] : memref<3x32768xf32, #tpu.memory_space<hbm>> -> memref<1x64xf32, #tpu.memory_space<hbm>>
      %dma_wait3A_90 = tpu.memref_squeeze %dma_wait3A_89 : memref<1x64xf32, #tpu.memory_space<hbm>> -> memref<64xf32, #tpu.memory_space<hbm>>
      %dma_wait3A_91 = arith.constant 0 : i32
      %dma_wait3A_92 = tpu.memref_slice %arg10[%run_scoped3A_13, %dma_wait3A_91] : memref<2x80xf32, #tpu.memory_space<vmem>> -> memref<1x64xf32, #tpu.memory_space<vmem>>
      %dma_wait3A_93 = tpu.memref_squeeze %dma_wait3A_92 : memref<1x64xf32, #tpu.memory_space<vmem>> -> memref<64xf32, #tpu.memory_space<vmem>>
      %dma_wait3A_94 = tpu.memref_slice %arg4[%run_scoped3A_12, %add3A_4] : memref<3x32768xf32, #tpu.memory_space<hbm>> -> memref<1x64xf32, #tpu.memory_space<hbm>>
      %dma_wait3A_95 = tpu.memref_squeeze %dma_wait3A_94 : memref<1x64xf32, #tpu.memory_space<hbm>> -> memref<64xf32, #tpu.memory_space<hbm>>
      tpu.wait_dma2 semaphore(%run_scoped3A_76 : memref<!tpu.dma_semaphore, #tpu.memory_space<semaphore_mem>>) src(%dma_wait3A_95 : memref<64xf32, #tpu.memory_space<hbm>>) dst(%dma_wait3A_93 : memref<64xf32, #tpu.memory_space<vmem>>)
      tpu.yield
    }) : () -> ()
    %run_scoped3A_14 = arith.constant 2 : i32
    %run_scoped3A_15 = arith.constant 0 : i32
    "tpu.region"() ({
      %run_scoped3A_76 = tpu.sem_alloc : memref<!tpu.dma_semaphore, #tpu.memory_space<semaphore_mem>>
      %dma_start3A_77 = arith.constant 0 : i32
      %dma_start3A_78 = tpu.memref_slice %arg11[%run_scoped3A_15, %dma_start3A_77] : memref<2x80xf32, #tpu.memory_space<vmem>> -> memref<1x64xf32, #tpu.memory_space<vmem>>
      %dma_start3A_79 = tpu.memref_squeeze %dma_start3A_78 : memref<1x64xf32, #tpu.memory_space<vmem>> -> memref<64xf32, #tpu.memory_space<vmem>>
      %dma_start3A_80 = tpu.memref_slice %arg4[%run_scoped3A_14, %add3A_4] : memref<3x32768xf32, #tpu.memory_space<hbm>> -> memref<1x64xf32, #tpu.memory_space<hbm>>
      %dma_start3A_81 = tpu.memref_squeeze %dma_start3A_80 : memref<1x64xf32, #tpu.memory_space<hbm>> -> memref<64xf32, #tpu.memory_space<hbm>>
      %dma_start3A_82 = arith.constant 0 : i32
      %dma_start3A_83 = tpu.memref_slice %arg11[%run_scoped3A_15, %dma_start3A_82] : memref<2x80xf32, #tpu.memory_space<vmem>> -> memref<1x64xf32, #tpu.memory_space<vmem>>
      %dma_start3A_84 = tpu.memref_squeeze %dma_start3A_83 : memref<1x64xf32, #tpu.memory_space<vmem>> -> memref<64xf32, #tpu.memory_space<vmem>>
      %dma_start3A_85 = tpu.memref_slice %arg4[%run_scoped3A_14, %add3A_4] : memref<3x32768xf32, #tpu.memory_space<hbm>> -> memref<1x64xf32, #tpu.memory_space<hbm>>
      %dma_start3A_86 = tpu.memref_squeeze %dma_start3A_85 : memref<1x64xf32, #tpu.memory_space<hbm>> -> memref<64xf32, #tpu.memory_space<hbm>>
      tpu.enqueue_dma source(%dma_start3A_86 : memref<64xf32, #tpu.memory_space<hbm>>) target(%dma_start3A_84 : memref<64xf32, #tpu.memory_space<vmem>>) target_semaphore(%run_scoped3A_76 : memref<!tpu.dma_semaphore, #tpu.memory_space<semaphore_mem>>)
      %dma_wait3A = arith.constant 0 : i32
      %dma_wait3A_87 = tpu.memref_slice %arg11[%run_scoped3A_15, %dma_wait3A] : memref<2x80xf32, #tpu.memory_space<vmem>> -> memref<1x64xf32, #tpu.memory_space<vmem>>
      %dma_wait3A_88 = tpu.memref_squeeze %dma_wait3A_87 : memref<1x64xf32, #tpu.memory_space<vmem>> -> memref<64xf32, #tpu.memory_space<vmem>>
      %dma_wait3A_89 = tpu.memref_slice %arg4[%run_scoped3A_14, %add3A_4] : memref<3x32768xf32, #tpu.memory_space<hbm>> -> memref<1x64xf32, #tpu.memory_space<hbm>>
      %dma_wait3A_90 = tpu.memref_squeeze %dma_wait3A_89 : memref<1x64xf32, #tpu.memory_space<hbm>> -> memref<64xf32, #tpu.memory_space<hbm>>
      %dma_wait3A_91 = arith.constant 0 : i32
      %dma_wait3A_92 = tpu.memref_slice %arg11[%run_scoped3A_15, %dma_wait3A_91] : memref<2x80xf32, #tpu.memory_space<vmem>> -> memref<1x64xf32, #tpu.memory_space<vmem>>
      %dma_wait3A_93 = tpu.memref_squeeze %dma_wait3A_92 : memref<1x64xf32, #tpu.memory_space<vmem>> -> memref<64xf32, #tpu.memory_space<vmem>>
      %dma_wait3A_94 = tpu.memref_slice %arg4[%run_scoped3A_14, %add3A_4] : memref<3x32768xf32, #tpu.memory_space<hbm>> -> memref<1x64xf32, #tpu.memory_space<hbm>>
      %dma_wait3A_95 = tpu.memref_squeeze %dma_wait3A_94 : memref<1x64xf32, #tpu.memory_space<hbm>> -> memref<64xf32, #tpu.memory_space<hbm>>
      tpu.wait_dma2 semaphore(%run_scoped3A_76 : memref<!tpu.dma_semaphore, #tpu.memory_space<semaphore_mem>>) src(%dma_wait3A_95 : memref<64xf32, #tpu.memory_space<hbm>>) dst(%dma_wait3A_93 : memref<64xf32, #tpu.memory_space<vmem>>)
      tpu.yield
    }) : () -> ()
    %dma_start3A = arith.constant 0 : i32
    %dma_start3A_16 = arith.constant 0 : i32
    %dma_start3A_17 = tpu.memref_slice %arg6[%dma_start3A, %dma_start3A_16] : memref<2x64xi32, #tpu.memory_space<vmem>> -> memref<1x64xi32, #tpu.memory_space<vmem>>
    %dma_start3A_18 = tpu.memref_squeeze %dma_start3A_17 : memref<1x64xi32, #tpu.memory_space<vmem>> -> memref<64xi32, #tpu.memory_space<vmem>>
    %dma_start3A_19 = arith.constant 0 : i32
    %dma_start3A_20 = arith.constant 0 : i32
    %dma_start3A_21 = tpu.memref_slice %arg2[%dma_start3A_19, %dma_start3A_20] : memref<8192x256xf32, #tpu.memory_space<hbm>> -> memref<8192x256xf32, #tpu.memory_space<hbm>>
    tpu.enqueue_indirect_dma source(%dma_start3A_21 : memref<8192x256xf32, #tpu.memory_space<hbm>>) target(%arg12 : memref<64x256xf32, #tpu.memory_space<vmem>>) offsets(%dma_start3A_18 : memref<64xi32, #tpu.memory_space<vmem>>) semaphore(%arg18 : memref<!tpu.dma_semaphore, #tpu.memory_space<semaphore_mem>>)
    %dma_start3A_22 = arith.constant 0 : i32
    %dma_start3A_23 = arith.constant 0 : i32
    %dma_start3A_24 = tpu.memref_slice %arg7[%dma_start3A_22, %dma_start3A_23] : memref<2x64xi32, #tpu.memory_space<vmem>> -> memref<1x64xi32, #tpu.memory_space<vmem>>
    %dma_start3A_25 = tpu.memref_squeeze %dma_start3A_24 : memref<1x64xi32, #tpu.memory_space<vmem>> -> memref<64xi32, #tpu.memory_space<vmem>>
    %dma_start3A_26 = arith.constant 0 : i32
    %dma_start3A_27 = arith.constant 0 : i32
    %dma_start3A_28 = tpu.memref_slice %arg2[%dma_start3A_26, %dma_start3A_27] : memref<8192x256xf32, #tpu.memory_space<hbm>> -> memref<8192x256xf32, #tpu.memory_space<hbm>>
    tpu.enqueue_indirect_dma source(%dma_start3A_28 : memref<8192x256xf32, #tpu.memory_space<hbm>>) target(%arg13 : memref<64x256xf32, #tpu.memory_space<vmem>>) offsets(%dma_start3A_25 : memref<64xi32, #tpu.memory_space<vmem>>) semaphore(%arg18 : memref<!tpu.dma_semaphore, #tpu.memory_space<semaphore_mem>>)
    %dma_start3A_29 = arith.constant 0 : i32
    %dma_start3A_30 = arith.constant 0 : i32
    %dma_start3A_31 = tpu.memref_slice %arg8[%dma_start3A_29, %dma_start3A_30] : memref<2x64xi32, #tpu.memory_space<vmem>> -> memref<1x64xi32, #tpu.memory_space<vmem>>
    %dma_start3A_32 = tpu.memref_squeeze %dma_start3A_31 : memref<1x64xi32, #tpu.memory_space<vmem>> -> memref<64xi32, #tpu.memory_space<vmem>>
    %dma_start3A_33 = arith.constant 0 : i32
    %dma_start3A_34 = arith.constant 0 : i32
    %dma_start3A_35 = tpu.memref_slice %arg2[%dma_start3A_33, %dma_start3A_34] : memref<8192x256xf32, #tpu.memory_space<hbm>> -> memref<8192x256xf32, #tpu.memory_space<hbm>>
    tpu.enqueue_indirect_dma source(%dma_start3A_35 : memref<8192x256xf32, #tpu.memory_space<hbm>>) target(%arg14 : memref<64x256xf32, #tpu.memory_space<vmem>>) offsets(%dma_start3A_32 : memref<64xi32, #tpu.memory_space<vmem>>) semaphore(%arg18 : memref<!tpu.dma_semaphore, #tpu.memory_space<semaphore_mem>>)
    %add3A_36 = arith.constant 64 : i32
    %add3A_37 = arith.addi %mul3A_2, %add3A_36 : i32
    %run_scoped3A_38 = arith.constant 0 : i32
    %run_scoped3A_39 = arith.constant 1 : i32
    "tpu.region"() ({
      %run_scoped3A_76 = tpu.sem_alloc : memref<!tpu.dma_semaphore, #tpu.memory_space<semaphore_mem>>
      %dma_start3A_77 = arith.constant 0 : i32
      %dma_start3A_78 = tpu.memref_slice %arg6[%run_scoped3A_39, %dma_start3A_77] : memref<2x64xi32, #tpu.memory_space<vmem>> -> memref<1x64xi32, #tpu.memory_space<vmem>>
      %dma_start3A_79 = tpu.memref_squeeze %dma_start3A_78 : memref<1x64xi32, #tpu.memory_space<vmem>> -> memref<64xi32, #tpu.memory_space<vmem>>
      %dma_start3A_80 = tpu.memref_slice %arg3[%run_scoped3A_38, %add3A_37] : memref<3x32768xi32, #tpu.memory_space<hbm>> -> memref<1x64xi32, #tpu.memory_space<hbm>>
      %dma_start3A_81 = tpu.memref_squeeze %dma_start3A_80 : memref<1x64xi32, #tpu.memory_space<hbm>> -> memref<64xi32, #tpu.memory_space<hbm>>
      %dma_start3A_82 = arith.constant 0 : i32
      %dma_start3A_83 = tpu.memref_slice %arg6[%run_scoped3A_39, %dma_start3A_82] : memref<2x64xi32, #tpu.memory_space<vmem>> -> memref<1x64xi32, #tpu.memory_space<vmem>>
      %dma_start3A_84 = tpu.memref_squeeze %dma_start3A_83 : memref<1x64xi32, #tpu.memory_space<vmem>> -> memref<64xi32, #tpu.memory_space<vmem>>
      %dma_start3A_85 = tpu.memref_slice %arg3[%run_scoped3A_38, %add3A_37] : memref<3x32768xi32, #tpu.memory_space<hbm>> -> memref<1x64xi32, #tpu.memory_space<hbm>>
      %dma_start3A_86 = tpu.memref_squeeze %dma_start3A_85 : memref<1x64xi32, #tpu.memory_space<hbm>> -> memref<64xi32, #tpu.memory_space<hbm>>
      tpu.enqueue_dma source(%dma_start3A_86 : memref<64xi32, #tpu.memory_space<hbm>>) target(%dma_start3A_84 : memref<64xi32, #tpu.memory_space<vmem>>) target_semaphore(%run_scoped3A_76 : memref<!tpu.dma_semaphore, #tpu.memory_space<semaphore_mem>>)
      %dma_wait3A = arith.constant 0 : i32
      %dma_wait3A_87 = tpu.memref_slice %arg6[%run_scoped3A_39, %dma_wait3A] : memref<2x64xi32, #tpu.memory_space<vmem>> -> memref<1x64xi32, #tpu.memory_space<vmem>>
      %dma_wait3A_88 = tpu.memref_squeeze %dma_wait3A_87 : memref<1x64xi32, #tpu.memory_space<vmem>> -> memref<64xi32, #tpu.memory_space<vmem>>
      %dma_wait3A_89 = tpu.memref_slice %arg3[%run_scoped3A_38, %add3A_37] : memref<3x32768xi32, #tpu.memory_space<hbm>> -> memref<1x64xi32, #tpu.memory_space<hbm>>
      %dma_wait3A_90 = tpu.memref_squeeze %dma_wait3A_89 : memref<1x64xi32, #tpu.memory_space<hbm>> -> memref<64xi32, #tpu.memory_space<hbm>>
      %dma_wait3A_91 = arith.constant 0 : i32
      %dma_wait3A_92 = tpu.memref_slice %arg6[%run_scoped3A_39, %dma_wait3A_91] : memref<2x64xi32, #tpu.memory_space<vmem>> -> memref<1x64xi32, #tpu.memory_space<vmem>>
      %dma_wait3A_93 = tpu.memref_squeeze %dma_wait3A_92 : memref<1x64xi32, #tpu.memory_space<vmem>> -> memref<64xi32, #tpu.memory_space<vmem>>
      %dma_wait3A_94 = tpu.memref_slice %arg3[%run_scoped3A_38, %add3A_37] : memref<3x32768xi32, #tpu.memory_space<hbm>> -> memref<1x64xi32, #tpu.memory_space<hbm>>
      %dma_wait3A_95 = tpu.memref_squeeze %dma_wait3A_94 : memref<1x64xi32, #tpu.memory_space<hbm>> -> memref<64xi32, #tpu.memory_space<hbm>>
      tpu.wait_dma2 semaphore(%run_scoped3A_76 : memref<!tpu.dma_semaphore, #tpu.memory_space<semaphore_mem>>) src(%dma_wait3A_95 : memref<64xi32, #tpu.memory_space<hbm>>) dst(%dma_wait3A_93 : memref<64xi32, #tpu.memory_space<vmem>>)
      tpu.yield
    }) : () -> ()
    %run_scoped3A_40 = arith.constant 1 : i32
    %run_scoped3A_41 = arith.constant 1 : i32
    "tpu.region"() ({
      %run_scoped3A_76 = tpu.sem_alloc : memref<!tpu.dma_semaphore, #tpu.memory_space<semaphore_mem>>
      %dma_start3A_77 = arith.constant 0 : i32
      %dma_start3A_78 = tpu.memref_slice %arg7[%run_scoped3A_41, %dma_start3A_77] : memref<2x64xi32, #tpu.memory_space<vmem>> -> memref<1x64xi32, #tpu.memory_space<vmem>>
      %dma_start3A_79 = tpu.memref_squeeze %dma_start3A_78 : memref<1x64xi32, #tpu.memory_space<vmem>> -> memref<64xi32, #tpu.memory_space<vmem>>
      %dma_start3A_80 = tpu.memref_slice %arg3[%run_scoped3A_40, %add3A_37] : memref<3x32768xi32, #tpu.memory_space<hbm>> -> memref<1x64xi32, #tpu.memory_space<hbm>>
      %dma_start3A_81 = tpu.memref_squeeze %dma_start3A_80 : memref<1x64xi32, #tpu.memory_space<hbm>> -> memref<64xi32, #tpu.memory_space<hbm>>
      %dma_start3A_82 = arith.constant 0 : i32
      %dma_start3A_83 = tpu.memref_slice %arg7[%run_scoped3A_41, %dma_start3A_82] : memref<2x64xi32, #tpu.memory_space<vmem>> -> memref<1x64xi32, #tpu.memory_space<vmem>>
      %dma_start3A_84 = tpu.memref_squeeze %dma_start3A_83 : memref<1x64xi32, #tpu.memory_space<vmem>> -> memref<64xi32, #tpu.memory_space<vmem>>
      %dma_start3A_85 = tpu.memref_slice %arg3[%run_scoped3A_40, %add3A_37] : memref<3x32768xi32, #tpu.memory_space<hbm>> -> memref<1x64xi32, #tpu.memory_space<hbm>>
      %dma_start3A_86 = tpu.memref_squeeze %dma_start3A_85 : memref<1x64xi32, #tpu.memory_space<hbm>> -> memref<64xi32, #tpu.memory_space<hbm>>
      tpu.enqueue_dma source(%dma_start3A_86 : memref<64xi32, #tpu.memory_space<hbm>>) target(%dma_start3A_84 : memref<64xi32, #tpu.memory_space<vmem>>) target_semaphore(%run_scoped3A_76 : memref<!tpu.dma_semaphore, #tpu.memory_space<semaphore_mem>>)
      %dma_wait3A = arith.constant 0 : i32
      %dma_wait3A_87 = tpu.memref_slice %arg7[%run_scoped3A_41, %dma_wait3A] : memref<2x64xi32, #tpu.memory_space<vmem>> -> memref<1x64xi32, #tpu.memory_space<vmem>>
      %dma_wait3A_88 = tpu.memref_squeeze %dma_wait3A_87 : memref<1x64xi32, #tpu.memory_space<vmem>> -> memref<64xi32, #tpu.memory_space<vmem>>
      %dma_wait3A_89 = tpu.memref_slice %arg3[%run_scoped3A_40, %add3A_37] : memref<3x32768xi32, #tpu.memory_space<hbm>> -> memref<1x64xi32, #tpu.memory_space<hbm>>
      %dma_wait3A_90 = tpu.memref_squeeze %dma_wait3A_89 : memref<1x64xi32, #tpu.memory_space<hbm>> -> memref<64xi32, #tpu.memory_space<hbm>>
      %dma_wait3A_91 = arith.constant 0 : i32
      %dma_wait3A_92 = tpu.memref_slice %arg7[%run_scoped3A_41, %dma_wait3A_91] : memref<2x64xi32, #tpu.memory_space<vmem>> -> memref<1x64xi32, #tpu.memory_space<vmem>>
      %dma_wait3A_93 = tpu.memref_squeeze %dma_wait3A_92 : memref<1x64xi32, #tpu.memory_space<vmem>> -> memref<64xi32, #tpu.memory_space<vmem>>
      %dma_wait3A_94 = tpu.memref_slice %arg3[%run_scoped3A_40, %add3A_37] : memref<3x32768xi32, #tpu.memory_space<hbm>> -> memref<1x64xi32, #tpu.memory_space<hbm>>
      %dma_wait3A_95 = tpu.memref_squeeze %dma_wait3A_94 : memref<1x64xi32, #tpu.memory_space<hbm>> -> memref<64xi32, #tpu.memory_space<hbm>>
      tpu.wait_dma2 semaphore(%run_scoped3A_76 : memref<!tpu.dma_semaphore, #tpu.memory_space<semaphore_mem>>) src(%dma_wait3A_95 : memref<64xi32, #tpu.memory_space<hbm>>) dst(%dma_wait3A_93 : memref<64xi32, #tpu.memory_space<vmem>>)
      tpu.yield
    }) : () -> ()
    %run_scoped3A_42 = arith.constant 2 : i32
    %run_scoped3A_43 = arith.constant 1 : i32
    "tpu.region"() ({
      %run_scoped3A_76 = tpu.sem_alloc : memref<!tpu.dma_semaphore, #tpu.memory_space<semaphore_mem>>
      %dma_start3A_77 = arith.constant 0 : i32
      %dma_start3A_78 = tpu.memref_slice %arg8[%run_scoped3A_43, %dma_start3A_77] : memref<2x64xi32, #tpu.memory_space<vmem>> -> memref<1x64xi32, #tpu.memory_space<vmem>>
      %dma_start3A_79 = tpu.memref_squeeze %dma_start3A_78 : memref<1x64xi32, #tpu.memory_space<vmem>> -> memref<64xi32, #tpu.memory_space<vmem>>
      %dma_start3A_80 = tpu.memref_slice %arg3[%run_scoped3A_42, %add3A_37] : memref<3x32768xi32, #tpu.memory_space<hbm>> -> memref<1x64xi32, #tpu.memory_space<hbm>>
      %dma_start3A_81 = tpu.memref_squeeze %dma_start3A_80 : memref<1x64xi32, #tpu.memory_space<hbm>> -> memref<64xi32, #tpu.memory_space<hbm>>
      %dma_start3A_82 = arith.constant 0 : i32
      %dma_start3A_83 = tpu.memref_slice %arg8[%run_scoped3A_43, %dma_start3A_82] : memref<2x64xi32, #tpu.memory_space<vmem>> -> memref<1x64xi32, #tpu.memory_space<vmem>>
      %dma_start3A_84 = tpu.memref_squeeze %dma_start3A_83 : memref<1x64xi32, #tpu.memory_space<vmem>> -> memref<64xi32, #tpu.memory_space<vmem>>
      %dma_start3A_85 = tpu.memref_slice %arg3[%run_scoped3A_42, %add3A_37] : memref<3x32768xi32, #tpu.memory_space<hbm>> -> memref<1x64xi32, #tpu.memory_space<hbm>>
      %dma_start3A_86 = tpu.memref_squeeze %dma_start3A_85 : memref<1x64xi32, #tpu.memory_space<hbm>> -> memref<64xi32, #tpu.memory_space<hbm>>
      tpu.enqueue_dma source(%dma_start3A_86 : memref<64xi32, #tpu.memory_space<hbm>>) target(%dma_start3A_84 : memref<64xi32, #tpu.memory_space<vmem>>) target_semaphore(%run_scoped3A_76 : memref<!tpu.dma_semaphore, #tpu.memory_space<semaphore_mem>>)
      %dma_wait3A = arith.constant 0 : i32
      %dma_wait3A_87 = tpu.memref_slice %arg8[%run_scoped3A_43, %dma_wait3A] : memref<2x64xi32, #tpu.memory_space<vmem>> -> memref<1x64xi32, #tpu.memory_space<vmem>>
      %dma_wait3A_88 = tpu.memref_squeeze %dma_wait3A_87 : memref<1x64xi32, #tpu.memory_space<vmem>> -> memref<64xi32, #tpu.memory_space<vmem>>
      %dma_wait3A_89 = tpu.memref_slice %arg3[%run_scoped3A_42, %add3A_37] : memref<3x32768xi32, #tpu.memory_space<hbm>> -> memref<1x64xi32, #tpu.memory_space<hbm>>
      %dma_wait3A_90 = tpu.memref_squeeze %dma_wait3A_89 : memref<1x64xi32, #tpu.memory_space<hbm>> -> memref<64xi32, #tpu.memory_space<hbm>>
      %dma_wait3A_91 = arith.constant 0 : i32
      %dma_wait3A_92 = tpu.memref_slice %arg8[%run_scoped3A_43, %dma_wait3A_91] : memref<2x64xi32, #tpu.memory_space<vmem>> -> memref<1x64xi32, #tpu.memory_space<vmem>>
      %dma_wait3A_93 = tpu.memref_squeeze %dma_wait3A_92 : memref<1x64xi32, #tpu.memory_space<vmem>> -> memref<64xi32, #tpu.memory_space<vmem>>
      %dma_wait3A_94 = tpu.memref_slice %arg3[%run_scoped3A_42, %add3A_37] : memref<3x32768xi32, #tpu.memory_space<hbm>> -> memref<1x64xi32, #tpu.memory_space<hbm>>
      %dma_wait3A_95 = tpu.memref_squeeze %dma_wait3A_94 : memref<1x64xi32, #tpu.memory_space<hbm>> -> memref<64xi32, #tpu.memory_space<hbm>>
      tpu.wait_dma2 semaphore(%run_scoped3A_76 : memref<!tpu.dma_semaphore, #tpu.memory_space<semaphore_mem>>) src(%dma_wait3A_95 : memref<64xi32, #tpu.memory_space<hbm>>) dst(%dma_wait3A_93 : memref<64xi32, #tpu.memory_space<vmem>>)
      tpu.yield
    }) : () -> ()
    %run_scoped3A_44 = arith.constant 0 : i32
    %run_scoped3A_45 = arith.constant 1 : i32
    "tpu.region"() ({
      %run_scoped3A_76 = tpu.sem_alloc : memref<!tpu.dma_semaphore, #tpu.memory_space<semaphore_mem>>
      %dma_start3A_77 = arith.constant 0 : i32
      %dma_start3A_78 = tpu.memref_slice %arg9[%run_scoped3A_45, %dma_start3A_77] : memref<2x80xf32, #tpu.memory_space<vmem>> -> memref<1x64xf32, #tpu.memory_space<vmem>>
      %dma_start3A_79 = tpu.memref_squeeze %dma_start3A_78 : memref<1x64xf32, #tpu.memory_space<vmem>> -> memref<64xf32, #tpu.memory_space<vmem>>
      %dma_start3A_80 = tpu.memref_slice %arg4[%run_scoped3A_44, %add3A_37] : memref<3x32768xf32, #tpu.memory_space<hbm>> -> memref<1x64xf32, #tpu.memory_space<hbm>>
      %dma_start3A_81 = tpu.memref_squeeze %dma_start3A_80 : memref<1x64xf32, #tpu.memory_space<hbm>> -> memref<64xf32, #tpu.memory_space<hbm>>
      %dma_start3A_82 = arith.constant 0 : i32
      %dma_start3A_83 = tpu.memref_slice %arg9[%run_scoped3A_45, %dma_start3A_82] : memref<2x80xf32, #tpu.memory_space<vmem>> -> memref<1x64xf32, #tpu.memory_space<vmem>>
      %dma_start3A_84 = tpu.memref_squeeze %dma_start3A_83 : memref<1x64xf32, #tpu.memory_space<vmem>> -> memref<64xf32, #tpu.memory_space<vmem>>
      %dma_start3A_85 = tpu.memref_slice %arg4[%run_scoped3A_44, %add3A_37] : memref<3x32768xf32, #tpu.memory_space<hbm>> -> memref<1x64xf32, #tpu.memory_space<hbm>>
      %dma_start3A_86 = tpu.memref_squeeze %dma_start3A_85 : memref<1x64xf32, #tpu.memory_space<hbm>> -> memref<64xf32, #tpu.memory_space<hbm>>
      tpu.enqueue_dma source(%dma_start3A_86 : memref<64xf32, #tpu.memory_space<hbm>>) target(%dma_start3A_84 : memref<64xf32, #tpu.memory_space<vmem>>) target_semaphore(%run_scoped3A_76 : memref<!tpu.dma_semaphore, #tpu.memory_space<semaphore_mem>>)
      %dma_wait3A = arith.constant 0 : i32
      %dma_wait3A_87 = tpu.memref_slice %arg9[%run_scoped3A_45, %dma_wait3A] : memref<2x80xf32, #tpu.memory_space<vmem>> -> memref<1x64xf32, #tpu.memory_space<vmem>>
      %dma_wait3A_88 = tpu.memref_squeeze %dma_wait3A_87 : memref<1x64xf32, #tpu.memory_space<vmem>> -> memref<64xf32, #tpu.memory_space<vmem>>
      %dma_wait3A_89 = tpu.memref_slice %arg4[%run_scoped3A_44, %add3A_37] : memref<3x32768xf32, #tpu.memory_space<hbm>> -> memref<1x64xf32, #tpu.memory_space<hbm>>
      %dma_wait3A_90 = tpu.memref_squeeze %dma_wait3A_89 : memref<1x64xf32, #tpu.memory_space<hbm>> -> memref<64xf32, #tpu.memory_space<hbm>>
      %dma_wait3A_91 = arith.constant 0 : i32
      %dma_wait3A_92 = tpu.memref_slice %arg9[%run_scoped3A_45, %dma_wait3A_91] : memref<2x80xf32, #tpu.memory_space<vmem>> -> memref<1x64xf32, #tpu.memory_space<vmem>>
      %dma_wait3A_93 = tpu.memref_squeeze %dma_wait3A_92 : memref<1x64xf32, #tpu.memory_space<vmem>> -> memref<64xf32, #tpu.memory_space<vmem>>
      %dma_wait3A_94 = tpu.memref_slice %arg4[%run_scoped3A_44, %add3A_37] : memref<3x32768xf32, #tpu.memory_space<hbm>> -> memref<1x64xf32, #tpu.memory_space<hbm>>
      %dma_wait3A_95 = tpu.memref_squeeze %dma_wait3A_94 : memref<1x64xf32, #tpu.memory_space<hbm>> -> memref<64xf32, #tpu.memory_space<hbm>>
      tpu.wait_dma2 semaphore(%run_scoped3A_76 : memref<!tpu.dma_semaphore, #tpu.memory_space<semaphore_mem>>) src(%dma_wait3A_95 : memref<64xf32, #tpu.memory_space<hbm>>) dst(%dma_wait3A_93 : memref<64xf32, #tpu.memory_space<vmem>>)
      tpu.yield
    }) : () -> ()
    %run_scoped3A_46 = arith.constant 1 : i32
    %run_scoped3A_47 = arith.constant 1 : i32
    "tpu.region"() ({
      %run_scoped3A_76 = tpu.sem_alloc : memref<!tpu.dma_semaphore, #tpu.memory_space<semaphore_mem>>
      %dma_start3A_77 = arith.constant 0 : i32
      %dma_start3A_78 = tpu.memref_slice %arg10[%run_scoped3A_47, %dma_start3A_77] : memref<2x80xf32, #tpu.memory_space<vmem>> -> memref<1x64xf32, #tpu.memory_space<vmem>>
      %dma_start3A_79 = tpu.memref_squeeze %dma_start3A_78 : memref<1x64xf32, #tpu.memory_space<vmem>> -> memref<64xf32, #tpu.memory_space<vmem>>
      %dma_start3A_80 = tpu.memref_slice %arg4[%run_scoped3A_46, %add3A_37] : memref<3x32768xf32, #tpu.memory_space<hbm>> -> memref<1x64xf32, #tpu.memory_space<hbm>>
      %dma_start3A_81 = tpu.memref_squeeze %dma_start3A_80 : memref<1x64xf32, #tpu.memory_space<hbm>> -> memref<64xf32, #tpu.memory_space<hbm>>
      %dma_start3A_82 = arith.constant 0 : i32
      %dma_start3A_83 = tpu.memref_slice %arg10[%run_scoped3A_47, %dma_start3A_82] : memref<2x80xf32, #tpu.memory_space<vmem>> -> memref<1x64xf32, #tpu.memory_space<vmem>>
      %dma_start3A_84 = tpu.memref_squeeze %dma_start3A_83 : memref<1x64xf32, #tpu.memory_space<vmem>> -> memref<64xf32, #tpu.memory_space<vmem>>
      %dma_start3A_85 = tpu.memref_slice %arg4[%run_scoped3A_46, %add3A_37] : memref<3x32768xf32, #tpu.memory_space<hbm>> -> memref<1x64xf32, #tpu.memory_space<hbm>>
      %dma_start3A_86 = tpu.memref_squeeze %dma_start3A_85 : memref<1x64xf32, #tpu.memory_space<hbm>> -> memref<64xf32, #tpu.memory_space<hbm>>
      tpu.enqueue_dma source(%dma_start3A_86 : memref<64xf32, #tpu.memory_space<hbm>>) target(%dma_start3A_84 : memref<64xf32, #tpu.memory_space<vmem>>) target_semaphore(%run_scoped3A_76 : memref<!tpu.dma_semaphore, #tpu.memory_space<semaphore_mem>>)
      %dma_wait3A = arith.constant 0 : i32
      %dma_wait3A_87 = tpu.memref_slice %arg10[%run_scoped3A_47, %dma_wait3A] : memref<2x80xf32, #tpu.memory_space<vmem>> -> memref<1x64xf32, #tpu.memory_space<vmem>>
      %dma_wait3A_88 = tpu.memref_squeeze %dma_wait3A_87 : memref<1x64xf32, #tpu.memory_space<vmem>> -> memref<64xf32, #tpu.memory_space<vmem>>
      %dma_wait3A_89 = tpu.memref_slice %arg4[%run_scoped3A_46, %add3A_37] : memref<3x32768xf32, #tpu.memory_space<hbm>> -> memref<1x64xf32, #tpu.memory_space<hbm>>
      %dma_wait3A_90 = tpu.memref_squeeze %dma_wait3A_89 : memref<1x64xf32, #tpu.memory_space<hbm>> -> memref<64xf32, #tpu.memory_space<hbm>>
      %dma_wait3A_91 = arith.constant 0 : i32
      %dma_wait3A_92 = tpu.memref_slice %arg10[%run_scoped3A_47, %dma_wait3A_91] : memref<2x80xf32, #tpu.memory_space<vmem>> -> memref<1x64xf32, #tpu.memory_space<vmem>>
      %dma_wait3A_93 = tpu.memref_squeeze %dma_wait3A_92 : memref<1x64xf32, #tpu.memory_space<vmem>> -> memref<64xf32, #tpu.memory_space<vmem>>
      %dma_wait3A_94 = tpu.memref_slice %arg4[%run_scoped3A_46, %add3A_37] : memref<3x32768xf32, #tpu.memory_space<hbm>> -> memref<1x64xf32, #tpu.memory_space<hbm>>
      %dma_wait3A_95 = tpu.memref_squeeze %dma_wait3A_94 : memref<1x64xf32, #tpu.memory_space<hbm>> -> memref<64xf32, #tpu.memory_space<hbm>>
      tpu.wait_dma2 semaphore(%run_scoped3A_76 : memref<!tpu.dma_semaphore, #tpu.memory_space<semaphore_mem>>) src(%dma_wait3A_95 : memref<64xf32, #tpu.memory_space<hbm>>) dst(%dma_wait3A_93 : memref<64xf32, #tpu.memory_space<vmem>>)
      tpu.yield
    }) : () -> ()
    %run_scoped3A_48 = arith.constant 2 : i32
    %run_scoped3A_49 = arith.constant 1 : i32
    "tpu.region"() ({
      %run_scoped3A_76 = tpu.sem_alloc : memref<!tpu.dma_semaphore, #tpu.memory_space<semaphore_mem>>
      %dma_start3A_77 = arith.constant 0 : i32
      %dma_start3A_78 = tpu.memref_slice %arg11[%run_scoped3A_49, %dma_start3A_77] : memref<2x80xf32, #tpu.memory_space<vmem>> -> memref<1x64xf32, #tpu.memory_space<vmem>>
      %dma_start3A_79 = tpu.memref_squeeze %dma_start3A_78 : memref<1x64xf32, #tpu.memory_space<vmem>> -> memref<64xf32, #tpu.memory_space<vmem>>
      %dma_start3A_80 = tpu.memref_slice %arg4[%run_scoped3A_48, %add3A_37] : memref<3x32768xf32, #tpu.memory_space<hbm>> -> memref<1x64xf32, #tpu.memory_space<hbm>>
      %dma_start3A_81 = tpu.memref_squeeze %dma_start3A_80 : memref<1x64xf32, #tpu.memory_space<hbm>> -> memref<64xf32, #tpu.memory_space<hbm>>
      %dma_start3A_82 = arith.constant 0 : i32
      %dma_start3A_83 = tpu.memref_slice %arg11[%run_scoped3A_49, %dma_start3A_82] : memref<2x80xf32, #tpu.memory_space<vmem>> -> memref<1x64xf32, #tpu.memory_space<vmem>>
      %dma_start3A_84 = tpu.memref_squeeze %dma_start3A_83 : memref<1x64xf32, #tpu.memory_space<vmem>> -> memref<64xf32, #tpu.memory_space<vmem>>
      %dma_start3A_85 = tpu.memref_slice %arg4[%run_scoped3A_48, %add3A_37] : memref<3x32768xf32, #tpu.memory_space<hbm>> -> memref<1x64xf32, #tpu.memory_space<hbm>>
      %dma_start3A_86 = tpu.memref_squeeze %dma_start3A_85 : memref<1x64xf32, #tpu.memory_space<hbm>> -> memref<64xf32, #tpu.memory_space<hbm>>
      tpu.enqueue_dma source(%dma_start3A_86 : memref<64xf32, #tpu.memory_space<hbm>>) target(%dma_start3A_84 : memref<64xf32, #tpu.memory_space<vmem>>) target_semaphore(%run_scoped3A_76 : memref<!tpu.dma_semaphore, #tpu.memory_space<semaphore_mem>>)
      %dma_wait3A = arith.constant 0 : i32
      %dma_wait3A_87 = tpu.memref_slice %arg11[%run_scoped3A_49, %dma_wait3A] : memref<2x80xf32, #tpu.memory_space<vmem>> -> memref<1x64xf32, #tpu.memory_space<vmem>>
      %dma_wait3A_88 = tpu.memref_squeeze %dma_wait3A_87 : memref<1x64xf32, #tpu.memory_space<vmem>> -> memref<64xf32, #tpu.memory_space<vmem>>
      %dma_wait3A_89 = tpu.memref_slice %arg4[%run_scoped3A_48, %add3A_37] : memref<3x32768xf32, #tpu.memory_space<hbm>> -> memref<1x64xf32, #tpu.memory_space<hbm>>
      %dma_wait3A_90 = tpu.memref_squeeze %dma_wait3A_89 : memref<1x64xf32, #tpu.memory_space<hbm>> -> memref<64xf32, #tpu.memory_space<hbm>>
      %dma_wait3A_91 = arith.constant 0 : i32
      %dma_wait3A_92 = tpu.memref_slice %arg11[%run_scoped3A_49, %dma_wait3A_91] : memref<2x80xf32, #tpu.memory_space<vmem>> -> memref<1x64xf32, #tpu.memory_space<vmem>>
      %dma_wait3A_93 = tpu.memref_squeeze %dma_wait3A_92 : memref<1x64xf32, #tpu.memory_space<vmem>> -> memref<64xf32, #tpu.memory_space<vmem>>
      %dma_wait3A_94 = tpu.memref_slice %arg4[%run_scoped3A_48, %add3A_37] : memref<3x32768xf32, #tpu.memory_space<hbm>> -> memref<1x64xf32, #tpu.memory_space<hbm>>
      %dma_wait3A_95 = tpu.memref_squeeze %dma_wait3A_94 : memref<1x64xf32, #tpu.memory_space<hbm>> -> memref<64xf32, #tpu.memory_space<hbm>>
      tpu.wait_dma2 semaphore(%run_scoped3A_76 : memref<!tpu.dma_semaphore, #tpu.memory_space<semaphore_mem>>) src(%dma_wait3A_95 : memref<64xf32, #tpu.memory_space<hbm>>) dst(%dma_wait3A_93 : memref<64xf32, #tpu.memory_space<vmem>>)
      tpu.yield
    }) : () -> ()
    %dma_start3A_50 = arith.constant 1 : i32
    %dma_start3A_51 = arith.constant 0 : i32
    %dma_start3A_52 = tpu.memref_slice %arg6[%dma_start3A_50, %dma_start3A_51] : memref<2x64xi32, #tpu.memory_space<vmem>> -> memref<1x64xi32, #tpu.memory_space<vmem>>
    %dma_start3A_53 = tpu.memref_squeeze %dma_start3A_52 : memref<1x64xi32, #tpu.memory_space<vmem>> -> memref<64xi32, #tpu.memory_space<vmem>>
    %dma_start3A_54 = arith.constant 0 : i32
    %dma_start3A_55 = arith.constant 0 : i32
    %dma_start3A_56 = tpu.memref_slice %arg2[%dma_start3A_54, %dma_start3A_55] : memref<8192x256xf32, #tpu.memory_space<hbm>> -> memref<8192x256xf32, #tpu.memory_space<hbm>>
    tpu.enqueue_indirect_dma source(%dma_start3A_56 : memref<8192x256xf32, #tpu.memory_space<hbm>>) target(%arg15 : memref<64x256xf32, #tpu.memory_space<vmem>>) offsets(%dma_start3A_53 : memref<64xi32, #tpu.memory_space<vmem>>) semaphore(%arg19 : memref<!tpu.dma_semaphore, #tpu.memory_space<semaphore_mem>>)
    %dma_start3A_57 = arith.constant 1 : i32
    %dma_start3A_58 = arith.constant 0 : i32
    %dma_start3A_59 = tpu.memref_slice %arg7[%dma_start3A_57, %dma_start3A_58] : memref<2x64xi32, #tpu.memory_space<vmem>> -> memref<1x64xi32, #tpu.memory_space<vmem>>
    %dma_start3A_60 = tpu.memref_squeeze %dma_start3A_59 : memref<1x64xi32, #tpu.memory_space<vmem>> -> memref<64xi32, #tpu.memory_space<vmem>>
    %dma_start3A_61 = arith.constant 0 : i32
    %dma_start3A_62 = arith.constant 0 : i32
    %dma_start3A_63 = tpu.memref_slice %arg2[%dma_start3A_61, %dma_start3A_62] : memref<8192x256xf32, #tpu.memory_space<hbm>> -> memref<8192x256xf32, #tpu.memory_space<hbm>>
    tpu.enqueue_indirect_dma source(%dma_start3A_63 : memref<8192x256xf32, #tpu.memory_space<hbm>>) target(%arg16 : memref<64x256xf32, #tpu.memory_space<vmem>>) offsets(%dma_start3A_60 : memref<64xi32, #tpu.memory_space<vmem>>) semaphore(%arg19 : memref<!tpu.dma_semaphore, #tpu.memory_space<semaphore_mem>>)
    %dma_start3A_64 = arith.constant 1 : i32
    %dma_start3A_65 = arith.constant 0 : i32
    %dma_start3A_66 = tpu.memref_slice %arg8[%dma_start3A_64, %dma_start3A_65] : memref<2x64xi32, #tpu.memory_space<vmem>> -> memref<1x64xi32, #tpu.memory_space<vmem>>
    %dma_start3A_67 = tpu.memref_squeeze %dma_start3A_66 : memref<1x64xi32, #tpu.memory_space<vmem>> -> memref<64xi32, #tpu.memory_space<vmem>>
    %dma_start3A_68 = arith.constant 0 : i32
    %dma_start3A_69 = arith.constant 0 : i32
    %dma_start3A_70 = tpu.memref_slice %arg2[%dma_start3A_68, %dma_start3A_69] : memref<8192x256xf32, #tpu.memory_space<hbm>> -> memref<8192x256xf32, #tpu.memory_space<hbm>>
    tpu.enqueue_indirect_dma source(%dma_start3A_70 : memref<8192x256xf32, #tpu.memory_space<hbm>>) target(%arg17 : memref<64x256xf32, #tpu.memory_space<vmem>>) offsets(%dma_start3A_67 : memref<64xi32, #tpu.memory_space<vmem>>) semaphore(%arg19 : memref<!tpu.dma_semaphore, #tpu.memory_space<semaphore_mem>>)
    %scan3A = arith.constant 0 : i32
    %scan3A_71 = arith.constant 0 : i32
    %scan3A_72 = arith.constant 8 : i32
    %scan3A_73 = arith.addi %scan3A_71, %scan3A_72 : i32
    %scan3A_74 = arith.constant 1 : i32
    scf.for %scan3A_76 = %scan3A_71 to %scan3A_73 step %scan3A_74  : i32 {
      %mul3A_77 = arith.constant 2 : i32
      %mul3A_78 = arith.muli %mul3A_77, %scan3A_76 : i32
      %mul3A_79 = arith.constant 64 : i32
      %mul3A_80 = arith.muli %mul3A_78, %mul3A_79 : i32
      %add3A_81 = arith.addi %mul3A_2, %mul3A_80 : i32
      %dma_wait3A = arith.constant 0 : i32
      %dma_wait3A_82 = arith.constant 0 : i32
      %dma_wait3A_83 = tpu.memref_slice %arg6[%dma_wait3A, %dma_wait3A_82] : memref<2x64xi32, #tpu.memory_space<vmem>> -> memref<1x64xi32, #tpu.memory_space<vmem>>
      %dma_wait3A_84 = tpu.memref_squeeze %dma_wait3A_83 : memref<1x64xi32, #tpu.memory_space<vmem>> -> memref<64xi32, #tpu.memory_space<vmem>>
      %dma_wait3A_85 = arith.constant 0 : i32
      %dma_wait3A_86 = arith.constant 0 : i32
      %dma_wait3A_87 = tpu.memref_slice %arg2[%dma_wait3A_85, %dma_wait3A_86] : memref<8192x256xf32, #tpu.memory_space<hbm>> -> memref<8192x256xf32, #tpu.memory_space<hbm>>
      tpu.wait_indirect_dma semaphore(%arg18 : memref<!tpu.dma_semaphore, #tpu.memory_space<semaphore_mem>>) src(%dma_wait3A_87 : memref<8192x256xf32, #tpu.memory_space<hbm>>) dst(%arg12 : memref<64x256xf32, #tpu.memory_space<vmem>>)
      %dma_wait3A_88 = arith.constant 0 : i32
      %dma_wait3A_89 = arith.constant 0 : i32
      %dma_wait3A_90 = tpu.memref_slice %arg7[%dma_wait3A_88, %dma_wait3A_89] : memref<2x64xi32, #tpu.memory_space<vmem>> -> memref<1x64xi32, #tpu.memory_space<vmem>>
      %dma_wait3A_91 = tpu.memref_squeeze %dma_wait3A_90 : memref<1x64xi32, #tpu.memory_space<vmem>> -> memref<64xi32, #tpu.memory_space<vmem>>
      %dma_wait3A_92 = arith.constant 0 : i32
      %dma_wait3A_93 = arith.constant 0 : i32
      %dma_wait3A_94 = tpu.memref_slice %arg2[%dma_wait3A_92, %dma_wait3A_93] : memref<8192x256xf32, #tpu.memory_space<hbm>> -> memref<8192x256xf32, #tpu.memory_space<hbm>>
      tpu.wait_indirect_dma semaphore(%arg18 : memref<!tpu.dma_semaphore, #tpu.memory_space<semaphore_mem>>) src(%dma_wait3A_94 : memref<8192x256xf32, #tpu.memory_space<hbm>>) dst(%arg13 : memref<64x256xf32, #tpu.memory_space<vmem>>)
      %dma_wait3A_95 = arith.constant 0 : i32
      %dma_wait3A_96 = arith.constant 0 : i32
      %dma_wait3A_97 = tpu.memref_slice %arg8[%dma_wait3A_95, %dma_wait3A_96] : memref<2x64xi32, #tpu.memory_space<vmem>> -> memref<1x64xi32, #tpu.memory_space<vmem>>
      %dma_wait3A_98 = tpu.memref_squeeze %dma_wait3A_97 : memref<1x64xi32, #tpu.memory_space<vmem>> -> memref<64xi32, #tpu.memory_space<vmem>>
      %dma_wait3A_99 = arith.constant 0 : i32
      %dma_wait3A_100 = arith.constant 0 : i32
      %dma_wait3A_101 = tpu.memref_slice %arg2[%dma_wait3A_99, %dma_wait3A_100] : memref<8192x256xf32, #tpu.memory_space<hbm>> -> memref<8192x256xf32, #tpu.memory_space<hbm>>
      tpu.wait_indirect_dma semaphore(%arg18 : memref<!tpu.dma_semaphore, #tpu.memory_space<semaphore_mem>>) src(%dma_wait3A_101 : memref<8192x256xf32, #tpu.memory_space<hbm>>) dst(%arg14 : memref<64x256xf32, #tpu.memory_space<vmem>>)
      %scan3A_102 = arith.constant 0 : i32
      %scan3A_103 = arith.constant 0 : i32
      %scan3A_104 = arith.constant 64 : i32
      %scan3A_105 = arith.addi %scan3A_103, %scan3A_104 : i32
      %scan3A_106 = arith.constant 1 : i32
      scf.for %scan3A_157 = %scan3A_103 to %scan3A_105 step %scan3A_106  : i32 {
        %get3A = arith.constant 0 : i32
        %get3A_158 = arith.index_cast %get3A : i32 to index
        %get3A_159 = arith.index_cast %scan3A_157 : i32 to index
        %get3A_160 = tpu.vector_load %arg9[%get3A_158, %get3A_159] {strides = array<i32>} : memref<2x80xf32, #tpu.memory_space<vmem>>, vector<1x16xf32>,
        %get3A_161 = vector.shape_cast %get3A_160 : vector<1x16xf32> to vector<16xf32>
        %slice3A = vector.extract_strided_slice %get3A_161 {offsets = [0], sizes = [1], strides = [1]} : vector<16xf32> to vector<1xf32>
        %squeeze3A = vector.extract %slice3A[0] : f32 from vector<1xf32>
        %get3A_162 = arith.constant 0 : i32
        %get3A_163 = arith.index_cast %get3A_162 : i32 to index
        %get3A_164 = arith.index_cast %scan3A_157 : i32 to index
        %get3A_165 = tpu.vector_load %arg10[%get3A_163, %get3A_164] {strides = array<i32>} : memref<2x80xf32, #tpu.memory_space<vmem>>, vector<1x16xf32>,
        %get3A_166 = vector.shape_cast %get3A_165 : vector<1x16xf32> to vector<16xf32>
        %slice3A_167 = vector.extract_strided_slice %get3A_166 {offsets = [0], sizes = [1], strides = [1]} : vector<16xf32> to vector<1xf32>
        %squeeze3A_168 = vector.extract %slice3A_167[0] : f32 from vector<1xf32>
        %get3A_169 = arith.constant 0 : i32
        %get3A_170 = arith.index_cast %get3A_169 : i32 to index
        %get3A_171 = arith.index_cast %scan3A_157 : i32 to index
        %get3A_172 = tpu.vector_load %arg11[%get3A_170, %get3A_171] {strides = array<i32>} : memref<2x80xf32, #tpu.memory_space<vmem>>, vector<1x16xf32>,
        %get3A_173 = vector.shape_cast %get3A_172 : vector<1x16xf32> to vector<16xf32>
        %slice3A_174 = vector.extract_strided_slice %get3A_173 {offsets = [0], sizes = [1], strides = [1]} : vector<16xf32> to vector<1xf32>
        %squeeze3A_175 = vector.extract %slice3A_174[0] : f32 from vector<1xf32>
        %get3A_176 = arith.index_cast %scan3A_157 : i32 to index
        %get3A_177 = arith.constant 0 : index
        %get3A_178 = tpu.vector_load %arg12[%get3A_176, %get3A_177] {strides = array<i32>} : memref<64x256xf32, #tpu.memory_space<vmem>>, vector<1x16xf32>,
        %get3A_179 = vector.shape_cast %get3A_178 : vector<1x16xf32> to vector<16xf32>
        %mul3A_180 = vector.broadcast %squeeze3A : f32 to vector<16xf32>
        %mul3A_181 = arith.mulf %mul3A_180, %get3A_179 : vector<16xf32>
        %get3A_182 = arith.index_cast %scan3A_157 : i32 to index
        %get3A_183 = arith.constant 0 : index
        %get3A_184 = tpu.vector_load %arg13[%get3A_182, %get3A_183] {strides = array<i32>} : memref<64x256xf32, #tpu.memory_space<vmem>>, vector<1x16xf32>,
        %get3A_185 = vector.shape_cast %get3A_184 : vector<1x16xf32> to vector<16xf32>
        %mul3A_186 = vector.broadcast %squeeze3A_168 : f32 to vector<16xf32>
        %mul3A_187 = arith.mulf %mul3A_186, %get3A_185 : vector<16xf32>
        %add3A_188 = arith.addf %mul3A_181, %mul3A_187 : vector<16xf32>
        %get3A_189 = arith.index_cast %scan3A_157 : i32 to index
        %get3A_190 = arith.constant 0 : index
        %get3A_191 = tpu.vector_load %arg14[%get3A_189, %get3A_190] {strides = array<i32>} : memref<64x256xf32, #tpu.memory_space<vmem>>, vector<1x16xf32>,
        %get3A_192 = vector.shape_cast %get3A_191 : vector<1x16xf32> to vector<16xf32>
        %mul3A_193 = vector.broadcast %squeeze3A_175 : f32 to vector<16xf32>
        %mul3A_194 = arith.mulf %mul3A_193, %get3A_192 : vector<16xf32>
        %add3A_195 = arith.addf %add3A_188, %mul3A_194 : vector<16xf32>
        %swap3A = arith.index_cast %scan3A_157 : i32 to index
        %swap3A_196 = arith.constant 0 : index
        %swap3A_197 = tpu.vector_load %arg12[%swap3A, %swap3A_196] {strides = array<i32>} : memref<64x256xf32, #tpu.memory_space<vmem>>, vector<1x16xf32>,
        %swap3A_198 = vector.shape_cast %swap3A_197 : vector<1x16xf32> to vector<16xf32>
        %swap3A_199 = vector.shape_cast %add3A_195 : vector<16xf32> to vector<1x16xf32>
        tpu.vector_store %arg12[%swap3A, %swap3A_196], %swap3A_199 {strides = array<i32>} : memref<64x256xf32, #tpu.memory_space<vmem>>, vector<1x16xf32>,
        %get3A_200 = arith.index_cast %scan3A_157 : i32 to index
        %get3A_201 = arith.constant 16 : index
        %get3A_202 = tpu.vector_load %arg12[%get3A_200, %get3A_201] {strides = array<i32>} : memref<64x256xf32, #tpu.memory_space<vmem>>, vector<1x16xf32>,
        %get3A_203 = vector.shape_cast %get3A_202 : vector<1x16xf32> to vector<16xf32>
        %mul3A_204 = vector.broadcast %squeeze3A : f32 to vector<16xf32>
        %mul3A_205 = arith.mulf %mul3A_204, %get3A_203 : vector<16xf32>
        %get3A_206 = arith.index_cast %scan3A_157 : i32 to index
        %get3A_207 = arith.constant 16 : index
        %get3A_208 = tpu.vector_load %arg13[%get3A_206, %get3A_207] {strides = array<i32>} : memref<64x256xf32, #tpu.memory_space<vmem>>, vector<1x16xf32>,
        %get3A_209 = vector.shape_cast %get3A_208 : vector<1x16xf32> to vector<16xf32>
        %mul3A_210 = vector.broadcast %squeeze3A_168 : f32 to vector<16xf32>
        %mul3A_211 = arith.mulf %mul3A_210, %get3A_209 : vector<16xf32>
        %add3A_212 = arith.addf %mul3A_205, %mul3A_211 : vector<16xf32>
        %get3A_213 = arith.index_cast %scan3A_157 : i32 to index
        %get3A_214 = arith.constant 16 : index
        %get3A_215 = tpu.vector_load %arg14[%get3A_213, %get3A_214] {strides = array<i32>} : memref<64x256xf32, #tpu.memory_space<vmem>>, vector<1x16xf32>,
        %get3A_216 = vector.shape_cast %get3A_215 : vector<1x16xf32> to vector<16xf32>
        %mul3A_217 = vector.broadcast %squeeze3A_175 : f32 to vector<16xf32>
        %mul3A_218 = arith.mulf %mul3A_217, %get3A_216 : vector<16xf32>
        %add3A_219 = arith.addf %add3A_212, %mul3A_218 : vector<16xf32>
        %swap3A_220 = arith.index_cast %scan3A_157 : i32 to index
        %swap3A_221 = arith.constant 16 : index
        %swap3A_222 = tpu.vector_load %arg12[%swap3A_220, %swap3A_221] {strides = array<i32>} : memref<64x256xf32, #tpu.memory_space<vmem>>, vector<1x16xf32>,
        %swap3A_223 = vector.shape_cast %swap3A_222 : vector<1x16xf32> to vector<16xf32>
        %swap3A_224 = vector.shape_cast %add3A_219 : vector<16xf32> to vector<1x16xf32>
        tpu.vector_store %arg12[%swap3A_220, %swap3A_221], %swap3A_224 {strides = array<i32>} : memref<64x256xf32, #tpu.memory_space<vmem>>, vector<1x16xf32>,
        %get3A_225 = arith.index_cast %scan3A_157 : i32 to index
        %get3A_226 = arith.constant 32 : index
        %get3A_227 = tpu.vector_load %arg12[%get3A_225, %get3A_226] {strides = array<i32>} : memref<64x256xf32, #tpu.memory_space<vmem>>, vector<1x16xf32>,
        %get3A_228 = vector.shape_cast %get3A_227 : vector<1x16xf32> to vector<16xf32>
        %mul3A_229 = vector.broadcast %squeeze3A : f32 to vector<16xf32>
        %mul3A_230 = arith.mulf %mul3A_229, %get3A_228 : vector<16xf32>
        %get3A_231 = arith.index_cast %scan3A_157 : i32 to index
        %get3A_232 = arith.constant 32 : index
        %get3A_233 = tpu.vector_load %arg13[%get3A_231, %get3A_232] {strides = array<i32>} : memref<64x256xf32, #tpu.memory_space<vmem>>, vector<1x16xf32>,
        %get3A_234 = vector.shape_cast %get3A_233 : vector<1x16xf32> to vector<16xf32>
        %mul3A_235 = vector.broadcast %squeeze3A_168 : f32 to vector<16xf32>
        %mul3A_236 = arith.mulf %mul3A_235, %get3A_234 : vector<16xf32>
        %add3A_237 = arith.addf %mul3A_230, %mul3A_236 : vector<16xf32>
        %get3A_238 = arith.index_cast %scan3A_157 : i32 to index
        %get3A_239 = arith.constant 32 : index
        %get3A_240 = tpu.vector_load %arg14[%get3A_238, %get3A_239] {strides = array<i32>} : memref<64x256xf32, #tpu.memory_space<vmem>>, vector<1x16xf32>,
        %get3A_241 = vector.shape_cast %get3A_240 : vector<1x16xf32> to vector<16xf32>
        %mul3A_242 = vector.broadcast %squeeze3A_175 : f32 to vector<16xf32>
        %mul3A_243 = arith.mulf %mul3A_242, %get3A_241 : vector<16xf32>
        %add3A_244 = arith.addf %add3A_237, %mul3A_243 : vector<16xf32>
        %swap3A_245 = arith.index_cast %scan3A_157 : i32 to index
        %swap3A_246 = arith.constant 32 : index
        %swap3A_247 = tpu.vector_load %arg12[%swap3A_245, %swap3A_246] {strides = array<i32>} : memref<64x256xf32, #tpu.memory_space<vmem>>, vector<1x16xf32>,
        %swap3A_248 = vector.shape_cast %swap3A_247 : vector<1x16xf32> to vector<16xf32>
        %swap3A_249 = vector.shape_cast %add3A_244 : vector<16xf32> to vector<1x16xf32>
        tpu.vector_store %arg12[%swap3A_245, %swap3A_246], %swap3A_249 {strides = array<i32>} : memref<64x256xf32, #tpu.memory_space<vmem>>, vector<1x16xf32>,
        %get3A_250 = arith.index_cast %scan3A_157 : i32 to index
        %get3A_251 = arith.constant 48 : index
        %get3A_252 = tpu.vector_load %arg12[%get3A_250, %get3A_251] {strides = array<i32>} : memref<64x256xf32, #tpu.memory_space<vmem>>, vector<1x16xf32>,
        %get3A_253 = vector.shape_cast %get3A_252 : vector<1x16xf32> to vector<16xf32>
        %mul3A_254 = vector.broadcast %squeeze3A : f32 to vector<16xf32>
        %mul3A_255 = arith.mulf %mul3A_254, %get3A_253 : vector<16xf32>
        %get3A_256 = arith.index_cast %scan3A_157 : i32 to index
        %get3A_257 = arith.constant 48 : index
        %get3A_258 = tpu.vector_load %arg13[%get3A_256, %get3A_257] {strides = array<i32>} : memref<64x256xf32, #tpu.memory_space<vmem>>, vector<1x16xf32>,
        %get3A_259 = vector.shape_cast %get3A_258 : vector<1x16xf32> to vector<16xf32>
        %mul3A_260 = vector.broadcast %squeeze3A_168 : f32 to vector<16xf32>
        %mul3A_261 = arith.mulf %mul3A_260, %get3A_259 : vector<16xf32>
        %add3A_262 = arith.addf %mul3A_255, %mul3A_261 : vector<16xf32>
        %get3A_263 = arith.index_cast %scan3A_157 : i32 to index
        %get3A_264 = arith.constant 48 : index
        %get3A_265 = tpu.vector_load %arg14[%get3A_263, %get3A_264] {strides = array<i32>} : memref<64x256xf32, #tpu.memory_space<vmem>>, vector<1x16xf32>,
        %get3A_266 = vector.shape_cast %get3A_265 : vector<1x16xf32> to vector<16xf32>
        %mul3A_267 = vector.broadcast %squeeze3A_175 : f32 to vector<16xf32>
        %mul3A_268 = arith.mulf %mul3A_267, %get3A_266 : vector<16xf32>
        %add3A_269 = arith.addf %add3A_262, %mul3A_268 : vector<16xf32>
        %swap3A_270 = arith.index_cast %scan3A_157 : i32 to index
        %swap3A_271 = arith.constant 48 : index
        %swap3A_272 = tpu.vector_load %arg12[%swap3A_270, %swap3A_271] {strides = array<i32>} : memref<64x256xf32, #tpu.memory_space<vmem>>, vector<1x16xf32>,
        %swap3A_273 = vector.shape_cast %swap3A_272 : vector<1x16xf32> to vector<16xf32>
        %swap3A_274 = vector.shape_cast %add3A_269 : vector<16xf32> to vector<1x16xf32>
        tpu.vector_store %arg12[%swap3A_270, %swap3A_271], %swap3A_274 {strides = array<i32>} : memref<64x256xf32, #tpu.memory_space<vmem>>, vector<1x16xf32>,
        %get3A_275 = arith.index_cast %scan3A_157 : i32 to index
        %get3A_276 = arith.constant 64 : index
        %get3A_277 = tpu.vector_load %arg12[%get3A_275, %get3A_276] {strides = array<i32>} : memref<64x256xf32, #tpu.memory_space<vmem>>, vector<1x16xf32>,
        %get3A_278 = vector.shape_cast %get3A_277 : vector<1x16xf32> to vector<16xf32>
        %mul3A_279 = vector.broadcast %squeeze3A : f32 to vector<16xf32>
        %mul3A_280 = arith.mulf %mul3A_279, %get3A_278 : vector<16xf32>
        %get3A_281 = arith.index_cast %scan3A_157 : i32 to index
        %get3A_282 = arith.constant 64 : index
        %get3A_283 = tpu.vector_load %arg13[%get3A_281, %get3A_282] {strides = array<i32>} : memref<64x256xf32, #tpu.memory_space<vmem>>, vector<1x16xf32>,
        %get3A_284 = vector.shape_cast %get3A_283 : vector<1x16xf32> to vector<16xf32>
        %mul3A_285 = vector.broadcast %squeeze3A_168 : f32 to vector<16xf32>
        %mul3A_286 = arith.mulf %mul3A_285, %get3A_284 : vector<16xf32>
        %add3A_287 = arith.addf %mul3A_280, %mul3A_286 : vector<16xf32>
        %get3A_288 = arith.index_cast %scan3A_157 : i32 to index
        %get3A_289 = arith.constant 64 : index
        %get3A_290 = tpu.vector_load %arg14[%get3A_288, %get3A_289] {strides = array<i32>} : memref<64x256xf32, #tpu.memory_space<vmem>>, vector<1x16xf32>,
        %get3A_291 = vector.shape_cast %get3A_290 : vector<1x16xf32> to vector<16xf32>
        %mul3A_292 = vector.broadcast %squeeze3A_175 : f32 to vector<16xf32>
        %mul3A_293 = arith.mulf %mul3A_292, %get3A_291 : vector<16xf32>
        %add3A_294 = arith.addf %add3A_287, %mul3A_293 : vector<16xf32>
        %swap3A_295 = arith.index_cast %scan3A_157 : i32 to index
        %swap3A_296 = arith.constant 64 : index
        %swap3A_297 = tpu.vector_load %arg12[%swap3A_295, %swap3A_296] {strides = array<i32>} : memref<64x256xf32, #tpu.memory_space<vmem>>, vector<1x16xf32>,
        %swap3A_298 = vector.shape_cast %swap3A_297 : vector<1x16xf32> to vector<16xf32>
        %swap3A_299 = vector.shape_cast %add3A_294 : vector<16xf32> to vector<1x16xf32>
        tpu.vector_store %arg12[%swap3A_295, %swap3A_296], %swap3A_299 {strides = array<i32>} : memref<64x256xf32, #tpu.memory_space<vmem>>, vector<1x16xf32>,
        %get3A_300 = arith.index_cast %scan3A_157 : i32 to index
        %get3A_301 = arith.constant 80 : index
        %get3A_302 = tpu.vector_load %arg12[%get3A_300, %get3A_301] {strides = array<i32>} : memref<64x256xf32, #tpu.memory_space<vmem>>, vector<1x16xf32>,
        %get3A_303 = vector.shape_cast %get3A_302 : vector<1x16xf32> to vector<16xf32>
        %mul3A_304 = vector.broadcast %squeeze3A : f32 to vector<16xf32>
        %mul3A_305 = arith.mulf %mul3A_304, %get3A_303 : vector<16xf32>
        %get3A_306 = arith.index_cast %scan3A_157 : i32 to index
        %get3A_307 = arith.constant 80 : index
        %get3A_308 = tpu.vector_load %arg13[%get3A_306, %get3A_307] {strides = array<i32>} : memref<64x256xf32, #tpu.memory_space<vmem>>, vector<1x16xf32>,
        %get3A_309 = vector.shape_cast %get3A_308 : vector<1x16xf32> to vector<16xf32>
        %mul3A_310 = vector.broadcast %squeeze3A_168 : f32 to vector<16xf32>
        %mul3A_311 = arith.mulf %mul3A_310, %get3A_309 : vector<16xf32>
        %add3A_312 = arith.addf %mul3A_305, %mul3A_311 : vector<16xf32>
        %get3A_313 = arith.index_cast %scan3A_157 : i32 to index
        %get3A_314 = arith.constant 80 : index
        %get3A_315 = tpu.vector_load %arg14[%get3A_313, %get3A_314] {strides = array<i32>} : memref<64x256xf32, #tpu.memory_space<vmem>>, vector<1x16xf32>,
        %get3A_316 = vector.shape_cast %get3A_315 : vector<1x16xf32> to vector<16xf32>
        %mul3A_317 = vector.broadcast %squeeze3A_175 : f32 to vector<16xf32>
        %mul3A_318 = arith.mulf %mul3A_317, %get3A_316 : vector<16xf32>
        %add3A_319 = arith.addf %add3A_312, %mul3A_318 : vector<16xf32>
        %swap3A_320 = arith.index_cast %scan3A_157 : i32 to index
        %swap3A_321 = arith.constant 80 : index
        %swap3A_322 = tpu.vector_load %arg12[%swap3A_320, %swap3A_321] {strides = array<i32>} : memref<64x256xf32, #tpu.memory_space<vmem>>, vector<1x16xf32>,
        %swap3A_323 = vector.shape_cast %swap3A_322 : vector<1x16xf32> to vector<16xf32>
        %swap3A_324 = vector.shape_cast %add3A_319 : vector<16xf32> to vector<1x16xf32>
        tpu.vector_store %arg12[%swap3A_320, %swap3A_321], %swap3A_324 {strides = array<i32>} : memref<64x256xf32, #tpu.memory_space<vmem>>, vector<1x16xf32>,
        %get3A_325 = arith.index_cast %scan3A_157 : i32 to index
        %get3A_326 = arith.constant 96 : index
        %get3A_327 = tpu.vector_load %arg12[%get3A_325, %get3A_326] {strides = array<i32>} : memref<64x256xf32, #tpu.memory_space<vmem>>, vector<1x16xf32>,
        %get3A_328 = vector.shape_cast %get3A_327 : vector<1x16xf32> to vector<16xf32>
        %mul3A_329 = vector.broadcast %squeeze3A : f32 to vector<16xf32>
        %mul3A_330 = arith.mulf %mul3A_329, %get3A_328 : vector<16xf32>
        %get3A_331 = arith.index_cast %scan3A_157 : i32 to index
        %get3A_332 = arith.constant 96 : index
        %get3A_333 = tpu.vector_load %arg13[%get3A_331, %get3A_332] {strides = array<i32>} : memref<64x256xf32, #tpu.memory_space<vmem>>, vector<1x16xf32>,
        %get3A_334 = vector.shape_cast %get3A_333 : vector<1x16xf32> to vector<16xf32>
        %mul3A_335 = vector.broadcast %squeeze3A_168 : f32 to vector<16xf32>
        %mul3A_336 = arith.mulf %mul3A_335, %get3A_334 : vector<16xf32>
        %add3A_337 = arith.addf %mul3A_330, %mul3A_336 : vector<16xf32>
        %get3A_338 = arith.index_cast %scan3A_157 : i32 to index
        %get3A_339 = arith.constant 96 : index
        %get3A_340 = tpu.vector_load %arg14[%get3A_338, %get3A_339] {strides = array<i32>} : memref<64x256xf32, #tpu.memory_space<vmem>>, vector<1x16xf32>,
        %get3A_341 = vector.shape_cast %get3A_340 : vector<1x16xf32> to vector<16xf32>
        %mul3A_342 = vector.broadcast %squeeze3A_175 : f32 to vector<16xf32>
        %mul3A_343 = arith.mulf %mul3A_342, %get3A_341 : vector<16xf32>
        %add3A_344 = arith.addf %add3A_337, %mul3A_343 : vector<16xf32>
        %swap3A_345 = arith.index_cast %scan3A_157 : i32 to index
        %swap3A_346 = arith.constant 96 : index
        %swap3A_347 = tpu.vector_load %arg12[%swap3A_345, %swap3A_346] {strides = array<i32>} : memref<64x256xf32, #tpu.memory_space<vmem>>, vector<1x16xf32>,
        %swap3A_348 = vector.shape_cast %swap3A_347 : vector<1x16xf32> to vector<16xf32>
        %swap3A_349 = vector.shape_cast %add3A_344 : vector<16xf32> to vector<1x16xf32>
        tpu.vector_store %arg12[%swap3A_345, %swap3A_346], %swap3A_349 {strides = array<i32>} : memref<64x256xf32, #tpu.memory_space<vmem>>, vector<1x16xf32>,
        %get3A_350 = arith.index_cast %scan3A_157 : i32 to index
        %get3A_351 = arith.constant 112 : index
        %get3A_352 = tpu.vector_load %arg12[%get3A_350, %get3A_351] {strides = array<i32>} : memref<64x256xf32, #tpu.memory_space<vmem>>, vector<1x16xf32>,
        %get3A_353 = vector.shape_cast %get3A_352 : vector<1x16xf32> to vector<16xf32>
        %mul3A_354 = vector.broadcast %squeeze3A : f32 to vector<16xf32>
        %mul3A_355 = arith.mulf %mul3A_354, %get3A_353 : vector<16xf32>
        %get3A_356 = arith.index_cast %scan3A_157 : i32 to index
        %get3A_357 = arith.constant 112 : index
        %get3A_358 = tpu.vector_load %arg13[%get3A_356, %get3A_357] {strides = array<i32>} : memref<64x256xf32, #tpu.memory_space<vmem>>, vector<1x16xf32>,
        %get3A_359 = vector.shape_cast %get3A_358 : vector<1x16xf32> to vector<16xf32>
        %mul3A_360 = vector.broadcast %squeeze3A_168 : f32 to vector<16xf32>
        %mul3A_361 = arith.mulf %mul3A_360, %get3A_359 : vector<16xf32>
        %add3A_362 = arith.addf %mul3A_355, %mul3A_361 : vector<16xf32>
        %get3A_363 = arith.index_cast %scan3A_157 : i32 to index
        %get3A_364 = arith.constant 112 : index
        %get3A_365 = tpu.vector_load %arg14[%get3A_363, %get3A_364] {strides = array<i32>} : memref<64x256xf32, #tpu.memory_space<vmem>>, vector<1x16xf32>,
        %get3A_366 = vector.shape_cast %get3A_365 : vector<1x16xf32> to vector<16xf32>
        %mul3A_367 = vector.broadcast %squeeze3A_175 : f32 to vector<16xf32>
        %mul3A_368 = arith.mulf %mul3A_367, %get3A_366 : vector<16xf32>
        %add3A_369 = arith.addf %add3A_362, %mul3A_368 : vector<16xf32>
        %swap3A_370 = arith.index_cast %scan3A_157 : i32 to index
        %swap3A_371 = arith.constant 112 : index
        %swap3A_372 = tpu.vector_load %arg12[%swap3A_370, %swap3A_371] {strides = array<i32>} : memref<64x256xf32, #tpu.memory_space<vmem>>, vector<1x16xf32>,
        %swap3A_373 = vector.shape_cast %swap3A_372 : vector<1x16xf32> to vector<16xf32>
        %swap3A_374 = vector.shape_cast %add3A_369 : vector<16xf32> to vector<1x16xf32>
        tpu.vector_store %arg12[%swap3A_370, %swap3A_371], %swap3A_374 {strides = array<i32>} : memref<64x256xf32, #tpu.memory_space<vmem>>, vector<1x16xf32>,
        %get3A_375 = arith.index_cast %scan3A_157 : i32 to index
        %get3A_376 = arith.constant 128 : index
        %get3A_377 = tpu.vector_load %arg12[%get3A_375, %get3A_376] {strides = array<i32>} : memref<64x256xf32, #tpu.memory_space<vmem>>, vector<1x16xf32>,
        %get3A_378 = vector.shape_cast %get3A_377 : vector<1x16xf32> to vector<16xf32>
        %mul3A_379 = vector.broadcast %squeeze3A : f32 to vector<16xf32>
        %mul3A_380 = arith.mulf %mul3A_379, %get3A_378 : vector<16xf32>
        %get3A_381 = arith.index_cast %scan3A_157 : i32 to index
        %get3A_382 = arith.constant 128 : index
        %get3A_383 = tpu.vector_load %arg13[%get3A_381, %get3A_382] {strides = array<i32>} : memref<64x256xf32, #tpu.memory_space<vmem>>, vector<1x16xf32>,
        %get3A_384 = vector.shape_cast %get3A_383 : vector<1x16xf32> to vector<16xf32>
        %mul3A_385 = vector.broadcast %squeeze3A_168 : f32 to vector<16xf32>
        %mul3A_386 = arith.mulf %mul3A_385, %get3A_384 : vector<16xf32>
        %add3A_387 = arith.addf %mul3A_380, %mul3A_386 : vector<16xf32>
        %get3A_388 = arith.index_cast %scan3A_157 : i32 to index
        %get3A_389 = arith.constant 128 : index
        %get3A_390 = tpu.vector_load %arg14[%get3A_388, %get3A_389] {strides = array<i32>} : memref<64x256xf32, #tpu.memory_space<vmem>>, vector<1x16xf32>,
        %get3A_391 = vector.shape_cast %get3A_390 : vector<1x16xf32> to vector<16xf32>
        %mul3A_392 = vector.broadcast %squeeze3A_175 : f32 to vector<16xf32>
        %mul3A_393 = arith.mulf %mul3A_392, %get3A_391 : vector<16xf32>
        %add3A_394 = arith.addf %add3A_387, %mul3A_393 : vector<16xf32>
        %swap3A_395 = arith.index_cast %scan3A_157 : i32 to index
        %swap3A_396 = arith.constant 128 : index
        %swap3A_397 = tpu.vector_load %arg12[%swap3A_395, %swap3A_396] {strides = array<i32>} : memref<64x256xf32, #tpu.memory_space<vmem>>, vector<1x16xf32>,
        %swap3A_398 = vector.shape_cast %swap3A_397 : vector<1x16xf32> to vector<16xf32>
        %swap3A_399 = vector.shape_cast %add3A_394 : vector<16xf32> to vector<1x16xf32>
        tpu.vector_store %arg12[%swap3A_395, %swap3A_396], %swap3A_399 {strides = array<i32>} : memref<64x256xf32, #tpu.memory_space<vmem>>, vector<1x16xf32>,
        %get3A_400 = arith.index_cast %scan3A_157 : i32 to index
        %get3A_401 = arith.constant 144 : index
        %get3A_402 = tpu.vector_load %arg12[%get3A_400, %get3A_401] {strides = array<i32>} : memref<64x256xf32, #tpu.memory_space<vmem>>, vector<1x16xf32>,
        %get3A_403 = vector.shape_cast %get3A_402 : vector<1x16xf32> to vector<16xf32>
        %mul3A_404 = vector.broadcast %squeeze3A : f32 to vector<16xf32>
        %mul3A_405 = arith.mulf %mul3A_404, %get3A_403 : vector<16xf32>
        %get3A_406 = arith.index_cast %scan3A_157 : i32 to index
        %get3A_407 = arith.constant 144 : index
        %get3A_408 = tpu.vector_load %arg13[%get3A_406, %get3A_407] {strides = array<i32>} : memref<64x256xf32, #tpu.memory_space<vmem>>, vector<1x16xf32>,
        %get3A_409 = vector.shape_cast %get3A_408 : vector<1x16xf32> to vector<16xf32>
        %mul3A_410 = vector.broadcast %squeeze3A_168 : f32 to vector<16xf32>
        %mul3A_411 = arith.mulf %mul3A_410, %get3A_409 : vector<16xf32>
        %add3A_412 = arith.addf %mul3A_405, %mul3A_411 : vector<16xf32>
        %get3A_413 = arith.index_cast %scan3A_157 : i32 to index
        %get3A_414 = arith.constant 144 : index
        %get3A_415 = tpu.vector_load %arg14[%get3A_413, %get3A_414] {strides = array<i32>} : memref<64x256xf32, #tpu.memory_space<vmem>>, vector<1x16xf32>,
        %get3A_416 = vector.shape_cast %get3A_415 : vector<1x16xf32> to vector<16xf32>
        %mul3A_417 = vector.broadcast %squeeze3A_175 : f32 to vector<16xf32>
        %mul3A_418 = arith.mulf %mul3A_417, %get3A_416 : vector<16xf32>
        %add3A_419 = arith.addf %add3A_412, %mul3A_418 : vector<16xf32>
        %swap3A_420 = arith.index_cast %scan3A_157 : i32 to index
        %swap3A_421 = arith.constant 144 : index
        %swap3A_422 = tpu.vector_load %arg12[%swap3A_420, %swap3A_421] {strides = array<i32>} : memref<64x256xf32, #tpu.memory_space<vmem>>, vector<1x16xf32>,
        %swap3A_423 = vector.shape_cast %swap3A_422 : vector<1x16xf32> to vector<16xf32>
        %swap3A_424 = vector.shape_cast %add3A_419 : vector<16xf32> to vector<1x16xf32>
        tpu.vector_store %arg12[%swap3A_420, %swap3A_421], %swap3A_424 {strides = array<i32>} : memref<64x256xf32, #tpu.memory_space<vmem>>, vector<1x16xf32>,
        %get3A_425 = arith.index_cast %scan3A_157 : i32 to index
        %get3A_426 = arith.constant 160 : index
        %get3A_427 = tpu.vector_load %arg12[%get3A_425, %get3A_426] {strides = array<i32>} : memref<64x256xf32, #tpu.memory_space<vmem>>, vector<1x16xf32>,
        %get3A_428 = vector.shape_cast %get3A_427 : vector<1x16xf32> to vector<16xf32>
        %mul3A_429 = vector.broadcast %squeeze3A : f32 to vector<16xf32>
        %mul3A_430 = arith.mulf %mul3A_429, %get3A_428 : vector<16xf32>
        %get3A_431 = arith.index_cast %scan3A_157 : i32 to index
        %get3A_432 = arith.constant 160 : index
        %get3A_433 = tpu.vector_load %arg13[%get3A_431, %get3A_432] {strides = array<i32>} : memref<64x256xf32, #tpu.memory_space<vmem>>, vector<1x16xf32>,
        %get3A_434 = vector.shape_cast %get3A_433 : vector<1x16xf32> to vector<16xf32>
        %mul3A_435 = vector.broadcast %squeeze3A_168 : f32 to vector<16xf32>
        %mul3A_436 = arith.mulf %mul3A_435, %get3A_434 : vector<16xf32>
        %add3A_437 = arith.addf %mul3A_430, %mul3A_436 : vector<16xf32>
        %get3A_438 = arith.index_cast %scan3A_157 : i32 to index
        %get3A_439 = arith.constant 160 : index
        %get3A_440 = tpu.vector_load %arg14[%get3A_438, %get3A_439] {strides = array<i32>} : memref<64x256xf32, #tpu.memory_space<vmem>>, vector<1x16xf32>,
        %get3A_441 = vector.shape_cast %get3A_440 : vector<1x16xf32> to vector<16xf32>
        %mul3A_442 = vector.broadcast %squeeze3A_175 : f32 to vector<16xf32>
        %mul3A_443 = arith.mulf %mul3A_442, %get3A_441 : vector<16xf32>
        %add3A_444 = arith.addf %add3A_437, %mul3A_443 : vector<16xf32>
        %swap3A_445 = arith.index_cast %scan3A_157 : i32 to index
        %swap3A_446 = arith.constant 160 : index
        %swap3A_447 = tpu.vector_load %arg12[%swap3A_445, %swap3A_446] {strides = array<i32>} : memref<64x256xf32, #tpu.memory_space<vmem>>, vector<1x16xf32>,
        %swap3A_448 = vector.shape_cast %swap3A_447 : vector<1x16xf32> to vector<16xf32>
        %swap3A_449 = vector.shape_cast %add3A_444 : vector<16xf32> to vector<1x16xf32>
        tpu.vector_store %arg12[%swap3A_445, %swap3A_446], %swap3A_449 {strides = array<i32>} : memref<64x256xf32, #tpu.memory_space<vmem>>, vector<1x16xf32>,
        %get3A_450 = arith.index_cast %scan3A_157 : i32 to index
        %get3A_451 = arith.constant 176 : index
        %get3A_452 = tpu.vector_load %arg12[%get3A_450, %get3A_451] {strides = array<i32>} : memref<64x256xf32, #tpu.memory_space<vmem>>, vector<1x16xf32>,
        %get3A_453 = vector.shape_cast %get3A_452 : vector<1x16xf32> to vector<16xf32>
        %mul3A_454 = vector.broadcast %squeeze3A : f32 to vector<16xf32>
        %mul3A_455 = arith.mulf %mul3A_454, %get3A_453 : vector<16xf32>
        %get3A_456 = arith.index_cast %scan3A_157 : i32 to index
        %get3A_457 = arith.constant 176 : index
        %get3A_458 = tpu.vector_load %arg13[%get3A_456, %get3A_457] {strides = array<i32>} : memref<64x256xf32, #tpu.memory_space<vmem>>, vector<1x16xf32>,
        %get3A_459 = vector.shape_cast %get3A_458 : vector<1x16xf32> to vector<16xf32>
        %mul3A_460 = vector.broadcast %squeeze3A_168 : f32 to vector<16xf32>
        %mul3A_461 = arith.mulf %mul3A_460, %get3A_459 : vector<16xf32>
        %add3A_462 = arith.addf %mul3A_455, %mul3A_461 : vector<16xf32>
        %get3A_463 = arith.index_cast %scan3A_157 : i32 to index
        %get3A_464 = arith.constant 176 : index
        %get3A_465 = tpu.vector_load %arg14[%get3A_463, %get3A_464] {strides = array<i32>} : memref<64x256xf32, #tpu.memory_space<vmem>>, vector<1x16xf32>,
        %get3A_466 = vector.shape_cast %get3A_465 : vector<1x16xf32> to vector<16xf32>
        %mul3A_467 = vector.broadcast %squeeze3A_175 : f32 to vector<16xf32>
        %mul3A_468 = arith.mulf %mul3A_467, %get3A_466 : vector<16xf32>
        %add3A_469 = arith.addf %add3A_462, %mul3A_468 : vector<16xf32>
        %swap3A_470 = arith.index_cast %scan3A_157 : i32 to index
        %swap3A_471 = arith.constant 176 : index
        %swap3A_472 = tpu.vector_load %arg12[%swap3A_470, %swap3A_471] {strides = array<i32>} : memref<64x256xf32, #tpu.memory_space<vmem>>, vector<1x16xf32>,
        %swap3A_473 = vector.shape_cast %swap3A_472 : vector<1x16xf32> to vector<16xf32>
        %swap3A_474 = vector.shape_cast %add3A_469 : vector<16xf32> to vector<1x16xf32>
        tpu.vector_store %arg12[%swap3A_470, %swap3A_471], %swap3A_474 {strides = array<i32>} : memref<64x256xf32, #tpu.memory_space<vmem>>, vector<1x16xf32>,
        %get3A_475 = arith.index_cast %scan3A_157 : i32 to index
        %get3A_476 = arith.constant 192 : index
        %get3A_477 = tpu.vector_load %arg12[%get3A_475, %get3A_476] {strides = array<i32>} : memref<64x256xf32, #tpu.memory_space<vmem>>, vector<1x16xf32>,
        %get3A_478 = vector.shape_cast %get3A_477 : vector<1x16xf32> to vector<16xf32>
        %mul3A_479 = vector.broadcast %squeeze3A : f32 to vector<16xf32>
        %mul3A_480 = arith.mulf %mul3A_479, %get3A_478 : vector<16xf32>
        %get3A_481 = arith.index_cast %scan3A_157 : i32 to index
        %get3A_482 = arith.constant 192 : index
        %get3A_483 = tpu.vector_load %arg13[%get3A_481, %get3A_482] {strides = array<i32>} : memref<64x256xf32, #tpu.memory_space<vmem>>, vector<1x16xf32>,
        %get3A_484 = vector.shape_cast %get3A_483 : vector<1x16xf32> to vector<16xf32>
        %mul3A_485 = vector.broadcast %squeeze3A_168 : f32 to vector<16xf32>
        %mul3A_486 = arith.mulf %mul3A_485, %get3A_484 : vector<16xf32>
        %add3A_487 = arith.addf %mul3A_480, %mul3A_486 : vector<16xf32>
        %get3A_488 = arith.index_cast %scan3A_157 : i32 to index
        %get3A_489 = arith.constant 192 : index
        %get3A_490 = tpu.vector_load %arg14[%get3A_488, %get3A_489] {strides = array<i32>} : memref<64x256xf32, #tpu.memory_space<vmem>>, vector<1x16xf32>,
        %get3A_491 = vector.shape_cast %get3A_490 : vector<1x16xf32> to vector<16xf32>
        %mul3A_492 = vector.broadcast %squeeze3A_175 : f32 to vector<16xf32>
        %mul3A_493 = arith.mulf %mul3A_492, %get3A_491 : vector<16xf32>
        %add3A_494 = arith.addf %add3A_487, %mul3A_493 : vector<16xf32>
        %swap3A_495 = arith.index_cast %scan3A_157 : i32 to index
        %swap3A_496 = arith.constant 192 : index
        %swap3A_497 = tpu.vector_load %arg12[%swap3A_495, %swap3A_496] {strides = array<i32>} : memref<64x256xf32, #tpu.memory_space<vmem>>, vector<1x16xf32>,
        %swap3A_498 = vector.shape_cast %swap3A_497 : vector<1x16xf32> to vector<16xf32>
        %swap3A_499 = vector.shape_cast %add3A_494 : vector<16xf32> to vector<1x16xf32>
        tpu.vector_store %arg12[%swap3A_495, %swap3A_496], %swap3A_499 {strides = array<i32>} : memref<64x256xf32, #tpu.memory_space<vmem>>, vector<1x16xf32>,
        %get3A_500 = arith.index_cast %scan3A_157 : i32 to index
        %get3A_501 = arith.constant 208 : index
        %get3A_502 = tpu.vector_load %arg12[%get3A_500, %get3A_501] {strides = array<i32>} : memref<64x256xf32, #tpu.memory_space<vmem>>, vector<1x16xf32>,
        %get3A_503 = vector.shape_cast %get3A_502 : vector<1x16xf32> to vector<16xf32>
        %mul3A_504 = vector.broadcast %squeeze3A : f32 to vector<16xf32>
        %mul3A_505 = arith.mulf %mul3A_504, %get3A_503 : vector<16xf32>
        %get3A_506 = arith.index_cast %scan3A_157 : i32 to index
        %get3A_507 = arith.constant 208 : index
        %get3A_508 = tpu.vector_load %arg13[%get3A_506, %get3A_507] {strides = array<i32>} : memref<64x256xf32, #tpu.memory_space<vmem>>, vector<1x16xf32>,
        %get3A_509 = vector.shape_cast %get3A_508 : vector<1x16xf32> to vector<16xf32>
        %mul3A_510 = vector.broadcast %squeeze3A_168 : f32 to vector<16xf32>
        %mul3A_511 = arith.mulf %mul3A_510, %get3A_509 : vector<16xf32>
        %add3A_512 = arith.addf %mul3A_505, %mul3A_511 : vector<16xf32>
        %get3A_513 = arith.index_cast %scan3A_157 : i32 to index
        %get3A_514 = arith.constant 208 : index
        %get3A_515 = tpu.vector_load %arg14[%get3A_513, %get3A_514] {strides = array<i32>} : memref<64x256xf32, #tpu.memory_space<vmem>>, vector<1x16xf32>,
        %get3A_516 = vector.shape_cast %get3A_515 : vector<1x16xf32> to vector<16xf32>
        %mul3A_517 = vector.broadcast %squeeze3A_175 : f32 to vector<16xf32>
        %mul3A_518 = arith.mulf %mul3A_517, %get3A_516 : vector<16xf32>
        %add3A_519 = arith.addf %add3A_512, %mul3A_518 : vector<16xf32>
        %swap3A_520 = arith.index_cast %scan3A_157 : i32 to index
        %swap3A_521 = arith.constant 208 : index
        %swap3A_522 = tpu.vector_load %arg12[%swap3A_520, %swap3A_521] {strides = array<i32>} : memref<64x256xf32, #tpu.memory_space<vmem>>, vector<1x16xf32>,
        %swap3A_523 = vector.shape_cast %swap3A_522 : vector<1x16xf32> to vector<16xf32>
        %swap3A_524 = vector.shape_cast %add3A_519 : vector<16xf32> to vector<1x16xf32>
        tpu.vector_store %arg12[%swap3A_520, %swap3A_521], %swap3A_524 {strides = array<i32>} : memref<64x256xf32, #tpu.memory_space<vmem>>, vector<1x16xf32>,
        %get3A_525 = arith.index_cast %scan3A_157 : i32 to index
        %get3A_526 = arith.constant 224 : index
        %get3A_527 = tpu.vector_load %arg12[%get3A_525, %get3A_526] {strides = array<i32>} : memref<64x256xf32, #tpu.memory_space<vmem>>, vector<1x16xf32>,
        %get3A_528 = vector.shape_cast %get3A_527 : vector<1x16xf32> to vector<16xf32>
        %mul3A_529 = vector.broadcast %squeeze3A : f32 to vector<16xf32>
        %mul3A_530 = arith.mulf %mul3A_529, %get3A_528 : vector<16xf32>
        %get3A_531 = arith.index_cast %scan3A_157 : i32 to index
        %get3A_532 = arith.constant 224 : index
        %get3A_533 = tpu.vector_load %arg13[%get3A_531, %get3A_532] {strides = array<i32>} : memref<64x256xf32, #tpu.memory_space<vmem>>, vector<1x16xf32>,
        %get3A_534 = vector.shape_cast %get3A_533 : vector<1x16xf32> to vector<16xf32>
        %mul3A_535 = vector.broadcast %squeeze3A_168 : f32 to vector<16xf32>
        %mul3A_536 = arith.mulf %mul3A_535, %get3A_534 : vector<16xf32>
        %add3A_537 = arith.addf %mul3A_530, %mul3A_536 : vector<16xf32>
        %get3A_538 = arith.index_cast %scan3A_157 : i32 to index
        %get3A_539 = arith.constant 224 : index
        %get3A_540 = tpu.vector_load %arg14[%get3A_538, %get3A_539] {strides = array<i32>} : memref<64x256xf32, #tpu.memory_space<vmem>>, vector<1x16xf32>,
        %get3A_541 = vector.shape_cast %get3A_540 : vector<1x16xf32> to vector<16xf32>
        %mul3A_542 = vector.broadcast %squeeze3A_175 : f32 to vector<16xf32>
        %mul3A_543 = arith.mulf %mul3A_542, %get3A_541 : vector<16xf32>
        %add3A_544 = arith.addf %add3A_537, %mul3A_543 : vector<16xf32>
        %swap3A_545 = arith.index_cast %scan3A_157 : i32 to index
        %swap3A_546 = arith.constant 224 : index
        %swap3A_547 = tpu.vector_load %arg12[%swap3A_545, %swap3A_546] {strides = array<i32>} : memref<64x256xf32, #tpu.memory_space<vmem>>, vector<1x16xf32>,
        %swap3A_548 = vector.shape_cast %swap3A_547 : vector<1x16xf32> to vector<16xf32>
        %swap3A_549 = vector.shape_cast %add3A_544 : vector<16xf32> to vector<1x16xf32>
        tpu.vector_store %arg12[%swap3A_545, %swap3A_546], %swap3A_549 {strides = array<i32>} : memref<64x256xf32, #tpu.memory_space<vmem>>, vector<1x16xf32>,
        %get3A_550 = arith.index_cast %scan3A_157 : i32 to index
        %get3A_551 = arith.constant 240 : index
        %get3A_552 = tpu.vector_load %arg12[%get3A_550, %get3A_551] {strides = array<i32>} : memref<64x256xf32, #tpu.memory_space<vmem>>, vector<1x16xf32>,
        %get3A_553 = vector.shape_cast %get3A_552 : vector<1x16xf32> to vector<16xf32>
        %mul3A_554 = vector.broadcast %squeeze3A : f32 to vector<16xf32>
        %mul3A_555 = arith.mulf %mul3A_554, %get3A_553 : vector<16xf32>
        %get3A_556 = arith.index_cast %scan3A_157 : i32 to index
        %get3A_557 = arith.constant 240 : index
        %get3A_558 = tpu.vector_load %arg13[%get3A_556, %get3A_557] {strides = array<i32>} : memref<64x256xf32, #tpu.memory_space<vmem>>, vector<1x16xf32>,
        %get3A_559 = vector.shape_cast %get3A_558 : vector<1x16xf32> to vector<16xf32>
        %mul3A_560 = vector.broadcast %squeeze3A_168 : f32 to vector<16xf32>
        %mul3A_561 = arith.mulf %mul3A_560, %get3A_559 : vector<16xf32>
        %add3A_562 = arith.addf %mul3A_555, %mul3A_561 : vector<16xf32>
        %get3A_563 = arith.index_cast %scan3A_157 : i32 to index
        %get3A_564 = arith.constant 240 : index
        %get3A_565 = tpu.vector_load %arg14[%get3A_563, %get3A_564] {strides = array<i32>} : memref<64x256xf32, #tpu.memory_space<vmem>>, vector<1x16xf32>,
        %get3A_566 = vector.shape_cast %get3A_565 : vector<1x16xf32> to vector<16xf32>
        %mul3A_567 = vector.broadcast %squeeze3A_175 : f32 to vector<16xf32>
        %mul3A_568 = arith.mulf %mul3A_567, %get3A_566 : vector<16xf32>
        %add3A_569 = arith.addf %add3A_562, %mul3A_568 : vector<16xf32>
        %swap3A_570 = arith.index_cast %scan3A_157 : i32 to index
        %swap3A_571 = arith.constant 240 : index
        %swap3A_572 = tpu.vector_load %arg12[%swap3A_570, %swap3A_571] {strides = array<i32>} : memref<64x256xf32, #tpu.memory_space<vmem>>, vector<1x16xf32>,
        %swap3A_573 = vector.shape_cast %swap3A_572 : vector<1x16xf32> to vector<16xf32>
        %swap3A_574 = vector.shape_cast %add3A_569 : vector<16xf32> to vector<1x16xf32>
        tpu.vector_store %arg12[%swap3A_570, %swap3A_571], %swap3A_574 {strides = array<i32>} : memref<64x256xf32, #tpu.memory_space<vmem>>, vector<1x16xf32>,
      }
      %scan3A_107 = arith.constant 64 : i32
      "tpu.region"() ({
        %run_scoped3A_157 = tpu.sem_alloc : memref<!tpu.dma_semaphore, #tpu.memory_space<semaphore_mem>>
        %dma_start3A_158 = arith.constant 0 : i32
        %dma_start3A_159 = tpu.memref_slice %arg5[%add3A_81, %dma_start3A_158] : memref<32768x256xf32, #tpu.memory_space<hbm>> -> memref<64x256xf32, #tpu.memory_space<hbm>>
        %dma_start3A_160 = arith.constant 0 : i32
        %dma_start3A_161 = tpu.memref_slice %arg5[%add3A_81, %dma_start3A_160] : memref<32768x256xf32, #tpu.memory_space<hbm>> -> memref<64x256xf32, #tpu.memory_space<hbm>>
        tpu.enqueue_dma source(%arg12 : memref<64x256xf32, #tpu.memory_space<vmem>>) target(%dma_start3A_161 : memref<64x256xf32, #tpu.memory_space<hbm>>) target_semaphore(%run_scoped3A_157 : memref<!tpu.dma_semaphore, #tpu.memory_space<semaphore_mem>>)
        %dma_wait3A_162 = arith.constant 0 : i32
        %dma_wait3A_163 = tpu.memref_slice %arg5[%add3A_81, %dma_wait3A_162] : memref<32768x256xf32, #tpu.memory_space<hbm>> -> memref<64x256xf32, #tpu.memory_space<hbm>>
        %dma_wait3A_164 = arith.constant 0 : i32
        %dma_wait3A_165 = tpu.memref_slice %arg5[%add3A_81, %dma_wait3A_164] : memref<32768x256xf32, #tpu.memory_space<hbm>> -> memref<64x256xf32, #tpu.memory_space<hbm>>
        tpu.wait_dma2 semaphore(%run_scoped3A_157 : memref<!tpu.dma_semaphore, #tpu.memory_space<semaphore_mem>>) src(%arg12 : memref<64x256xf32, #tpu.memory_space<vmem>>) dst(%dma_wait3A_165 : memref<64x256xf32, #tpu.memory_space<hbm>>)
        tpu.yield
      }) : () -> ()
      %mul3A_108 = arith.constant 2 : i32
      %mul3A_109 = arith.muli %mul3A_108, %scan3A_76 : i32
      %add3A_110 = arith.constant 2 : i32
      %add3A_111 = arith.addi %mul3A_109, %add3A_110 : i32
      %lt3A = arith.constant 16 : i32
      %lt3A_112 = arith.cmpi slt, %add3A_111, %lt3A : i32
      %convert_element_type3A = arith.extui %lt3A_112 : i1 to i32
      %cond3A = arith.constant 0 : i32
      %cond3A_113 = arith.cmpi ne, %convert_element_type3A, %cond3A : i32
      scf.if %cond3A_113 {
        %mul3A_157 = arith.constant 2 : i32
        %mul3A_158 = arith.muli %mul3A_157, %scan3A_76 : i32
        %add3A_159 = arith.constant 2 : i32
        %add3A_160 = arith.addi %mul3A_158, %add3A_159 : i32
        %mul3A_161 = arith.constant 64 : i32
        %mul3A_162 = arith.muli %add3A_160, %mul3A_161 : i32
        %add3A_163 = arith.addi %mul3A_2, %mul3A_162 : i32
        %run_scoped3A_164 = arith.constant 0 : i32
        %run_scoped3A_165 = arith.constant 0 : i32
        "tpu.region"() ({
          %run_scoped3A_197 = tpu.sem_alloc : memref<!tpu.dma_semaphore, #tpu.memory_space<semaphore_mem>>
          %dma_start3A_198 = arith.constant 0 : i32
          %dma_start3A_199 = tpu.memref_slice %arg6[%run_scoped3A_165, %dma_start3A_198] : memref<2x64xi32, #tpu.memory_space<vmem>> -> memref<1x64xi32, #tpu.memory_space<vmem>>
          %dma_start3A_200 = tpu.memref_squeeze %dma_start3A_199 : memref<1x64xi32, #tpu.memory_space<vmem>> -> memref<64xi32, #tpu.memory_space<vmem>>
          %dma_start3A_201 = tpu.memref_slice %arg3[%run_scoped3A_164, %add3A_163] : memref<3x32768xi32, #tpu.memory_space<hbm>> -> memref<1x64xi32, #tpu.memory_space<hbm>>
          %dma_start3A_202 = tpu.memref_squeeze %dma_start3A_201 : memref<1x64xi32, #tpu.memory_space<hbm>> -> memref<64xi32, #tpu.memory_space<hbm>>
          %dma_start3A_203 = arith.constant 0 : i32
          %dma_start3A_204 = tpu.memref_slice %arg6[%run_scoped3A_165, %dma_start3A_203] : memref<2x64xi32, #tpu.memory_space<vmem>> -> memref<1x64xi32, #tpu.memory_space<vmem>>
          %dma_start3A_205 = tpu.memref_squeeze %dma_start3A_204 : memref<1x64xi32, #tpu.memory_space<vmem>> -> memref<64xi32, #tpu.memory_space<vmem>>
          %dma_start3A_206 = tpu.memref_slice %arg3[%run_scoped3A_164, %add3A_163] : memref<3x32768xi32, #tpu.memory_space<hbm>> -> memref<1x64xi32, #tpu.memory_space<hbm>>
          %dma_start3A_207 = tpu.memref_squeeze %dma_start3A_206 : memref<1x64xi32, #tpu.memory_space<hbm>> -> memref<64xi32, #tpu.memory_space<hbm>>
          tpu.enqueue_dma source(%dma_start3A_207 : memref<64xi32, #tpu.memory_space<hbm>>) target(%dma_start3A_205 : memref<64xi32, #tpu.memory_space<vmem>>) target_semaphore(%run_scoped3A_197 : memref<!tpu.dma_semaphore, #tpu.memory_space<semaphore_mem>>)
          %dma_wait3A_208 = arith.constant 0 : i32
          %dma_wait3A_209 = tpu.memref_slice %arg6[%run_scoped3A_165, %dma_wait3A_208] : memref<2x64xi32, #tpu.memory_space<vmem>> -> memref<1x64xi32, #tpu.memory_space<vmem>>
          %dma_wait3A_210 = tpu.memref_squeeze %dma_wait3A_209 : memref<1x64xi32, #tpu.memory_space<vmem>> -> memref<64xi32, #tpu.memory_space<vmem>>
          %dma_wait3A_211 = tpu.memref_slice %arg3[%run_scoped3A_164, %add3A_163] : memref<3x32768xi32, #tpu.memory_space<hbm>> -> memref<1x64xi32, #tpu.memory_space<hbm>>
          %dma_wait3A_212 = tpu.memref_squeeze %dma_wait3A_211 : memref<1x64xi32, #tpu.memory_space<hbm>> -> memref<64xi32, #tpu.memory_space<hbm>>
          %dma_wait3A_213 = arith.constant 0 : i32
          %dma_wait3A_214 = tpu.memref_slice %arg6[%run_scoped3A_165, %dma_wait3A_213] : memref<2x64xi32, #tpu.memory_space<vmem>> -> memref<1x64xi32, #tpu.memory_space<vmem>>
          %dma_wait3A_215 = tpu.memref_squeeze %dma_wait3A_214 : memref<1x64xi32, #tpu.memory_space<vmem>> -> memref<64xi32, #tpu.memory_space<vmem>>
          %dma_wait3A_216 = tpu.memref_slice %arg3[%run_scoped3A_164, %add3A_163] : memref<3x32768xi32, #tpu.memory_space<hbm>> -> memref<1x64xi32, #tpu.memory_space<hbm>>
          %dma_wait3A_217 = tpu.memref_squeeze %dma_wait3A_216 : memref<1x64xi32, #tpu.memory_space<hbm>> -> memref<64xi32, #tpu.memory_space<hbm>>
          tpu.wait_dma2 semaphore(%run_scoped3A_197 : memref<!tpu.dma_semaphore, #tpu.memory_space<semaphore_mem>>) src(%dma_wait3A_217 : memref<64xi32, #tpu.memory_space<hbm>>) dst(%dma_wait3A_215 : memref<64xi32, #tpu.memory_space<vmem>>)
          tpu.yield
        }) : () -> ()
        %run_scoped3A_166 = arith.constant 1 : i32
        %run_scoped3A_167 = arith.constant 0 : i32
        "tpu.region"() ({
          %run_scoped3A_197 = tpu.sem_alloc : memref<!tpu.dma_semaphore, #tpu.memory_space<semaphore_mem>>
          %dma_start3A_198 = arith.constant 0 : i32
          %dma_start3A_199 = tpu.memref_slice %arg7[%run_scoped3A_167, %dma_start3A_198] : memref<2x64xi32, #tpu.memory_space<vmem>> -> memref<1x64xi32, #tpu.memory_space<vmem>>
          %dma_start3A_200 = tpu.memref_squeeze %dma_start3A_199 : memref<1x64xi32, #tpu.memory_space<vmem>> -> memref<64xi32, #tpu.memory_space<vmem>>
          %dma_start3A_201 = tpu.memref_slice %arg3[%run_scoped3A_166, %add3A_163] : memref<3x32768xi32, #tpu.memory_space<hbm>> -> memref<1x64xi32, #tpu.memory_space<hbm>>
          %dma_start3A_202 = tpu.memref_squeeze %dma_start3A_201 : memref<1x64xi32, #tpu.memory_space<hbm>> -> memref<64xi32, #tpu.memory_space<hbm>>
          %dma_start3A_203 = arith.constant 0 : i32
          %dma_start3A_204 = tpu.memref_slice %arg7[%run_scoped3A_167, %dma_start3A_203] : memref<2x64xi32, #tpu.memory_space<vmem>> -> memref<1x64xi32, #tpu.memory_space<vmem>>
          %dma_start3A_205 = tpu.memref_squeeze %dma_start3A_204 : memref<1x64xi32, #tpu.memory_space<vmem>> -> memref<64xi32, #tpu.memory_space<vmem>>
          %dma_start3A_206 = tpu.memref_slice %arg3[%run_scoped3A_166, %add3A_163] : memref<3x32768xi32, #tpu.memory_space<hbm>> -> memref<1x64xi32, #tpu.memory_space<hbm>>
          %dma_start3A_207 = tpu.memref_squeeze %dma_start3A_206 : memref<1x64xi32, #tpu.memory_space<hbm>> -> memref<64xi32, #tpu.memory_space<hbm>>
          tpu.enqueue_dma source(%dma_start3A_207 : memref<64xi32, #tpu.memory_space<hbm>>) target(%dma_start3A_205 : memref<64xi32, #tpu.memory_space<vmem>>) target_semaphore(%run_scoped3A_197 : memref<!tpu.dma_semaphore, #tpu.memory_space<semaphore_mem>>)
          %dma_wait3A_208 = arith.constant 0 : i32
          %dma_wait3A_209 = tpu.memref_slice %arg7[%run_scoped3A_167, %dma_wait3A_208] : memref<2x64xi32, #tpu.memory_space<vmem>> -> memref<1x64xi32, #tpu.memory_space<vmem>>
          %dma_wait3A_210 = tpu.memref_squeeze %dma_wait3A_209 : memref<1x64xi32, #tpu.memory_space<vmem>> -> memref<64xi32, #tpu.memory_space<vmem>>
          %dma_wait3A_211 = tpu.memref_slice %arg3[%run_scoped3A_166, %add3A_163] : memref<3x32768xi32, #tpu.memory_space<hbm>> -> memref<1x64xi32, #tpu.memory_space<hbm>>
          %dma_wait3A_212 = tpu.memref_squeeze %dma_wait3A_211 : memref<1x64xi32, #tpu.memory_space<hbm>> -> memref<64xi32, #tpu.memory_space<hbm>>
          %dma_wait3A_213 = arith.constant 0 : i32
          %dma_wait3A_214 = tpu.memref_slice %arg7[%run_scoped3A_167, %dma_wait3A_213] : memref<2x64xi32, #tpu.memory_space<vmem>> -> memref<1x64xi32, #tpu.memory_space<vmem>>
          %dma_wait3A_215 = tpu.memref_squeeze %dma_wait3A_214 : memref<1x64xi32, #tpu.memory_space<vmem>> -> memref<64xi32, #tpu.memory_space<vmem>>
          %dma_wait3A_216 = tpu.memref_slice %arg3[%run_scoped3A_166, %add3A_163] : memref<3x32768xi32, #tpu.memory_space<hbm>> -> memref<1x64xi32, #tpu.memory_space<hbm>>
          %dma_wait3A_217 = tpu.memref_squeeze %dma_wait3A_216 : memref<1x64xi32, #tpu.memory_space<hbm>> -> memref<64xi32, #tpu.memory_space<hbm>>
          tpu.wait_dma2 semaphore(%run_scoped3A_197 : memref<!tpu.dma_semaphore, #tpu.memory_space<semaphore_mem>>) src(%dma_wait3A_217 : memref<64xi32, #tpu.memory_space<hbm>>) dst(%dma_wait3A_215 : memref<64xi32, #tpu.memory_space<vmem>>)
          tpu.yield
        }) : () -> ()
        %run_scoped3A_168 = arith.constant 2 : i32
        %run_scoped3A_169 = arith.constant 0 : i32
        "tpu.region"() ({
          %run_scoped3A_197 = tpu.sem_alloc : memref<!tpu.dma_semaphore, #tpu.memory_space<semaphore_mem>>
          %dma_start3A_198 = arith.constant 0 : i32
          %dma_start3A_199 = tpu.memref_slice %arg8[%run_scoped3A_169, %dma_start3A_198] : memref<2x64xi32, #tpu.memory_space<vmem>> -> memref<1x64xi32, #tpu.memory_space<vmem>>
          %dma_start3A_200 = tpu.memref_squeeze %dma_start3A_199 : memref<1x64xi32, #tpu.memory_space<vmem>> -> memref<64xi32, #tpu.memory_space<vmem>>
          %dma_start3A_201 = tpu.memref_slice %arg3[%run_scoped3A_168, %add3A_163] : memref<3x32768xi32, #tpu.memory_space<hbm>> -> memref<1x64xi32, #tpu.memory_space<hbm>>
          %dma_start3A_202 = tpu.memref_squeeze %dma_start3A_201 : memref<1x64xi32, #tpu.memory_space<hbm>> -> memref<64xi32, #tpu.memory_space<hbm>>
          %dma_start3A_203 = arith.constant 0 : i32
          %dma_start3A_204 = tpu.memref_slice %arg8[%run_scoped3A_169, %dma_start3A_203] : memref<2x64xi32, #tpu.memory_space<vmem>> -> memref<1x64xi32, #tpu.memory_space<vmem>>
          %dma_start3A_205 = tpu.memref_squeeze %dma_start3A_204 : memref<1x64xi32, #tpu.memory_space<vmem>> -> memref<64xi32, #tpu.memory_space<vmem>>
          %dma_start3A_206 = tpu.memref_slice %arg3[%run_scoped3A_168, %add3A_163] : memref<3x32768xi32, #tpu.memory_space<hbm>> -> memref<1x64xi32, #tpu.memory_space<hbm>>
          %dma_start3A_207 = tpu.memref_squeeze %dma_start3A_206 : memref<1x64xi32, #tpu.memory_space<hbm>> -> memref<64xi32, #tpu.memory_space<hbm>>
          tpu.enqueue_dma source(%dma_start3A_207 : memref<64xi32, #tpu.memory_space<hbm>>) target(%dma_start3A_205 : memref<64xi32, #tpu.memory_space<vmem>>) target_semaphore(%run_scoped3A_197 : memref<!tpu.dma_semaphore, #tpu.memory_space<semaphore_mem>>)
          %dma_wait3A_208 = arith.constant 0 : i32
          %dma_wait3A_209 = tpu.memref_slice %arg8[%run_scoped3A_169, %dma_wait3A_208] : memref<2x64xi32, #tpu.memory_space<vmem>> -> memref<1x64xi32, #tpu.memory_space<vmem>>
          %dma_wait3A_210 = tpu.memref_squeeze %dma_wait3A_209 : memref<1x64xi32, #tpu.memory_space<vmem>> -> memref<64xi32, #tpu.memory_space<vmem>>
          %dma_wait3A_211 = tpu.memref_slice %arg3[%run_scoped3A_168, %add3A_163] : memref<3x32768xi32, #tpu.memory_space<hbm>> -> memref<1x64xi32, #tpu.memory_space<hbm>>
          %dma_wait3A_212 = tpu.memref_squeeze %dma_wait3A_211 : memref<1x64xi32, #tpu.memory_space<hbm>> -> memref<64xi32, #tpu.memory_space<hbm>>
          %dma_wait3A_213 = arith.constant 0 : i32
          %dma_wait3A_214 = tpu.memref_slice %arg8[%run_scoped3A_169, %dma_wait3A_213] : memref<2x64xi32, #tpu.memory_space<vmem>> -> memref<1x64xi32, #tpu.memory_space<vmem>>
          %dma_wait3A_215 = tpu.memref_squeeze %dma_wait3A_214 : memref<1x64xi32, #tpu.memory_space<vmem>> -> memref<64xi32, #tpu.memory_space<vmem>>
          %dma_wait3A_216 = tpu.memref_slice %arg3[%run_scoped3A_168, %add3A_163] : memref<3x32768xi32, #tpu.memory_space<hbm>> -> memref<1x64xi32, #tpu.memory_space<hbm>>
          %dma_wait3A_217 = tpu.memref_squeeze %dma_wait3A_216 : memref<1x64xi32, #tpu.memory_space<hbm>> -> memref<64xi32, #tpu.memory_space<hbm>>
          tpu.wait_dma2 semaphore(%run_scoped3A_197 : memref<!tpu.dma_semaphore, #tpu.memory_space<semaphore_mem>>) src(%dma_wait3A_217 : memref<64xi32, #tpu.memory_space<hbm>>) dst(%dma_wait3A_215 : memref<64xi32, #tpu.memory_space<vmem>>)
          tpu.yield
        }) : () -> ()
        %run_scoped3A_170 = arith.constant 0 : i32
        %run_scoped3A_171 = arith.constant 0 : i32
        "tpu.region"() ({
          %run_scoped3A_197 = tpu.sem_alloc : memref<!tpu.dma_semaphore, #tpu.memory_space<semaphore_mem>>
          %dma_start3A_198 = arith.constant 0 : i32
          %dma_start3A_199 = tpu.memref_slice %arg9[%run_scoped3A_171, %dma_start3A_198] : memref<2x80xf32, #tpu.memory_space<vmem>> -> memref<1x64xf32, #tpu.memory_space<vmem>>
          %dma_start3A_200 = tpu.memref_squeeze %dma_start3A_199 : memref<1x64xf32, #tpu.memory_space<vmem>> -> memref<64xf32, #tpu.memory_space<vmem>>
          %dma_start3A_201 = tpu.memref_slice %arg4[%run_scoped3A_170, %add3A_163] : memref<3x32768xf32, #tpu.memory_space<hbm>> -> memref<1x64xf32, #tpu.memory_space<hbm>>
          %dma_start3A_202 = tpu.memref_squeeze %dma_start3A_201 : memref<1x64xf32, #tpu.memory_space<hbm>> -> memref<64xf32, #tpu.memory_space<hbm>>
          %dma_start3A_203 = arith.constant 0 : i32
          %dma_start3A_204 = tpu.memref_slice %arg9[%run_scoped3A_171, %dma_start3A_203] : memref<2x80xf32, #tpu.memory_space<vmem>> -> memref<1x64xf32, #tpu.memory_space<vmem>>
          %dma_start3A_205 = tpu.memref_squeeze %dma_start3A_204 : memref<1x64xf32, #tpu.memory_space<vmem>> -> memref<64xf32, #tpu.memory_space<vmem>>
          %dma_start3A_206 = tpu.memref_slice %arg4[%run_scoped3A_170, %add3A_163] : memref<3x32768xf32, #tpu.memory_space<hbm>> -> memref<1x64xf32, #tpu.memory_space<hbm>>
          %dma_start3A_207 = tpu.memref_squeeze %dma_start3A_206 : memref<1x64xf32, #tpu.memory_space<hbm>> -> memref<64xf32, #tpu.memory_space<hbm>>
          tpu.enqueue_dma source(%dma_start3A_207 : memref<64xf32, #tpu.memory_space<hbm>>) target(%dma_start3A_205 : memref<64xf32, #tpu.memory_space<vmem>>) target_semaphore(%run_scoped3A_197 : memref<!tpu.dma_semaphore, #tpu.memory_space<semaphore_mem>>)
          %dma_wait3A_208 = arith.constant 0 : i32
          %dma_wait3A_209 = tpu.memref_slice %arg9[%run_scoped3A_171, %dma_wait3A_208] : memref<2x80xf32, #tpu.memory_space<vmem>> -> memref<1x64xf32, #tpu.memory_space<vmem>>
          %dma_wait3A_210 = tpu.memref_squeeze %dma_wait3A_209 : memref<1x64xf32, #tpu.memory_space<vmem>> -> memref<64xf32, #tpu.memory_space<vmem>>
          %dma_wait3A_211 = tpu.memref_slice %arg4[%run_scoped3A_170, %add3A_163] : memref<3x32768xf32, #tpu.memory_space<hbm>> -> memref<1x64xf32, #tpu.memory_space<hbm>>
          %dma_wait3A_212 = tpu.memref_squeeze %dma_wait3A_211 : memref<1x64xf32, #tpu.memory_space<hbm>> -> memref<64xf32, #tpu.memory_space<hbm>>
          %dma_wait3A_213 = arith.constant 0 : i32
          %dma_wait3A_214 = tpu.memref_slice %arg9[%run_scoped3A_171, %dma_wait3A_213] : memref<2x80xf32, #tpu.memory_space<vmem>> -> memref<1x64xf32, #tpu.memory_space<vmem>>
          %dma_wait3A_215 = tpu.memref_squeeze %dma_wait3A_214 : memref<1x64xf32, #tpu.memory_space<vmem>> -> memref<64xf32, #tpu.memory_space<vmem>>
          %dma_wait3A_216 = tpu.memref_slice %arg4[%run_scoped3A_170, %add3A_163] : memref<3x32768xf32, #tpu.memory_space<hbm>> -> memref<1x64xf32, #tpu.memory_space<hbm>>
          %dma_wait3A_217 = tpu.memref_squeeze %dma_wait3A_216 : memref<1x64xf32, #tpu.memory_space<hbm>> -> memref<64xf32, #tpu.memory_space<hbm>>
          tpu.wait_dma2 semaphore(%run_scoped3A_197 : memref<!tpu.dma_semaphore, #tpu.memory_space<semaphore_mem>>) src(%dma_wait3A_217 : memref<64xf32, #tpu.memory_space<hbm>>) dst(%dma_wait3A_215 : memref<64xf32, #tpu.memory_space<vmem>>)
          tpu.yield
        }) : () -> ()
        %run_scoped3A_172 = arith.constant 1 : i32
        %run_scoped3A_173 = arith.constant 0 : i32
        "tpu.region"() ({
          %run_scoped3A_197 = tpu.sem_alloc : memref<!tpu.dma_semaphore, #tpu.memory_space<semaphore_mem>>
          %dma_start3A_198 = arith.constant 0 : i32
          %dma_start3A_199 = tpu.memref_slice %arg10[%run_scoped3A_173, %dma_start3A_198] : memref<2x80xf32, #tpu.memory_space<vmem>> -> memref<1x64xf32, #tpu.memory_space<vmem>>
          %dma_start3A_200 = tpu.memref_squeeze %dma_start3A_199 : memref<1x64xf32, #tpu.memory_space<vmem>> -> memref<64xf32, #tpu.memory_space<vmem>>
          %dma_start3A_201 = tpu.memref_slice %arg4[%run_scoped3A_172, %add3A_163] : memref<3x32768xf32, #tpu.memory_space<hbm>> -> memref<1x64xf32, #tpu.memory_space<hbm>>
          %dma_start3A_202 = tpu.memref_squeeze %dma_start3A_201 : memref<1x64xf32, #tpu.memory_space<hbm>> -> memref<64xf32, #tpu.memory_space<hbm>>
          %dma_start3A_203 = arith.constant 0 : i32
          %dma_start3A_204 = tpu.memref_slice %arg10[%run_scoped3A_173, %dma_start3A_203] : memref<2x80xf32, #tpu.memory_space<vmem>> -> memref<1x64xf32, #tpu.memory_space<vmem>>
          %dma_start3A_205 = tpu.memref_squeeze %dma_start3A_204 : memref<1x64xf32, #tpu.memory_space<vmem>> -> memref<64xf32, #tpu.memory_space<vmem>>
          %dma_start3A_206 = tpu.memref_slice %arg4[%run_scoped3A_172, %add3A_163] : memref<3x32768xf32, #tpu.memory_space<hbm>> -> memref<1x64xf32, #tpu.memory_space<hbm>>
          %dma_start3A_207 = tpu.memref_squeeze %dma_start3A_206 : memref<1x64xf32, #tpu.memory_space<hbm>> -> memref<64xf32, #tpu.memory_space<hbm>>
          tpu.enqueue_dma source(%dma_start3A_207 : memref<64xf32, #tpu.memory_space<hbm>>) target(%dma_start3A_205 : memref<64xf32, #tpu.memory_space<vmem>>) target_semaphore(%run_scoped3A_197 : memref<!tpu.dma_semaphore, #tpu.memory_space<semaphore_mem>>)
          %dma_wait3A_208 = arith.constant 0 : i32
          %dma_wait3A_209 = tpu.memref_slice %arg10[%run_scoped3A_173, %dma_wait3A_208] : memref<2x80xf32, #tpu.memory_space<vmem>> -> memref<1x64xf32, #tpu.memory_space<vmem>>
          %dma_wait3A_210 = tpu.memref_squeeze %dma_wait3A_209 : memref<1x64xf32, #tpu.memory_space<vmem>> -> memref<64xf32, #tpu.memory_space<vmem>>
          %dma_wait3A_211 = tpu.memref_slice %arg4[%run_scoped3A_172, %add3A_163] : memref<3x32768xf32, #tpu.memory_space<hbm>> -> memref<1x64xf32, #tpu.memory_space<hbm>>
          %dma_wait3A_212 = tpu.memref_squeeze %dma_wait3A_211 : memref<1x64xf32, #tpu.memory_space<hbm>> -> memref<64xf32, #tpu.memory_space<hbm>>
          %dma_wait3A_213 = arith.constant 0 : i32
          %dma_wait3A_214 = tpu.memref_slice %arg10[%run_scoped3A_173, %dma_wait3A_213] : memref<2x80xf32, #tpu.memory_space<vmem>> -> memref<1x64xf32, #tpu.memory_space<vmem>>
          %dma_wait3A_215 = tpu.memref_squeeze %dma_wait3A_214 : memref<1x64xf32, #tpu.memory_space<vmem>> -> memref<64xf32, #tpu.memory_space<vmem>>
          %dma_wait3A_216 = tpu.memref_slice %arg4[%run_scoped3A_172, %add3A_163] : memref<3x32768xf32, #tpu.memory_space<hbm>> -> memref<1x64xf32, #tpu.memory_space<hbm>>
          %dma_wait3A_217 = tpu.memref_squeeze %dma_wait3A_216 : memref<1x64xf32, #tpu.memory_space<hbm>> -> memref<64xf32, #tpu.memory_space<hbm>>
          tpu.wait_dma2 semaphore(%run_scoped3A_197 : memref<!tpu.dma_semaphore, #tpu.memory_space<semaphore_mem>>) src(%dma_wait3A_217 : memref<64xf32, #tpu.memory_space<hbm>>) dst(%dma_wait3A_215 : memref<64xf32, #tpu.memory_space<vmem>>)
          tpu.yield
        }) : () -> ()
        %run_scoped3A_174 = arith.constant 2 : i32
        %run_scoped3A_175 = arith.constant 0 : i32
        "tpu.region"() ({
          %run_scoped3A_197 = tpu.sem_alloc : memref<!tpu.dma_semaphore, #tpu.memory_space<semaphore_mem>>
          %dma_start3A_198 = arith.constant 0 : i32
          %dma_start3A_199 = tpu.memref_slice %arg11[%run_scoped3A_175, %dma_start3A_198] : memref<2x80xf32, #tpu.memory_space<vmem>> -> memref<1x64xf32, #tpu.memory_space<vmem>>
          %dma_start3A_200 = tpu.memref_squeeze %dma_start3A_199 : memref<1x64xf32, #tpu.memory_space<vmem>> -> memref<64xf32, #tpu.memory_space<vmem>>
          %dma_start3A_201 = tpu.memref_slice %arg4[%run_scoped3A_174, %add3A_163] : memref<3x32768xf32, #tpu.memory_space<hbm>> -> memref<1x64xf32, #tpu.memory_space<hbm>>
          %dma_start3A_202 = tpu.memref_squeeze %dma_start3A_201 : memref<1x64xf32, #tpu.memory_space<hbm>> -> memref<64xf32, #tpu.memory_space<hbm>>
          %dma_start3A_203 = arith.constant 0 : i32
          %dma_start3A_204 = tpu.memref_slice %arg11[%run_scoped3A_175, %dma_start3A_203] : memref<2x80xf32, #tpu.memory_space<vmem>> -> memref<1x64xf32, #tpu.memory_space<vmem>>
          %dma_start3A_205 = tpu.memref_squeeze %dma_start3A_204 : memref<1x64xf32, #tpu.memory_space<vmem>> -> memref<64xf32, #tpu.memory_space<vmem>>
          %dma_start3A_206 = tpu.memref_slice %arg4[%run_scoped3A_174, %add3A_163] : memref<3x32768xf32, #tpu.memory_space<hbm>> -> memref<1x64xf32, #tpu.memory_space<hbm>>
          %dma_start3A_207 = tpu.memref_squeeze %dma_start3A_206 : memref<1x64xf32, #tpu.memory_space<hbm>> -> memref<64xf32, #tpu.memory_space<hbm>>
          tpu.enqueue_dma source(%dma_start3A_207 : memref<64xf32, #tpu.memory_space<hbm>>) target(%dma_start3A_205 : memref<64xf32, #tpu.memory_space<vmem>>) target_semaphore(%run_scoped3A_197 : memref<!tpu.dma_semaphore, #tpu.memory_space<semaphore_mem>>)
          %dma_wait3A_208 = arith.constant 0 : i32
          %dma_wait3A_209 = tpu.memref_slice %arg11[%run_scoped3A_175, %dma_wait3A_208] : memref<2x80xf32, #tpu.memory_space<vmem>> -> memref<1x64xf32, #tpu.memory_space<vmem>>
          %dma_wait3A_210 = tpu.memref_squeeze %dma_wait3A_209 : memref<1x64xf32, #tpu.memory_space<vmem>> -> memref<64xf32, #tpu.memory_space<vmem>>
          %dma_wait3A_211 = tpu.memref_slice %arg4[%run_scoped3A_174, %add3A_163] : memref<3x32768xf32, #tpu.memory_space<hbm>> -> memref<1x64xf32, #tpu.memory_space<hbm>>
          %dma_wait3A_212 = tpu.memref_squeeze %dma_wait3A_211 : memref<1x64xf32, #tpu.memory_space<hbm>> -> memref<64xf32, #tpu.memory_space<hbm>>
          %dma_wait3A_213 = arith.constant 0 : i32
          %dma_wait3A_214 = tpu.memref_slice %arg11[%run_scoped3A_175, %dma_wait3A_213] : memref<2x80xf32, #tpu.memory_space<vmem>> -> memref<1x64xf32, #tpu.memory_space<vmem>>
          %dma_wait3A_215 = tpu.memref_squeeze %dma_wait3A_214 : memref<1x64xf32, #tpu.memory_space<vmem>> -> memref<64xf32, #tpu.memory_space<vmem>>
          %dma_wait3A_216 = tpu.memref_slice %arg4[%run_scoped3A_174, %add3A_163] : memref<3x32768xf32, #tpu.memory_space<hbm>> -> memref<1x64xf32, #tpu.memory_space<hbm>>
          %dma_wait3A_217 = tpu.memref_squeeze %dma_wait3A_216 : memref<1x64xf32, #tpu.memory_space<hbm>> -> memref<64xf32, #tpu.memory_space<hbm>>
          tpu.wait_dma2 semaphore(%run_scoped3A_197 : memref<!tpu.dma_semaphore, #tpu.memory_space<semaphore_mem>>) src(%dma_wait3A_217 : memref<64xf32, #tpu.memory_space<hbm>>) dst(%dma_wait3A_215 : memref<64xf32, #tpu.memory_space<vmem>>)
          tpu.yield
        }) : () -> ()
        %dma_start3A_176 = arith.constant 0 : i32
        %dma_start3A_177 = arith.constant 0 : i32
        %dma_start3A_178 = tpu.memref_slice %arg6[%dma_start3A_176, %dma_start3A_177] : memref<2x64xi32, #tpu.memory_space<vmem>> -> memref<1x64xi32, #tpu.memory_space<vmem>>
        %dma_start3A_179 = tpu.memref_squeeze %dma_start3A_178 : memref<1x64xi32, #tpu.memory_space<vmem>> -> memref<64xi32, #tpu.memory_space<vmem>>
        %dma_start3A_180 = arith.constant 0 : i32
        %dma_start3A_181 = arith.constant 0 : i32
        %dma_start3A_182 = tpu.memref_slice %arg2[%dma_start3A_180, %dma_start3A_181] : memref<8192x256xf32, #tpu.memory_space<hbm>> -> memref<8192x256xf32, #tpu.memory_space<hbm>>
        tpu.enqueue_indirect_dma source(%dma_start3A_182 : memref<8192x256xf32, #tpu.memory_space<hbm>>) target(%arg12 : memref<64x256xf32, #tpu.memory_space<vmem>>) offsets(%dma_start3A_179 : memref<64xi32, #tpu.memory_space<vmem>>) semaphore(%arg18 : memref<!tpu.dma_semaphore, #tpu.memory_space<semaphore_mem>>)
        %dma_start3A_183 = arith.constant 0 : i32
        %dma_start3A_184 = arith.constant 0 : i32
        %dma_start3A_185 = tpu.memref_slice %arg7[%dma_start3A_183, %dma_start3A_184] : memref<2x64xi32, #tpu.memory_space<vmem>> -> memref<1x64xi32, #tpu.memory_space<vmem>>
        %dma_start3A_186 = tpu.memref_squeeze %dma_start3A_185 : memref<1x64xi32, #tpu.memory_space<vmem>> -> memref<64xi32, #tpu.memory_space<vmem>>
        %dma_start3A_187 = arith.constant 0 : i32
        %dma_start3A_188 = arith.constant 0 : i32
        %dma_start3A_189 = tpu.memref_slice %arg2[%dma_start3A_187, %dma_start3A_188] : memref<8192x256xf32, #tpu.memory_space<hbm>> -> memref<8192x256xf32, #tpu.memory_space<hbm>>
        tpu.enqueue_indirect_dma source(%dma_start3A_189 : memref<8192x256xf32, #tpu.memory_space<hbm>>) target(%arg13 : memref<64x256xf32, #tpu.memory_space<vmem>>) offsets(%dma_start3A_186 : memref<64xi32, #tpu.memory_space<vmem>>) semaphore(%arg18 : memref<!tpu.dma_semaphore, #tpu.memory_space<semaphore_mem>>)
        %dma_start3A_190 = arith.constant 0 : i32
        %dma_start3A_191 = arith.constant 0 : i32
        %dma_start3A_192 = tpu.memref_slice %arg8[%dma_start3A_190, %dma_start3A_191] : memref<2x64xi32, #tpu.memory_space<vmem>> -> memref<1x64xi32, #tpu.memory_space<vmem>>
        %dma_start3A_193 = tpu.memref_squeeze %dma_start3A_192 : memref<1x64xi32, #tpu.memory_space<vmem>> -> memref<64xi32, #tpu.memory_space<vmem>>
        %dma_start3A_194 = arith.constant 0 : i32
        %dma_start3A_195 = arith.constant 0 : i32
        %dma_start3A_196 = tpu.memref_slice %arg2[%dma_start3A_194, %dma_start3A_195] : memref<8192x256xf32, #tpu.memory_space<hbm>> -> memref<8192x256xf32, #tpu.memory_space<hbm>>
        tpu.enqueue_indirect_dma source(%dma_start3A_196 : memref<8192x256xf32, #tpu.memory_space<hbm>>) target(%arg14 : memref<64x256xf32, #tpu.memory_space<vmem>>) offsets(%dma_start3A_193 : memref<64xi32, #tpu.memory_space<vmem>>) semaphore(%arg18 : memref<!tpu.dma_semaphore, #tpu.memory_space<semaphore_mem>>)
      } else {
      }
      %mul3A_114 = arith.constant 2 : i32
      %mul3A_115 = arith.muli %mul3A_114, %scan3A_76 : i32
      %add3A_116 = arith.constant 1 : i32
      %add3A_117 = arith.addi %mul3A_115, %add3A_116 : i32
      %mul3A_118 = arith.constant 64 : i32
      %mul3A_119 = arith.muli %add3A_117, %mul3A_118 : i32
      %add3A_120 = arith.addi %mul3A_2, %mul3A_119 : i32
      %dma_wait3A_121 = arith.constant 1 : i32
      %dma_wait3A_122 = arith.constant 0 : i32
      %dma_wait3A_123 = tpu.memref_slice %arg6[%dma_wait3A_121, %dma_wait3A_122] : memref<2x64xi32, #tpu.memory_space<vmem>> -> memref<1x64xi32, #tpu.memory_space<vmem>>
      %dma_wait3A_124 = tpu.memref_squeeze %dma_wait3A_123 : memref<1x64xi32, #tpu.memory_space<vmem>> -> memref<64xi32, #tpu.memory_space<vmem>>
      %dma_wait3A_125 = arith.constant 0 : i32
      %dma_wait3A_126 = arith.constant 0 : i32
      %dma_wait3A_127 = tpu.memref_slice %arg2[%dma_wait3A_125, %dma_wait3A_126] : memref<8192x256xf32, #tpu.memory_space<hbm>> -> memref<8192x256xf32, #tpu.memory_space<hbm>>
      tpu.wait_indirect_dma semaphore(%arg19 : memref<!tpu.dma_semaphore, #tpu.memory_space<semaphore_mem>>) src(%dma_wait3A_127 : memref<8192x256xf32, #tpu.memory_space<hbm>>) dst(%arg15 : memref<64x256xf32, #tpu.memory_space<vmem>>)
      %dma_wait3A_128 = arith.constant 1 : i32
      %dma_wait3A_129 = arith.constant 0 : i32
      %dma_wait3A_130 = tpu.memref_slice %arg7[%dma_wait3A_128, %dma_wait3A_129] : memref<2x64xi32, #tpu.memory_space<vmem>> -> memref<1x64xi32, #tpu.memory_space<vmem>>
      %dma_wait3A_131 = tpu.memref_squeeze %dma_wait3A_130 : memref<1x64xi32, #tpu.memory_space<vmem>> -> memref<64xi32, #tpu.memory_space<vmem>>
      %dma_wait3A_132 = arith.constant 0 : i32
      %dma_wait3A_133 = arith.constant 0 : i32
      %dma_wait3A_134 = tpu.memref_slice %arg2[%dma_wait3A_132, %dma_wait3A_133] : memref<8192x256xf32, #tpu.memory_space<hbm>> -> memref<8192x256xf32, #tpu.memory_space<hbm>>
      tpu.wait_indirect_dma semaphore(%arg19 : memref<!tpu.dma_semaphore, #tpu.memory_space<semaphore_mem>>) src(%dma_wait3A_134 : memref<8192x256xf32, #tpu.memory_space<hbm>>) dst(%arg16 : memref<64x256xf32, #tpu.memory_space<vmem>>)
      %dma_wait3A_135 = arith.constant 1 : i32
      %dma_wait3A_136 = arith.constant 0 : i32
      %dma_wait3A_137 = tpu.memref_slice %arg8[%dma_wait3A_135, %dma_wait3A_136] : memref<2x64xi32, #tpu.memory_space<vmem>> -> memref<1x64xi32, #tpu.memory_space<vmem>>
      %dma_wait3A_138 = tpu.memref_squeeze %dma_wait3A_137 : memref<1x64xi32, #tpu.memory_space<vmem>> -> memref<64xi32, #tpu.memory_space<vmem>>
      %dma_wait3A_139 = arith.constant 0 : i32
      %dma_wait3A_140 = arith.constant 0 : i32
      %dma_wait3A_141 = tpu.memref_slice %arg2[%dma_wait3A_139, %dma_wait3A_140] : memref<8192x256xf32, #tpu.memory_space<hbm>> -> memref<8192x256xf32, #tpu.memory_space<hbm>>
      tpu.wait_indirect_dma semaphore(%arg19 : memref<!tpu.dma_semaphore, #tpu.memory_space<semaphore_mem>>) src(%dma_wait3A_141 : memref<8192x256xf32, #tpu.memory_space<hbm>>) dst(%arg17 : memref<64x256xf32, #tpu.memory_space<vmem>>)
      %scan3A_142 = arith.constant 0 : i32
      %scan3A_143 = arith.constant 0 : i32
      %scan3A_144 = arith.constant 64 : i32
      %scan3A_145 = arith.addi %scan3A_143, %scan3A_144 : i32
      %scan3A_146 = arith.constant 1 : i32
      scf.for %scan3A_157 = %scan3A_143 to %scan3A_145 step %scan3A_146  : i32 {
        %get3A = arith.constant 1 : i32
        %get3A_158 = arith.index_cast %get3A : i32 to index
        %get3A_159 = arith.index_cast %scan3A_157 : i32 to index
        %get3A_160 = tpu.vector_load %arg9[%get3A_158, %get3A_159] {strides = array<i32>} : memref<2x80xf32, #tpu.memory_space<vmem>>, vector<1x16xf32>,
        %get3A_161 = vector.shape_cast %get3A_160 : vector<1x16xf32> to vector<16xf32>
        %slice3A = vector.extract_strided_slice %get3A_161 {offsets = [0], sizes = [1], strides = [1]} : vector<16xf32> to vector<1xf32>
        %squeeze3A = vector.extract %slice3A[0] : f32 from vector<1xf32>
        %get3A_162 = arith.constant 1 : i32
        %get3A_163 = arith.index_cast %get3A_162 : i32 to index
        %get3A_164 = arith.index_cast %scan3A_157 : i32 to index
        %get3A_165 = tpu.vector_load %arg10[%get3A_163, %get3A_164] {strides = array<i32>} : memref<2x80xf32, #tpu.memory_space<vmem>>, vector<1x16xf32>,
        %get3A_166 = vector.shape_cast %get3A_165 : vector<1x16xf32> to vector<16xf32>
        %slice3A_167 = vector.extract_strided_slice %get3A_166 {offsets = [0], sizes = [1], strides = [1]} : vector<16xf32> to vector<1xf32>
        %squeeze3A_168 = vector.extract %slice3A_167[0] : f32 from vector<1xf32>
        %get3A_169 = arith.constant 1 : i32
        %get3A_170 = arith.index_cast %get3A_169 : i32 to index
        %get3A_171 = arith.index_cast %scan3A_157 : i32 to index
        %get3A_172 = tpu.vector_load %arg11[%get3A_170, %get3A_171] {strides = array<i32>} : memref<2x80xf32, #tpu.memory_space<vmem>>, vector<1x16xf32>,
        %get3A_173 = vector.shape_cast %get3A_172 : vector<1x16xf32> to vector<16xf32>
        %slice3A_174 = vector.extract_strided_slice %get3A_173 {offsets = [0], sizes = [1], strides = [1]} : vector<16xf32> to vector<1xf32>
        %squeeze3A_175 = vector.extract %slice3A_174[0] : f32 from vector<1xf32>
        %get3A_176 = arith.index_cast %scan3A_157 : i32 to index
        %get3A_177 = arith.constant 0 : index
        %get3A_178 = tpu.vector_load %arg15[%get3A_176, %get3A_177] {strides = array<i32>} : memref<64x256xf32, #tpu.memory_space<vmem>>, vector<1x16xf32>,
        %get3A_179 = vector.shape_cast %get3A_178 : vector<1x16xf32> to vector<16xf32>
        %mul3A_180 = vector.broadcast %squeeze3A : f32 to vector<16xf32>
        %mul3A_181 = arith.mulf %mul3A_180, %get3A_179 : vector<16xf32>
        %get3A_182 = arith.index_cast %scan3A_157 : i32 to index
        %get3A_183 = arith.constant 0 : index
        %get3A_184 = tpu.vector_load %arg16[%get3A_182, %get3A_183] {strides = array<i32>} : memref<64x256xf32, #tpu.memory_space<vmem>>, vector<1x16xf32>,
        %get3A_185 = vector.shape_cast %get3A_184 : vector<1x16xf32> to vector<16xf32>
        %mul3A_186 = vector.broadcast %squeeze3A_168 : f32 to vector<16xf32>
        %mul3A_187 = arith.mulf %mul3A_186, %get3A_185 : vector<16xf32>
        %add3A_188 = arith.addf %mul3A_181, %mul3A_187 : vector<16xf32>
        %get3A_189 = arith.index_cast %scan3A_157 : i32 to index
        %get3A_190 = arith.constant 0 : index
        %get3A_191 = tpu.vector_load %arg17[%get3A_189, %get3A_190] {strides = array<i32>} : memref<64x256xf32, #tpu.memory_space<vmem>>, vector<1x16xf32>,
        %get3A_192 = vector.shape_cast %get3A_191 : vector<1x16xf32> to vector<16xf32>
        %mul3A_193 = vector.broadcast %squeeze3A_175 : f32 to vector<16xf32>
        %mul3A_194 = arith.mulf %mul3A_193, %get3A_192 : vector<16xf32>
        %add3A_195 = arith.addf %add3A_188, %mul3A_194 : vector<16xf32>
        %swap3A = arith.index_cast %scan3A_157 : i32 to index
        %swap3A_196 = arith.constant 0 : index
        %swap3A_197 = tpu.vector_load %arg15[%swap3A, %swap3A_196] {strides = array<i32>} : memref<64x256xf32, #tpu.memory_space<vmem>>, vector<1x16xf32>,
        %swap3A_198 = vector.shape_cast %swap3A_197 : vector<1x16xf32> to vector<16xf32>
        %swap3A_199 = vector.shape_cast %add3A_195 : vector<16xf32> to vector<1x16xf32>
        tpu.vector_store %arg15[%swap3A, %swap3A_196], %swap3A_199 {strides = array<i32>} : memref<64x256xf32, #tpu.memory_space<vmem>>, vector<1x16xf32>,
        %get3A_200 = arith.index_cast %scan3A_157 : i32 to index
        %get3A_201 = arith.constant 16 : index
        %get3A_202 = tpu.vector_load %arg15[%get3A_200, %get3A_201] {strides = array<i32>} : memref<64x256xf32, #tpu.memory_space<vmem>>, vector<1x16xf32>,
        %get3A_203 = vector.shape_cast %get3A_202 : vector<1x16xf32> to vector<16xf32>
        %mul3A_204 = vector.broadcast %squeeze3A : f32 to vector<16xf32>
        %mul3A_205 = arith.mulf %mul3A_204, %get3A_203 : vector<16xf32>
        %get3A_206 = arith.index_cast %scan3A_157 : i32 to index
        %get3A_207 = arith.constant 16 : index
        %get3A_208 = tpu.vector_load %arg16[%get3A_206, %get3A_207] {strides = array<i32>} : memref<64x256xf32, #tpu.memory_space<vmem>>, vector<1x16xf32>,
        %get3A_209 = vector.shape_cast %get3A_208 : vector<1x16xf32> to vector<16xf32>
        %mul3A_210 = vector.broadcast %squeeze3A_168 : f32 to vector<16xf32>
        %mul3A_211 = arith.mulf %mul3A_210, %get3A_209 : vector<16xf32>
        %add3A_212 = arith.addf %mul3A_205, %mul3A_211 : vector<16xf32>
        %get3A_213 = arith.index_cast %scan3A_157 : i32 to index
        %get3A_214 = arith.constant 16 : index
        %get3A_215 = tpu.vector_load %arg17[%get3A_213, %get3A_214] {strides = array<i32>} : memref<64x256xf32, #tpu.memory_space<vmem>>, vector<1x16xf32>,
        %get3A_216 = vector.shape_cast %get3A_215 : vector<1x16xf32> to vector<16xf32>
        %mul3A_217 = vector.broadcast %squeeze3A_175 : f32 to vector<16xf32>
        %mul3A_218 = arith.mulf %mul3A_217, %get3A_216 : vector<16xf32>
        %add3A_219 = arith.addf %add3A_212, %mul3A_218 : vector<16xf32>
        %swap3A_220 = arith.index_cast %scan3A_157 : i32 to index
        %swap3A_221 = arith.constant 16 : index
        %swap3A_222 = tpu.vector_load %arg15[%swap3A_220, %swap3A_221] {strides = array<i32>} : memref<64x256xf32, #tpu.memory_space<vmem>>, vector<1x16xf32>,
        %swap3A_223 = vector.shape_cast %swap3A_222 : vector<1x16xf32> to vector<16xf32>
        %swap3A_224 = vector.shape_cast %add3A_219 : vector<16xf32> to vector<1x16xf32>
        tpu.vector_store %arg15[%swap3A_220, %swap3A_221], %swap3A_224 {strides = array<i32>} : memref<64x256xf32, #tpu.memory_space<vmem>>, vector<1x16xf32>,
        %get3A_225 = arith.index_cast %scan3A_157 : i32 to index
        %get3A_226 = arith.constant 32 : index
        %get3A_227 = tpu.vector_load %arg15[%get3A_225, %get3A_226] {strides = array<i32>} : memref<64x256xf32, #tpu.memory_space<vmem>>, vector<1x16xf32>,
        %get3A_228 = vector.shape_cast %get3A_227 : vector<1x16xf32> to vector<16xf32>
        %mul3A_229 = vector.broadcast %squeeze3A : f32 to vector<16xf32>
        %mul3A_230 = arith.mulf %mul3A_229, %get3A_228 : vector<16xf32>
        %get3A_231 = arith.index_cast %scan3A_157 : i32 to index
        %get3A_232 = arith.constant 32 : index
        %get3A_233 = tpu.vector_load %arg16[%get3A_231, %get3A_232] {strides = array<i32>} : memref<64x256xf32, #tpu.memory_space<vmem>>, vector<1x16xf32>,
        %get3A_234 = vector.shape_cast %get3A_233 : vector<1x16xf32> to vector<16xf32>
        %mul3A_235 = vector.broadcast %squeeze3A_168 : f32 to vector<16xf32>
        %mul3A_236 = arith.mulf %mul3A_235, %get3A_234 : vector<16xf32>
        %add3A_237 = arith.addf %mul3A_230, %mul3A_236 : vector<16xf32>
        %get3A_238 = arith.index_cast %scan3A_157 : i32 to index
        %get3A_239 = arith.constant 32 : index
        %get3A_240 = tpu.vector_load %arg17[%get3A_238, %get3A_239] {strides = array<i32>} : memref<64x256xf32, #tpu.memory_space<vmem>>, vector<1x16xf32>,
        %get3A_241 = vector.shape_cast %get3A_240 : vector<1x16xf32> to vector<16xf32>
        %mul3A_242 = vector.broadcast %squeeze3A_175 : f32 to vector<16xf32>
        %mul3A_243 = arith.mulf %mul3A_242, %get3A_241 : vector<16xf32>
        %add3A_244 = arith.addf %add3A_237, %mul3A_243 : vector<16xf32>
        %swap3A_245 = arith.index_cast %scan3A_157 : i32 to index
        %swap3A_246 = arith.constant 32 : index
        %swap3A_247 = tpu.vector_load %arg15[%swap3A_245, %swap3A_246] {strides = array<i32>} : memref<64x256xf32, #tpu.memory_space<vmem>>, vector<1x16xf32>,
        %swap3A_248 = vector.shape_cast %swap3A_247 : vector<1x16xf32> to vector<16xf32>
        %swap3A_249 = vector.shape_cast %add3A_244 : vector<16xf32> to vector<1x16xf32>
        tpu.vector_store %arg15[%swap3A_245, %swap3A_246], %swap3A_249 {strides = array<i32>} : memref<64x256xf32, #tpu.memory_space<vmem>>, vector<1x16xf32>,
        %get3A_250 = arith.index_cast %scan3A_157 : i32 to index
        %get3A_251 = arith.constant 48 : index
        %get3A_252 = tpu.vector_load %arg15[%get3A_250, %get3A_251] {strides = array<i32>} : memref<64x256xf32, #tpu.memory_space<vmem>>, vector<1x16xf32>,
        %get3A_253 = vector.shape_cast %get3A_252 : vector<1x16xf32> to vector<16xf32>
        %mul3A_254 = vector.broadcast %squeeze3A : f32 to vector<16xf32>
        %mul3A_255 = arith.mulf %mul3A_254, %get3A_253 : vector<16xf32>
        %get3A_256 = arith.index_cast %scan3A_157 : i32 to index
        %get3A_257 = arith.constant 48 : index
        %get3A_258 = tpu.vector_load %arg16[%get3A_256, %get3A_257] {strides = array<i32>} : memref<64x256xf32, #tpu.memory_space<vmem>>, vector<1x16xf32>,
        %get3A_259 = vector.shape_cast %get3A_258 : vector<1x16xf32> to vector<16xf32>
        %mul3A_260 = vector.broadcast %squeeze3A_168 : f32 to vector<16xf32>
        %mul3A_261 = arith.mulf %mul3A_260, %get3A_259 : vector<16xf32>
        %add3A_262 = arith.addf %mul3A_255, %mul3A_261 : vector<16xf32>
        %get3A_263 = arith.index_cast %scan3A_157 : i32 to index
        %get3A_264 = arith.constant 48 : index
        %get3A_265 = tpu.vector_load %arg17[%get3A_263, %get3A_264] {strides = array<i32>} : memref<64x256xf32, #tpu.memory_space<vmem>>, vector<1x16xf32>,
        %get3A_266 = vector.shape_cast %get3A_265 : vector<1x16xf32> to vector<16xf32>
        %mul3A_267 = vector.broadcast %squeeze3A_175 : f32 to vector<16xf32>
        %mul3A_268 = arith.mulf %mul3A_267, %get3A_266 : vector<16xf32>
        %add3A_269 = arith.addf %add3A_262, %mul3A_268 : vector<16xf32>
        %swap3A_270 = arith.index_cast %scan3A_157 : i32 to index
        %swap3A_271 = arith.constant 48 : index
        %swap3A_272 = tpu.vector_load %arg15[%swap3A_270, %swap3A_271] {strides = array<i32>} : memref<64x256xf32, #tpu.memory_space<vmem>>, vector<1x16xf32>,
        %swap3A_273 = vector.shape_cast %swap3A_272 : vector<1x16xf32> to vector<16xf32>
        %swap3A_274 = vector.shape_cast %add3A_269 : vector<16xf32> to vector<1x16xf32>
        tpu.vector_store %arg15[%swap3A_270, %swap3A_271], %swap3A_274 {strides = array<i32>} : memref<64x256xf32, #tpu.memory_space<vmem>>, vector<1x16xf32>,
        %get3A_275 = arith.index_cast %scan3A_157 : i32 to index
        %get3A_276 = arith.constant 64 : index
        %get3A_277 = tpu.vector_load %arg15[%get3A_275, %get3A_276] {strides = array<i32>} : memref<64x256xf32, #tpu.memory_space<vmem>>, vector<1x16xf32>,
        %get3A_278 = vector.shape_cast %get3A_277 : vector<1x16xf32> to vector<16xf32>
        %mul3A_279 = vector.broadcast %squeeze3A : f32 to vector<16xf32>
        %mul3A_280 = arith.mulf %mul3A_279, %get3A_278 : vector<16xf32>
        %get3A_281 = arith.index_cast %scan3A_157 : i32 to index
        %get3A_282 = arith.constant 64 : index
        %get3A_283 = tpu.vector_load %arg16[%get3A_281, %get3A_282] {strides = array<i32>} : memref<64x256xf32, #tpu.memory_space<vmem>>, vector<1x16xf32>,
        %get3A_284 = vector.shape_cast %get3A_283 : vector<1x16xf32> to vector<16xf32>
        %mul3A_285 = vector.broadcast %squeeze3A_168 : f32 to vector<16xf32>
        %mul3A_286 = arith.mulf %mul3A_285, %get3A_284 : vector<16xf32>
        %add3A_287 = arith.addf %mul3A_280, %mul3A_286 : vector<16xf32>
        %get3A_288 = arith.index_cast %scan3A_157 : i32 to index
        %get3A_289 = arith.constant 64 : index
        %get3A_290 = tpu.vector_load %arg17[%get3A_288, %get3A_289] {strides = array<i32>} : memref<64x256xf32, #tpu.memory_space<vmem>>, vector<1x16xf32>,
        %get3A_291 = vector.shape_cast %get3A_290 : vector<1x16xf32> to vector<16xf32>
        %mul3A_292 = vector.broadcast %squeeze3A_175 : f32 to vector<16xf32>
        %mul3A_293 = arith.mulf %mul3A_292, %get3A_291 : vector<16xf32>
        %add3A_294 = arith.addf %add3A_287, %mul3A_293 : vector<16xf32>
        %swap3A_295 = arith.index_cast %scan3A_157 : i32 to index
        %swap3A_296 = arith.constant 64 : index
        %swap3A_297 = tpu.vector_load %arg15[%swap3A_295, %swap3A_296] {strides = array<i32>} : memref<64x256xf32, #tpu.memory_space<vmem>>, vector<1x16xf32>,
        %swap3A_298 = vector.shape_cast %swap3A_297 : vector<1x16xf32> to vector<16xf32>
        %swap3A_299 = vector.shape_cast %add3A_294 : vector<16xf32> to vector<1x16xf32>
        tpu.vector_store %arg15[%swap3A_295, %swap3A_296], %swap3A_299 {strides = array<i32>} : memref<64x256xf32, #tpu.memory_space<vmem>>, vector<1x16xf32>,
        %get3A_300 = arith.index_cast %scan3A_157 : i32 to index
        %get3A_301 = arith.constant 80 : index
        %get3A_302 = tpu.vector_load %arg15[%get3A_300, %get3A_301] {strides = array<i32>} : memref<64x256xf32, #tpu.memory_space<vmem>>, vector<1x16xf32>,
        %get3A_303 = vector.shape_cast %get3A_302 : vector<1x16xf32> to vector<16xf32>
        %mul3A_304 = vector.broadcast %squeeze3A : f32 to vector<16xf32>
        %mul3A_305 = arith.mulf %mul3A_304, %get3A_303 : vector<16xf32>
        %get3A_306 = arith.index_cast %scan3A_157 : i32 to index
        %get3A_307 = arith.constant 80 : index
        %get3A_308 = tpu.vector_load %arg16[%get3A_306, %get3A_307] {strides = array<i32>} : memref<64x256xf32, #tpu.memory_space<vmem>>, vector<1x16xf32>,
        %get3A_309 = vector.shape_cast %get3A_308 : vector<1x16xf32> to vector<16xf32>
        %mul3A_310 = vector.broadcast %squeeze3A_168 : f32 to vector<16xf32>
        %mul3A_311 = arith.mulf %mul3A_310, %get3A_309 : vector<16xf32>
        %add3A_312 = arith.addf %mul3A_305, %mul3A_311 : vector<16xf32>
        %get3A_313 = arith.index_cast %scan3A_157 : i32 to index
        %get3A_314 = arith.constant 80 : index
        %get3A_315 = tpu.vector_load %arg17[%get3A_313, %get3A_314] {strides = array<i32>} : memref<64x256xf32, #tpu.memory_space<vmem>>, vector<1x16xf32>,
        %get3A_316 = vector.shape_cast %get3A_315 : vector<1x16xf32> to vector<16xf32>
        %mul3A_317 = vector.broadcast %squeeze3A_175 : f32 to vector<16xf32>
        %mul3A_318 = arith.mulf %mul3A_317, %get3A_316 : vector<16xf32>
        %add3A_319 = arith.addf %add3A_312, %mul3A_318 : vector<16xf32>
        %swap3A_320 = arith.index_cast %scan3A_157 : i32 to index
        %swap3A_321 = arith.constant 80 : index
        %swap3A_322 = tpu.vector_load %arg15[%swap3A_320, %swap3A_321] {strides = array<i32>} : memref<64x256xf32, #tpu.memory_space<vmem>>, vector<1x16xf32>,
        %swap3A_323 = vector.shape_cast %swap3A_322 : vector<1x16xf32> to vector<16xf32>
        %swap3A_324 = vector.shape_cast %add3A_319 : vector<16xf32> to vector<1x16xf32>
        tpu.vector_store %arg15[%swap3A_320, %swap3A_321], %swap3A_324 {strides = array<i32>} : memref<64x256xf32, #tpu.memory_space<vmem>>, vector<1x16xf32>,
        %get3A_325 = arith.index_cast %scan3A_157 : i32 to index
        %get3A_326 = arith.constant 96 : index
        %get3A_327 = tpu.vector_load %arg15[%get3A_325, %get3A_326] {strides = array<i32>} : memref<64x256xf32, #tpu.memory_space<vmem>>, vector<1x16xf32>,
        %get3A_328 = vector.shape_cast %get3A_327 : vector<1x16xf32> to vector<16xf32>
        %mul3A_329 = vector.broadcast %squeeze3A : f32 to vector<16xf32>
        %mul3A_330 = arith.mulf %mul3A_329, %get3A_328 : vector<16xf32>
        %get3A_331 = arith.index_cast %scan3A_157 : i32 to index
        %get3A_332 = arith.constant 96 : index
        %get3A_333 = tpu.vector_load %arg16[%get3A_331, %get3A_332] {strides = array<i32>} : memref<64x256xf32, #tpu.memory_space<vmem>>, vector<1x16xf32>,
        %get3A_334 = vector.shape_cast %get3A_333 : vector<1x16xf32> to vector<16xf32>
        %mul3A_335 = vector.broadcast %squeeze3A_168 : f32 to vector<16xf32>
        %mul3A_336 = arith.mulf %mul3A_335, %get3A_334 : vector<16xf32>
        %add3A_337 = arith.addf %mul3A_330, %mul3A_336 : vector<16xf32>
        %get3A_338 = arith.index_cast %scan3A_157 : i32 to index
        %get3A_339 = arith.constant 96 : index
        %get3A_340 = tpu.vector_load %arg17[%get3A_338, %get3A_339] {strides = array<i32>} : memref<64x256xf32, #tpu.memory_space<vmem>>, vector<1x16xf32>,
        %get3A_341 = vector.shape_cast %get3A_340 : vector<1x16xf32> to vector<16xf32>
        %mul3A_342 = vector.broadcast %squeeze3A_175 : f32 to vector<16xf32>
        %mul3A_343 = arith.mulf %mul3A_342, %get3A_341 : vector<16xf32>
        %add3A_344 = arith.addf %add3A_337, %mul3A_343 : vector<16xf32>
        %swap3A_345 = arith.index_cast %scan3A_157 : i32 to index
        %swap3A_346 = arith.constant 96 : index
        %swap3A_347 = tpu.vector_load %arg15[%swap3A_345, %swap3A_346] {strides = array<i32>} : memref<64x256xf32, #tpu.memory_space<vmem>>, vector<1x16xf32>,
        %swap3A_348 = vector.shape_cast %swap3A_347 : vector<1x16xf32> to vector<16xf32>
        %swap3A_349 = vector.shape_cast %add3A_344 : vector<16xf32> to vector<1x16xf32>
        tpu.vector_store %arg15[%swap3A_345, %swap3A_346], %swap3A_349 {strides = array<i32>} : memref<64x256xf32, #tpu.memory_space<vmem>>, vector<1x16xf32>,
        %get3A_350 = arith.index_cast %scan3A_157 : i32 to index
        %get3A_351 = arith.constant 112 : index
        %get3A_352 = tpu.vector_load %arg15[%get3A_350, %get3A_351] {strides = array<i32>} : memref<64x256xf32, #tpu.memory_space<vmem>>, vector<1x16xf32>,
        %get3A_353 = vector.shape_cast %get3A_352 : vector<1x16xf32> to vector<16xf32>
        %mul3A_354 = vector.broadcast %squeeze3A : f32 to vector<16xf32>
        %mul3A_355 = arith.mulf %mul3A_354, %get3A_353 : vector<16xf32>
        %get3A_356 = arith.index_cast %scan3A_157 : i32 to index
        %get3A_357 = arith.constant 112 : index
        %get3A_358 = tpu.vector_load %arg16[%get3A_356, %get3A_357] {strides = array<i32>} : memref<64x256xf32, #tpu.memory_space<vmem>>, vector<1x16xf32>,
        %get3A_359 = vector.shape_cast %get3A_358 : vector<1x16xf32> to vector<16xf32>
        %mul3A_360 = vector.broadcast %squeeze3A_168 : f32 to vector<16xf32>
        %mul3A_361 = arith.mulf %mul3A_360, %get3A_359 : vector<16xf32>
        %add3A_362 = arith.addf %mul3A_355, %mul3A_361 : vector<16xf32>
        %get3A_363 = arith.index_cast %scan3A_157 : i32 to index
        %get3A_364 = arith.constant 112 : index
        %get3A_365 = tpu.vector_load %arg17[%get3A_363, %get3A_364] {strides = array<i32>} : memref<64x256xf32, #tpu.memory_space<vmem>>, vector<1x16xf32>,
        %get3A_366 = vector.shape_cast %get3A_365 : vector<1x16xf32> to vector<16xf32>
        %mul3A_367 = vector.broadcast %squeeze3A_175 : f32 to vector<16xf32>
        %mul3A_368 = arith.mulf %mul3A_367, %get3A_366 : vector<16xf32>
        %add3A_369 = arith.addf %add3A_362, %mul3A_368 : vector<16xf32>
        %swap3A_370 = arith.index_cast %scan3A_157 : i32 to index
        %swap3A_371 = arith.constant 112 : index
        %swap3A_372 = tpu.vector_load %arg15[%swap3A_370, %swap3A_371] {strides = array<i32>} : memref<64x256xf32, #tpu.memory_space<vmem>>, vector<1x16xf32>,
        %swap3A_373 = vector.shape_cast %swap3A_372 : vector<1x16xf32> to vector<16xf32>
        %swap3A_374 = vector.shape_cast %add3A_369 : vector<16xf32> to vector<1x16xf32>
        tpu.vector_store %arg15[%swap3A_370, %swap3A_371], %swap3A_374 {strides = array<i32>} : memref<64x256xf32, #tpu.memory_space<vmem>>, vector<1x16xf32>,
        %get3A_375 = arith.index_cast %scan3A_157 : i32 to index
        %get3A_376 = arith.constant 128 : index
        %get3A_377 = tpu.vector_load %arg15[%get3A_375, %get3A_376] {strides = array<i32>} : memref<64x256xf32, #tpu.memory_space<vmem>>, vector<1x16xf32>,
        %get3A_378 = vector.shape_cast %get3A_377 : vector<1x16xf32> to vector<16xf32>
        %mul3A_379 = vector.broadcast %squeeze3A : f32 to vector<16xf32>
        %mul3A_380 = arith.mulf %mul3A_379, %get3A_378 : vector<16xf32>
        %get3A_381 = arith.index_cast %scan3A_157 : i32 to index
        %get3A_382 = arith.constant 128 : index
        %get3A_383 = tpu.vector_load %arg16[%get3A_381, %get3A_382] {strides = array<i32>} : memref<64x256xf32, #tpu.memory_space<vmem>>, vector<1x16xf32>,
        %get3A_384 = vector.shape_cast %get3A_383 : vector<1x16xf32> to vector<16xf32>
        %mul3A_385 = vector.broadcast %squeeze3A_168 : f32 to vector<16xf32>
        %mul3A_386 = arith.mulf %mul3A_385, %get3A_384 : vector<16xf32>
        %add3A_387 = arith.addf %mul3A_380, %mul3A_386 : vector<16xf32>
        %get3A_388 = arith.index_cast %scan3A_157 : i32 to index
        %get3A_389 = arith.constant 128 : index
        %get3A_390 = tpu.vector_load %arg17[%get3A_388, %get3A_389] {strides = array<i32>} : memref<64x256xf32, #tpu.memory_space<vmem>>, vector<1x16xf32>,
        %get3A_391 = vector.shape_cast %get3A_390 : vector<1x16xf32> to vector<16xf32>
        %mul3A_392 = vector.broadcast %squeeze3A_175 : f32 to vector<16xf32>
        %mul3A_393 = arith.mulf %mul3A_392, %get3A_391 : vector<16xf32>
        %add3A_394 = arith.addf %add3A_387, %mul3A_393 : vector<16xf32>
        %swap3A_395 = arith.index_cast %scan3A_157 : i32 to index
        %swap3A_396 = arith.constant 128 : index
        %swap3A_397 = tpu.vector_load %arg15[%swap3A_395, %swap3A_396] {strides = array<i32>} : memref<64x256xf32, #tpu.memory_space<vmem>>, vector<1x16xf32>,
        %swap3A_398 = vector.shape_cast %swap3A_397 : vector<1x16xf32> to vector<16xf32>
        %swap3A_399 = vector.shape_cast %add3A_394 : vector<16xf32> to vector<1x16xf32>
        tpu.vector_store %arg15[%swap3A_395, %swap3A_396], %swap3A_399 {strides = array<i32>} : memref<64x256xf32, #tpu.memory_space<vmem>>, vector<1x16xf32>,
        %get3A_400 = arith.index_cast %scan3A_157 : i32 to index
        %get3A_401 = arith.constant 144 : index
        %get3A_402 = tpu.vector_load %arg15[%get3A_400, %get3A_401] {strides = array<i32>} : memref<64x256xf32, #tpu.memory_space<vmem>>, vector<1x16xf32>,
        %get3A_403 = vector.shape_cast %get3A_402 : vector<1x16xf32> to vector<16xf32>
        %mul3A_404 = vector.broadcast %squeeze3A : f32 to vector<16xf32>
        %mul3A_405 = arith.mulf %mul3A_404, %get3A_403 : vector<16xf32>
        %get3A_406 = arith.index_cast %scan3A_157 : i32 to index
        %get3A_407 = arith.constant 144 : index
        %get3A_408 = tpu.vector_load %arg16[%get3A_406, %get3A_407] {strides = array<i32>} : memref<64x256xf32, #tpu.memory_space<vmem>>, vector<1x16xf32>,
        %get3A_409 = vector.shape_cast %get3A_408 : vector<1x16xf32> to vector<16xf32>
        %mul3A_410 = vector.broadcast %squeeze3A_168 : f32 to vector<16xf32>
        %mul3A_411 = arith.mulf %mul3A_410, %get3A_409 : vector<16xf32>
        %add3A_412 = arith.addf %mul3A_405, %mul3A_411 : vector<16xf32>
        %get3A_413 = arith.index_cast %scan3A_157 : i32 to index
        %get3A_414 = arith.constant 144 : index
        %get3A_415 = tpu.vector_load %arg17[%get3A_413, %get3A_414] {strides = array<i32>} : memref<64x256xf32, #tpu.memory_space<vmem>>, vector<1x16xf32>,
        %get3A_416 = vector.shape_cast %get3A_415 : vector<1x16xf32> to vector<16xf32>
        %mul3A_417 = vector.broadcast %squeeze3A_175 : f32 to vector<16xf32>
        %mul3A_418 = arith.mulf %mul3A_417, %get3A_416 : vector<16xf32>
        %add3A_419 = arith.addf %add3A_412, %mul3A_418 : vector<16xf32>
        %swap3A_420 = arith.index_cast %scan3A_157 : i32 to index
        %swap3A_421 = arith.constant 144 : index
        %swap3A_422 = tpu.vector_load %arg15[%swap3A_420, %swap3A_421] {strides = array<i32>} : memref<64x256xf32, #tpu.memory_space<vmem>>, vector<1x16xf32>,
        %swap3A_423 = vector.shape_cast %swap3A_422 : vector<1x16xf32> to vector<16xf32>
        %swap3A_424 = vector.shape_cast %add3A_419 : vector<16xf32> to vector<1x16xf32>
        tpu.vector_store %arg15[%swap3A_420, %swap3A_421], %swap3A_424 {strides = array<i32>} : memref<64x256xf32, #tpu.memory_space<vmem>>, vector<1x16xf32>,
        %get3A_425 = arith.index_cast %scan3A_157 : i32 to index
        %get3A_426 = arith.constant 160 : index
        %get3A_427 = tpu.vector_load %arg15[%get3A_425, %get3A_426] {strides = array<i32>} : memref<64x256xf32, #tpu.memory_space<vmem>>, vector<1x16xf32>,
        %get3A_428 = vector.shape_cast %get3A_427 : vector<1x16xf32> to vector<16xf32>
        %mul3A_429 = vector.broadcast %squeeze3A : f32 to vector<16xf32>
        %mul3A_430 = arith.mulf %mul3A_429, %get3A_428 : vector<16xf32>
        %get3A_431 = arith.index_cast %scan3A_157 : i32 to index
        %get3A_432 = arith.constant 160 : index
        %get3A_433 = tpu.vector_load %arg16[%get3A_431, %get3A_432] {strides = array<i32>} : memref<64x256xf32, #tpu.memory_space<vmem>>, vector<1x16xf32>,
        %get3A_434 = vector.shape_cast %get3A_433 : vector<1x16xf32> to vector<16xf32>
        %mul3A_435 = vector.broadcast %squeeze3A_168 : f32 to vector<16xf32>
        %mul3A_436 = arith.mulf %mul3A_435, %get3A_434 : vector<16xf32>
        %add3A_437 = arith.addf %mul3A_430, %mul3A_436 : vector<16xf32>
        %get3A_438 = arith.index_cast %scan3A_157 : i32 to index
        %get3A_439 = arith.constant 160 : index
        %get3A_440 = tpu.vector_load %arg17[%get3A_438, %get3A_439] {strides = array<i32>} : memref<64x256xf32, #tpu.memory_space<vmem>>, vector<1x16xf32>,
        %get3A_441 = vector.shape_cast %get3A_440 : vector<1x16xf32> to vector<16xf32>
        %mul3A_442 = vector.broadcast %squeeze3A_175 : f32 to vector<16xf32>
        %mul3A_443 = arith.mulf %mul3A_442, %get3A_441 : vector<16xf32>
        %add3A_444 = arith.addf %add3A_437, %mul3A_443 : vector<16xf32>
        %swap3A_445 = arith.index_cast %scan3A_157 : i32 to index
        %swap3A_446 = arith.constant 160 : index
        %swap3A_447 = tpu.vector_load %arg15[%swap3A_445, %swap3A_446] {strides = array<i32>} : memref<64x256xf32, #tpu.memory_space<vmem>>, vector<1x16xf32>,
        %swap3A_448 = vector.shape_cast %swap3A_447 : vector<1x16xf32> to vector<16xf32>
        %swap3A_449 = vector.shape_cast %add3A_444 : vector<16xf32> to vector<1x16xf32>
        tpu.vector_store %arg15[%swap3A_445, %swap3A_446], %swap3A_449 {strides = array<i32>} : memref<64x256xf32, #tpu.memory_space<vmem>>, vector<1x16xf32>,
        %get3A_450 = arith.index_cast %scan3A_157 : i32 to index
        %get3A_451 = arith.constant 176 : index
        %get3A_452 = tpu.vector_load %arg15[%get3A_450, %get3A_451] {strides = array<i32>} : memref<64x256xf32, #tpu.memory_space<vmem>>, vector<1x16xf32>,
        %get3A_453 = vector.shape_cast %get3A_452 : vector<1x16xf32> to vector<16xf32>
        %mul3A_454 = vector.broadcast %squeeze3A : f32 to vector<16xf32>
        %mul3A_455 = arith.mulf %mul3A_454, %get3A_453 : vector<16xf32>
        %get3A_456 = arith.index_cast %scan3A_157 : i32 to index
        %get3A_457 = arith.constant 176 : index
        %get3A_458 = tpu.vector_load %arg16[%get3A_456, %get3A_457] {strides = array<i32>} : memref<64x256xf32, #tpu.memory_space<vmem>>, vector<1x16xf32>,
        %get3A_459 = vector.shape_cast %get3A_458 : vector<1x16xf32> to vector<16xf32>
        %mul3A_460 = vector.broadcast %squeeze3A_168 : f32 to vector<16xf32>
        %mul3A_461 = arith.mulf %mul3A_460, %get3A_459 : vector<16xf32>
        %add3A_462 = arith.addf %mul3A_455, %mul3A_461 : vector<16xf32>
        %get3A_463 = arith.index_cast %scan3A_157 : i32 to index
        %get3A_464 = arith.constant 176 : index
        %get3A_465 = tpu.vector_load %arg17[%get3A_463, %get3A_464] {strides = array<i32>} : memref<64x256xf32, #tpu.memory_space<vmem>>, vector<1x16xf32>,
        %get3A_466 = vector.shape_cast %get3A_465 : vector<1x16xf32> to vector<16xf32>
        %mul3A_467 = vector.broadcast %squeeze3A_175 : f32 to vector<16xf32>
        %mul3A_468 = arith.mulf %mul3A_467, %get3A_466 : vector<16xf32>
        %add3A_469 = arith.addf %add3A_462, %mul3A_468 : vector<16xf32>
        %swap3A_470 = arith.index_cast %scan3A_157 : i32 to index
        %swap3A_471 = arith.constant 176 : index
        %swap3A_472 = tpu.vector_load %arg15[%swap3A_470, %swap3A_471] {strides = array<i32>} : memref<64x256xf32, #tpu.memory_space<vmem>>, vector<1x16xf32>,
        %swap3A_473 = vector.shape_cast %swap3A_472 : vector<1x16xf32> to vector<16xf32>
        %swap3A_474 = vector.shape_cast %add3A_469 : vector<16xf32> to vector<1x16xf32>
        tpu.vector_store %arg15[%swap3A_470, %swap3A_471], %swap3A_474 {strides = array<i32>} : memref<64x256xf32, #tpu.memory_space<vmem>>, vector<1x16xf32>,
        %get3A_475 = arith.index_cast %scan3A_157 : i32 to index
        %get3A_476 = arith.constant 192 : index
        %get3A_477 = tpu.vector_load %arg15[%get3A_475, %get3A_476] {strides = array<i32>} : memref<64x256xf32, #tpu.memory_space<vmem>>, vector<1x16xf32>,
        %get3A_478 = vector.shape_cast %get3A_477 : vector<1x16xf32> to vector<16xf32>
        %mul3A_479 = vector.broadcast %squeeze3A : f32 to vector<16xf32>
        %mul3A_480 = arith.mulf %mul3A_479, %get3A_478 : vector<16xf32>
        %get3A_481 = arith.index_cast %scan3A_157 : i32 to index
        %get3A_482 = arith.constant 192 : index
        %get3A_483 = tpu.vector_load %arg16[%get3A_481, %get3A_482] {strides = array<i32>} : memref<64x256xf32, #tpu.memory_space<vmem>>, vector<1x16xf32>,
        %get3A_484 = vector.shape_cast %get3A_483 : vector<1x16xf32> to vector<16xf32>
        %mul3A_485 = vector.broadcast %squeeze3A_168 : f32 to vector<16xf32>
        %mul3A_486 = arith.mulf %mul3A_485, %get3A_484 : vector<16xf32>
        %add3A_487 = arith.addf %mul3A_480, %mul3A_486 : vector<16xf32>
        %get3A_488 = arith.index_cast %scan3A_157 : i32 to index
        %get3A_489 = arith.constant 192 : index
        %get3A_490 = tpu.vector_load %arg17[%get3A_488, %get3A_489] {strides = array<i32>} : memref<64x256xf32, #tpu.memory_space<vmem>>, vector<1x16xf32>,
        %get3A_491 = vector.shape_cast %get3A_490 : vector<1x16xf32> to vector<16xf32>
        %mul3A_492 = vector.broadcast %squeeze3A_175 : f32 to vector<16xf32>
        %mul3A_493 = arith.mulf %mul3A_492, %get3A_491 : vector<16xf32>
        %add3A_494 = arith.addf %add3A_487, %mul3A_493 : vector<16xf32>
        %swap3A_495 = arith.index_cast %scan3A_157 : i32 to index
        %swap3A_496 = arith.constant 192 : index
        %swap3A_497 = tpu.vector_load %arg15[%swap3A_495, %swap3A_496] {strides = array<i32>} : memref<64x256xf32, #tpu.memory_space<vmem>>, vector<1x16xf32>,
        %swap3A_498 = vector.shape_cast %swap3A_497 : vector<1x16xf32> to vector<16xf32>
        %swap3A_499 = vector.shape_cast %add3A_494 : vector<16xf32> to vector<1x16xf32>
        tpu.vector_store %arg15[%swap3A_495, %swap3A_496], %swap3A_499 {strides = array<i32>} : memref<64x256xf32, #tpu.memory_space<vmem>>, vector<1x16xf32>,
        %get3A_500 = arith.index_cast %scan3A_157 : i32 to index
        %get3A_501 = arith.constant 208 : index
        %get3A_502 = tpu.vector_load %arg15[%get3A_500, %get3A_501] {strides = array<i32>} : memref<64x256xf32, #tpu.memory_space<vmem>>, vector<1x16xf32>,
        %get3A_503 = vector.shape_cast %get3A_502 : vector<1x16xf32> to vector<16xf32>
        %mul3A_504 = vector.broadcast %squeeze3A : f32 to vector<16xf32>
        %mul3A_505 = arith.mulf %mul3A_504, %get3A_503 : vector<16xf32>
        %get3A_506 = arith.index_cast %scan3A_157 : i32 to index
        %get3A_507 = arith.constant 208 : index
        %get3A_508 = tpu.vector_load %arg16[%get3A_506, %get3A_507] {strides = array<i32>} : memref<64x256xf32, #tpu.memory_space<vmem>>, vector<1x16xf32>,
        %get3A_509 = vector.shape_cast %get3A_508 : vector<1x16xf32> to vector<16xf32>
        %mul3A_510 = vector.broadcast %squeeze3A_168 : f32 to vector<16xf32>
        %mul3A_511 = arith.mulf %mul3A_510, %get3A_509 : vector<16xf32>
        %add3A_512 = arith.addf %mul3A_505, %mul3A_511 : vector<16xf32>
        %get3A_513 = arith.index_cast %scan3A_157 : i32 to index
        %get3A_514 = arith.constant 208 : index
        %get3A_515 = tpu.vector_load %arg17[%get3A_513, %get3A_514] {strides = array<i32>} : memref<64x256xf32, #tpu.memory_space<vmem>>, vector<1x16xf32>,
        %get3A_516 = vector.shape_cast %get3A_515 : vector<1x16xf32> to vector<16xf32>
        %mul3A_517 = vector.broadcast %squeeze3A_175 : f32 to vector<16xf32>
        %mul3A_518 = arith.mulf %mul3A_517, %get3A_516 : vector<16xf32>
        %add3A_519 = arith.addf %add3A_512, %mul3A_518 : vector<16xf32>
        %swap3A_520 = arith.index_cast %scan3A_157 : i32 to index
        %swap3A_521 = arith.constant 208 : index
        %swap3A_522 = tpu.vector_load %arg15[%swap3A_520, %swap3A_521] {strides = array<i32>} : memref<64x256xf32, #tpu.memory_space<vmem>>, vector<1x16xf32>,
        %swap3A_523 = vector.shape_cast %swap3A_522 : vector<1x16xf32> to vector<16xf32>
        %swap3A_524 = vector.shape_cast %add3A_519 : vector<16xf32> to vector<1x16xf32>
        tpu.vector_store %arg15[%swap3A_520, %swap3A_521], %swap3A_524 {strides = array<i32>} : memref<64x256xf32, #tpu.memory_space<vmem>>, vector<1x16xf32>,
        %get3A_525 = arith.index_cast %scan3A_157 : i32 to index
        %get3A_526 = arith.constant 224 : index
        %get3A_527 = tpu.vector_load %arg15[%get3A_525, %get3A_526] {strides = array<i32>} : memref<64x256xf32, #tpu.memory_space<vmem>>, vector<1x16xf32>,
        %get3A_528 = vector.shape_cast %get3A_527 : vector<1x16xf32> to vector<16xf32>
        %mul3A_529 = vector.broadcast %squeeze3A : f32 to vector<16xf32>
        %mul3A_530 = arith.mulf %mul3A_529, %get3A_528 : vector<16xf32>
        %get3A_531 = arith.index_cast %scan3A_157 : i32 to index
        %get3A_532 = arith.constant 224 : index
        %get3A_533 = tpu.vector_load %arg16[%get3A_531, %get3A_532] {strides = array<i32>} : memref<64x256xf32, #tpu.memory_space<vmem>>, vector<1x16xf32>,
        %get3A_534 = vector.shape_cast %get3A_533 : vector<1x16xf32> to vector<16xf32>
        %mul3A_535 = vector.broadcast %squeeze3A_168 : f32 to vector<16xf32>
        %mul3A_536 = arith.mulf %mul3A_535, %get3A_534 : vector<16xf32>
        %add3A_537 = arith.addf %mul3A_530, %mul3A_536 : vector<16xf32>
        %get3A_538 = arith.index_cast %scan3A_157 : i32 to index
        %get3A_539 = arith.constant 224 : index
        %get3A_540 = tpu.vector_load %arg17[%get3A_538, %get3A_539] {strides = array<i32>} : memref<64x256xf32, #tpu.memory_space<vmem>>, vector<1x16xf32>,
        %get3A_541 = vector.shape_cast %get3A_540 : vector<1x16xf32> to vector<16xf32>
        %mul3A_542 = vector.broadcast %squeeze3A_175 : f32 to vector<16xf32>
        %mul3A_543 = arith.mulf %mul3A_542, %get3A_541 : vector<16xf32>
        %add3A_544 = arith.addf %add3A_537, %mul3A_543 : vector<16xf32>
        %swap3A_545 = arith.index_cast %scan3A_157 : i32 to index
        %swap3A_546 = arith.constant 224 : index
        %swap3A_547 = tpu.vector_load %arg15[%swap3A_545, %swap3A_546] {strides = array<i32>} : memref<64x256xf32, #tpu.memory_space<vmem>>, vector<1x16xf32>,
        %swap3A_548 = vector.shape_cast %swap3A_547 : vector<1x16xf32> to vector<16xf32>
        %swap3A_549 = vector.shape_cast %add3A_544 : vector<16xf32> to vector<1x16xf32>
        tpu.vector_store %arg15[%swap3A_545, %swap3A_546], %swap3A_549 {strides = array<i32>} : memref<64x256xf32, #tpu.memory_space<vmem>>, vector<1x16xf32>,
        %get3A_550 = arith.index_cast %scan3A_157 : i32 to index
        %get3A_551 = arith.constant 240 : index
        %get3A_552 = tpu.vector_load %arg15[%get3A_550, %get3A_551] {strides = array<i32>} : memref<64x256xf32, #tpu.memory_space<vmem>>, vector<1x16xf32>,
        %get3A_553 = vector.shape_cast %get3A_552 : vector<1x16xf32> to vector<16xf32>
        %mul3A_554 = vector.broadcast %squeeze3A : f32 to vector<16xf32>
        %mul3A_555 = arith.mulf %mul3A_554, %get3A_553 : vector<16xf32>
        %get3A_556 = arith.index_cast %scan3A_157 : i32 to index
        %get3A_557 = arith.constant 240 : index
        %get3A_558 = tpu.vector_load %arg16[%get3A_556, %get3A_557] {strides = array<i32>} : memref<64x256xf32, #tpu.memory_space<vmem>>, vector<1x16xf32>,
        %get3A_559 = vector.shape_cast %get3A_558 : vector<1x16xf32> to vector<16xf32>
        %mul3A_560 = vector.broadcast %squeeze3A_168 : f32 to vector<16xf32>
        %mul3A_561 = arith.mulf %mul3A_560, %get3A_559 : vector<16xf32>
        %add3A_562 = arith.addf %mul3A_555, %mul3A_561 : vector<16xf32>
        %get3A_563 = arith.index_cast %scan3A_157 : i32 to index
        %get3A_564 = arith.constant 240 : index
        %get3A_565 = tpu.vector_load %arg17[%get3A_563, %get3A_564] {strides = array<i32>} : memref<64x256xf32, #tpu.memory_space<vmem>>, vector<1x16xf32>,
        %get3A_566 = vector.shape_cast %get3A_565 : vector<1x16xf32> to vector<16xf32>
        %mul3A_567 = vector.broadcast %squeeze3A_175 : f32 to vector<16xf32>
        %mul3A_568 = arith.mulf %mul3A_567, %get3A_566 : vector<16xf32>
        %add3A_569 = arith.addf %add3A_562, %mul3A_568 : vector<16xf32>
        %swap3A_570 = arith.index_cast %scan3A_157 : i32 to index
        %swap3A_571 = arith.constant 240 : index
        %swap3A_572 = tpu.vector_load %arg15[%swap3A_570, %swap3A_571] {strides = array<i32>} : memref<64x256xf32, #tpu.memory_space<vmem>>, vector<1x16xf32>,
        %swap3A_573 = vector.shape_cast %swap3A_572 : vector<1x16xf32> to vector<16xf32>
        %swap3A_574 = vector.shape_cast %add3A_569 : vector<16xf32> to vector<1x16xf32>
        tpu.vector_store %arg15[%swap3A_570, %swap3A_571], %swap3A_574 {strides = array<i32>} : memref<64x256xf32, #tpu.memory_space<vmem>>, vector<1x16xf32>,
      }
      %scan3A_147 = arith.constant 64 : i32
      "tpu.region"() ({
        %run_scoped3A_157 = tpu.sem_alloc : memref<!tpu.dma_semaphore, #tpu.memory_space<semaphore_mem>>
        %dma_start3A_158 = arith.constant 0 : i32
        %dma_start3A_159 = tpu.memref_slice %arg5[%add3A_120, %dma_start3A_158] : memref<32768x256xf32, #tpu.memory_space<hbm>> -> memref<64x256xf32, #tpu.memory_space<hbm>>
        %dma_start3A_160 = arith.constant 0 : i32
        %dma_start3A_161 = tpu.memref_slice %arg5[%add3A_120, %dma_start3A_160] : memref<32768x256xf32, #tpu.memory_space<hbm>> -> memref<64x256xf32, #tpu.memory_space<hbm>>
        tpu.enqueue_dma source(%arg15 : memref<64x256xf32, #tpu.memory_space<vmem>>) target(%dma_start3A_161 : memref<64x256xf32, #tpu.memory_space<hbm>>) target_semaphore(%run_scoped3A_157 : memref<!tpu.dma_semaphore, #tpu.memory_space<semaphore_mem>>)
        %dma_wait3A_162 = arith.constant 0 : i32
        %dma_wait3A_163 = tpu.memref_slice %arg5[%add3A_120, %dma_wait3A_162] : memref<32768x256xf32, #tpu.memory_space<hbm>> -> memref<64x256xf32, #tpu.memory_space<hbm>>
        %dma_wait3A_164 = arith.constant 0 : i32
        %dma_wait3A_165 = tpu.memref_slice %arg5[%add3A_120, %dma_wait3A_164] : memref<32768x256xf32, #tpu.memory_space<hbm>> -> memref<64x256xf32, #tpu.memory_space<hbm>>
        tpu.wait_dma2 semaphore(%run_scoped3A_157 : memref<!tpu.dma_semaphore, #tpu.memory_space<semaphore_mem>>) src(%arg15 : memref<64x256xf32, #tpu.memory_space<vmem>>) dst(%dma_wait3A_165 : memref<64x256xf32, #tpu.memory_space<hbm>>)
        tpu.yield
      }) : () -> ()
      %mul3A_148 = arith.constant 2 : i32
      %mul3A_149 = arith.muli %mul3A_148, %scan3A_76 : i32
      %add3A_150 = arith.constant 3 : i32
      %add3A_151 = arith.addi %mul3A_149, %add3A_150 : i32
      %lt3A_152 = arith.constant 16 : i32
      %lt3A_153 = arith.cmpi slt, %add3A_151, %lt3A_152 : i32
      %convert_element_type3A_154 = arith.extui %lt3A_153 : i1 to i32
      %cond3A_155 = arith.constant 0 : i32
      %cond3A_156 = arith.cmpi ne, %convert_element_type3A_154, %cond3A_155 : i32
      scf.if %cond3A_156 {
        %mul3A_157 = arith.constant 2 : i32
        %mul3A_158 = arith.muli %mul3A_157, %scan3A_76 : i32
        %add3A_159 = arith.constant 3 : i32
        %add3A_160 = arith.addi %mul3A_158, %add3A_159 : i32
        %mul3A_161 = arith.constant 64 : i32
        %mul3A_162 = arith.muli %add3A_160, %mul3A_161 : i32
        %add3A_163 = arith.addi %mul3A_2, %mul3A_162 : i32
        %run_scoped3A_164 = arith.constant 0 : i32
        %run_scoped3A_165 = arith.constant 1 : i32
        "tpu.region"() ({
          %run_scoped3A_197 = tpu.sem_alloc : memref<!tpu.dma_semaphore, #tpu.memory_space<semaphore_mem>>
          %dma_start3A_198 = arith.constant 0 : i32
          %dma_start3A_199 = tpu.memref_slice %arg6[%run_scoped3A_165, %dma_start3A_198] : memref<2x64xi32, #tpu.memory_space<vmem>> -> memref<1x64xi32, #tpu.memory_space<vmem>>
          %dma_start3A_200 = tpu.memref_squeeze %dma_start3A_199 : memref<1x64xi32, #tpu.memory_space<vmem>> -> memref<64xi32, #tpu.memory_space<vmem>>
          %dma_start3A_201 = tpu.memref_slice %arg3[%run_scoped3A_164, %add3A_163] : memref<3x32768xi32, #tpu.memory_space<hbm>> -> memref<1x64xi32, #tpu.memory_space<hbm>>
          %dma_start3A_202 = tpu.memref_squeeze %dma_start3A_201 : memref<1x64xi32, #tpu.memory_space<hbm>> -> memref<64xi32, #tpu.memory_space<hbm>>
          %dma_start3A_203 = arith.constant 0 : i32
          %dma_start3A_204 = tpu.memref_slice %arg6[%run_scoped3A_165, %dma_start3A_203] : memref<2x64xi32, #tpu.memory_space<vmem>> -> memref<1x64xi32, #tpu.memory_space<vmem>>
          %dma_start3A_205 = tpu.memref_squeeze %dma_start3A_204 : memref<1x64xi32, #tpu.memory_space<vmem>> -> memref<64xi32, #tpu.memory_space<vmem>>
          %dma_start3A_206 = tpu.memref_slice %arg3[%run_scoped3A_164, %add3A_163] : memref<3x32768xi32, #tpu.memory_space<hbm>> -> memref<1x64xi32, #tpu.memory_space<hbm>>
          %dma_start3A_207 = tpu.memref_squeeze %dma_start3A_206 : memref<1x64xi32, #tpu.memory_space<hbm>> -> memref<64xi32, #tpu.memory_space<hbm>>
          tpu.enqueue_dma source(%dma_start3A_207 : memref<64xi32, #tpu.memory_space<hbm>>) target(%dma_start3A_205 : memref<64xi32, #tpu.memory_space<vmem>>) target_semaphore(%run_scoped3A_197 : memref<!tpu.dma_semaphore, #tpu.memory_space<semaphore_mem>>)
          %dma_wait3A_208 = arith.constant 0 : i32
          %dma_wait3A_209 = tpu.memref_slice %arg6[%run_scoped3A_165, %dma_wait3A_208] : memref<2x64xi32, #tpu.memory_space<vmem>> -> memref<1x64xi32, #tpu.memory_space<vmem>>
          %dma_wait3A_210 = tpu.memref_squeeze %dma_wait3A_209 : memref<1x64xi32, #tpu.memory_space<vmem>> -> memref<64xi32, #tpu.memory_space<vmem>>
          %dma_wait3A_211 = tpu.memref_slice %arg3[%run_scoped3A_164, %add3A_163] : memref<3x32768xi32, #tpu.memory_space<hbm>> -> memref<1x64xi32, #tpu.memory_space<hbm>>
          %dma_wait3A_212 = tpu.memref_squeeze %dma_wait3A_211 : memref<1x64xi32, #tpu.memory_space<hbm>> -> memref<64xi32, #tpu.memory_space<hbm>>
          %dma_wait3A_213 = arith.constant 0 : i32
          %dma_wait3A_214 = tpu.memref_slice %arg6[%run_scoped3A_165, %dma_wait3A_213] : memref<2x64xi32, #tpu.memory_space<vmem>> -> memref<1x64xi32, #tpu.memory_space<vmem>>
          %dma_wait3A_215 = tpu.memref_squeeze %dma_wait3A_214 : memref<1x64xi32, #tpu.memory_space<vmem>> -> memref<64xi32, #tpu.memory_space<vmem>>
          %dma_wait3A_216 = tpu.memref_slice %arg3[%run_scoped3A_164, %add3A_163] : memref<3x32768xi32, #tpu.memory_space<hbm>> -> memref<1x64xi32, #tpu.memory_space<hbm>>
          %dma_wait3A_217 = tpu.memref_squeeze %dma_wait3A_216 : memref<1x64xi32, #tpu.memory_space<hbm>> -> memref<64xi32, #tpu.memory_space<hbm>>
          tpu.wait_dma2 semaphore(%run_scoped3A_197 : memref<!tpu.dma_semaphore, #tpu.memory_space<semaphore_mem>>) src(%dma_wait3A_217 : memref<64xi32, #tpu.memory_space<hbm>>) dst(%dma_wait3A_215 : memref<64xi32, #tpu.memory_space<vmem>>)
          tpu.yield
        }) : () -> ()
        %run_scoped3A_166 = arith.constant 1 : i32
        %run_scoped3A_167 = arith.constant 1 : i32
        "tpu.region"() ({
          %run_scoped3A_197 = tpu.sem_alloc : memref<!tpu.dma_semaphore, #tpu.memory_space<semaphore_mem>>
          %dma_start3A_198 = arith.constant 0 : i32
          %dma_start3A_199 = tpu.memref_slice %arg7[%run_scoped3A_167, %dma_start3A_198] : memref<2x64xi32, #tpu.memory_space<vmem>> -> memref<1x64xi32, #tpu.memory_space<vmem>>
          %dma_start3A_200 = tpu.memref_squeeze %dma_start3A_199 : memref<1x64xi32, #tpu.memory_space<vmem>> -> memref<64xi32, #tpu.memory_space<vmem>>
          %dma_start3A_201 = tpu.memref_slice %arg3[%run_scoped3A_166, %add3A_163] : memref<3x32768xi32, #tpu.memory_space<hbm>> -> memref<1x64xi32, #tpu.memory_space<hbm>>
          %dma_start3A_202 = tpu.memref_squeeze %dma_start3A_201 : memref<1x64xi32, #tpu.memory_space<hbm>> -> memref<64xi32, #tpu.memory_space<hbm>>
          %dma_start3A_203 = arith.constant 0 : i32
          %dma_start3A_204 = tpu.memref_slice %arg7[%run_scoped3A_167, %dma_start3A_203] : memref<2x64xi32, #tpu.memory_space<vmem>> -> memref<1x64xi32, #tpu.memory_space<vmem>>
          %dma_start3A_205 = tpu.memref_squeeze %dma_start3A_204 : memref<1x64xi32, #tpu.memory_space<vmem>> -> memref<64xi32, #tpu.memory_space<vmem>>
          %dma_start3A_206 = tpu.memref_slice %arg3[%run_scoped3A_166, %add3A_163] : memref<3x32768xi32, #tpu.memory_space<hbm>> -> memref<1x64xi32, #tpu.memory_space<hbm>>
          %dma_start3A_207 = tpu.memref_squeeze %dma_start3A_206 : memref<1x64xi32, #tpu.memory_space<hbm>> -> memref<64xi32, #tpu.memory_space<hbm>>
          tpu.enqueue_dma source(%dma_start3A_207 : memref<64xi32, #tpu.memory_space<hbm>>) target(%dma_start3A_205 : memref<64xi32, #tpu.memory_space<vmem>>) target_semaphore(%run_scoped3A_197 : memref<!tpu.dma_semaphore, #tpu.memory_space<semaphore_mem>>)
          %dma_wait3A_208 = arith.constant 0 : i32
          %dma_wait3A_209 = tpu.memref_slice %arg7[%run_scoped3A_167, %dma_wait3A_208] : memref<2x64xi32, #tpu.memory_space<vmem>> -> memref<1x64xi32, #tpu.memory_space<vmem>>
          %dma_wait3A_210 = tpu.memref_squeeze %dma_wait3A_209 : memref<1x64xi32, #tpu.memory_space<vmem>> -> memref<64xi32, #tpu.memory_space<vmem>>
          %dma_wait3A_211 = tpu.memref_slice %arg3[%run_scoped3A_166, %add3A_163] : memref<3x32768xi32, #tpu.memory_space<hbm>> -> memref<1x64xi32, #tpu.memory_space<hbm>>
          %dma_wait3A_212 = tpu.memref_squeeze %dma_wait3A_211 : memref<1x64xi32, #tpu.memory_space<hbm>> -> memref<64xi32, #tpu.memory_space<hbm>>
          %dma_wait3A_213 = arith.constant 0 : i32
          %dma_wait3A_214 = tpu.memref_slice %arg7[%run_scoped3A_167, %dma_wait3A_213] : memref<2x64xi32, #tpu.memory_space<vmem>> -> memref<1x64xi32, #tpu.memory_space<vmem>>
          %dma_wait3A_215 = tpu.memref_squeeze %dma_wait3A_214 : memref<1x64xi32, #tpu.memory_space<vmem>> -> memref<64xi32, #tpu.memory_space<vmem>>
          %dma_wait3A_216 = tpu.memref_slice %arg3[%run_scoped3A_166, %add3A_163] : memref<3x32768xi32, #tpu.memory_space<hbm>> -> memref<1x64xi32, #tpu.memory_space<hbm>>
          %dma_wait3A_217 = tpu.memref_squeeze %dma_wait3A_216 : memref<1x64xi32, #tpu.memory_space<hbm>> -> memref<64xi32, #tpu.memory_space<hbm>>
          tpu.wait_dma2 semaphore(%run_scoped3A_197 : memref<!tpu.dma_semaphore, #tpu.memory_space<semaphore_mem>>) src(%dma_wait3A_217 : memref<64xi32, #tpu.memory_space<hbm>>) dst(%dma_wait3A_215 : memref<64xi32, #tpu.memory_space<vmem>>)
          tpu.yield
        }) : () -> ()
        %run_scoped3A_168 = arith.constant 2 : i32
        %run_scoped3A_169 = arith.constant 1 : i32
        "tpu.region"() ({
          %run_scoped3A_197 = tpu.sem_alloc : memref<!tpu.dma_semaphore, #tpu.memory_space<semaphore_mem>>
          %dma_start3A_198 = arith.constant 0 : i32
          %dma_start3A_199 = tpu.memref_slice %arg8[%run_scoped3A_169, %dma_start3A_198] : memref<2x64xi32, #tpu.memory_space<vmem>> -> memref<1x64xi32, #tpu.memory_space<vmem>>
          %dma_start3A_200 = tpu.memref_squeeze %dma_start3A_199 : memref<1x64xi32, #tpu.memory_space<vmem>> -> memref<64xi32, #tpu.memory_space<vmem>>
          %dma_start3A_201 = tpu.memref_slice %arg3[%run_scoped3A_168, %add3A_163] : memref<3x32768xi32, #tpu.memory_space<hbm>> -> memref<1x64xi32, #tpu.memory_space<hbm>>
          %dma_start3A_202 = tpu.memref_squeeze %dma_start3A_201 : memref<1x64xi32, #tpu.memory_space<hbm>> -> memref<64xi32, #tpu.memory_space<hbm>>
          %dma_start3A_203 = arith.constant 0 : i32
          %dma_start3A_204 = tpu.memref_slice %arg8[%run_scoped3A_169, %dma_start3A_203] : memref<2x64xi32, #tpu.memory_space<vmem>> -> memref<1x64xi32, #tpu.memory_space<vmem>>
          %dma_start3A_205 = tpu.memref_squeeze %dma_start3A_204 : memref<1x64xi32, #tpu.memory_space<vmem>> -> memref<64xi32, #tpu.memory_space<vmem>>
          %dma_start3A_206 = tpu.memref_slice %arg3[%run_scoped3A_168, %add3A_163] : memref<3x32768xi32, #tpu.memory_space<hbm>> -> memref<1x64xi32, #tpu.memory_space<hbm>>
          %dma_start3A_207 = tpu.memref_squeeze %dma_start3A_206 : memref<1x64xi32, #tpu.memory_space<hbm>> -> memref<64xi32, #tpu.memory_space<hbm>>
          tpu.enqueue_dma source(%dma_start3A_207 : memref<64xi32, #tpu.memory_space<hbm>>) target(%dma_start3A_205 : memref<64xi32, #tpu.memory_space<vmem>>) target_semaphore(%run_scoped3A_197 : memref<!tpu.dma_semaphore, #tpu.memory_space<semaphore_mem>>)
          %dma_wait3A_208 = arith.constant 0 : i32
          %dma_wait3A_209 = tpu.memref_slice %arg8[%run_scoped3A_169, %dma_wait3A_208] : memref<2x64xi32, #tpu.memory_space<vmem>> -> memref<1x64xi32, #tpu.memory_space<vmem>>
          %dma_wait3A_210 = tpu.memref_squeeze %dma_wait3A_209 : memref<1x64xi32, #tpu.memory_space<vmem>> -> memref<64xi32, #tpu.memory_space<vmem>>
          %dma_wait3A_211 = tpu.memref_slice %arg3[%run_scoped3A_168, %add3A_163] : memref<3x32768xi32, #tpu.memory_space<hbm>> -> memref<1x64xi32, #tpu.memory_space<hbm>>
          %dma_wait3A_212 = tpu.memref_squeeze %dma_wait3A_211 : memref<1x64xi32, #tpu.memory_space<hbm>> -> memref<64xi32, #tpu.memory_space<hbm>>
          %dma_wait3A_213 = arith.constant 0 : i32
          %dma_wait3A_214 = tpu.memref_slice %arg8[%run_scoped3A_169, %dma_wait3A_213] : memref<2x64xi32, #tpu.memory_space<vmem>> -> memref<1x64xi32, #tpu.memory_space<vmem>>
          %dma_wait3A_215 = tpu.memref_squeeze %dma_wait3A_214 : memref<1x64xi32, #tpu.memory_space<vmem>> -> memref<64xi32, #tpu.memory_space<vmem>>
          %dma_wait3A_216 = tpu.memref_slice %arg3[%run_scoped3A_168, %add3A_163] : memref<3x32768xi32, #tpu.memory_space<hbm>> -> memref<1x64xi32, #tpu.memory_space<hbm>>
          %dma_wait3A_217 = tpu.memref_squeeze %dma_wait3A_216 : memref<1x64xi32, #tpu.memory_space<hbm>> -> memref<64xi32, #tpu.memory_space<hbm>>
          tpu.wait_dma2 semaphore(%run_scoped3A_197 : memref<!tpu.dma_semaphore, #tpu.memory_space<semaphore_mem>>) src(%dma_wait3A_217 : memref<64xi32, #tpu.memory_space<hbm>>) dst(%dma_wait3A_215 : memref<64xi32, #tpu.memory_space<vmem>>)
          tpu.yield
        }) : () -> ()
        %run_scoped3A_170 = arith.constant 0 : i32
        %run_scoped3A_171 = arith.constant 1 : i32
        "tpu.region"() ({
          %run_scoped3A_197 = tpu.sem_alloc : memref<!tpu.dma_semaphore, #tpu.memory_space<semaphore_mem>>
          %dma_start3A_198 = arith.constant 0 : i32
          %dma_start3A_199 = tpu.memref_slice %arg9[%run_scoped3A_171, %dma_start3A_198] : memref<2x80xf32, #tpu.memory_space<vmem>> -> memref<1x64xf32, #tpu.memory_space<vmem>>
          %dma_start3A_200 = tpu.memref_squeeze %dma_start3A_199 : memref<1x64xf32, #tpu.memory_space<vmem>> -> memref<64xf32, #tpu.memory_space<vmem>>
          %dma_start3A_201 = tpu.memref_slice %arg4[%run_scoped3A_170, %add3A_163] : memref<3x32768xf32, #tpu.memory_space<hbm>> -> memref<1x64xf32, #tpu.memory_space<hbm>>
          %dma_start3A_202 = tpu.memref_squeeze %dma_start3A_201 : memref<1x64xf32, #tpu.memory_space<hbm>> -> memref<64xf32, #tpu.memory_space<hbm>>
          %dma_start3A_203 = arith.constant 0 : i32
          %dma_start3A_204 = tpu.memref_slice %arg9[%run_scoped3A_171, %dma_start3A_203] : memref<2x80xf32, #tpu.memory_space<vmem>> -> memref<1x64xf32, #tpu.memory_space<vmem>>
          %dma_start3A_205 = tpu.memref_squeeze %dma_start3A_204 : memref<1x64xf32, #tpu.memory_space<vmem>> -> memref<64xf32, #tpu.memory_space<vmem>>
          %dma_start3A_206 = tpu.memref_slice %arg4[%run_scoped3A_170, %add3A_163] : memref<3x32768xf32, #tpu.memory_space<hbm>> -> memref<1x64xf32, #tpu.memory_space<hbm>>
          %dma_start3A_207 = tpu.memref_squeeze %dma_start3A_206 : memref<1x64xf32, #tpu.memory_space<hbm>> -> memref<64xf32, #tpu.memory_space<hbm>>
          tpu.enqueue_dma source(%dma_start3A_207 : memref<64xf32, #tpu.memory_space<hbm>>) target(%dma_start3A_205 : memref<64xf32, #tpu.memory_space<vmem>>) target_semaphore(%run_scoped3A_197 : memref<!tpu.dma_semaphore, #tpu.memory_space<semaphore_mem>>)
          %dma_wait3A_208 = arith.constant 0 : i32
          %dma_wait3A_209 = tpu.memref_slice %arg9[%run_scoped3A_171, %dma_wait3A_208] : memref<2x80xf32, #tpu.memory_space<vmem>> -> memref<1x64xf32, #tpu.memory_space<vmem>>
          %dma_wait3A_210 = tpu.memref_squeeze %dma_wait3A_209 : memref<1x64xf32, #tpu.memory_space<vmem>> -> memref<64xf32, #tpu.memory_space<vmem>>
          %dma_wait3A_211 = tpu.memref_slice %arg4[%run_scoped3A_170, %add3A_163] : memref<3x32768xf32, #tpu.memory_space<hbm>> -> memref<1x64xf32, #tpu.memory_space<hbm>>
          %dma_wait3A_212 = tpu.memref_squeeze %dma_wait3A_211 : memref<1x64xf32, #tpu.memory_space<hbm>> -> memref<64xf32, #tpu.memory_space<hbm>>
          %dma_wait3A_213 = arith.constant 0 : i32
          %dma_wait3A_214 = tpu.memref_slice %arg9[%run_scoped3A_171, %dma_wait3A_213] : memref<2x80xf32, #tpu.memory_space<vmem>> -> memref<1x64xf32, #tpu.memory_space<vmem>>
          %dma_wait3A_215 = tpu.memref_squeeze %dma_wait3A_214 : memref<1x64xf32, #tpu.memory_space<vmem>> -> memref<64xf32, #tpu.memory_space<vmem>>
          %dma_wait3A_216 = tpu.memref_slice %arg4[%run_scoped3A_170, %add3A_163] : memref<3x32768xf32, #tpu.memory_space<hbm>> -> memref<1x64xf32, #tpu.memory_space<hbm>>
          %dma_wait3A_217 = tpu.memref_squeeze %dma_wait3A_216 : memref<1x64xf32, #tpu.memory_space<hbm>> -> memref<64xf32, #tpu.memory_space<hbm>>
          tpu.wait_dma2 semaphore(%run_scoped3A_197 : memref<!tpu.dma_semaphore, #tpu.memory_space<semaphore_mem>>) src(%dma_wait3A_217 : memref<64xf32, #tpu.memory_space<hbm>>) dst(%dma_wait3A_215 : memref<64xf32, #tpu.memory_space<vmem>>)
          tpu.yield
        }) : () -> ()
        %run_scoped3A_172 = arith.constant 1 : i32
        %run_scoped3A_173 = arith.constant 1 : i32
        "tpu.region"() ({
          %run_scoped3A_197 = tpu.sem_alloc : memref<!tpu.dma_semaphore, #tpu.memory_space<semaphore_mem>>
          %dma_start3A_198 = arith.constant 0 : i32
          %dma_start3A_199 = tpu.memref_slice %arg10[%run_scoped3A_173, %dma_start3A_198] : memref<2x80xf32, #tpu.memory_space<vmem>> -> memref<1x64xf32, #tpu.memory_space<vmem>>
          %dma_start3A_200 = tpu.memref_squeeze %dma_start3A_199 : memref<1x64xf32, #tpu.memory_space<vmem>> -> memref<64xf32, #tpu.memory_space<vmem>>
          %dma_start3A_201 = tpu.memref_slice %arg4[%run_scoped3A_172, %add3A_163] : memref<3x32768xf32, #tpu.memory_space<hbm>> -> memref<1x64xf32, #tpu.memory_space<hbm>>
          %dma_start3A_202 = tpu.memref_squeeze %dma_start3A_201 : memref<1x64xf32, #tpu.memory_space<hbm>> -> memref<64xf32, #tpu.memory_space<hbm>>
          %dma_start3A_203 = arith.constant 0 : i32
          %dma_start3A_204 = tpu.memref_slice %arg10[%run_scoped3A_173, %dma_start3A_203] : memref<2x80xf32, #tpu.memory_space<vmem>> -> memref<1x64xf32, #tpu.memory_space<vmem>>
          %dma_start3A_205 = tpu.memref_squeeze %dma_start3A_204 : memref<1x64xf32, #tpu.memory_space<vmem>> -> memref<64xf32, #tpu.memory_space<vmem>>
          %dma_start3A_206 = tpu.memref_slice %arg4[%run_scoped3A_172, %add3A_163] : memref<3x32768xf32, #tpu.memory_space<hbm>> -> memref<1x64xf32, #tpu.memory_space<hbm>>
          %dma_start3A_207 = tpu.memref_squeeze %dma_start3A_206 : memref<1x64xf32, #tpu.memory_space<hbm>> -> memref<64xf32, #tpu.memory_space<hbm>>
          tpu.enqueue_dma source(%dma_start3A_207 : memref<64xf32, #tpu.memory_space<hbm>>) target(%dma_start3A_205 : memref<64xf32, #tpu.memory_space<vmem>>) target_semaphore(%run_scoped3A_197 : memref<!tpu.dma_semaphore, #tpu.memory_space<semaphore_mem>>)
          %dma_wait3A_208 = arith.constant 0 : i32
          %dma_wait3A_209 = tpu.memref_slice %arg10[%run_scoped3A_173, %dma_wait3A_208] : memref<2x80xf32, #tpu.memory_space<vmem>> -> memref<1x64xf32, #tpu.memory_space<vmem>>
          %dma_wait3A_210 = tpu.memref_squeeze %dma_wait3A_209 : memref<1x64xf32, #tpu.memory_space<vmem>> -> memref<64xf32, #tpu.memory_space<vmem>>
          %dma_wait3A_211 = tpu.memref_slice %arg4[%run_scoped3A_172, %add3A_163] : memref<3x32768xf32, #tpu.memory_space<hbm>> -> memref<1x64xf32, #tpu.memory_space<hbm>>
          %dma_wait3A_212 = tpu.memref_squeeze %dma_wait3A_211 : memref<1x64xf32, #tpu.memory_space<hbm>> -> memref<64xf32, #tpu.memory_space<hbm>>
          %dma_wait3A_213 = arith.constant 0 : i32
          %dma_wait3A_214 = tpu.memref_slice %arg10[%run_scoped3A_173, %dma_wait3A_213] : memref<2x80xf32, #tpu.memory_space<vmem>> -> memref<1x64xf32, #tpu.memory_space<vmem>>
          %dma_wait3A_215 = tpu.memref_squeeze %dma_wait3A_214 : memref<1x64xf32, #tpu.memory_space<vmem>> -> memref<64xf32, #tpu.memory_space<vmem>>
          %dma_wait3A_216 = tpu.memref_slice %arg4[%run_scoped3A_172, %add3A_163] : memref<3x32768xf32, #tpu.memory_space<hbm>> -> memref<1x64xf32, #tpu.memory_space<hbm>>
          %dma_wait3A_217 = tpu.memref_squeeze %dma_wait3A_216 : memref<1x64xf32, #tpu.memory_space<hbm>> -> memref<64xf32, #tpu.memory_space<hbm>>
          tpu.wait_dma2 semaphore(%run_scoped3A_197 : memref<!tpu.dma_semaphore, #tpu.memory_space<semaphore_mem>>) src(%dma_wait3A_217 : memref<64xf32, #tpu.memory_space<hbm>>) dst(%dma_wait3A_215 : memref<64xf32, #tpu.memory_space<vmem>>)
          tpu.yield
        }) : () -> ()
        %run_scoped3A_174 = arith.constant 2 : i32
        %run_scoped3A_175 = arith.constant 1 : i32
        "tpu.region"() ({
          %run_scoped3A_197 = tpu.sem_alloc : memref<!tpu.dma_semaphore, #tpu.memory_space<semaphore_mem>>
          %dma_start3A_198 = arith.constant 0 : i32
          %dma_start3A_199 = tpu.memref_slice %arg11[%run_scoped3A_175, %dma_start3A_198] : memref<2x80xf32, #tpu.memory_space<vmem>> -> memref<1x64xf32, #tpu.memory_space<vmem>>
          %dma_start3A_200 = tpu.memref_squeeze %dma_start3A_199 : memref<1x64xf32, #tpu.memory_space<vmem>> -> memref<64xf32, #tpu.memory_space<vmem>>
          %dma_start3A_201 = tpu.memref_slice %arg4[%run_scoped3A_174, %add3A_163] : memref<3x32768xf32, #tpu.memory_space<hbm>> -> memref<1x64xf32, #tpu.memory_space<hbm>>
          %dma_start3A_202 = tpu.memref_squeeze %dma_start3A_201 : memref<1x64xf32, #tpu.memory_space<hbm>> -> memref<64xf32, #tpu.memory_space<hbm>>
          %dma_start3A_203 = arith.constant 0 : i32
          %dma_start3A_204 = tpu.memref_slice %arg11[%run_scoped3A_175, %dma_start3A_203] : memref<2x80xf32, #tpu.memory_space<vmem>> -> memref<1x64xf32, #tpu.memory_space<vmem>>
          %dma_start3A_205 = tpu.memref_squeeze %dma_start3A_204 : memref<1x64xf32, #tpu.memory_space<vmem>> -> memref<64xf32, #tpu.memory_space<vmem>>
          %dma_start3A_206 = tpu.memref_slice %arg4[%run_scoped3A_174, %add3A_163] : memref<3x32768xf32, #tpu.memory_space<hbm>> -> memref<1x64xf32, #tpu.memory_space<hbm>>
          %dma_start3A_207 = tpu.memref_squeeze %dma_start3A_206 : memref<1x64xf32, #tpu.memory_space<hbm>> -> memref<64xf32, #tpu.memory_space<hbm>>
          tpu.enqueue_dma source(%dma_start3A_207 : memref<64xf32, #tpu.memory_space<hbm>>) target(%dma_start3A_205 : memref<64xf32, #tpu.memory_space<vmem>>) target_semaphore(%run_scoped3A_197 : memref<!tpu.dma_semaphore, #tpu.memory_space<semaphore_mem>>)
          %dma_wait3A_208 = arith.constant 0 : i32
          %dma_wait3A_209 = tpu.memref_slice %arg11[%run_scoped3A_175, %dma_wait3A_208] : memref<2x80xf32, #tpu.memory_space<vmem>> -> memref<1x64xf32, #tpu.memory_space<vmem>>
          %dma_wait3A_210 = tpu.memref_squeeze %dma_wait3A_209 : memref<1x64xf32, #tpu.memory_space<vmem>> -> memref<64xf32, #tpu.memory_space<vmem>>
          %dma_wait3A_211 = tpu.memref_slice %arg4[%run_scoped3A_174, %add3A_163] : memref<3x32768xf32, #tpu.memory_space<hbm>> -> memref<1x64xf32, #tpu.memory_space<hbm>>
          %dma_wait3A_212 = tpu.memref_squeeze %dma_wait3A_211 : memref<1x64xf32, #tpu.memory_space<hbm>> -> memref<64xf32, #tpu.memory_space<hbm>>
          %dma_wait3A_213 = arith.constant 0 : i32
          %dma_wait3A_214 = tpu.memref_slice %arg11[%run_scoped3A_175, %dma_wait3A_213] : memref<2x80xf32, #tpu.memory_space<vmem>> -> memref<1x64xf32, #tpu.memory_space<vmem>>
          %dma_wait3A_215 = tpu.memref_squeeze %dma_wait3A_214 : memref<1x64xf32, #tpu.memory_space<vmem>> -> memref<64xf32, #tpu.memory_space<vmem>>
          %dma_wait3A_216 = tpu.memref_slice %arg4[%run_scoped3A_174, %add3A_163] : memref<3x32768xf32, #tpu.memory_space<hbm>> -> memref<1x64xf32, #tpu.memory_space<hbm>>
          %dma_wait3A_217 = tpu.memref_squeeze %dma_wait3A_216 : memref<1x64xf32, #tpu.memory_space<hbm>> -> memref<64xf32, #tpu.memory_space<hbm>>
          tpu.wait_dma2 semaphore(%run_scoped3A_197 : memref<!tpu.dma_semaphore, #tpu.memory_space<semaphore_mem>>) src(%dma_wait3A_217 : memref<64xf32, #tpu.memory_space<hbm>>) dst(%dma_wait3A_215 : memref<64xf32, #tpu.memory_space<vmem>>)
          tpu.yield
        }) : () -> ()
        %dma_start3A_176 = arith.constant 1 : i32
        %dma_start3A_177 = arith.constant 0 : i32
        %dma_start3A_178 = tpu.memref_slice %arg6[%dma_start3A_176, %dma_start3A_177] : memref<2x64xi32, #tpu.memory_space<vmem>> -> memref<1x64xi32, #tpu.memory_space<vmem>>
        %dma_start3A_179 = tpu.memref_squeeze %dma_start3A_178 : memref<1x64xi32, #tpu.memory_space<vmem>> -> memref<64xi32, #tpu.memory_space<vmem>>
        %dma_start3A_180 = arith.constant 0 : i32
        %dma_start3A_181 = arith.constant 0 : i32
        %dma_start3A_182 = tpu.memref_slice %arg2[%dma_start3A_180, %dma_start3A_181] : memref<8192x256xf32, #tpu.memory_space<hbm>> -> memref<8192x256xf32, #tpu.memory_space<hbm>>
        tpu.enqueue_indirect_dma source(%dma_start3A_182 : memref<8192x256xf32, #tpu.memory_space<hbm>>) target(%arg15 : memref<64x256xf32, #tpu.memory_space<vmem>>) offsets(%dma_start3A_179 : memref<64xi32, #tpu.memory_space<vmem>>) semaphore(%arg19 : memref<!tpu.dma_semaphore, #tpu.memory_space<semaphore_mem>>)
        %dma_start3A_183 = arith.constant 1 : i32
        %dma_start3A_184 = arith.constant 0 : i32
        %dma_start3A_185 = tpu.memref_slice %arg7[%dma_start3A_183, %dma_start3A_184] : memref<2x64xi32, #tpu.memory_space<vmem>> -> memref<1x64xi32, #tpu.memory_space<vmem>>
        %dma_start3A_186 = tpu.memref_squeeze %dma_start3A_185 : memref<1x64xi32, #tpu.memory_space<vmem>> -> memref<64xi32, #tpu.memory_space<vmem>>
        %dma_start3A_187 = arith.constant 0 : i32
        %dma_start3A_188 = arith.constant 0 : i32
        %dma_start3A_189 = tpu.memref_slice %arg2[%dma_start3A_187, %dma_start3A_188] : memref<8192x256xf32, #tpu.memory_space<hbm>> -> memref<8192x256xf32, #tpu.memory_space<hbm>>
        tpu.enqueue_indirect_dma source(%dma_start3A_189 : memref<8192x256xf32, #tpu.memory_space<hbm>>) target(%arg16 : memref<64x256xf32, #tpu.memory_space<vmem>>) offsets(%dma_start3A_186 : memref<64xi32, #tpu.memory_space<vmem>>) semaphore(%arg19 : memref<!tpu.dma_semaphore, #tpu.memory_space<semaphore_mem>>)
        %dma_start3A_190 = arith.constant 1 : i32
        %dma_start3A_191 = arith.constant 0 : i32
        %dma_start3A_192 = tpu.memref_slice %arg8[%dma_start3A_190, %dma_start3A_191] : memref<2x64xi32, #tpu.memory_space<vmem>> -> memref<1x64xi32, #tpu.memory_space<vmem>>
        %dma_start3A_193 = tpu.memref_squeeze %dma_start3A_192 : memref<1x64xi32, #tpu.memory_space<vmem>> -> memref<64xi32, #tpu.memory_space<vmem>>
        %dma_start3A_194 = arith.constant 0 : i32
        %dma_start3A_195 = arith.constant 0 : i32
        %dma_start3A_196 = tpu.memref_slice %arg2[%dma_start3A_194, %dma_start3A_195] : memref<8192x256xf32, #tpu.memory_space<hbm>> -> memref<8192x256xf32, #tpu.memory_space<hbm>>
        tpu.enqueue_indirect_dma source(%dma_start3A_196 : memref<8192x256xf32, #tpu.memory_space<hbm>>) target(%arg17 : memref<64x256xf32, #tpu.memory_space<vmem>>) offsets(%dma_start3A_193 : memref<64xi32, #tpu.memory_space<vmem>>) semaphore(%arg19 : memref<!tpu.dma_semaphore, #tpu.memory_space<semaphore_mem>>)
      } else {
      }
    }
    %scan3A_75 = arith.constant 8 : i32
    return
  }
}

module attributes {stable_mosaic.version = 14 : i64} {
  func.func @_p1a_body(%arg0: i32, %arg1: i32, %arg2: memref<1x3x1024xf32, #tpu.memory_space<vmem>>, %arg3: memref<1x1024x3xf32, #tpu.memory_space<vmem>>, %arg4: memref<3x1024xi32, #tpu.memory_space<vmem>>, %arg5: memref<3x1024xf32, #tpu.memory_space<vmem>>) attributes {dimension_semantics = [#tpu.dimension_semantics<arbitrary>, #tpu.dimension_semantics<arbitrary>], iteration_bounds = array<i64: 8, 4>, scalar_prefetch = 0 : i64, scratch_operands = 0 : i64, tpu.core_type = #tpu.core_type<tc>, window_params = [{transform_indices = @transform_0, window_bounds = array<i64: 1, 3, 1024>}, {transform_indices = @transform_1, window_bounds = array<i64: 1, 1024, 3>}, {transform_indices = @transform_2, window_bounds = array<i64: 3, 1024>}, {transform_indices = @transform_3, window_bounds = array<i64: 3, 1024>}]} {
    %get3A = arith.constant 0 : index
    %get3A_0 = arith.constant 0 : index
    %get3A_1 = arith.constant 0 : index
    %get3A_2 = vector.load %arg2[%get3A, %get3A_0, %get3A_1] : memref<1x3x1024xf32, #tpu.memory_space<vmem>>, vector<1x3x1024xf32>
    %get3A_3 = vector.shape_cast %get3A_2 : vector<1x3x1024xf32> to vector<3x1024xf32>
    %get3A_4 = arith.constant 0 : index
    %get3A_5 = arith.constant 0 : index
    %get3A_6 = arith.constant 0 : index
    %get3A_7 = vector.load %arg3[%get3A_4, %get3A_5, %get3A_6] : memref<1x1024x3xf32, #tpu.memory_space<vmem>>, vector<1x1024x3xf32>
    %get3A_8 = vector.shape_cast %get3A_7 : vector<1x1024x3xf32> to vector<1024x3xf32>
    %slice3A = vector.extract_strided_slice %get3A_8 {offsets = [0, 0], sizes = [1024, 1], strides = [1, 1]} : vector<1024x3xf32> to vector<1024x1xf32>
    %slice3A_9 = vector.extract_strided_slice %get3A_3 {offsets = [0, 0], sizes = [1, 1024], strides = [1, 1]} : vector<3x1024xf32> to vector<1x1024xf32>
    %sub3A = vector.broadcast %slice3A : vector<1024x1xf32> to vector<1024x1024xf32>
    %sub3A_10 = vector.broadcast %slice3A_9 : vector<1x1024xf32> to vector<1024x1024xf32>
    %sub3A_11 = arith.subf %sub3A, %sub3A_10 : vector<1024x1024xf32>
    %slice3A_12 = vector.extract_strided_slice %get3A_8 {offsets = [0, 1], sizes = [1024, 1], strides = [1, 1]} : vector<1024x3xf32> to vector<1024x1xf32>
    %slice3A_13 = vector.extract_strided_slice %get3A_3 {offsets = [1, 0], sizes = [1, 1024], strides = [1, 1]} : vector<3x1024xf32> to vector<1x1024xf32>
    %sub3A_14 = vector.broadcast %slice3A_12 : vector<1024x1xf32> to vector<1024x1024xf32>
    %sub3A_15 = vector.broadcast %slice3A_13 : vector<1x1024xf32> to vector<1024x1024xf32>
    %sub3A_16 = arith.subf %sub3A_14, %sub3A_15 : vector<1024x1024xf32>
    %slice3A_17 = vector.extract_strided_slice %get3A_8 {offsets = [0, 2], sizes = [1024, 1], strides = [1, 1]} : vector<1024x3xf32> to vector<1024x1xf32>
    %slice3A_18 = vector.extract_strided_slice %get3A_3 {offsets = [2, 0], sizes = [1, 1024], strides = [1, 1]} : vector<3x1024xf32> to vector<1x1024xf32>
    %sub3A_19 = vector.broadcast %slice3A_17 : vector<1024x1xf32> to vector<1024x1024xf32>
    %sub3A_20 = vector.broadcast %slice3A_18 : vector<1x1024xf32> to vector<1024x1024xf32>
    %sub3A_21 = arith.subf %sub3A_19, %sub3A_20 : vector<1024x1024xf32>
    %mul3A = arith.mulf %sub3A_11, %sub3A_11 : vector<1024x1024xf32>
    %mul3A_22 = arith.mulf %sub3A_16, %sub3A_16 : vector<1024x1024xf32>
    %add3A = arith.addf %mul3A, %mul3A_22 : vector<1024x1024xf32>
    %mul3A_23 = arith.mulf %sub3A_21, %sub3A_21 : vector<1024x1024xf32>
    %add3A_24 = arith.addf %add3A, %mul3A_23 : vector<1024x1024xf32>
    %iota3A = tpu.iota {dimensions = array<i32: 0>} : vector<1024x1024xi32>
    %bitcast_convert_type3A = tpu.bitcast %add3A_24 : vector<1024x1024xf32> -> vector<1024x1024xi32>
    %and3A = arith.constant -1024 : i32
    %and3A_25 = vector.broadcast %and3A : i32 to vector<1024x1024xi32>
    %and3A_26 = arith.andi %bitcast_convert_type3A, %and3A_25 : vector<1024x1024xi32>
    %or3A = arith.ori %and3A_26, %iota3A : vector<1024x1024xi32>
    %reduce_min3A = arith.constant dense<2147483647> : vector<1024xi32>
    %reduce_min3A_27 = vector.multi_reduction <minsi>, %or3A, %reduce_min3A [0] : vector<1024x1024xi32> to vector<1024xi32>
    %broadcast_in_dim3A = vector.shape_cast %reduce_min3A_27 : vector<1024xi32> to vector<1x1024xi32>
    %and3A_28 = arith.constant 1023 : i32
    %and3A_29 = vector.broadcast %and3A_28 : i32 to vector<1x1024xi32>
    %and3A_30 = arith.andi %broadcast_in_dim3A, %and3A_29 : vector<1x1024xi32>
    %and3A_31 = arith.constant -1024 : i32
    %and3A_32 = vector.broadcast %and3A_31 : i32 to vector<1x1024xi32>
    %and3A_33 = arith.andi %broadcast_in_dim3A, %and3A_32 : vector<1x1024xi32>
    %bitcast_convert_type3A_34 = tpu.bitcast %and3A_33 : vector<1x1024xi32> -> vector<1x1024xf32>
    %eq3A = vector.broadcast %broadcast_in_dim3A : vector<1x1024xi32> to vector<1024x1024xi32>
    %eq3A_35 = arith.cmpi eq, %or3A, %eq3A : vector<1024x1024xi32>
    %jit3A = arith.constant 2147483647 : i32
    %broadcast_in_dim3A_36 = vector.broadcast %jit3A : i32 to vector<1024x1024xi32>
    %select_n3A = arith.select %eq3A_35, %broadcast_in_dim3A_36, %or3A : vector<1024x1024xi1>, vector<1024x1024xi32>
    %reduce_min3A_37 = arith.constant dense<2147483647> : vector<1024xi32>
    %reduce_min3A_38 = vector.multi_reduction <minsi>, %select_n3A, %reduce_min3A_37 [0] : vector<1024x1024xi32> to vector<1024xi32>
    %broadcast_in_dim3A_39 = vector.shape_cast %reduce_min3A_38 : vector<1024xi32> to vector<1x1024xi32>
    %and3A_40 = arith.constant 1023 : i32
    %and3A_41 = vector.broadcast %and3A_40 : i32 to vector<1x1024xi32>
    %and3A_42 = arith.andi %broadcast_in_dim3A_39, %and3A_41 : vector<1x1024xi32>
    %and3A_43 = arith.constant -1024 : i32
    %and3A_44 = vector.broadcast %and3A_43 : i32 to vector<1x1024xi32>
    %and3A_45 = arith.andi %broadcast_in_dim3A_39, %and3A_44 : vector<1x1024xi32>
    %bitcast_convert_type3A_46 = tpu.bitcast %and3A_45 : vector<1x1024xi32> -> vector<1x1024xf32>
    %eq3A_47 = vector.broadcast %broadcast_in_dim3A_39 : vector<1x1024xi32> to vector<1024x1024xi32>
    %eq3A_48 = arith.cmpi eq, %select_n3A, %eq3A_47 : vector<1024x1024xi32>
    %jit3A_49 = arith.constant 2147483647 : i32
    %broadcast_in_dim3A_50 = vector.broadcast %jit3A_49 : i32 to vector<1024x1024xi32>
    %select_n3A_51 = arith.select %eq3A_48, %broadcast_in_dim3A_50, %select_n3A : vector<1024x1024xi1>, vector<1024x1024xi32>
    %reduce_min3A_52 = arith.constant dense<2147483647> : vector<1024xi32>
    %reduce_min3A_53 = vector.multi_reduction <minsi>, %select_n3A_51, %reduce_min3A_52 [0] : vector<1024x1024xi32> to vector<1024xi32>
    %broadcast_in_dim3A_54 = vector.shape_cast %reduce_min3A_53 : vector<1024xi32> to vector<1x1024xi32>
    %and3A_55 = arith.constant 1023 : i32
    %and3A_56 = vector.broadcast %and3A_55 : i32 to vector<1x1024xi32>
    %and3A_57 = arith.andi %broadcast_in_dim3A_54, %and3A_56 : vector<1x1024xi32>
    %and3A_58 = arith.constant -1024 : i32
    %and3A_59 = vector.broadcast %and3A_58 : i32 to vector<1x1024xi32>
    %and3A_60 = arith.andi %broadcast_in_dim3A_54, %and3A_59 : vector<1x1024xi32>
    %bitcast_convert_type3A_61 = tpu.bitcast %and3A_60 : vector<1x1024xi32> -> vector<1x1024xf32>
    %add3A_62 = arith.constant 9.99999993E-9 : f32
    %add3A_63 = vector.broadcast %add3A_62 : f32 to vector<1x1024xf32>
    %add3A_64 = arith.addf %bitcast_convert_type3A_34, %add3A_63 : vector<1x1024xf32>
    %div3A = arith.constant 1.000000e+00 : f32
    %div3A_65 = vector.broadcast %div3A : f32 to vector<1x1024xf32>
    %div3A_66 = arith.divf %div3A_65, %add3A_64 : vector<1x1024xf32>
    %add3A_67 = arith.constant 9.99999993E-9 : f32
    %add3A_68 = vector.broadcast %add3A_67 : f32 to vector<1x1024xf32>
    %add3A_69 = arith.addf %bitcast_convert_type3A_46, %add3A_68 : vector<1x1024xf32>
    %div3A_70 = arith.constant 1.000000e+00 : f32
    %div3A_71 = vector.broadcast %div3A_70 : f32 to vector<1x1024xf32>
    %div3A_72 = arith.divf %div3A_71, %add3A_69 : vector<1x1024xf32>
    %add3A_73 = arith.constant 9.99999993E-9 : f32
    %add3A_74 = vector.broadcast %add3A_73 : f32 to vector<1x1024xf32>
    %add3A_75 = arith.addf %bitcast_convert_type3A_61, %add3A_74 : vector<1x1024xf32>
    %div3A_76 = arith.constant 1.000000e+00 : f32
    %div3A_77 = vector.broadcast %div3A_76 : f32 to vector<1x1024xf32>
    %div3A_78 = arith.divf %div3A_77, %add3A_75 : vector<1x1024xf32>
    %add3A_79 = arith.addf %div3A_66, %div3A_72 : vector<1x1024xf32>
    %add3A_80 = arith.addf %add3A_79, %div3A_78 : vector<1x1024xf32>
    %concatenate3A = tpu.concatenate %and3A_30, %and3A_42, %and3A_57 in 0 : vector<1x1024xi32>, vector<1x1024xi32>, vector<1x1024xi32> -> vector<3x1024xi32>
    %mul3A_81 = arith.constant 1024 : i32
    %mul3A_82 = arith.muli %arg0, %mul3A_81 : i32
    %add3A_83 = vector.broadcast %mul3A_82 : i32 to vector<3x1024xi32>
    %add3A_84 = arith.addi %concatenate3A, %add3A_83 : vector<3x1024xi32>
    %swap3A = arith.constant 0 : index
    %swap3A_85 = arith.constant 0 : index
    %swap3A_86 = vector.load %arg4[%swap3A, %swap3A_85] : memref<3x1024xi32, #tpu.memory_space<vmem>>, vector<3x1024xi32>
    tpu.vector_store %arg4[%swap3A, %swap3A_85], %add3A_84 {strides = array<i32>} : memref<3x1024xi32, #tpu.memory_space<vmem>>, vector<3x1024xi32>,
    %div3A_87 = arith.divf %div3A_66, %add3A_80 : vector<1x1024xf32>
    %div3A_88 = arith.divf %div3A_72, %add3A_80 : vector<1x1024xf32>
    %div3A_89 = arith.divf %div3A_78, %add3A_80 : vector<1x1024xf32>
    %concatenate3A_90 = tpu.concatenate %div3A_87, %div3A_88, %div3A_89 in 0 : vector<1x1024xf32>, vector<1x1024xf32>, vector<1x1024xf32> -> vector<3x1024xf32>
    %swap3A_91 = arith.constant 0 : index
    %swap3A_92 = arith.constant 0 : index
    %swap3A_93 = vector.load %arg5[%swap3A_91, %swap3A_92] : memref<3x1024xf32, #tpu.memory_space<vmem>>, vector<3x1024xf32>
    tpu.vector_store %arg5[%swap3A_91, %swap3A_92], %concatenate3A_90 {strides = array<i32>} : memref<3x1024xf32, #tpu.memory_space<vmem>>, vector<3x1024xf32>,
    return
  }
  func.func @transform_0(%arg0: i32, %arg1: i32) -> (i32, i32, i32) {
    %c0_i32 = arith.constant 0 : i32
    %c0_i32_0 = arith.constant 0 : i32
    return %arg0, %c0_i32, %arg1 : i32, i32, i32
  }
  func.func @transform_1(%arg0: i32, %arg1: i32) -> (i32, i32, i32) {
    %c0_i32 = arith.constant 0 : i32
    %c0_i32_0 = arith.constant 0 : i32
    %c0_i32_1 = arith.constant 0 : i32
    return %arg0, %c0_i32, %c0_i32_0 : i32, i32, i32
  }
  func.func @transform_2(%arg0: i32, %arg1: i32) -> (i32, i32) {
    %mul3A = arith.constant 4 : i32
    %mul3A_0 = arith.muli %arg0, %mul3A : i32
    %add3A = arith.addi %mul3A_0, %arg1 : i32
    %c0_i32 = arith.constant 0 : i32
    %c0_i32_1 = arith.constant 0 : i32
    return %c0_i32, %add3A : i32, i32
  }
  func.func @transform_3(%arg0: i32, %arg1: i32) -> (i32, i32) {
    %mul3A = arith.constant 4 : i32
    %mul3A_0 = arith.muli %arg0, %mul3A : i32
    %add3A = arith.addi %mul3A_0, %arg1 : i32
    %c0_i32 = arith.constant 0 : i32
    %c0_i32_1 = arith.constant 0 : i32
    return %c0_i32, %add3A : i32, i32
  }
}

module attributes {stable_mosaic.version = 14 : i64} {
  func.func @_p0_body(%arg0: i32, %arg1: i32, %arg2: memref<1x128x4096xf32, #tpu.memory_space<vmem>>, %arg3: memref<256x128xf32, #tpu.memory_space<vmem>>, %arg4: memref<256x1xf32, #tpu.memory_space<vmem>>, %arg5: memref<256x1xf32, #tpu.memory_space<vmem>>, %arg6: memref<256x1xf32, #tpu.memory_space<vmem>>, %arg7: memref<256x128xf32, #tpu.memory_space<vmem>>, %arg8: memref<256x1xf32, #tpu.memory_space<vmem>>, %arg9: memref<128x1xf32, #tpu.memory_space<vmem>>, %arg10: memref<128x128xf32, #tpu.memory_space<vmem>>) attributes {dimension_semantics = [#tpu.dimension_semantics<arbitrary>, #tpu.dimension_semantics<arbitrary>], iteration_bounds = array<i64: 8, 1>, scalar_prefetch = 0 : i64, scratch_operands = 2 : i64, tpu.core_type = #tpu.core_type<tc>, window_params = [{transform_indices = @transform_0, window_bounds = array<i64: 1, 128, 4096>}, {pipeline_mode = #tpu.pipeline_mode<synchronous>, transform_indices = @transform_1, window_bounds = array<i64: 256, 128>}, {pipeline_mode = #tpu.pipeline_mode<synchronous>, transform_indices = @transform_2, window_bounds = array<i64: 256, 1>}, {pipeline_mode = #tpu.pipeline_mode<synchronous>, transform_indices = @transform_3, window_bounds = array<i64: 256, 1>}, {pipeline_mode = #tpu.pipeline_mode<synchronous>, transform_indices = @transform_4, window_bounds = array<i64: 256, 1>}, {pipeline_mode = #tpu.pipeline_mode<synchronous>, transform_indices = @transform_5, window_bounds = array<i64: 256, 128>}, {pipeline_mode = #tpu.pipeline_mode<synchronous>, transform_indices = @transform_6, window_bounds = array<i64: 256, 1>}]} {
    %mul3A = arith.constant 1 : i32
    %mul3A_0 = arith.muli %arg0, %mul3A : i32
    %add3A = arith.addi %mul3A_0, %arg1 : i32
    %get3A = arith.constant 0 : index
    %get3A_1 = arith.constant 0 : index
    %get3A_2 = arith.constant 0 : index
    %get3A_3 = vector.load %arg2[%get3A, %get3A_1, %get3A_2] : memref<1x128x4096xf32, #tpu.memory_space<vmem>>, vector<1x128x4096xf32>
    %get3A_4 = vector.shape_cast %get3A_3 : vector<1x128x4096xf32> to vector<128x4096xf32>
    %eq3A = arith.constant 0 : i32
    %eq3A_5 = arith.cmpi eq, %add3A, %eq3A : i32
    %convert_element_type3A = arith.extui %eq3A_5 : i1 to i32
    %cond3A = arith.constant 0 : i32
    %cond3A_6 = arith.cmpi ne, %convert_element_type3A, %cond3A : i32
    scf.if %cond3A_6 {
      %broadcast_in_dim3A_27 = arith.constant 0.000000e+00 : f32
      %broadcast_in_dim3A_28 = vector.broadcast %broadcast_in_dim3A_27 : f32 to vector<128x1xf32>
      %swap3A_29 = arith.constant 0 : index
      %swap3A_30 = arith.constant 0 : index
      %swap3A_31 = vector.load %arg9[%swap3A_29, %swap3A_30] : memref<128x1xf32, #tpu.memory_space<vmem>>, vector<128x1xf32>
      tpu.vector_store %arg9[%swap3A_29, %swap3A_30], %broadcast_in_dim3A_28 {strides = array<i32>} : memref<128x1xf32, #tpu.memory_space<vmem>>, vector<128x1xf32>,
      %broadcast_in_dim3A_32 = arith.constant 0.000000e+00 : f32
      %broadcast_in_dim3A_33 = vector.broadcast %broadcast_in_dim3A_32 : f32 to vector<128x128xf32>
      %swap3A_34 = arith.constant 0 : index
      %swap3A_35 = arith.constant 0 : index
      %swap3A_36 = vector.load %arg10[%swap3A_34, %swap3A_35] : memref<128x128xf32, #tpu.memory_space<vmem>>, vector<128x128xf32>
      tpu.vector_store %arg10[%swap3A_34, %swap3A_35], %broadcast_in_dim3A_33 {strides = array<i32>} : memref<128x128xf32, #tpu.memory_space<vmem>>, vector<128x128xf32>,
    } else {
    }
    %get3A_7 = arith.constant 0 : index
    %get3A_8 = arith.constant 0 : index
    %get3A_9 = vector.load %arg9[%get3A_7, %get3A_8] : memref<128x1xf32, #tpu.memory_space<vmem>>, vector<128x1xf32>
    %reduce_sum3A = arith.constant dense<0.000000e+00> : vector<128xf32>
    %reduce_sum3A_10 = vector.multi_reduction <add>, %get3A_4, %reduce_sum3A [1] : vector<128x4096xf32> to vector<128xf32>
    %broadcast_in_dim3A = vector.shape_cast %reduce_sum3A_10 : vector<128xf32> to vector<128x1xf32>
    %add3A_11 = arith.addf %get3A_9, %broadcast_in_dim3A : vector<128x1xf32>
    %swap3A = arith.constant 0 : index
    %swap3A_12 = arith.constant 0 : index
    %swap3A_13 = vector.load %arg9[%swap3A, %swap3A_12] : memref<128x1xf32, #tpu.memory_space<vmem>>, vector<128x1xf32>
    tpu.vector_store %arg9[%swap3A, %swap3A_12], %add3A_11 {strides = array<i32>} : memref<128x1xf32, #tpu.memory_space<vmem>>, vector<128x1xf32>,
    %get3A_14 = arith.constant 0 : index
    %get3A_15 = arith.constant 0 : index
    %get3A_16 = vector.load %arg10[%get3A_14, %get3A_15] : memref<128x128xf32, #tpu.memory_space<vmem>>, vector<128x128xf32>
    %dot_general3A = arith.constant dense<0.000000e+00> : vector<128x128xf32>
    %dot_general3A_17 = tpu.matmul %get3A_4, %get3A_4, %dot_general3A {dimension_numbers = #tpu.dot_dimension_numbers<[1], [1], [0], [0], [0, 0, 1, 0], [], []>, transpose_lhs_hint = false} : vector<128x4096xf32>, vector<128x4096xf32>, vector<128x128xf32> -> vector<128x128xf32>
    %add3A_18 = arith.addf %get3A_16, %dot_general3A_17 : vector<128x128xf32>
    %swap3A_19 = arith.constant 0 : index
    %swap3A_20 = arith.constant 0 : index
    %swap3A_21 = vector.load %arg10[%swap3A_19, %swap3A_20] : memref<128x128xf32, #tpu.memory_space<vmem>>, vector<128x128xf32>
    tpu.vector_store %arg10[%swap3A_19, %swap3A_20], %add3A_18 {strides = array<i32>} : memref<128x128xf32, #tpu.memory_space<vmem>>, vector<128x128xf32>,
    %eq3A_22 = arith.constant 7 : i32
    %eq3A_23 = arith.cmpi eq, %add3A, %eq3A_22 : i32
    %convert_element_type3A_24 = arith.extui %eq3A_23 : i1 to i32
    %cond3A_25 = arith.constant 0 : i32
    %cond3A_26 = arith.cmpi ne, %convert_element_type3A_24, %cond3A_25 : i32
    scf.if %cond3A_26 {
      %get3A_27 = arith.constant 0 : index
      %get3A_28 = arith.constant 0 : index
      %get3A_29 = vector.load %arg3[%get3A_27, %get3A_28] : memref<256x128xf32, #tpu.memory_space<vmem>>, vector<256x128xf32>
      %get3A_30 = arith.constant 0 : index
      %get3A_31 = arith.constant 0 : index
      %get3A_32 = vector.load %arg9[%get3A_30, %get3A_31] : memref<128x1xf32, #tpu.memory_space<vmem>>, vector<128x1xf32>
      %div3A = arith.constant 3.276800e+04 : f32
      %div3A_33 = vector.broadcast %div3A : f32 to vector<128x1xf32>
      %div3A_34 = arith.divf %get3A_32, %div3A_33 : vector<128x1xf32>
      %dot_general3A_35 = arith.constant dense<0.000000e+00> : vector<256x1xf32>
      %dot_general3A_36 = tpu.matmul %get3A_29, %div3A_34, %dot_general3A_35 {dimension_numbers = #tpu.dot_dimension_numbers<[1], [0], [0], [1], [0, 0, 1, 1], [], []>, transpose_lhs_hint = false} : vector<256x128xf32>, vector<128x1xf32>, vector<256x1xf32> -> vector<256x1xf32>
      %get3A_37 = arith.constant 0 : index
      %get3A_38 = arith.constant 0 : index
      %get3A_39 = vector.load %arg10[%get3A_37, %get3A_38] : memref<128x128xf32, #tpu.memory_space<vmem>>, vector<128x128xf32>
      %dot_general3A_40 = arith.constant dense<0.000000e+00> : vector<256x128xf32>
      %dot_general3A_41 = tpu.matmul %get3A_29, %get3A_39, %dot_general3A_40 {dimension_numbers = #tpu.dot_dimension_numbers<[1], [0], [0], [1], [0, 0, 1, 1], [], []>, transpose_lhs_hint = false} : vector<256x128xf32>, vector<128x128xf32>, vector<256x128xf32> -> vector<256x128xf32>
      %mul3A_42 = arith.mulf %dot_general3A_41, %get3A_29 : vector<256x128xf32>
      %reduce_sum3A_43 = arith.constant dense<0.000000e+00> : vector<256xf32>
      %reduce_sum3A_44 = vector.multi_reduction <add>, %mul3A_42, %reduce_sum3A_43 [1] : vector<256x128xf32> to vector<256xf32>
      %broadcast_in_dim3A_45 = vector.shape_cast %reduce_sum3A_44 : vector<256xf32> to vector<256x1xf32>
      %div3A_46 = arith.constant 3.276800e+04 : f32
      %div3A_47 = vector.broadcast %div3A_46 : f32 to vector<256x1xf32>
      %div3A_48 = arith.divf %broadcast_in_dim3A_45, %div3A_47 : vector<256x1xf32>
      %mul3A_49 = arith.mulf %dot_general3A_36, %dot_general3A_36 : vector<256x1xf32>
      %sub3A = arith.subf %div3A_48, %mul3A_49 : vector<256x1xf32>
      %get3A_50 = arith.constant 0 : index
      %get3A_51 = arith.constant 0 : index
      %get3A_52 = vector.load %arg5[%get3A_50, %get3A_51] : memref<256x1xf32, #tpu.memory_space<vmem>>, vector<256x1xf32>
      %add3A_53 = arith.constant 9.99999974E-6 : f32
      %add3A_54 = vector.broadcast %add3A_53 : f32 to vector<256x1xf32>
      %add3A_55 = arith.addf %sub3A, %add3A_54 : vector<256x1xf32>
      %rsqrt3A = math.rsqrt %add3A_55 : vector<256x1xf32>
      %mul3A_56 = arith.mulf %get3A_52, %rsqrt3A : vector<256x1xf32>
      %mul3A_57 = vector.broadcast %mul3A_56 : vector<256x1xf32> to vector<256x128xf32>
      %mul3A_58 = arith.mulf %get3A_29, %mul3A_57 : vector<256x128xf32>
      %swap3A_59 = arith.constant 0 : index
      %swap3A_60 = arith.constant 0 : index
      %swap3A_61 = vector.load %arg7[%swap3A_59, %swap3A_60] : memref<256x128xf32, #tpu.memory_space<vmem>>, vector<256x128xf32>
      tpu.vector_store %arg7[%swap3A_59, %swap3A_60], %mul3A_58 {strides = array<i32>} : memref<256x128xf32, #tpu.memory_space<vmem>>, vector<256x128xf32>,
      %get3A_62 = arith.constant 0 : index
      %get3A_63 = arith.constant 0 : index
      %get3A_64 = vector.load %arg6[%get3A_62, %get3A_63] : memref<256x1xf32, #tpu.memory_space<vmem>>, vector<256x1xf32>
      %mul3A_65 = arith.mulf %dot_general3A_36, %mul3A_56 : vector<256x1xf32>
      %sub3A_66 = arith.subf %get3A_64, %mul3A_65 : vector<256x1xf32>
      %swap3A_67 = arith.constant 0 : index
      %swap3A_68 = arith.constant 0 : index
      %swap3A_69 = vector.load %arg8[%swap3A_67, %swap3A_68] : memref<256x1xf32, #tpu.memory_space<vmem>>, vector<256x1xf32>
      tpu.vector_store %arg8[%swap3A_67, %swap3A_68], %sub3A_66 {strides = array<i32>} : memref<256x1xf32, #tpu.memory_space<vmem>>, vector<256x1xf32>,
    } else {
    }
    return
  }
  func.func @transform_0(%arg0: i32, %arg1: i32) -> (i32, i32, i32) {
    %c0_i32 = arith.constant 0 : i32
    %c0_i32_0 = arith.constant 0 : i32
    return %arg0, %c0_i32, %arg1 : i32, i32, i32
  }
  func.func @transform_1(%arg0: i32, %arg1: i32) -> (i32, i32) {
    %c0_i32 = arith.constant 0 : i32
    %c0_i32_0 = arith.constant 0 : i32
    %c0_i32_1 = arith.constant 0 : i32
    return %c0_i32, %c0_i32_0 : i32, i32
  }
  func.func @transform_2(%arg0: i32, %arg1: i32) -> (i32, i32) {
    %c0_i32 = arith.constant 0 : i32
    %c0_i32_0 = arith.constant 0 : i32
    %c0_i32_1 = arith.constant 0 : i32
    return %c0_i32, %c0_i32_0 : i32, i32
  }
  func.func @transform_3(%arg0: i32, %arg1: i32) -> (i32, i32) {
    %c0_i32 = arith.constant 0 : i32
    %c0_i32_0 = arith.constant 0 : i32
    %c0_i32_1 = arith.constant 0 : i32
    return %c0_i32, %c0_i32_0 : i32, i32
  }
  func.func @transform_4(%arg0: i32, %arg1: i32) -> (i32, i32) {
    %c0_i32 = arith.constant 0 : i32
    %c0_i32_0 = arith.constant 0 : i32
    %c0_i32_1 = arith.constant 0 : i32
    return %c0_i32, %c0_i32_0 : i32, i32
  }
  func.func @transform_5(%arg0: i32, %arg1: i32) -> (i32, i32) {
    %c0_i32 = arith.constant 0 : i32
    %c0_i32_0 = arith.constant 0 : i32
    %c0_i32_1 = arith.constant 0 : i32
    return %c0_i32, %c0_i32_0 : i32, i32
  }
  func.func @transform_6(%arg0: i32, %arg1: i32) -> (i32, i32) {
    %c0_i32 = arith.constant 0 : i32
    %c0_i32_0 = arith.constant 0 : i32
    %c0_i32_1 = arith.constant 0 : i32
    return %c0_i32, %c0_i32_0 : i32, i32
  }
}

module attributes {stable_mosaic.version = 14 : i64} {
  func.func @_p1b_body(%arg0: i32, %arg1: i32, %arg2: memref<1024x256xf32, #tpu.memory_space<vmem>>, %arg3: memref<1x128x1024xf32, #tpu.memory_space<vmem>>, %arg4: memref<256x128xf32, #tpu.memory_space<vmem>>, %arg5: memref<256x1xf32, #tpu.memory_space<vmem>>, %arg6: memref<256x256xf32, #tpu.memory_space<vmem>>, %arg7: memref<256x1xf32, #tpu.memory_space<vmem>>, %arg8: memref<256x1xf32, #tpu.memory_space<vmem>>, %arg9: memref<256x1xf32, #tpu.memory_space<vmem>>, %arg10: memref<1x256x1024xf32, #tpu.memory_space<vmem>>, %arg11: memref<256x1xf32, #tpu.memory_space<vmem>>, %arg12: memref<256x1xf32, #tpu.memory_space<vmem>>, %arg13: memref<256x1xf32, #tpu.memory_space<vmem>>, %arg14: memref<256x1xf32, #tpu.memory_space<vmem>>) attributes {dimension_semantics = [#tpu.dimension_semantics<arbitrary>, #tpu.dimension_semantics<arbitrary>], iteration_bounds = array<i64: 8, 4>, scalar_prefetch = 0 : i64, scratch_operands = 2 : i64, tpu.core_type = #tpu.core_type<tc>, window_params = [{transform_indices = @transform_0, window_bounds = array<i64: 1024, 256>}, {transform_indices = @transform_1, window_bounds = array<i64: 1, 128, 1024>}, {pipeline_mode = #tpu.pipeline_mode<synchronous>, transform_indices = @transform_2, window_bounds = array<i64: 256, 128>}, {pipeline_mode = #tpu.pipeline_mode<synchronous>, transform_indices = @transform_3, window_bounds = array<i64: 256, 1>}, {pipeline_mode = #tpu.pipeline_mode<synchronous>, transform_indices = @transform_4, window_bounds = array<i64: 256, 256>}, {pipeline_mode = #tpu.pipeline_mode<synchronous>, transform_indices = @transform_5, window_bounds = array<i64: 256, 1>}, {pipeline_mode = #tpu.pipeline_mode<synchronous>, transform_indices = @transform_6, window_bounds = array<i64: 256, 1>}, {pipeline_mode = #tpu.pipeline_mode<synchronous>, transform_indices = @transform_7, window_bounds = array<i64: 256, 1>}, {transform_indices = @transform_8, window_bounds = array<i64: 1, 256, 1024>}, {pipeline_mode = #tpu.pipeline_mode<synchronous>, transform_indices = @transform_9, window_bounds = array<i64: 256, 1>}, {pipeline_mode = #tpu.pipeline_mode<synchronous>, transform_indices = @transform_10, window_bounds = array<i64: 256, 1>}]} {
    %mul3A = arith.constant 4 : i32
    %mul3A_0 = arith.muli %arg0, %mul3A : i32
    %add3A = arith.addi %mul3A_0, %arg1 : i32
    %get3A = arith.constant 0 : index
    %get3A_1 = arith.constant 0 : index
    %get3A_2 = vector.load %arg2[%get3A, %get3A_1] : memref<1024x256xf32, #tpu.memory_space<vmem>>, vector<1024x256xf32>
    %transpose3A = tpu.transpose %get3A_2, [1, 0] : vector<1024x256xf32> -> vector<256x1024xf32>
    %get3A_3 = arith.constant 0 : index
    %get3A_4 = arith.constant 0 : index
    %get3A_5 = vector.load %arg4[%get3A_3, %get3A_4] : memref<256x128xf32, #tpu.memory_space<vmem>>, vector<256x128xf32>
    %get3A_6 = arith.constant 0 : index
    %get3A_7 = arith.constant 0 : index
    %get3A_8 = arith.constant 0 : index
    %get3A_9 = vector.load %arg3[%get3A_6, %get3A_7, %get3A_8] : memref<1x128x1024xf32, #tpu.memory_space<vmem>>, vector<1x128x1024xf32>
    %get3A_10 = vector.shape_cast %get3A_9 : vector<1x128x1024xf32> to vector<128x1024xf32>
    %dot_general3A = arith.constant dense<0.000000e+00> : vector<256x1024xf32>
    %dot_general3A_11 = tpu.matmul %get3A_5, %get3A_10, %dot_general3A {dimension_numbers = #tpu.dot_dimension_numbers<[1], [0], [0], [1], [0, 0, 1, 1], [], []>, transpose_lhs_hint = false} : vector<256x128xf32>, vector<128x1024xf32>, vector<256x1024xf32> -> vector<256x1024xf32>
    %add3A_12 = arith.addf %transpose3A, %dot_general3A_11 : vector<256x1024xf32>
    %get3A_13 = arith.constant 0 : index
    %get3A_14 = arith.constant 0 : index
    %get3A_15 = vector.load %arg5[%get3A_13, %get3A_14] : memref<256x1xf32, #tpu.memory_space<vmem>>, vector<256x1xf32>
    %add3A_16 = vector.broadcast %get3A_15 : vector<256x1xf32> to vector<256x1024xf32>
    %add3A_17 = arith.addf %add3A_12, %add3A_16 : vector<256x1024xf32>
    %get3A_18 = arith.constant 0 : index
    %get3A_19 = arith.constant 0 : index
    %get3A_20 = vector.load %arg6[%get3A_18, %get3A_19] : memref<256x256xf32, #tpu.memory_space<vmem>>, vector<256x256xf32>
    %dot_general3A_21 = arith.constant dense<0.000000e+00> : vector<256x1024xf32>
    %dot_general3A_22 = tpu.matmul %get3A_20, %add3A_17, %dot_general3A_21 {dimension_numbers = #tpu.dot_dimension_numbers<[1], [0], [0], [1], [0, 0, 1, 1], [], []>, transpose_lhs_hint = false} : vector<256x256xf32>, vector<256x1024xf32>, vector<256x1024xf32> -> vector<256x1024xf32>
    %get3A_23 = arith.constant 0 : index
    %get3A_24 = arith.constant 0 : index
    %get3A_25 = vector.load %arg7[%get3A_23, %get3A_24] : memref<256x1xf32, #tpu.memory_space<vmem>>, vector<256x1xf32>
    %add3A_26 = vector.broadcast %get3A_25 : vector<256x1xf32> to vector<256x1024xf32>
    %add3A_27 = arith.addf %dot_general3A_22, %add3A_26 : vector<256x1024xf32>
    %swap3A = arith.constant 0 : index
    %swap3A_28 = arith.constant 0 : index
    %swap3A_29 = arith.constant 0 : index
    %swap3A_30 = vector.load %arg10[%swap3A, %swap3A_28, %swap3A_29] : memref<1x256x1024xf32, #tpu.memory_space<vmem>>, vector<1x256x1024xf32>
    %swap3A_31 = vector.shape_cast %swap3A_30 : vector<1x256x1024xf32> to vector<256x1024xf32>
    %swap3A_32 = vector.shape_cast %add3A_27 : vector<256x1024xf32> to vector<1x256x1024xf32>
    tpu.vector_store %arg10[%swap3A, %swap3A_28, %swap3A_29], %swap3A_32 {strides = array<i32>} : memref<1x256x1024xf32, #tpu.memory_space<vmem>>, vector<1x256x1024xf32>,
    %eq3A = arith.constant 0 : i32
    %eq3A_33 = arith.cmpi eq, %add3A, %eq3A : i32
    %convert_element_type3A = arith.extui %eq3A_33 : i1 to i32
    %cond3A = arith.constant 0 : i32
    %cond3A_34 = arith.cmpi ne, %convert_element_type3A, %cond3A : i32
    scf.if %cond3A_34 {
      %broadcast_in_dim3A_59 = arith.constant 0.000000e+00 : f32
      %broadcast_in_dim3A_60 = vector.broadcast %broadcast_in_dim3A_59 : f32 to vector<256x1xf32>
      %swap3A_61 = arith.constant 0 : index
      %swap3A_62 = arith.constant 0 : index
      %swap3A_63 = vector.load %arg13[%swap3A_61, %swap3A_62] : memref<256x1xf32, #tpu.memory_space<vmem>>, vector<256x1xf32>
      tpu.vector_store %arg13[%swap3A_61, %swap3A_62], %broadcast_in_dim3A_60 {strides = array<i32>} : memref<256x1xf32, #tpu.memory_space<vmem>>, vector<256x1xf32>,
      %broadcast_in_dim3A_64 = arith.constant 0.000000e+00 : f32
      %broadcast_in_dim3A_65 = vector.broadcast %broadcast_in_dim3A_64 : f32 to vector<256x1xf32>
      %swap3A_66 = arith.constant 0 : index
      %swap3A_67 = arith.constant 0 : index
      %swap3A_68 = vector.load %arg14[%swap3A_66, %swap3A_67] : memref<256x1xf32, #tpu.memory_space<vmem>>, vector<256x1xf32>
      tpu.vector_store %arg14[%swap3A_66, %swap3A_67], %broadcast_in_dim3A_65 {strides = array<i32>} : memref<256x1xf32, #tpu.memory_space<vmem>>, vector<256x1xf32>,
    } else {
    }
    %get3A_35 = arith.constant 0 : index
    %get3A_36 = arith.constant 0 : index
    %get3A_37 = vector.load %arg13[%get3A_35, %get3A_36] : memref<256x1xf32, #tpu.memory_space<vmem>>, vector<256x1xf32>
    %reduce_sum3A = arith.constant dense<0.000000e+00> : vector<256xf32>
    %reduce_sum3A_38 = vector.multi_reduction <add>, %add3A_27, %reduce_sum3A [1] : vector<256x1024xf32> to vector<256xf32>
    %broadcast_in_dim3A = vector.shape_cast %reduce_sum3A_38 : vector<256xf32> to vector<256x1xf32>
    %add3A_39 = arith.addf %get3A_37, %broadcast_in_dim3A : vector<256x1xf32>
    %swap3A_40 = arith.constant 0 : index
    %swap3A_41 = arith.constant 0 : index
    %swap3A_42 = vector.load %arg13[%swap3A_40, %swap3A_41] : memref<256x1xf32, #tpu.memory_space<vmem>>, vector<256x1xf32>
    tpu.vector_store %arg13[%swap3A_40, %swap3A_41], %add3A_39 {strides = array<i32>} : memref<256x1xf32, #tpu.memory_space<vmem>>, vector<256x1xf32>,
    %get3A_43 = arith.constant 0 : index
    %get3A_44 = arith.constant 0 : index
    %get3A_45 = vector.load %arg14[%get3A_43, %get3A_44] : memref<256x1xf32, #tpu.memory_space<vmem>>, vector<256x1xf32>
    %mul3A_46 = arith.mulf %add3A_27, %add3A_27 : vector<256x1024xf32>
    %reduce_sum3A_47 = arith.constant dense<0.000000e+00> : vector<256xf32>
    %reduce_sum3A_48 = vector.multi_reduction <add>, %mul3A_46, %reduce_sum3A_47 [1] : vector<256x1024xf32> to vector<256xf32>
    %broadcast_in_dim3A_49 = vector.shape_cast %reduce_sum3A_48 : vector<256xf32> to vector<256x1xf32>
    %add3A_50 = arith.addf %get3A_45, %broadcast_in_dim3A_49 : vector<256x1xf32>
    %swap3A_51 = arith.constant 0 : index
    %swap3A_52 = arith.constant 0 : index
    %swap3A_53 = vector.load %arg14[%swap3A_51, %swap3A_52] : memref<256x1xf32, #tpu.memory_space<vmem>>, vector<256x1xf32>
    tpu.vector_store %arg14[%swap3A_51, %swap3A_52], %add3A_50 {strides = array<i32>} : memref<256x1xf32, #tpu.memory_space<vmem>>, vector<256x1xf32>,
    %eq3A_54 = arith.constant 31 : i32
    %eq3A_55 = arith.cmpi eq, %add3A, %eq3A_54 : i32
    %convert_element_type3A_56 = arith.extui %eq3A_55 : i1 to i32
    %cond3A_57 = arith.constant 0 : i32
    %cond3A_58 = arith.cmpi ne, %convert_element_type3A_56, %cond3A_57 : i32
    scf.if %cond3A_58 {
      %get3A_59 = arith.constant 0 : index
      %get3A_60 = arith.constant 0 : index
      %get3A_61 = vector.load %arg13[%get3A_59, %get3A_60] : memref<256x1xf32, #tpu.memory_space<vmem>>, vector<256x1xf32>
      %div3A = arith.constant 3.276800e+04 : f32
      %div3A_62 = vector.broadcast %div3A : f32 to vector<256x1xf32>
      %div3A_63 = arith.divf %get3A_61, %div3A_62 : vector<256x1xf32>
      %get3A_64 = arith.constant 0 : index
      %get3A_65 = arith.constant 0 : index
      %get3A_66 = vector.load %arg14[%get3A_64, %get3A_65] : memref<256x1xf32, #tpu.memory_space<vmem>>, vector<256x1xf32>
      %div3A_67 = arith.constant 3.276800e+04 : f32
      %div3A_68 = vector.broadcast %div3A_67 : f32 to vector<256x1xf32>
      %div3A_69 = arith.divf %get3A_66, %div3A_68 : vector<256x1xf32>
      %mul3A_70 = arith.mulf %div3A_63, %div3A_63 : vector<256x1xf32>
      %sub3A = arith.subf %div3A_69, %mul3A_70 : vector<256x1xf32>
      %get3A_71 = arith.constant 0 : index
      %get3A_72 = arith.constant 0 : index
      %get3A_73 = vector.load %arg8[%get3A_71, %get3A_72] : memref<256x1xf32, #tpu.memory_space<vmem>>, vector<256x1xf32>
      %add3A_74 = arith.constant 9.99999974E-6 : f32
      %add3A_75 = vector.broadcast %add3A_74 : f32 to vector<256x1xf32>
      %add3A_76 = arith.addf %sub3A, %add3A_75 : vector<256x1xf32>
      %rsqrt3A = math.rsqrt %add3A_76 : vector<256x1xf32>
      %mul3A_77 = arith.mulf %get3A_73, %rsqrt3A : vector<256x1xf32>
      %swap3A_78 = arith.constant 0 : index
      %swap3A_79 = arith.constant 0 : index
      %swap3A_80 = vector.load %arg11[%swap3A_78, %swap3A_79] : memref<256x1xf32, #tpu.memory_space<vmem>>, vector<256x1xf32>
      tpu.vector_store %arg11[%swap3A_78, %swap3A_79], %mul3A_77 {strides = array<i32>} : memref<256x1xf32, #tpu.memory_space<vmem>>, vector<256x1xf32>,
      %get3A_81 = arith.constant 0 : index
      %get3A_82 = arith.constant 0 : index
      %get3A_83 = vector.load %arg9[%get3A_81, %get3A_82] : memref<256x1xf32, #tpu.memory_space<vmem>>, vector<256x1xf32>
      %mul3A_84 = arith.mulf %div3A_63, %mul3A_77 : vector<256x1xf32>
      %sub3A_85 = arith.subf %get3A_83, %mul3A_84 : vector<256x1xf32>
      %swap3A_86 = arith.constant 0 : index
      %swap3A_87 = arith.constant 0 : index
      %swap3A_88 = vector.load %arg12[%swap3A_86, %swap3A_87] : memref<256x1xf32, #tpu.memory_space<vmem>>, vector<256x1xf32>
      tpu.vector_store %arg12[%swap3A_86, %swap3A_87], %sub3A_85 {strides = array<i32>} : memref<256x1xf32, #tpu.memory_space<vmem>>, vector<256x1xf32>,
    } else {
    }
    return
  }
  func.func @transform_0(%arg0: i32, %arg1: i32) -> (i32, i32) {
    %mul3A = arith.constant 4 : i32
    %mul3A_0 = arith.muli %arg0, %mul3A : i32
    %add3A = arith.addi %mul3A_0, %arg1 : i32
    %c0_i32 = arith.constant 0 : i32
    %c0_i32_1 = arith.constant 0 : i32
    return %add3A, %c0_i32 : i32, i32
  }
  func.func @transform_1(%arg0: i32, %arg1: i32) -> (i32, i32, i32) {
    %c0_i32 = arith.constant 0 : i32
    %c0_i32_0 = arith.constant 0 : i32
    return %arg0, %c0_i32, %arg1 : i32, i32, i32
  }
  func.func @transform_2(%arg0: i32, %arg1: i32) -> (i32, i32) {
    %c0_i32 = arith.constant 0 : i32
    %c0_i32_0 = arith.constant 0 : i32
    %c0_i32_1 = arith.constant 0 : i32
    return %c0_i32, %c0_i32_0 : i32, i32
  }
  func.func @transform_3(%arg0: i32, %arg1: i32) -> (i32, i32) {
    %c0_i32 = arith.constant 0 : i32
    %c0_i32_0 = arith.constant 0 : i32
    %c0_i32_1 = arith.constant 0 : i32
    return %c0_i32, %c0_i32_0 : i32, i32
  }
  func.func @transform_4(%arg0: i32, %arg1: i32) -> (i32, i32) {
    %c0_i32 = arith.constant 0 : i32
    %c0_i32_0 = arith.constant 0 : i32
    %c0_i32_1 = arith.constant 0 : i32
    return %c0_i32, %c0_i32_0 : i32, i32
  }
  func.func @transform_5(%arg0: i32, %arg1: i32) -> (i32, i32) {
    %c0_i32 = arith.constant 0 : i32
    %c0_i32_0 = arith.constant 0 : i32
    %c0_i32_1 = arith.constant 0 : i32
    return %c0_i32, %c0_i32_0 : i32, i32
  }
  func.func @transform_6(%arg0: i32, %arg1: i32) -> (i32, i32) {
    %c0_i32 = arith.constant 0 : i32
    %c0_i32_0 = arith.constant 0 : i32
    %c0_i32_1 = arith.constant 0 : i32
    return %c0_i32, %c0_i32_0 : i32, i32
  }
  func.func @transform_7(%arg0: i32, %arg1: i32) -> (i32, i32) {
    %c0_i32 = arith.constant 0 : i32
    %c0_i32_0 = arith.constant 0 : i32
    %c0_i32_1 = arith.constant 0 : i32
    return %c0_i32, %c0_i32_0 : i32, i32
  }
  func.func @transform_8(%arg0: i32, %arg1: i32) -> (i32, i32, i32) {
    %c0_i32 = arith.constant 0 : i32
    %c0_i32_0 = arith.constant 0 : i32
    return %arg0, %c0_i32, %arg1 : i32, i32, i32
  }
  func.func @transform_9(%arg0: i32, %arg1: i32) -> (i32, i32) {
    %c0_i32 = arith.constant 0 : i32
    %c0_i32_0 = arith.constant 0 : i32
    %c0_i32_1 = arith.constant 0 : i32
    return %c0_i32, %c0_i32_0 : i32, i32
  }
  func.func @transform_10(%arg0: i32, %arg1: i32) -> (i32, i32) {
    %c0_i32 = arith.constant 0 : i32
    %c0_i32_0 = arith.constant 0 : i32
    %c0_i32_1 = arith.constant 0 : i32
    return %c0_i32, %c0_i32_0 : i32, i32
  }
}

module attributes {stable_mosaic.version = 14 : i64} {
  func.func @_p2_body(%arg0: i32, %arg1: i32, %arg2: memref<1x256x4096xf32, #tpu.memory_space<vmem>>, %arg3: memref<256x1xf32, #tpu.memory_space<vmem>>, %arg4: memref<256x1xf32, #tpu.memory_space<vmem>>, %arg5: memref<256x256xf32, #tpu.memory_space<vmem>>, %arg6: memref<256x1xf32, #tpu.memory_space<vmem>>, %arg7: memref<256x1xf32, #tpu.memory_space<vmem>>, %arg8: memref<256x1xf32, #tpu.memory_space<vmem>>, %arg9: memref<1x256x4096xf32, #tpu.memory_space<vmem>>, %arg10: memref<256x1xf32, #tpu.memory_space<vmem>>, %arg11: memref<256x1xf32, #tpu.memory_space<vmem>>, %arg12: memref<256x1xf32, #tpu.memory_space<vmem>>, %arg13: memref<256x1xf32, #tpu.memory_space<vmem>>) attributes {dimension_semantics = [#tpu.dimension_semantics<arbitrary>, #tpu.dimension_semantics<arbitrary>], iteration_bounds = array<i64: 8, 1>, scalar_prefetch = 0 : i64, scratch_operands = 2 : i64, tpu.core_type = #tpu.core_type<tc>, window_params = [{transform_indices = @transform_0, window_bounds = array<i64: 1, 256, 4096>}, {pipeline_mode = #tpu.pipeline_mode<synchronous>, transform_indices = @transform_1, window_bounds = array<i64: 256, 1>}, {pipeline_mode = #tpu.pipeline_mode<synchronous>, transform_indices = @transform_2, window_bounds = array<i64: 256, 1>}, {pipeline_mode = #tpu.pipeline_mode<synchronous>, transform_indices = @transform_3, window_bounds = array<i64: 256, 256>}, {pipeline_mode = #tpu.pipeline_mode<synchronous>, transform_indices = @transform_4, window_bounds = array<i64: 256, 1>}, {pipeline_mode = #tpu.pipeline_mode<synchronous>, transform_indices = @transform_5, window_bounds = array<i64: 256, 1>}, {pipeline_mode = #tpu.pipeline_mode<synchronous>, transform_indices = @transform_6, window_bounds = array<i64: 256, 1>}, {transform_indices = @transform_7, window_bounds = array<i64: 1, 256, 4096>}, {pipeline_mode = #tpu.pipeline_mode<synchronous>, transform_indices = @transform_8, window_bounds = array<i64: 256, 1>}, {pipeline_mode = #tpu.pipeline_mode<synchronous>, transform_indices = @transform_9, window_bounds = array<i64: 256, 1>}]} {
    %mul3A = arith.constant 1 : i32
    %mul3A_0 = arith.muli %arg0, %mul3A : i32
    %add3A = arith.addi %mul3A_0, %arg1 : i32
    %get3A = arith.constant 0 : index
    %get3A_1 = arith.constant 0 : index
    %get3A_2 = arith.constant 0 : index
    %get3A_3 = vector.load %arg2[%get3A, %get3A_1, %get3A_2] : memref<1x256x4096xf32, #tpu.memory_space<vmem>>, vector<1x256x4096xf32>
    %get3A_4 = vector.shape_cast %get3A_3 : vector<1x256x4096xf32> to vector<256x4096xf32>
    %get3A_5 = arith.constant 0 : index
    %get3A_6 = arith.constant 0 : index
    %get3A_7 = vector.load %arg3[%get3A_5, %get3A_6] : memref<256x1xf32, #tpu.memory_space<vmem>>, vector<256x1xf32>
    %mul3A_8 = vector.broadcast %get3A_7 : vector<256x1xf32> to vector<256x4096xf32>
    %mul3A_9 = arith.mulf %get3A_4, %mul3A_8 : vector<256x4096xf32>
    %get3A_10 = arith.constant 0 : index
    %get3A_11 = arith.constant 0 : index
    %get3A_12 = vector.load %arg4[%get3A_10, %get3A_11] : memref<256x1xf32, #tpu.memory_space<vmem>>, vector<256x1xf32>
    %add3A_13 = vector.broadcast %get3A_12 : vector<256x1xf32> to vector<256x4096xf32>
    %add3A_14 = arith.addf %mul3A_9, %add3A_13 : vector<256x4096xf32>
    %max3A = arith.constant 0.000000e+00 : f32
    %max3A_15 = vector.broadcast %max3A : f32 to vector<256x4096xf32>
    %max3A_16 = arith.maximumf %add3A_14, %max3A_15 : vector<256x4096xf32>
    %get3A_17 = arith.constant 0 : index
    %get3A_18 = arith.constant 0 : index
    %get3A_19 = vector.load %arg5[%get3A_17, %get3A_18] : memref<256x256xf32, #tpu.memory_space<vmem>>, vector<256x256xf32>
    %dot_general3A = arith.constant dense<0.000000e+00> : vector<256x4096xf32>
    %dot_general3A_20 = tpu.matmul %get3A_19, %max3A_16, %dot_general3A {dimension_numbers = #tpu.dot_dimension_numbers<[1], [0], [0], [1], [0, 0, 1, 1], [], []>, transpose_lhs_hint = false} : vector<256x256xf32>, vector<256x4096xf32>, vector<256x4096xf32> -> vector<256x4096xf32>
    %get3A_21 = arith.constant 0 : index
    %get3A_22 = arith.constant 0 : index
    %get3A_23 = vector.load %arg6[%get3A_21, %get3A_22] : memref<256x1xf32, #tpu.memory_space<vmem>>, vector<256x1xf32>
    %add3A_24 = vector.broadcast %get3A_23 : vector<256x1xf32> to vector<256x4096xf32>
    %add3A_25 = arith.addf %dot_general3A_20, %add3A_24 : vector<256x4096xf32>
    %swap3A = arith.constant 0 : index
    %swap3A_26 = arith.constant 0 : index
    %swap3A_27 = arith.constant 0 : index
    %swap3A_28 = vector.load %arg9[%swap3A, %swap3A_26, %swap3A_27] : memref<1x256x4096xf32, #tpu.memory_space<vmem>>, vector<1x256x4096xf32>
    %swap3A_29 = vector.shape_cast %swap3A_28 : vector<1x256x4096xf32> to vector<256x4096xf32>
    %swap3A_30 = vector.shape_cast %add3A_25 : vector<256x4096xf32> to vector<1x256x4096xf32>
    tpu.vector_store %arg9[%swap3A, %swap3A_26, %swap3A_27], %swap3A_30 {strides = array<i32>} : memref<1x256x4096xf32, #tpu.memory_space<vmem>>, vector<1x256x4096xf32>,
    %eq3A = arith.constant 0 : i32
    %eq3A_31 = arith.cmpi eq, %add3A, %eq3A : i32
    %convert_element_type3A = arith.extui %eq3A_31 : i1 to i32
    %cond3A = arith.constant 0 : i32
    %cond3A_32 = arith.cmpi ne, %convert_element_type3A, %cond3A : i32
    scf.if %cond3A_32 {
      %broadcast_in_dim3A_57 = arith.constant 0.000000e+00 : f32
      %broadcast_in_dim3A_58 = vector.broadcast %broadcast_in_dim3A_57 : f32 to vector<256x1xf32>
      %swap3A_59 = arith.constant 0 : index
      %swap3A_60 = arith.constant 0 : index
      %swap3A_61 = vector.load %arg12[%swap3A_59, %swap3A_60] : memref<256x1xf32, #tpu.memory_space<vmem>>, vector<256x1xf32>
      tpu.vector_store %arg12[%swap3A_59, %swap3A_60], %broadcast_in_dim3A_58 {strides = array<i32>} : memref<256x1xf32, #tpu.memory_space<vmem>>, vector<256x1xf32>,
      %broadcast_in_dim3A_62 = arith.constant 0.000000e+00 : f32
      %broadcast_in_dim3A_63 = vector.broadcast %broadcast_in_dim3A_62 : f32 to vector<256x1xf32>
      %swap3A_64 = arith.constant 0 : index
      %swap3A_65 = arith.constant 0 : index
      %swap3A_66 = vector.load %arg13[%swap3A_64, %swap3A_65] : memref<256x1xf32, #tpu.memory_space<vmem>>, vector<256x1xf32>
      tpu.vector_store %arg13[%swap3A_64, %swap3A_65], %broadcast_in_dim3A_63 {strides = array<i32>} : memref<256x1xf32, #tpu.memory_space<vmem>>, vector<256x1xf32>,
    } else {
    }
    %get3A_33 = arith.constant 0 : index
    %get3A_34 = arith.constant 0 : index
    %get3A_35 = vector.load %arg12[%get3A_33, %get3A_34] : memref<256x1xf32, #tpu.memory_space<vmem>>, vector<256x1xf32>
    %reduce_sum3A = arith.constant dense<0.000000e+00> : vector<256xf32>
    %reduce_sum3A_36 = vector.multi_reduction <add>, %add3A_25, %reduce_sum3A [1] : vector<256x4096xf32> to vector<256xf32>
    %broadcast_in_dim3A = vector.shape_cast %reduce_sum3A_36 : vector<256xf32> to vector<256x1xf32>
    %add3A_37 = arith.addf %get3A_35, %broadcast_in_dim3A : vector<256x1xf32>
    %swap3A_38 = arith.constant 0 : index
    %swap3A_39 = arith.constant 0 : index
    %swap3A_40 = vector.load %arg12[%swap3A_38, %swap3A_39] : memref<256x1xf32, #tpu.memory_space<vmem>>, vector<256x1xf32>
    tpu.vector_store %arg12[%swap3A_38, %swap3A_39], %add3A_37 {strides = array<i32>} : memref<256x1xf32, #tpu.memory_space<vmem>>, vector<256x1xf32>,
    %get3A_41 = arith.constant 0 : index
    %get3A_42 = arith.constant 0 : index
    %get3A_43 = vector.load %arg13[%get3A_41, %get3A_42] : memref<256x1xf32, #tpu.memory_space<vmem>>, vector<256x1xf32>
    %mul3A_44 = arith.mulf %add3A_25, %add3A_25 : vector<256x4096xf32>
    %reduce_sum3A_45 = arith.constant dense<0.000000e+00> : vector<256xf32>
    %reduce_sum3A_46 = vector.multi_reduction <add>, %mul3A_44, %reduce_sum3A_45 [1] : vector<256x4096xf32> to vector<256xf32>
    %broadcast_in_dim3A_47 = vector.shape_cast %reduce_sum3A_46 : vector<256xf32> to vector<256x1xf32>
    %add3A_48 = arith.addf %get3A_43, %broadcast_in_dim3A_47 : vector<256x1xf32>
    %swap3A_49 = arith.constant 0 : index
    %swap3A_50 = arith.constant 0 : index
    %swap3A_51 = vector.load %arg13[%swap3A_49, %swap3A_50] : memref<256x1xf32, #tpu.memory_space<vmem>>, vector<256x1xf32>
    tpu.vector_store %arg13[%swap3A_49, %swap3A_50], %add3A_48 {strides = array<i32>} : memref<256x1xf32, #tpu.memory_space<vmem>>, vector<256x1xf32>,
    %eq3A_52 = arith.constant 7 : i32
    %eq3A_53 = arith.cmpi eq, %add3A, %eq3A_52 : i32
    %convert_element_type3A_54 = arith.extui %eq3A_53 : i1 to i32
    %cond3A_55 = arith.constant 0 : i32
    %cond3A_56 = arith.cmpi ne, %convert_element_type3A_54, %cond3A_55 : i32
    scf.if %cond3A_56 {
      %get3A_57 = arith.constant 0 : index
      %get3A_58 = arith.constant 0 : index
      %get3A_59 = vector.load %arg12[%get3A_57, %get3A_58] : memref<256x1xf32, #tpu.memory_space<vmem>>, vector<256x1xf32>
      %div3A = arith.constant 3.276800e+04 : f32
      %div3A_60 = vector.broadcast %div3A : f32 to vector<256x1xf32>
      %div3A_61 = arith.divf %get3A_59, %div3A_60 : vector<256x1xf32>
      %get3A_62 = arith.constant 0 : index
      %get3A_63 = arith.constant 0 : index
      %get3A_64 = vector.load %arg13[%get3A_62, %get3A_63] : memref<256x1xf32, #tpu.memory_space<vmem>>, vector<256x1xf32>
      %div3A_65 = arith.constant 3.276800e+04 : f32
      %div3A_66 = vector.broadcast %div3A_65 : f32 to vector<256x1xf32>
      %div3A_67 = arith.divf %get3A_64, %div3A_66 : vector<256x1xf32>
      %mul3A_68 = arith.mulf %div3A_61, %div3A_61 : vector<256x1xf32>
      %sub3A = arith.subf %div3A_67, %mul3A_68 : vector<256x1xf32>
      %get3A_69 = arith.constant 0 : index
      %get3A_70 = arith.constant 0 : index
      %get3A_71 = vector.load %arg7[%get3A_69, %get3A_70] : memref<256x1xf32, #tpu.memory_space<vmem>>, vector<256x1xf32>
      %add3A_72 = arith.constant 9.99999974E-6 : f32
      %add3A_73 = vector.broadcast %add3A_72 : f32 to vector<256x1xf32>
      %add3A_74 = arith.addf %sub3A, %add3A_73 : vector<256x1xf32>
      %rsqrt3A = math.rsqrt %add3A_74 : vector<256x1xf32>
      %mul3A_75 = arith.mulf %get3A_71, %rsqrt3A : vector<256x1xf32>
      %swap3A_76 = arith.constant 0 : index
      %swap3A_77 = arith.constant 0 : index
      %swap3A_78 = vector.load %arg10[%swap3A_76, %swap3A_77] : memref<256x1xf32, #tpu.memory_space<vmem>>, vector<256x1xf32>
      tpu.vector_store %arg10[%swap3A_76, %swap3A_77], %mul3A_75 {strides = array<i32>} : memref<256x1xf32, #tpu.memory_space<vmem>>, vector<256x1xf32>,
      %get3A_79 = arith.constant 0 : index
      %get3A_80 = arith.constant 0 : index
      %get3A_81 = vector.load %arg8[%get3A_79, %get3A_80] : memref<256x1xf32, #tpu.memory_space<vmem>>, vector<256x1xf32>
      %mul3A_82 = arith.mulf %div3A_61, %mul3A_75 : vector<256x1xf32>
      %sub3A_83 = arith.subf %get3A_81, %mul3A_82 : vector<256x1xf32>
      %swap3A_84 = arith.constant 0 : index
      %swap3A_85 = arith.constant 0 : index
      %swap3A_86 = vector.load %arg11[%swap3A_84, %swap3A_85] : memref<256x1xf32, #tpu.memory_space<vmem>>, vector<256x1xf32>
      tpu.vector_store %arg11[%swap3A_84, %swap3A_85], %sub3A_83 {strides = array<i32>} : memref<256x1xf32, #tpu.memory_space<vmem>>, vector<256x1xf32>,
    } else {
    }
    return
  }
  func.func @transform_0(%arg0: i32, %arg1: i32) -> (i32, i32, i32) {
    %c0_i32 = arith.constant 0 : i32
    %c0_i32_0 = arith.constant 0 : i32
    return %arg0, %c0_i32, %arg1 : i32, i32, i32
  }
  func.func @transform_1(%arg0: i32, %arg1: i32) -> (i32, i32) {
    %c0_i32 = arith.constant 0 : i32
    %c0_i32_0 = arith.constant 0 : i32
    %c0_i32_1 = arith.constant 0 : i32
    return %c0_i32, %c0_i32_0 : i32, i32
  }
  func.func @transform_2(%arg0: i32, %arg1: i32) -> (i32, i32) {
    %c0_i32 = arith.constant 0 : i32
    %c0_i32_0 = arith.constant 0 : i32
    %c0_i32_1 = arith.constant 0 : i32
    return %c0_i32, %c0_i32_0 : i32, i32
  }
  func.func @transform_3(%arg0: i32, %arg1: i32) -> (i32, i32) {
    %c0_i32 = arith.constant 0 : i32
    %c0_i32_0 = arith.constant 0 : i32
    %c0_i32_1 = arith.constant 0 : i32
    return %c0_i32, %c0_i32_0 : i32, i32
  }
  func.func @transform_4(%arg0: i32, %arg1: i32) -> (i32, i32) {
    %c0_i32 = arith.constant 0 : i32
    %c0_i32_0 = arith.constant 0 : i32
    %c0_i32_1 = arith.constant 0 : i32
    return %c0_i32, %c0_i32_0 : i32, i32
  }
  func.func @transform_5(%arg0: i32, %arg1: i32) -> (i32, i32) {
    %c0_i32 = arith.constant 0 : i32
    %c0_i32_0 = arith.constant 0 : i32
    %c0_i32_1 = arith.constant 0 : i32
    return %c0_i32, %c0_i32_0 : i32, i32
  }
  func.func @transform_6(%arg0: i32, %arg1: i32) -> (i32, i32) {
    %c0_i32 = arith.constant 0 : i32
    %c0_i32_0 = arith.constant 0 : i32
    %c0_i32_1 = arith.constant 0 : i32
    return %c0_i32, %c0_i32_0 : i32, i32
  }
  func.func @transform_7(%arg0: i32, %arg1: i32) -> (i32, i32, i32) {
    %c0_i32 = arith.constant 0 : i32
    %c0_i32_0 = arith.constant 0 : i32
    return %arg0, %c0_i32, %arg1 : i32, i32, i32
  }
  func.func @transform_8(%arg0: i32, %arg1: i32) -> (i32, i32) {
    %c0_i32 = arith.constant 0 : i32
    %c0_i32_0 = arith.constant 0 : i32
    %c0_i32_1 = arith.constant 0 : i32
    return %c0_i32, %c0_i32_0 : i32, i32
  }
  func.func @transform_9(%arg0: i32, %arg1: i32) -> (i32, i32) {
    %c0_i32 = arith.constant 0 : i32
    %c0_i32_0 = arith.constant 0 : i32
    %c0_i32_1 = arith.constant 0 : i32
    return %c0_i32, %c0_i32_0 : i32, i32
  }
}

module attributes {stable_mosaic.version = 14 : i64} {
  func.func @_p3_body(%arg0: i32, %arg1: i32, %arg2: memref<1x256x4096xf32, #tpu.memory_space<vmem>>, %arg3: memref<256x1xf32, #tpu.memory_space<vmem>>, %arg4: memref<256x1xf32, #tpu.memory_space<vmem>>, %arg5: memref<1x256x4096xf32, #tpu.memory_space<vmem>>) attributes {dimension_semantics = [#tpu.dimension_semantics<arbitrary>, #tpu.dimension_semantics<arbitrary>], iteration_bounds = array<i64: 8, 1>, scalar_prefetch = 0 : i64, scratch_operands = 0 : i64, tpu.core_type = #tpu.core_type<tc>, window_params = [{transform_indices = @transform_0, window_bounds = array<i64: 1, 256, 4096>}, {pipeline_mode = #tpu.pipeline_mode<synchronous>, transform_indices = @transform_1, window_bounds = array<i64: 256, 1>}, {pipeline_mode = #tpu.pipeline_mode<synchronous>, transform_indices = @transform_2, window_bounds = array<i64: 256, 1>}, {transform_indices = @transform_3, window_bounds = array<i64: 1, 256, 4096>}]} {
    %get3A = arith.constant 0 : index
    %get3A_0 = arith.constant 0 : index
    %get3A_1 = arith.constant 0 : index
    %get3A_2 = vector.load %arg2[%get3A, %get3A_0, %get3A_1] : memref<1x256x4096xf32, #tpu.memory_space<vmem>>, vector<1x256x4096xf32>
    %get3A_3 = vector.shape_cast %get3A_2 : vector<1x256x4096xf32> to vector<256x4096xf32>
    %get3A_4 = arith.constant 0 : index
    %get3A_5 = arith.constant 0 : index
    %get3A_6 = vector.load %arg3[%get3A_4, %get3A_5] : memref<256x1xf32, #tpu.memory_space<vmem>>, vector<256x1xf32>
    %mul3A = vector.broadcast %get3A_6 : vector<256x1xf32> to vector<256x4096xf32>
    %mul3A_7 = arith.mulf %get3A_3, %mul3A : vector<256x4096xf32>
    %get3A_8 = arith.constant 0 : index
    %get3A_9 = arith.constant 0 : index
    %get3A_10 = vector.load %arg4[%get3A_8, %get3A_9] : memref<256x1xf32, #tpu.memory_space<vmem>>, vector<256x1xf32>
    %add3A = vector.broadcast %get3A_10 : vector<256x1xf32> to vector<256x4096xf32>
    %add3A_11 = arith.addf %mul3A_7, %add3A : vector<256x4096xf32>
    %max3A = arith.constant 0.000000e+00 : f32
    %max3A_12 = vector.broadcast %max3A : f32 to vector<256x4096xf32>
    %max3A_13 = arith.maximumf %add3A_11, %max3A_12 : vector<256x4096xf32>
    %swap3A = arith.constant 0 : index
    %swap3A_14 = arith.constant 0 : index
    %swap3A_15 = arith.constant 0 : index
    %swap3A_16 = vector.load %arg5[%swap3A, %swap3A_14, %swap3A_15] : memref<1x256x4096xf32, #tpu.memory_space<vmem>>, vector<1x256x4096xf32>
    %swap3A_17 = vector.shape_cast %swap3A_16 : vector<1x256x4096xf32> to vector<256x4096xf32>
    %swap3A_18 = vector.shape_cast %max3A_13 : vector<256x4096xf32> to vector<1x256x4096xf32>
    tpu.vector_store %arg5[%swap3A, %swap3A_14, %swap3A_15], %swap3A_18 {strides = array<i32>} : memref<1x256x4096xf32, #tpu.memory_space<vmem>>, vector<1x256x4096xf32>,
    return
  }
  func.func @transform_0(%arg0: i32, %arg1: i32) -> (i32, i32, i32) {
    %c0_i32 = arith.constant 0 : i32
    %c0_i32_0 = arith.constant 0 : i32
    return %arg0, %c0_i32, %arg1 : i32, i32, i32
  }
  func.func @transform_1(%arg0: i32, %arg1: i32) -> (i32, i32) {
    %c0_i32 = arith.constant 0 : i32
    %c0_i32_0 = arith.constant 0 : i32
    %c0_i32_1 = arith.constant 0 : i32
    return %c0_i32, %c0_i32_0 : i32, i32
  }
  func.func @transform_2(%arg0: i32, %arg1: i32) -> (i32, i32) {
    %c0_i32 = arith.constant 0 : i32
    %c0_i32_0 = arith.constant 0 : i32
    %c0_i32_1 = arith.constant 0 : i32
    return %c0_i32, %c0_i32_0 : i32, i32
  }
  func.func @transform_3(%arg0: i32, %arg1: i32) -> (i32, i32, i32) {
    %c0_i32 = arith.constant 0 : i32
    %c0_i32_0 = arith.constant 0 : i32
    return %arg0, %c0_i32, %arg1 : i32, i32, i32
  }
}

</mosaic_0001>

<sc_bundles>
// kernel: kernel.8.cloned.1.call-start
scs
__scs_entry_jumppad:
0x0: {  	(pc) =	sbr.rel $0x88, $3  }
0x1: {  	(tag) =	ssettag $0x0;
	lr =	simm.s32 $0x1  }
0x2: {  	[smem:$0x3F91] =	sst lr;
	_ =	strace $0xD0000000  }
0x3: {  	_ = 	snop  }
0x4: {  	_ = 	snop  }
0x5: {  	_ = 	snop  }
0x6: {  	_ = 	snop  }
0x7: {  	_ = 	snop  }
__scs_overlays_trampoline_lowered:
0x8: {  	[smem:$0x3FA0] =	sst s0  }
0x9: {  	[smem:$0x3FA1] =	sst s1  }
0xa: {  	[smem:$0x3FA2] =	sst s2  }
0xb: {  	[smem:$0x3FA3] =	sst s3  }
0xc: {  	[smem:$0x3FA4] =	sst s4  }
0xd: {  	[smem:$0x3FA5] =	sst s5  }
0xe: {  	[smem:$0x3FA6] =	sst s6  }
0xf: {  	[smem:$0x3FA7] =	sst s7  }
0x10: {  	[smem:$0x3FA8] =	sst s8  }
0x11: {  	[smem:$0x3FA9] =	sst s9;
	s0 =	simm.s32 @!p0 $0x0  }
0x12: {  	s1 =	sld [smem:$0x3F8F];
	s0 =	simm.s32 @p0 $0x1  }
0x13: {  	[smem:$0x3FAA] =	sst s0;
	s0 =	simm.s32 @!p1 $0x0  }
0x14: {  	s2 =	sld [smem:$0x3F8E];
	s0 =	simm.s32 @p1 $0x1  }
0x15: {  	[smem:$0x3FAB] =	sst s0;
	s0 =	simm.s32 @!p2 $0x0  }
0x16: {  	s3 =	sld [smem:$0x3FDB];
	s0 =	simm.s32 @p2 $0x1  }
0x17: {  	s4 =	simm.s32 $0x1BF5;
	[smem:$0x3FAD] =	sst s0  }
0x18: {  	s0 =	sld [smem:$0x3F90];
	_ =	swait.ge [sflag:s4], $0x0  }
0x19: {  	s7 =	sld [smem:$0x3F91]  }
0x1a: {  	s8 =	sadd.s32 $0xFFFFE003, lr  }
0x1b: {  	s9 =	sadd.s32 $0xFFFFFEF7, lr;
	s5 =	simm.s32 $0xFFFFFFFF;
	p2 =	slt.u32 s8, $0xFFFFF086  }
0x1c: {  	p1 =	slt.u32 s9, $0xF7A;
	s5 =	simm.s32 @!p2 $0x0  }
0x1d: {  	s5 =	simm.s32 @p1 $0x1;
	p0 =	seq.s32 s7, s2  }
0x1e: {  	s7 =	smul.u32 @!p0 $0xF7A, s2;
	p2 =	seq.s32 @!p0 s5, $0x0  }
0x1f: {  	s9 =	smul.u32 $0xF7A, s1;
	s8 =	simm.s32 @!p0 $0x1BF5;
	p2 =	por !p2, p0  }
0x20: {  	[sflag:s8] =	ssyncset.s32 @!p0 $0xFFFFF086;
	s6 =	sadd.s32 @!p0 s3, s7;
	s7 =	simm.s32 @!p0 $0x108  }
0x21: {  	s3 =	sadd.s32 s3, s9;
	s6 =	sadd.s32 @!p0 $0x88, s6;
	s7 =	simm.s32 @p2 $0x1082  }
0x22: {  	[simem:s7], [sflag:s8] =	dma.local @!p0 [hbm:s6], $0xF7A  }
0x23: {  	s9 =	sor.u32 $0xD0000000, s2;
	s6 =	simm.s32 $0x108;
	_ =	swait.ge @!p0 [sflag:s8], $0x0  }
0x24: {  	s3 =	sadd.s32 $0x88, s3;
	s6 =	simm.s32 @!p1 $0x1082;
	[sflag:s4] =	ssyncset.s32 $0xFFFFF086  }
0x25: {  	[simem:s6], [sflag:s4] =	dma.local [hbm:s3], $0xF7A  }
0x26: {  	[smem:$0x3F91] =	sst s1;
	(tag) =	ssettag s2;
	_ =	strace s9  }
0x27: {  	s1 =	sld [smem:$0x3FA1]  }
0x28: {  	s2 =	sld [smem:$0x3FA2]  }
0x29: {  	s4 =	sld [smem:$0x3FA4]  }
0x2a: {  	p0 =	seq.s32 s5, $0x0;
	s5 =	sld [smem:$0x3FA5]  }
0x2b: {  	s6 =	sld [smem:$0x3FA6]  }
0x2c: {  	s7 =	sld [smem:$0x3FA7]  }
0x2d: {  	s3 =	simm.s32 $0x108;
	s8 =	sld [smem:$0x3FA8]  }
0x2e: {  	s3 =	simm.s32 @!p0 $0x1082;
	s9 =	sld [smem:$0x3FA9]  }
0x2f: {  	lr =	sadd.s32 s0, s3;
	s0 =	sld [smem:$0x3FA0]  }
0x30: {  	s3 =	sld [smem:$0x3FA3]  }
0x31: {  	[smem:$0x3FAC] =	sst s10  }
0x32: {  	s10 =	sld [smem:$0x3FAA];
	_ =	sdelay $0x3  }
0x33: {  	p0 =	seq.s32 s10, $0x1;
	s10 =	sld [smem:$0x3FAC];
	_ =	sdelay $0x3  }
0x34: {  	[smem:$0x3FAC] =	sst s10  }
0x35: {  	s10 =	sld [smem:$0x3FAB];
	_ =	sdelay $0x3  }
0x36: {  	p1 =	seq.s32 s10, $0x1;
	s10 =	sld [smem:$0x3FAC];
	_ =	sdelay $0x3  }
0x37: {  	[smem:$0x3FAC] =	sst s10  }
0x38: {  	s10 =	sld [smem:$0x3FAD]  }
0x39: {  	_ = 	snop;
	(pc) =	sbr.ind lr, $3  }
0x3a: {  	_ = 	snop  }
0x3b: {  	_ = 	snop  }
0x3c: {  	p2 =	seq.s32 s10, $0x1;
	s10 =	sld [smem:$0x3FAC]  }
0x3d: {  	_ =	shalt  }
0x3e: {  	_ =	shalt  }
0x3f: {  	_ =	shalt  }
0x40: {  	_ =	shalt  }
0x41: {  	_ =	shalt  }
0x42: {  	_ =	shalt  }
0x43: {  	_ =	shalt  }
0x44: {  	_ =	shalt  }
0x45: {  	_ =	shalt  }
0x46: {  	_ =	shalt  }
0x47: {  	_ =	shalt  }
0x48: {  	_ =	shalt  }
0x49: {  	_ =	shalt  }
0x4a: {  	_ =	shalt  }
0x4b: {  	_ =	shalt  }
0x4c: {  	_ =	shalt  }
0x4d: {  	_ =	shalt  }
0x4e: {  	_ =	shalt  }
0x4f: {  	_ =	shalt  }
0x50: {  	_ =	shalt  }
0x51: {  	_ =	shalt  }
0x52: {  	_ =	shalt  }
0x53: {  	_ =	shalt  }
0x54: {  	_ =	shalt  }
0x55: {  	_ =	shalt  }
0x56: {  	_ =	shalt  }
0x57: {  	_ =	shalt  }
0x58: {  	_ =	shalt  }
0x59: {  	_ =	shalt  }
0x5a: {  	_ =	shalt  }
0x5b: {  	_ =	shalt  }
0x5c: {  	_ =	shalt  }
0x5d: {  	_ =	shalt  }
0x5e: {  	_ =	shalt  }
0x5f: {  	_ =	shalt  }
0x60: {  	_ =	shalt  }
0x61: {  	_ =	shalt  }
0x62: {  	_ =	shalt  }
0x63: {  	_ =	shalt  }
0x64: {  	_ =	shalt  }
0x65: {  	_ =	shalt  }
0x66: {  	_ =	shalt  }
0x67: {  	_ =	shalt  }
0x68: {  	_ =	shalt  }
0x69: {  	_ =	shalt  }
0x6a: {  	_ =	shalt  }
0x6b: {  	_ =	shalt  }
0x6c: {  	_ =	shalt  }
0x6d: {  	_ =	shalt  }
0x6e: {  	_ =	shalt  }
0x6f: {  	_ =	shalt  }
0x70: {  	_ =	shalt  }
0x71: {  	_ =	shalt  }
0x72: {  	_ =	shalt  }
0x73: {  	_ =	shalt  }
0x74: {  	_ =	shalt  }
0x75: {  	_ =	shalt  }
0x76: {  	_ =	shalt  }
0x77: {  	_ =	shalt  }
0x78: {  	_ =	shalt  }
0x79: {  	_ =	shalt  }
0x7a: {  	_ =	shalt  }
0x7b: {  	_ =	shalt  }
0x7c: {  	_ =	shalt  }
0x7d: {  	_ =	shalt  }
0x7e: {  	_ =	shalt  }
0x7f: {  	_ =	shalt  }
0x80: {  	_ =	shalt  }
0x81: {  	_ =	shalt  }
0x82: {  	_ =	shalt  }
0x83: {  	_ =	shalt  }
0x84: {  	_ =	shalt  }
0x85: {  	_ =	shalt  }
0x86: {  	_ =	shalt  }
0x87: {  	_ =	shalt  }
.Lfunc_end0:
.L_simem_size_0:
called_computation_lowered:
.L_overlay_start_0:
0x88: {  	s2 =	sld [smem:$0x3FD9]  }
0x89: {  	s3 =	sld [smem:$0x3FFE];
	_ =	sdelay $0x1  }
0x8a: {  	s1 =	srdreg.scid  }
0x8b: {  	s0 =	sand.u32 $0x1, s1  }
0x8c: {  	s17 =	sshll.u32 s0, $0xA;
	s2 =	sadd.s32 s3, s2  }
0x8d: {  	s2 =	sadd.s32 s2, s17  }
0x8e: {  	[smem:$0x3FB8] =	sst s2  }
0x8f: {  	_ = 	snop  }
0x90: {  	s2 =	sld [smem:$0x3FD0];
	(tm) =	ssettm $0x1  }
0x91: {  	s18 =	sld [smem:$0x3FFB];
	_ =	sdelay $0x3  }
0x92: {  	_ =	strace s18  }
0x93: {  	s3 =	sld [smem:$0x3FFC];
	_ =	sdelay $0x3  }
0x94: {  	_ =	strace s3  }
0x95: {  	s3 =	sld [smem:$0x3FFD];
	_ =	sdelay $0x3  }
0x96: {  	_ =	strace s3  }
0x97: {  	_ =	strace $0x8FFFFFFF  }
0x98: {  	s19 =	sld [smem:$0x3FDB];
	_ =	sdelay $0x1  }
0x99: {  	s4 =	simm.s32 $_scs_section_size  }
0x9a: {  	s5 =	simm.s32 $_size__tile_overlayer_lowered;
	s6 =	simm.s32 $_tile_overlayer_lowered  }
0x9b: {  	s22 =	simm.s32 $0x1BFF;
	s21 =	sshll.u32 s6, $0x1;
	s3 =	sadd.s32 s4, s19  }
0x9c: {  	s7 =	simm.s32 $0x0;
	s20 =	sshll.u32 s5, $0x1;
	s5 =	sadd.s32 s21, s3  }
0x9d: {  	[timem:s7], [sflag:s22] =	dma.local [hbm:s5], s20  }
0x9e: {  	_ =	swait.ge [sflag:s22], s20  }
0x9f: {  	s4 =	ssub.s32 $0x0, s20;
	[sflag:s22] =	ssyncset.done $0x0  }
0xa0: {  	[sflag:s22] =	ssyncadd.s32 s4;
	_ =	sdelay $0x1  }
0xa1: {  	s23 =	simm.s32 $0x1B8B  }
0xa2: {  	_ =	swait.ge [sflag:s23], $0x1  }
0xa3: {  	[sflag:s23] =	ssyncset.done $0x0  }
0xa4: {  	s25 =	simm.s32 $0x1B8E;
	s24 =	sld [smem:$0x3FFE];
	[sflag:s23] =	ssyncadd.s32 $0xFFFFFFFF  }
0xa5: {  	s26 =	simm.s32 $execute0_lowered;
	[smem:$0x3FD2] =	sst s25  }
0xa6: {  	s5 =	sshll.u32 s26, $0x1;
	_ =	strace $0x80000046;
	[dreg:$0x1] =	wrdreg $0xFFFFFFFF  }
0xa7: {  	s28 =	simm.s32 $_size_execute0_lowered;
	s3 =	sadd.s32 s3, s5;
	[dreg:$0x0] =	wrdreg $0x0  }
0xa8: {  	s5 =	sshll.u32 s28, $0x1;
	[dreg:$0x2] =	wrdreg s3  }
0xa9: {  	[dreg:$0x3] =	wrdreg s5  }
0xaa: {  	[dreg:$0x4] =	wrdreg $0xC0  }
0xab: {  	_ =	task [dreg:s7], $0x5FFFF  }
0xac: {  	[dreg:$0x1] =	wrdreg $0xFFFFFFFF  }
0xad: {  	[dreg:$0x0] =	wrdreg $0x60  }
0xae: {  	[dreg:$0x2] =	wrdreg s2  }
0xaf: {  	[dreg:$0x3] =	wrdreg s24  }
0xb0: {  	[dreg:$0x4] =	wrdreg $0x9  }
0xb1: {  	_ =	task.clear_ibuf [dreg:s7], $0x5FFFF;
	_ =	strace $0x90000046  }
0xb2: {  	s29 =	simm.s32 $0x9;
	_ =	strace $0x80000048  }
0xb3: {  	_ =	swait.ge [sflag:s29], $0x1  }
0xb4: {  	[sflag:s29] =	ssyncadd.s32 $0xFFFFFFFF  }
0xb5: {  	_ =	strace $0x90000048  }
0xb6: {  	_ =	sfence  }
0xb7: {  	s30 =	sld [smem:$0x0];
	_ =	sdelay $0x2  }
0xb8: {  	s31 =	sshll.u32 s1, $0xD;
	s1 =	sshrl.u32 s1, $0x2  }
0xb9: {  	s3 =	sand.u32 $0x4000, s31;
	s1 =	sadd.s32 s1, s30  }
0xba: {  	s0 =	sor.u32 s3, s0;
	s1 =	sshll.u32 s1, $0x11  }
0xbb: {  	s0 =	sor.u32 s1, s0  }
0xbc: {  	s0 =	sadd.s32 $0x8F2B, s0  }
0xbd: {  	[sflag:s0] =	ssyncadd.remote.s32 $0x1  }
0xbe: {  	_ =	sfence.sel $0xFFFF  }
0xbf: {  	[dreg:$0x0] =	wrdreg $0xFFFFFFFF;
	(pc) =	sbr.abs _section_cstart, $3  }
0xc0: {  	[dreg:$0x1] =	wrdreg $0xFFFFFFFF  }
0xc1: {  	_ =	task.clear_ibuf [dreg:s7], $0x2FFFF;
	_ =	strace $0x9FFFFFFF  }
0xc2: {  	(tm) =	ssettm $0x7FFFFFFF  }
0xc3: {  	_ =	shalt  }
tec
execute0_lowered:
.L_overlay_start_1:
0x0: {  	(tag) =	ssettag $0x1  }
0x1: {  	s1 =	rddreg [dreg:$0x0]  }
0x2: {  	s0 =	rddreg [dreg:$0x1];
	s2 =	srdreg.scid;
	s3 =	simm.s32 $0x0  }
0x3: {  	s4 =	stileid.u32;
	s30 =	simm.s32 $0x600;
	s11 =	simm.s32 $0xC600  }
0x4: {  	s12 =	simm.s32 $0x17600;
	s13 =	simm.s32 $0x17E00;
	s14 =	simm.s32 $0x1  }
0x5: {  	s15 =	simm.s32 $0x2;
	s2 =	sand.u32 $0x1, s2;
	[smem:$0x7FF] =	sst s3  }
0x6: {  	s5 =	sshll.u32 s4, $0xB;
	s4 =	sadd.s32 $0x3800, s0;
	s6 =	sshll.u32 s2, $0xA  }
0x7: {  	_ =	strace $0x80000047;
	s2 =	ssub.s32 $0x2, s2;
	s6 =	sor.u32 s6, s5  }
0x8: {  	s5 =	sadd.s32 $0x7800, s0;
	s16 =	sshrl.u32 s2, $0x1;
	s7 =	sshll.u32 s6, $0x5  }
0x9: {  	s8 =	sshrl.u32 s6, $0x1;
	s2 =	ssub.s32 s2, s16;
	s6 =	sshll.u32 s6, $0x2  }
0xa: {  	s0 =	sadd.s32 s7, s0;
	s17 =	sor.u32 $0x10, s8;
	s10 =	sadd.s32 s4, s8  }
0xb: {  	s9 =	sor.u32 $0x20, s8;
	s20 =	sadd.s32 s5, s8;
	[dreg:$0x3] =	wrdreg s10  }
0xc: {  	s22 =	sor.u32 $0x8, s8;
	s31 =	sor.u32 $0x200, s6;
	[dreg:$0x6] =	wrdreg s20  }
0xd: {  	s23 =	sor.u32 $0x18, s8;
	s2 =	smax.u32 s2, $0x1;
	[dreg:$0xf] =	wrdreg s31  }
0xe: {  	s8 =	sor.u32 $0x28, s8;
	s18 =	sadd.s32 s4, s17;
	[dreg:$0x10] =	wrdreg s2  }
0xf: {  	s19 =	sadd.s32 s4, s9;
	s7 =	sadd.s32 s5, s17;
	[dreg:$0x4] =	wrdreg s18  }
0x10: {  	s21 =	sadd.s32 s5, s9;
	s24 =	sadd.s32 s4, s22;
	[dreg:$0x5] =	wrdreg s19  }
0x11: {  	s25 =	sadd.s32 s4, s23;
	s26 =	sadd.s32 s4, s8;
	[dreg:$0x7] =	wrdreg s7  }
0x12: {  	s28 =	sadd.s32 s5, s23;
	s29 =	sadd.s32 s5, s8;
	[dreg:$0x8] =	wrdreg s21  }
0x13: {  	s20 =	sor.u32 $0x300, s6;
	s23 =	simm.s32 $0x3;
	[dreg:$0x9] =	wrdreg s24  }
.Ltmp0:
0x14: {  	s6 =	simm.s32 $0x14E00;
	[dreg:$0xa] =	wrdreg s25;
	(pc) =	sbr.rel .LBB2_1-.Ltmp0, $4  }
0x15: {  	s8 =	simm.s32 $0x15E00;
	s9 =	simm.s32 $0x16600;
	[dreg:$0xb] =	wrdreg s26  }
0x16: {  	v2 =	vlaneseq.u32;
	s10 =	simm.s32 $0x16E00;
	s2 =	simm.s32 $0x0;
	[dreg:$0xd] =	wrdreg s28  }
0x17: {  	vm0 =	vmmov $0xffff;
	v1 =	vshrl.u32 v2, $0x3;
	s7 =	sadd.s32 s5, s22;
	[dreg:$0xe] =	wrdreg s29;
	s18 =	sadd.s32 $0xB800, s0  }
0x18: {  	v0 =	vand.u32 $0x7, v2;
	v2 =	vor.u32 $0x8, v2;
	v1 =	vmul.u32 $0x8, v1;
	s22 =	sadd.s32 $0xC000, s0;
	[dreg:$0xc] =	wrdreg s7;
	s7 =	simm.s32 $0x15600  }
.LBB2_10:
0x19: {  	s2 =	rddreg [dreg:$0x11]  }
0x1a: {  	s0 =	rddreg [dreg:$0x10];
	s2 =	sadd.s32 $0x1, s2  }
0x1b: {  	p0 =	sne.s32 s2, s0  }
.Ltmp1:
0x1c: {  	_ = 	snop;
	(pc) =	sbr.rel @!p0 .LBB2_11-.Ltmp1, $1  }
0x1d: {  	_ =	sdelay $0x3  }
.LBB2_1:
0x1e: {  	[dreg:$0x11] =	wrdreg s2  }
0x1f: {  	s0 =	rddreg [dreg:$0x3]  }
0x20: {  	[tilespmem:s3], [sflag:$0x3] =	stream.linear.gather [hbm4b:s0+s3], $0x40, $0x38;
	[tilespmem:$0x18600] =	vst v63  }
0x21: {  	_ =	swait.ge [sflag:s23], $0x40  }
0x22: {  	[sflag:s23] =	ssyncset.done $0x0  }
0x23: {  	s25 =	simm.s32 $0x100;
	s24 =	rddreg [dreg:$0x4];
	[sflag:s23] =	ssyncadd.s32 $0xFFFFFFC0  }
0x24: {  	[tilespmem:s25], [sflag:$0x3] =	stream.linear.gather [hbm4b:s24+s3], $0x40, $0x38;
	[tilespmem:$0x18600] =	vst v63  }
0x25: {  	_ =	swait.ge [sflag:s23], $0x40  }
0x26: {  	[sflag:s23] =	ssyncset.done $0x0  }
0x27: {  	s28 =	simm.s32 $0x200;
	s26 =	rddreg [dreg:$0x5];
	[sflag:s23] =	ssyncadd.s32 $0xFFFFFFC0  }
0x28: {  	[tilespmem:s28], [sflag:$0x3] =	stream.linear.gather [hbm4b:s26+s3], $0x40, $0x38;
	[tilespmem:$0x18600] =	vst v63  }
0x29: {  	_ =	swait.ge [sflag:s23], $0x40  }
0x2a: {  	[sflag:s23] =	ssyncset.done $0x0  }
0x2b: {  	s31 =	simm.s32 $0x300;
	s29 =	rddreg [dreg:$0x6];
	[sflag:s23] =	ssyncadd.s32 $0xFFFFFFC0  }
0x2c: {  	[tilespmem:s31], [sflag:$0x3] =	stream.linear.gather [hbm4b:s29+s3], $0x40, $0x38;
	[tilespmem:$0x18600] =	vst v63  }
0x2d: {  	_ =	swait.ge [sflag:s23], $0x40  }
0x2e: {  	[sflag:s23] =	ssyncset.done $0x0  }
0x2f: {  	s16 =	simm.s32 $0x400;
	s2 =	rddreg [dreg:$0x7];
	[sflag:s23] =	ssyncadd.s32 $0xFFFFFFC0  }
0x30: {  	[tilespmem:s16], [sflag:$0x3] =	stream.linear.gather [hbm4b:s2+s3], $0x40, $0x38;
	[tilespmem:$0x18600] =	vst v63  }
0x31: {  	_ =	swait.ge [sflag:s23], $0x40  }
0x32: {  	[sflag:s23] =	ssyncset.done $0x0  }
0x33: {  	s19 =	simm.s32 $0x500;
	s17 =	rddreg [dreg:$0x8];
	[sflag:s23] =	ssyncadd.s32 $0xFFFFFFC0  }
0x34: {  	[tilespmem:s19], [sflag:$0x3] =	stream.linear.gather [hbm4b:s17+s3], $0x40, $0x38;
	[tilespmem:$0x18600] =	vst v63  }
0x35: {  	_ =	swait.ge [sflag:s23], $0x40  }
0x36: {  	[sflag:s23] =	ssyncset.done $0x0  }
0x37: {  	[sflag:s23] =	ssyncadd.s32 $0xFFFFFFC0  }
0x38: {  	v3 =	vld [tilespmem:$0x0];
	_ =	sdelay $0x4  }
0x39: {  	v4 =	vshll.u32 v3, $0x1  }
0x3a: {  	v3 =	vand.u32 $0x7, v3;
	v4 =	vand.u32 $0xFFFFFFF0, v4  }
0x3b: {  	v3 =	vor.u32 v3, v4  }
0x3c: {  	v4 =	vperm.xlane v3, v0;
	_ =	sdelay $0x1  }
0x3d: {  	v3 =	vperm.xlane v3, v2;
	v4 =	vadd.s32 v1, v4;
	_ =	sdelay $0x1  }
0x3e: {  	v3 =	vadd.s32 v1, v3;
	_ =	sdelay $0x2  }
0x3f: {  	[tilespmem:s30], [sflag:$0x1] =	stream.indirect_vreg.gather [hbm4b:s1+s3], $0x80, v4, vm0, $0xb8;
	[tilespmem:$0x18600] =	vst v63  }
0x40: {  	s21 =	simm.s32 $0xE00  }
0x41: {  	[tilespmem:s21], [sflag:$0x1] =	stream.indirect_vreg.gather [hbm4b:s1+s3], $0x80, v3, vm0, $0xb8;
	[tilespmem:$0x18600] =	vst v63  }
0x42: {  	v3 =	vld [tilespmem:$0x10];
	_ =	sdelay $0x4  }
0x43: {  	v41 =	vshll.u32 v3, $0x1  }
0x44: {  	v3 =	vand.u32 $0x7, v3;
	v4 =	vand.u32 $0xFFFFFFF0, v41  }
0x45: {  	v3 =	vor.u32 v3, v4  }
0x46: {  	v4 =	vperm.xlane v3, v0;
	_ =	sdelay $0x1  }
0x47: {  	v3 =	vperm.xlane v3, v2;
	v4 =	vadd.s32 v1, v4;
	_ =	sdelay $0x1  }
0x48: {  	v3 =	vadd.s32 v1, v3;
	_ =	sdelay $0x1  }
0x49: {  	s24 =	simm.s32 $0x1600  }
0x4a: {  	[tilespmem:s24], [sflag:$0x1] =	stream.indirect_vreg.gather [hbm4b:s1+s3], $0x80, v4, vm0, $0xb8;
	[tilespmem:$0x18600] =	vst v63  }
0x4b: {  	s25 =	simm.s32 $0x1E00  }
0x4c: {  	[tilespmem:s25], [sflag:$0x1] =	stream.indirect_vreg.gather [hbm4b:s1+s3], $0x80, v3, vm0, $0xb8;
	[tilespmem:$0x18600] =	vst v63  }
0x4d: {  	v3 =	vld [tilespmem:$0x20];
	_ =	sdelay $0x4  }
0x4e: {  	v42 =	vshll.u32 v3, $0x1  }
0x4f: {  	v3 =	vand.u32 $0x7, v3;
	v4 =	vand.u32 $0xFFFFFFF0, v42  }
0x50: {  	v3 =	vor.u32 v3, v4  }
0x51: {  	v4 =	vperm.xlane v3, v0;
	_ =	sdelay $0x1  }
0x52: {  	v3 =	vperm.xlane v3, v2;
	v4 =	vadd.s32 v1, v4;
	_ =	sdelay $0x1  }
0x53: {  	v3 =	vadd.s32 v1, v3;
	_ =	sdelay $0x1  }
0x54: {  	s26 =	simm.s32 $0x2600  }
0x55: {  	[tilespmem:s26], [sflag:$0x1] =	stream.indirect_vreg.gather [hbm4b:s1+s3], $0x80, v4, vm0, $0xb8;
	[tilespmem:$0x18600] =	vst v63  }
0x56: {  	s28 =	simm.s32 $0x2E00  }
0x57: {  	[tilespmem:s28], [sflag:$0x1] =	stream.indirect_vreg.gather [hbm4b:s1+s3], $0x80, v3, vm0, $0xb8;
	[tilespmem:$0x18600] =	vst v63  }
0x58: {  	v3 =	vld [tilespmem:$0x30];
	_ =	sdelay $0x4  }
0x59: {  	v43 =	vshll.u32 v3, $0x1  }
0x5a: {  	v3 =	vand.u32 $0x7, v3;
	v4 =	vand.u32 $0xFFFFFFF0, v43  }
0x5b: {  	v3 =	vor.u32 v3, v4  }
0x5c: {  	v4 =	vperm.xlane v3, v0;
	_ =	sdelay $0x1  }
0x5d: {  	v3 =	vperm.xlane v3, v2;
	v4 =	vadd.s32 v1, v4;
	_ =	sdelay $0x1  }
0x5e: {  	v3 =	vadd.s32 v1, v3;
	_ =	sdelay $0x1  }
0x5f: {  	s29 =	simm.s32 $0x3600  }
0x60: {  	[tilespmem:s29], [sflag:$0x1] =	stream.indirect_vreg.gather [hbm4b:s1+s3], $0x80, v4, vm0, $0xb8;
	[tilespmem:$0x18600] =	vst v63  }
0x61: {  	s31 =	simm.s32 $0x3E00  }
0x62: {  	[tilespmem:s31], [sflag:$0x1] =	stream.indirect_vreg.gather [hbm4b:s1+s3], $0x80, v3, vm0, $0xb8;
	[tilespmem:$0x18600] =	vst v63  }
0x63: {  	v3 =	vld [tilespmem:$0x100];
	_ =	sdelay $0x4  }
0x64: {  	v44 =	vshll.u32 v3, $0x1  }
0x65: {  	v3 =	vand.u32 $0x7, v3;
	v4 =	vand.u32 $0xFFFFFFF0, v44  }
0x66: {  	v3 =	vor.u32 v3, v4  }
0x67: {  	v4 =	vperm.xlane v3, v0;
	_ =	sdelay $0x1  }
0x68: {  	v3 =	vperm.xlane v3, v2;
	v4 =	vadd.s32 v1, v4;
	_ =	sdelay $0x1  }
0x69: {  	v3 =	vadd.s32 v1, v3;
	_ =	sdelay $0x1  }
0x6a: {  	s2 =	simm.s32 $0x4600  }
0x6b: {  	[tilespmem:s2], [sflag:$0x1] =	stream.indirect_vreg.gather [hbm4b:s1+s3], $0x80, v4, vm0, $0xb8;
	[tilespmem:$0x18600] =	vst v63  }
0x6c: {  	s16 =	simm.s32 $0x4E00  }
0x6d: {  	[tilespmem:s16], [sflag:$0x1] =	stream.indirect_vreg.gather [hbm4b:s1+s3], $0x80, v3, vm0, $0xb8;
	[tilespmem:$0x18600] =	vst v63  }
0x6e: {  	v3 =	vld [tilespmem:$0x110];
	_ =	sdelay $0x4  }
0x6f: {  	v45 =	vshll.u32 v3, $0x1  }
0x70: {  	v3 =	vand.u32 $0x7, v3;
	v4 =	vand.u32 $0xFFFFFFF0, v45  }
0x71: {  	v3 =	vor.u32 v3, v4  }
0x72: {  	v4 =	vperm.xlane v3, v0;
	_ =	sdelay $0x1  }
0x73: {  	v3 =	vperm.xlane v3, v2;
	v4 =	vadd.s32 v1, v4;
	_ =	sdelay $0x1  }
0x74: {  	v3 =	vadd.s32 v1, v3;
	_ =	sdelay $0x1  }
0x75: {  	s17 =	simm.s32 $0x5600  }
0x76: {  	[tilespmem:s17], [sflag:$0x1] =	stream.indirect_vreg.gather [hbm4b:s1+s3], $0x80, v4, vm0, $0xb8;
	[tilespmem:$0x18600] =	vst v63  }
0x77: {  	s19 =	simm.s32 $0x5E00  }
0x78: {  	[tilespmem:s19], [sflag:$0x1] =	stream.indirect_vreg.gather [hbm4b:s1+s3], $0x80, v3, vm0, $0xb8;
	[tilespmem:$0x18600] =	vst v63  }
0x79: {  	v3 =	vld [tilespmem:$0x120];
	_ =	sdelay $0x4  }
0x7a: {  	v46 =	vshll.u32 v3, $0x1  }
0x7b: {  	v3 =	vand.u32 $0x7, v3;
	v4 =	vand.u32 $0xFFFFFFF0, v46  }
0x7c: {  	v3 =	vor.u32 v3, v4  }
0x7d: {  	v4 =	vperm.xlane v3, v0;
	_ =	sdelay $0x1  }
0x7e: {  	v3 =	vperm.xlane v3, v2;
	v4 =	vadd.s32 v1, v4;
	_ =	sdelay $0x1  }
0x7f: {  	v3 =	vadd.s32 v1, v3;
	_ =	sdelay $0x1  }
0x80: {  	s21 =	simm.s32 $0x6600  }
0x81: {  	[tilespmem:s21], [sflag:$0x1] =	stream.indirect_vreg.gather [hbm4b:s1+s3], $0x80, v4, vm0, $0xb8;
	[tilespmem:$0x18600] =	vst v63  }
0x82: {  	s24 =	simm.s32 $0x6E00  }
0x83: {  	[tilespmem:s24], [sflag:$0x1] =	stream.indirect_vreg.gather [hbm4b:s1+s3], $0x80, v3, vm0, $0xb8;
	[tilespmem:$0x18600] =	vst v63  }
0x84: {  	v3 =	vld [tilespmem:$0x130];
	_ =	sdelay $0x4  }
0x85: {  	v47 =	vshll.u32 v3, $0x1  }
0x86: {  	v3 =	vand.u32 $0x7, v3;
	v4 =	vand.u32 $0xFFFFFFF0, v47  }
0x87: {  	v3 =	vor.u32 v3, v4  }
0x88: {  	v4 =	vperm.xlane v3, v0;
	_ =	sdelay $0x1  }
0x89: {  	v3 =	vperm.xlane v3, v2;
	v4 =	vadd.s32 v1, v4;
	_ =	sdelay $0x1  }
0x8a: {  	v3 =	vadd.s32 v1, v3;
	_ =	sdelay $0x1  }
0x8b: {  	s25 =	simm.s32 $0x7600  }
0x8c: {  	[tilespmem:s25], [sflag:$0x1] =	stream.indirect_vreg.gather [hbm4b:s1+s3], $0x80, v4, vm0, $0xb8;
	[tilespmem:$0x18600] =	vst v63  }
0x8d: {  	s26 =	simm.s32 $0x7E00  }
0x8e: {  	[tilespmem:s26], [sflag:$0x1] =	stream.indirect_vreg.gather [hbm4b:s1+s3], $0x80, v3, vm0, $0xb8;
	[tilespmem:$0x18600] =	vst v63  }
0x8f: {  	v3 =	vld [tilespmem:$0x200];
	_ =	sdelay $0x4  }
0x90: {  	v48 =	vshll.u32 v3, $0x1  }
0x91: {  	v3 =	vand.u32 $0x7, v3;
	v4 =	vand.u32 $0xFFFFFFF0, v48  }
0x92: {  	v3 =	vor.u32 v3, v4  }
0x93: {  	v4 =	vperm.xlane v3, v0;
	_ =	sdelay $0x1  }
0x94: {  	v3 =	vperm.xlane v3, v2;
	v4 =	vadd.s32 v1, v4;
	_ =	sdelay $0x1  }
0x95: {  	v3 =	vadd.s32 v1, v3;
	_ =	sdelay $0x1  }
0x96: {  	s28 =	simm.s32 $0x8600  }
0x97: {  	[tilespmem:s28], [sflag:$0x1] =	stream.indirect_vreg.gather [hbm4b:s1+s3], $0x80, v4, vm0, $0xb8;
	[tilespmem:$0x18600] =	vst v63  }
0x98: {  	s29 =	simm.s32 $0x8E00  }
0x99: {  	[tilespmem:s29], [sflag:$0x1] =	stream.indirect_vreg.gather [hbm4b:s1+s3], $0x80, v3, vm0, $0xb8;
	[tilespmem:$0x18600] =	vst v63  }
0x9a: {  	v3 =	vld [tilespmem:$0x210];
	_ =	sdelay $0x4  }
0x9b: {  	v49 =	vshll.u32 v3, $0x1  }
0x9c: {  	v3 =	vand.u32 $0x7, v3;
	v4 =	vand.u32 $0xFFFFFFF0, v49  }
0x9d: {  	v3 =	vor.u32 v3, v4  }
0x9e: {  	v4 =	vperm.xlane v3, v0;
	_ =	sdelay $0x1  }
0x9f: {  	v3 =	vperm.xlane v3, v2;
	v4 =	vadd.s32 v1, v4;
	_ =	sdelay $0x1  }
0xa0: {  	v3 =	vadd.s32 v1, v3;
	_ =	sdelay $0x1  }
0xa1: {  	s31 =	simm.s32 $0x9600  }
0xa2: {  	[tilespmem:s31], [sflag:$0x1] =	stream.indirect_vreg.gather [hbm4b:s1+s3], $0x80, v4, vm0, $0xb8;
	[tilespmem:$0x18600] =	vst v63  }
0xa3: {  	s2 =	simm.s32 $0x9E00  }
0xa4: {  	[tilespmem:s2], [sflag:$0x1] =	stream.indirect_vreg.gather [hbm4b:s1+s3], $0x80, v3, vm0, $0xb8;
	[tilespmem:$0x18600] =	vst v63  }
0xa5: {  	v3 =	vld [tilespmem:$0x220];
	_ =	sdelay $0x4  }
0xa6: {  	v50 =	vshll.u32 v3, $0x1  }
0xa7: {  	v3 =	vand.u32 $0x7, v3;
	v4 =	vand.u32 $0xFFFFFFF0, v50  }
0xa8: {  	v3 =	vor.u32 v3, v4  }
0xa9: {  	v4 =	vperm.xlane v3, v0;
	_ =	sdelay $0x1  }
0xaa: {  	v3 =	vperm.xlane v3, v2;
	v4 =	vadd.s32 v1, v4;
	_ =	sdelay $0x1  }
0xab: {  	v3 =	vadd.s32 v1, v3;
	_ =	sdelay $0x1  }
0xac: {  	s16 =	simm.s32 $0xA600  }
0xad: {  	[tilespmem:s16], [sflag:$0x1] =	stream.indirect_vreg.gather [hbm4b:s1+s3], $0x80, v4, vm0, $0xb8;
	[tilespmem:$0x18600] =	vst v63  }
0xae: {  	s17 =	simm.s32 $0xAE00  }
0xaf: {  	[tilespmem:s17], [sflag:$0x1] =	stream.indirect_vreg.gather [hbm4b:s1+s3], $0x80, v3, vm0, $0xb8;
	[tilespmem:$0x18600] =	vst v63  }
0xb0: {  	v3 =	vld [tilespmem:$0x230];
	_ =	sdelay $0x4  }
0xb1: {  	v51 =	vshll.u32 v3, $0x1  }
0xb2: {  	v3 =	vand.u32 $0x7, v3;
	v4 =	vand.u32 $0xFFFFFFF0, v51  }
0xb3: {  	v3 =	vor.u32 v3, v4  }
0xb4: {  	v4 =	vperm.xlane v3, v0;
	_ =	sdelay $0x1  }
0xb5: {  	v3 =	vperm.xlane v3, v2;
	v4 =	vadd.s32 v1, v4;
	_ =	sdelay $0x1  }
0xb6: {  	v3 =	vadd.s32 v1, v3;
	_ =	sdelay $0x1  }
0xb7: {  	s19 =	simm.s32 $0xB600  }
0xb8: {  	[tilespmem:s19], [sflag:$0x1] =	stream.indirect_vreg.gather [hbm4b:s1+s3], $0x80, v4, vm0, $0xb8;
	[tilespmem:$0x18600] =	vst v63  }
0xb9: {  	s21 =	simm.s32 $0xBE00  }
0xba: {  	[tilespmem:s21], [sflag:$0x1] =	stream.indirect_vreg.gather [hbm4b:s1+s3], $0x80, v3, vm0, $0xb8;
	[tilespmem:$0x18600] =	vst v63  }
0xbb: {  	s24 =	rddreg [dreg:$0x9];
	s25 =	simm.s32 $0x80  }
0xbc: {  	[tilespmem:s25], [sflag:$0x3] =	stream.linear.gather [hbm4b:s24+s3], $0x40, $0x38;
	[tilespmem:$0x18600] =	vst v63  }
0xbd: {  	_ =	swait.ge [sflag:s23], $0x40  }
0xbe: {  	[sflag:s23] =	ssyncset.done $0x0  }
0xbf: {  	s28 =	simm.s32 $0x180;
	s26 =	rddreg [dreg:$0xa];
	[sflag:s23] =	ssyncadd.s32 $0xFFFFFFC0  }
0xc0: {  	[tilespmem:s28], [sflag:$0x3] =	stream.linear.gather [hbm4b:s26+s3], $0x40, $0x38;
	[tilespmem:$0x18600] =	vst v63  }
0xc1: {  	_ =	swait.ge [sflag:s23], $0x40  }
0xc2: {  	[sflag:s23] =	ssyncset.done $0x0  }
0xc3: {  	s31 =	simm.s32 $0x280;
	s29 =	rddreg [dreg:$0xb];
	[sflag:s23] =	ssyncadd.s32 $0xFFFFFFC0  }
0xc4: {  	[tilespmem:s31], [sflag:$0x3] =	stream.linear.gather [hbm4b:s29+s3], $0x40, $0x38;
	[tilespmem:$0x18600] =	vst v63  }
0xc5: {  	_ =	swait.ge [sflag:s23], $0x40  }
0xc6: {  	[sflag:s23] =	ssyncset.done $0x0  }
0xc7: {  	s16 =	simm.s32 $0x380;
	s2 =	rddreg [dreg:$0xc];
	[sflag:s23] =	ssyncadd.s32 $0xFFFFFFC0  }
0xc8: {  	[tilespmem:s16], [sflag:$0x3] =	stream.linear.gather [hbm4b:s2+s3], $0x40, $0x38;
	[tilespmem:$0x18600] =	vst v63  }
0xc9: {  	_ =	swait.ge [sflag:s23], $0x40  }
0xca: {  	[sflag:s23] =	ssyncset.done $0x0  }
0xcb: {  	s19 =	simm.s32 $0x480;
	s17 =	rddreg [dreg:$0xd];
	[sflag:s23] =	ssyncadd.s32 $0xFFFFFFC0  }
0xcc: {  	[tilespmem:s19], [sflag:$0x3] =	stream.linear.gather [hbm4b:s17+s3], $0x40, $0x38;
	[tilespmem:$0x18600] =	vst v63  }
0xcd: {  	_ =	swait.ge [sflag:s23], $0x40  }
0xce: {  	[sflag:s23] =	ssyncset.done $0x0  }
0xcf: {  	s24 =	simm.s32 $0x580;
	s21 =	rddreg [dreg:$0xe];
	[sflag:s23] =	ssyncadd.s32 $0xFFFFFFC0  }
0xd0: {  	[tilespmem:s24], [sflag:$0x3] =	stream.linear.gather [hbm4b:s21+s3], $0x40, $0x38;
	[tilespmem:$0x18600] =	vst v63  }
0xd1: {  	_ =	swait.ge [sflag:s23], $0x40  }
0xd2: {  	[sflag:s23] =	ssyncset.done $0x0  }
0xd3: {  	[sflag:s23] =	ssyncadd.s32 $0xFFFFFFC0  }
0xd4: {  	v3 =	vld [tilespmem:$0x80];
	_ =	sdelay $0x4  }
0xd5: {  	v52 =	vshll.u32 v3, $0x1  }
0xd6: {  	v3 =	vand.u32 $0x7, v3;
	v4 =	vand.u32 $0xFFFFFFF0, v52  }
0xd7: {  	v3 =	vor.u32 v3, v4  }
0xd8: {  	v4 =	vperm.xlane v3, v0;
	_ =	sdelay $0x1  }
0xd9: {  	v3 =	vperm.xlane v3, v2;
	v4 =	vadd.s32 v1, v4;
	_ =	sdelay $0x1  }
0xda: {  	v3 =	vadd.s32 v1, v3;
	_ =	sdelay $0x2  }
0xdb: {  	[tilespmem:s11], [sflag:$0x2] =	stream.indirect_vreg.gather [hbm4b:s1+s3], $0x80, v4, vm0, $0xb8;
	[tilespmem:$0x18600] =	vst v63  }
0xdc: {  	s25 =	simm.s32 $0xCE00  }
0xdd: {  	[tilespmem:s25], [sflag:$0x2] =	stream.indirect_vreg.gather [hbm4b:s1+s3], $0x80, v3, vm0, $0xb8;
	[tilespmem:$0x18600] =	vst v63  }
0xde: {  	v3 =	vld [tilespmem:$0x90];
	_ =	sdelay $0x4  }
0xdf: {  	v53 =	vshll.u32 v3, $0x1  }
0xe0: {  	v3 =	vand.u32 $0x7, v3;
	v4 =	vand.u32 $0xFFFFFFF0, v53  }
0xe1: {  	v3 =	vor.u32 v3, v4  }
0xe2: {  	v4 =	vperm.xlane v3, v0;
	_ =	sdelay $0x1  }
0xe3: {  	v3 =	vperm.xlane v3, v2;
	v4 =	vadd.s32 v1, v4;
	_ =	sdelay $0x1  }
0xe4: {  	v3 =	vadd.s32 v1, v3;
	_ =	sdelay $0x1  }
0xe5: {  	s26 =	simm.s32 $0xD600  }
0xe6: {  	[tilespmem:s26], [sflag:$0x2] =	stream.indirect_vreg.gather [hbm4b:s1+s3], $0x80, v4, vm0, $0xb8;
	[tilespmem:$0x18600] =	vst v63  }
0xe7: {  	s28 =	simm.s32 $0xDE00  }
0xe8: {  	[tilespmem:s28], [sflag:$0x2] =	stream.indirect_vreg.gather [hbm4b:s1+s3], $0x80, v3, vm0, $0xb8;
	[tilespmem:$0x18600] =	vst v63  }
0xe9: {  	v3 =	vld [tilespmem:$0xA0];
	_ =	sdelay $0x4  }
0xea: {  	v54 =	vshll.u32 v3, $0x1  }
0xeb: {  	v3 =	vand.u32 $0x7, v3;
	v4 =	vand.u32 $0xFFFFFFF0, v54  }
0xec: {  	v3 =	vor.u32 v3, v4  }
0xed: {  	v4 =	vperm.xlane v3, v0;
	_ =	sdelay $0x1  }
0xee: {  	v3 =	vperm.xlane v3, v2;
	v4 =	vadd.s32 v1, v4;
	_ =	sdelay $0x1  }
0xef: {  	v3 =	vadd.s32 v1, v3;
	_ =	sdelay $0x1  }
0xf0: {  	s29 =	simm.s32 $0xE600  }
0xf1: {  	[tilespmem:s29], [sflag:$0x2] =	stream.indirect_vreg.gather [hbm4b:s1+s3], $0x80, v4, vm0, $0xb8;
	[tilespmem:$0x18600] =	vst v63  }
0xf2: {  	s31 =	simm.s32 $0xEE00  }
0xf3: {  	[tilespmem:s31], [sflag:$0x2] =	stream.indirect_vreg.gather [hbm4b:s1+s3], $0x80, v3, vm0, $0xb8;
	[tilespmem:$0x18600] =	vst v63  }
0xf4: {  	v3 =	vld [tilespmem:$0xB0];
	_ =	sdelay $0x4  }
0xf5: {  	v55 =	vshll.u32 v3, $0x1  }
0xf6: {  	v3 =	vand.u32 $0x7, v3;
	v4 =	vand.u32 $0xFFFFFFF0, v55  }
0xf7: {  	v3 =	vor.u32 v3, v4  }
0xf8: {  	v4 =	vperm.xlane v3, v0;
	_ =	sdelay $0x1  }
0xf9: {  	v3 =	vperm.xlane v3, v2;
	v4 =	vadd.s32 v1, v4;
	_ =	sdelay $0x1  }
0xfa: {  	v3 =	vadd.s32 v1, v3;
	_ =	sdelay $0x1  }
0xfb: {  	s2 =	simm.s32 $0xF600  }
0xfc: {  	[tilespmem:s2], [sflag:$0x2] =	stream.indirect_vreg.gather [hbm4b:s1+s3], $0x80, v4, vm0, $0xb8;
	[tilespmem:$0x18600] =	vst v63  }
0xfd: {  	s16 =	simm.s32 $0xFE00  }
0xfe: {  	[tilespmem:s16], [sflag:$0x2] =	stream.indirect_vreg.gather [hbm4b:s1+s3], $0x80, v3, vm0, $0xb8;
	[tilespmem:$0x18600] =	vst v63  }
0xff: {  	v3 =	vld [tilespmem:$0x180];
	_ =	sdelay $0x4  }
0x100: {  	v56 =	vshll.u32 v3, $0x1  }
0x101: {  	v3 =	vand.u32 $0x7, v3;
	v4 =	vand.u32 $0xFFFFFFF0, v56  }
0x102: {  	v3 =	vor.u32 v3, v4  }
0x103: {  	v4 =	vperm.xlane v3, v0;
	_ =	sdelay $0x1  }
0x104: {  	v3 =	vperm.xlane v3, v2;
	v4 =	vadd.s32 v1, v4;
	_ =	sdelay $0x1  }
0x105: {  	v3 =	vadd.s32 v1, v3;
	_ =	sdelay $0x1  }
0x106: {  	s17 =	simm.s32 $0x10600  }
0x107: {  	[tilespmem:s17], [sflag:$0x2] =	stream.indirect_vreg.gather [hbm4b:s1+s3], $0x80, v4, vm0, $0xb8;
	[tilespmem:$0x18600] =	vst v63  }
0x108: {  	s19 =	simm.s32 $0x10E00  }
0x109: {  	[tilespmem:s19], [sflag:$0x2] =	stream.indirect_vreg.gather [hbm4b:s1+s3], $0x80, v3, vm0, $0xb8;
	[tilespmem:$0x18600] =	vst v63  }
0x10a: {  	v3 =	vld [tilespmem:$0x190];
	_ =	sdelay $0x4  }
0x10b: {  	v57 =	vshll.u32 v3, $0x1  }
0x10c: {  	v3 =	vand.u32 $0x7, v3;
	v4 =	vand.u32 $0xFFFFFFF0, v57  }
0x10d: {  	v3 =	vor.u32 v3, v4  }
0x10e: {  	v4 =	vperm.xlane v3, v0;
	_ =	sdelay $0x1  }
0x10f: {  	v3 =	vperm.xlane v3, v2;
	v4 =	vadd.s32 v1, v4;
	_ =	sdelay $0x1  }
0x110: {  	v3 =	vadd.s32 v1, v3;
	_ =	sdelay $0x1  }
0x111: {  	s21 =	simm.s32 $0x11600  }
0x112: {  	[tilespmem:s21], [sflag:$0x2] =	stream.indirect_vreg.gather [hbm4b:s1+s3], $0x80, v4, vm0, $0xb8;
	[tilespmem:$0x18600] =	vst v63  }
0x113: {  	s24 =	simm.s32 $0x11E00  }
0x114: {  	[tilespmem:s24], [sflag:$0x2] =	stream.indirect_vreg.gather [hbm4b:s1+s3], $0x80, v3, vm0, $0xb8;
	[tilespmem:$0x18600] =	vst v63  }
0x115: {  	v3 =	vld [tilespmem:$0x1A0];
	_ =	sdelay $0x4  }
0x116: {  	v58 =	vshll.u32 v3, $0x1  }
0x117: {  	v3 =	vand.u32 $0x7, v3;
	v4 =	vand.u32 $0xFFFFFFF0, v58  }
0x118: {  	v3 =	vor.u32 v3, v4  }
0x119: {  	v4 =	vperm.xlane v3, v0;
	_ =	sdelay $0x1  }
0x11a: {  	v3 =	vperm.xlane v3, v2;
	v4 =	vadd.s32 v1, v4;
	_ =	sdelay $0x1  }
0x11b: {  	v3 =	vadd.s32 v1, v3;
	_ =	sdelay $0x1  }
0x11c: {  	s25 =	simm.s32 $0x12600  }
0x11d: {  	[tilespmem:s25], [sflag:$0x2] =	stream.indirect_vreg.gather [hbm4b:s1+s3], $0x80, v4, vm0, $0xb8;
	[tilespmem:$0x18600] =	vst v63  }
0x11e: {  	s26 =	simm.s32 $0x12E00  }
0x11f: {  	[tilespmem:s26], [sflag:$0x2] =	stream.indirect_vreg.gather [hbm4b:s1+s3], $0x80, v3, vm0, $0xb8;
	[tilespmem:$0x18600] =	vst v63  }
0x120: {  	v3 =	vld [tilespmem:$0x1B0];
	_ =	sdelay $0x4  }
0x121: {  	v59 =	vshll.u32 v3, $0x1  }
0x122: {  	v3 =	vand.u32 $0x7, v3;
	v4 =	vand.u32 $0xFFFFFFF0, v59  }
0x123: {  	v3 =	vor.u32 v3, v4  }
0x124: {  	v4 =	vperm.xlane v3, v0;
	_ =	sdelay $0x1  }
0x125: {  	v3 =	vperm.xlane v3, v2;
	v4 =	vadd.s32 v1, v4;
	_ =	sdelay $0x1  }
0x126: {  	v3 =	vadd.s32 v1, v3;
	_ =	sdelay $0x1  }
0x127: {  	s28 =	simm.s32 $0x13600  }
0x128: {  	[tilespmem:s28], [sflag:$0x2] =	stream.indirect_vreg.gather [hbm4b:s1+s3], $0x80, v4, vm0, $0xb8;
	[tilespmem:$0x18600] =	vst v63  }
0x129: {  	s29 =	simm.s32 $0x13E00  }
0x12a: {  	[tilespmem:s29], [sflag:$0x2] =	stream.indirect_vreg.gather [hbm4b:s1+s3], $0x80, v3, vm0, $0xb8;
	[tilespmem:$0x18600] =	vst v63  }
0x12b: {  	v3 =	vld [tilespmem:$0x280];
	_ =	sdelay $0x4  }
0x12c: {  	v60 =	vshll.u32 v3, $0x1  }
0x12d: {  	v3 =	vand.u32 $0x7, v3;
	v4 =	vand.u32 $0xFFFFFFF0, v60  }
0x12e: {  	v3 =	vor.u32 v3, v4  }
0x12f: {  	v4 =	vperm.xlane v3, v0;
	_ =	sdelay $0x1  }
0x130: {  	v3 =	vperm.xlane v3, v2;
	v4 =	vadd.s32 v1, v4;
	_ =	sdelay $0x1  }
0x131: {  	v3 =	vadd.s32 v1, v3;
	_ =	sdelay $0x1  }
0x132: {  	s31 =	simm.s32 $0x14600  }
0x133: {  	[tilespmem:s31], [sflag:$0x2] =	stream.indirect_vreg.gather [hbm4b:s1+s3], $0x80, v4, vm0, $0xb8;
	[tilespmem:$0x18600] =	vst v63  }
0x134: {  	_ = 	snop  }
0x135: {  	[tilespmem:s6], [sflag:$0x2] =	stream.indirect_vreg.gather [hbm4b:s1+s3], $0x80, v3, vm0, $0xb8;
	[tilespmem:$0x18600] =	vst v63  }
0x136: {  	v3 =	vld [tilespmem:$0x290];
	_ =	sdelay $0x4  }
0x137: {  	v61 =	vshll.u32 v3, $0x1  }
0x138: {  	v3 =	vand.u32 $0x7, v3;
	v4 =	vand.u32 $0xFFFFFFF0, v61  }
0x139: {  	v3 =	vor.u32 v3, v4  }
0x13a: {  	v4 =	vperm.xlane v3, v0;
	_ =	sdelay $0x1  }
0x13b: {  	v3 =	vperm.xlane v3, v2;
	v4 =	vadd.s32 v1, v4;
	_ =	sdelay $0x1  }
0x13c: {  	v3 =	vadd.s32 v1, v3;
	_ =	sdelay $0x2  }
0x13d: {  	[tilespmem:s7], [sflag:$0x2] =	stream.indirect_vreg.gather [hbm4b:s1+s3], $0x80, v4, vm0, $0xb8;
	[tilespmem:$0x18600] =	vst v63  }
0x13e: {  	_ = 	snop  }
0x13f: {  	[tilespmem:s8], [sflag:$0x2] =	stream.indirect_vreg.gather [hbm4b:s1+s3], $0x80, v3, vm0, $0xb8;
	[tilespmem:$0x18600] =	vst v63  }
0x140: {  	v3 =	vld [tilespmem:$0x2A0];
	_ =	sdelay $0x4  }
0x141: {  	v62 =	vshll.u32 v3, $0x1  }
0x142: {  	v3 =	vand.u32 $0x7, v3;
	v4 =	vand.u32 $0xFFFFFFF0, v62  }
0x143: {  	v3 =	vor.u32 v3, v4  }
0x144: {  	v4 =	vperm.xlane v3, v0;
	_ =	sdelay $0x1  }
0x145: {  	v3 =	vperm.xlane v3, v2;
	v4 =	vadd.s32 v1, v4;
	_ =	sdelay $0x1  }
0x146: {  	v3 =	vadd.s32 v1, v3;
	_ =	sdelay $0x2  }
0x147: {  	[tilespmem:s9], [sflag:$0x2] =	stream.indirect_vreg.gather [hbm4b:s1+s3], $0x80, v4, vm0, $0xb8;
	[tilespmem:$0x18600] =	vst v63  }
0x148: {  	_ = 	snop  }
0x149: {  	[tilespmem:s10], [sflag:$0x2] =	stream.indirect_vreg.gather [hbm4b:s1+s3], $0x80, v3, vm0, $0xb8;
	[tilespmem:$0x18600] =	vst v63  }
0x14a: {  	v3 =	vld [tilespmem:$0x2B0];
	_ =	sdelay $0x4  }
0x14b: {  	v63 =	vshll.u32 v3, $0x1  }
0x14c: {  	v3 =	vand.u32 $0x7, v3;
	v4 =	vand.u32 $0xFFFFFFF0, v63  }
0x14d: {  	v3 =	vor.u32 v3, v4  }
0x14e: {  	v4 =	vperm.xlane v3, v0;
	_ =	sdelay $0x1  }
0x14f: {  	v3 =	vperm.xlane v3, v2;
	v4 =	vadd.s32 v1, v4;
	_ =	sdelay $0x1  }
0x150: {  	v3 =	vadd.s32 v1, v3;
	_ =	sdelay $0x2  }
0x151: {  	[tilespmem:s12], [sflag:$0x2] =	stream.indirect_vreg.gather [hbm4b:s1+s3], $0x80, v4, vm0, $0xb8;
	[tilespmem:$0x18600] =	vst v63  }
0x152: {  	s16 =	simm.s32 $0x0  }
0x153: {  	[tilespmem:s13], [sflag:$0x2] =	stream.indirect_vreg.gather [hbm4b:s1+s3], $0x80, v3, vm0, $0xb8;
	[tilespmem:$0x18600] =	vst v63  }
.LBB2_2:
0x154: {  	_ =	swait.ge [sflag:s14], $0x4000  }
0x155: {  	[sflag:s14] =	ssyncset.done $0x0  }
0x156: {  	[sflag:s14] =	ssyncadd.s32 $0xFFFFC000  }
0x157: {  	_ =	swait.ge [sflag:s14], $0x4000  }
0x158: {  	[sflag:s14] =	ssyncset.done $0x0  }
0x159: {  	[sflag:s14] =	ssyncadd.s32 $0xFFFFC000  }
0x15a: {  	s0 =	simm.s32 $0x0;
	_ =	swait.ge [sflag:s14], $0x4000  }
0x15b: {  	s17 =	sand.u32 $0x3800, s0;
	s0 =	sand.u32 $0x380, s0;
	[sflag:s14] =	ssyncset.done $0x0  }
0x15c: {  	s21 =	sor.u32 s0, s17;
	[sflag:s14] =	ssyncadd.s32 $0xFFFFC000  }
0x15d: {  	v10 =	vld [tilespmem:s21+$0x8660]  }
0x15e: {  	v21 =	vld [tilespmem:s21+$0x4600]  }
0x15f: {  	v3 =	vld [tilespmem:s21+$0x8A60]  }
0x160: {  	v22 =	vld [tilespmem:s21+$0x4610]  }
0x161: {  	v11 =	vld [tilespmem:s21+$0x4620]  }
0x162: {  	v8 =	vld [tilespmem:s21+$0x4630]  }
0x163: {  	v6 =	vld [tilespmem:s21+$0x4640]  }
0x164: {  	v16 =	vld [tilespmem:s21+$0x4650]  }
0x165: {  	v12 =	vld [tilespmem:s21+$0x4660]  }
0x166: {  	v4 =	vld [tilespmem:s21+$0x8A10]  }
0x167: {  	v9 =	vld [tilespmem:s21+$0x4A30]  }
0x168: {  	v13 =	vld [tilespmem:s21+$0x8610]  }
0x169: {  	v5 =	vld [tilespmem:s21+$0x8A20]  }
0x16a: {  	v39 =	vld [tilespmem:s21+$0xA70]  }
0x16b: {  	v7 =	vld [tilespmem:s21+$0x4A20]  }
0x16c: {  	v19 =	vld [tilespmem:s21+$0x8620]  }
0x16d: {  	v23 =	vld [tilespmem:s21+$0x8A00]  }
0x16e: {  	v27 =	vld [tilespmem:s21+$0x4A60]  }
0x16f: {  	v24 =	vld [tilespmem:s21+$0x4A50]  }
0x170: {  	v34 =	vld [tilespmem:s21+$0x8600]  }
0x171: {  	v31 =	vld [tilespmem:s21+$0x4A70]  }
0x172: {  	v17 =	vld [tilespmem:s21+$0x670]  }
0x173: {  	v14 =	vld [tilespmem:s21+$0x8640]  }
0x174: {  	v37 =	vld [tilespmem:s21+$0x4A00]  }
0x175: {  	v26 =	vld [tilespmem:s21+$0x8630]  }
0x176: {  	v28 =	vld [tilespmem:s21+$0x8A70]  }
0x177: {  	v32 =	vld [tilespmem:s21+$0x8A40]  }
0x178: {  	v30 =	vld [tilespmem:s21+$0x4670]  }
0x179: {  	v35 =	vld [tilespmem:s21+$0xA00]  }
0x17a: {  	v29 =	vld [tilespmem:s21+$0x600]  }
0x17b: {  	s28 =	simm.s32 $0x400;
	v25 =	vld [tilespmem:s21+$0x4A40]  }
0x17c: {  	s29 =	simm.s32 $0x300;
	v18 =	vld.msk [tilespmem:s28+$0x0 ss:$0x0], $0xffff  }
0x17d: {  	v20 =	vld.msk [tilespmem:s29+$0x0 ss:$0x0], $0xffff  }
0x17e: {  	s31 =	simm.s32 $0x500;
	v33 =	vld [tilespmem:s21+$0x630]  }
0x17f: {  	v15 =	vld.msk [tilespmem:s31+$0x0 ss:$0x0], $0xffff  }
0x180: {  	v36 =	vld [tilespmem:s21+$0xA60]  }
0x181: {  	v41 =	vld [tilespmem:s21+$0xA40]  }
0x182: {  	v42 =	vld [tilespmem:s21+$0xA20];
	v44 =	vmul.f32 v21, v18;
	v40 =	vmul.f32 v25, v18  }
0x183: {  	v46 =	vld [tilespmem:s21+$0xA10];
	v25 =	vmul.f32 v33, v20;
	v21 =	vmul.f32 v24, v18  }
0x184: {  	v45 =	vld [tilespmem:s21+$0x640];
	v47 =	vmul.f32 v29, v20;
	v33 =	vmul.f32 v22, v18  }
0x185: {  	v43 =	vld [tilespmem:s21+$0x660];
	v24 =	vmul.f32 v30, v18;
	v28 =	vmul.f32 v28, v15  }
0x186: {  	v29 =	vld [tilespmem:s21+$0x650];
	v26 =	vmul.f32 v26, v15;
	v38 =	vmul.f32 v31, v18  }
0x187: {  	s24 =	simm.s32 $0x80;
	s25 =	simm.s32 $0x501;
	v30 =	vld [tilespmem:s21+$0x610];
	v22 =	vmul.f32 v42, v20;
	v42 =	vmul.f32 v32, v15  }
0x188: {  	s26 =	simm.s32 $0x401;
	s0 =	simm.s32 $0x100;
	s17 =	simm.s32 $0x301;
	v31 =	vld [tilespmem:s21+$0x620];
	v32 =	vmul.f32 v46, v20;
	v39 =	vmul.f32 v39, v20;
	v44 =	vadd.f32 v44, v47  }
.LBB2_3:
0x189: {  	s28 =	smov.u32 s0  }
0x18a: {  	s19 =	sand.u32 $0x3800, s0;
	s29 =	sand.u32 $0x380, s24;
	v45 =	vmul.f32 v45, v20;
	v46 =	vld [tilespmem:s21+$0x8650];
	v37 =	vmul.f32 v37, v18;
	s28 =	sadd.s32 $0x100, s0  }
0x18b: {  	p0 =	sne.s32 s0, $0x3F00;
	v41 =	vmul.f32 v41, v20;
	s29 =	sor.u32 s29, s19;
	v47 =	vmul.f32 v29, v20;
	v48 =	vld [tilespmem:s21+$0xA30]  }
0x18c: {  	v34 =	vmul.f32 v34, v15;
	v50 =	vmul.f32 v30, v20;
	v49 =	vld [tilespmem:s29+$0x8660]  }
0x18d: {  	v27 =	vmul.f32 v27, v18;
	v40 =	vadd.f32 v40, v41;
	v43 =	vmul.f32 v43, v20;
	v29 =	vld [tilespmem:s29+$0x4600]  }
0x18e: {  	v35 =	vmul.f32 v35, v20;
	v34 =	vadd.f32 v34, v44;
	v44 =	vmul.f32 v11, v18;
	v41 =	vld [tilespmem:s29+$0x8A60]  }
0x18f: {  	v16 =	vmul.f32 v16, v18;
	v51 =	vmul.f32 v10, v15;
	v52 =	vadd.f32 v42, v40;
	v30 =	vld [tilespmem:s29+$0x4610]  }
0x190: {  	v36 =	vmul.f32 v36, v20;
	[tilespmem:s21+$0x600] =	vst v34;
	v34 =	vmul.f32 v46, v15;
	v40 =	vld [tilespmem:s21+$0x8670]  }
0x191: {  	v35 =	vadd.f32 v37, v35;
	v37 =	vmul.f32 v3, v15;
	v42 =	vmul.f32 v8, v18;
	v11 =	vld [tilespmem:s29+$0x4620];
	[tilespmem:s21+$0xA40] =	vst v52  }
0x192: {  	v27 =	vadd.f32 v27, v36;
	v46 =	vadd.f32 v16, v47;
	v16 =	vmul.f32 v23, v15;
	v10 =	vmovc v49;
	v23 =	vld [tilespmem:s21+$0x4A10]  }
0x193: {  	v12 =	vmul.f32 v12, v18;
	v36 =	vmul.f32 v19, v15;
	v19 =	vadd.f32 v38, v39;
	v8 =	vld [tilespmem:s29+$0x4630];
	v3 =	vmovc v41  }
0x194: {  	v38 =	vmul.f32 v6, v18;
	v16 =	vadd.f32 v16, v35;
	v35 =	vmul.f32 v5, v15;
	v5 =	vld [tilespmem:s21+$0xA50]  }
0x195: {  	v39 =	vadd.f32 v12, v43;
	v12 =	vmul.f32 v17, v20;
	v6 =	vld [tilespmem:s29+$0x4640];
	v17 =	vmul.f32 v40, v15  }
0x196: {  	v13 =	vmul.f32 v13, v15;
	v7 =	vmul.f32 v7, v18;
	v33 =	vadd.f32 v33, v50;
	[tilespmem:s21+$0xA00] =	vst v16;
	v40 =	vld [tilespmem:s21+$0x8A50]  }
0x197: {  	v24 =	vadd.f32 v24, v12;
	v16 =	vld [tilespmem:s29+$0x4650];
	v23 =	vmul.f32 v23, v18;
	v18 =	vmul.f32 v9, v18  }
0x198: {  	v9 =	vadd.f32 v13, v33;
	v13 =	vmul.f32 v31, v20;
	v31 =	vmul.f32 v48, v20;
	v33 =	vld [tilespmem:s21+$0x8A30]  }
0x199: {  	v19 =	vadd.f32 v28, v19;
	v25 =	vadd.f32 v42, v25;
	v12 =	vld [tilespmem:s29+$0x4660];
	v5 =	vmul.f32 v5, v20  }
0x19a: {  	v28 =	vmul.f32 v4, v15;
	v20 =	vadd.f32 v38, v45;
	v23 =	vadd.f32 v23, v32;
	[tilespmem:s21+$0x610] =	vst v9;
	v4 =	vld [tilespmem:s29+$0x8A10]  }
0x19b: {  	v25 =	vadd.f32 v26, v25;
	v32 =	vadd.f32 v44, v13;
	v9 =	vld [tilespmem:s29+$0x4A30];
	v26 =	vmul.f32 v40, v15;
	[tilespmem:s21+$0xA70] =	vst v19  }
0x19c: {  	v14 =	vmul.f32 v14, v15;
	v19 =	vadd.f32 v28, v23;
	v21 =	vadd.f32 v21, v5;
	v13 =	vld [tilespmem:s29+$0x8610]  }
0x19d: {  	v22 =	vadd.f32 v7, v22;
	v18 =	vadd.f32 v18, v31;
	v5 =	vld [tilespmem:s29+$0x8A20];
	[tilespmem:s21+$0x630] =	vst v25  }
0x19e: {  	v14 =	vadd.f32 v14, v20;
	v20 =	vadd.f32 v37, v27;
	v15 =	vmul.f32 v33, v15;
	v47 =	vld [tilespmem:s29+$0xA70];
	[tilespmem:s21+$0xA10] =	vst v19  }
0x19f: {  	v22 =	vadd.f32 v35, v22;
	v25 =	vadd.f32 v51, v39;
	v7 =	vld [tilespmem:s29+$0x4A20]  }
0x1a0: {  	v28 =	vadd.f32 v36, v32;
	v19 =	vld [tilespmem:s29+$0x8620];
	[tilespmem:s21+$0x640] =	vst v14;
	v14 =	vadd.f32 v15, v18  }
0x1a1: {  	v17 =	vadd.f32 v17, v24;
	v15 =	vadd.f32 v34, v46;
	v23 =	vld [tilespmem:s29+$0x8A00];
	[tilespmem:s21+$0x660] =	vst v25  }
0x1a2: {  	v27 =	vld [tilespmem:s29+$0x4A60];
	[tilespmem:s21+$0xA30] =	vst v14;
	v14 =	vadd.f32 v26, v21  }
0x1a3: {  	v21 =	vld [tilespmem:s29+$0x4A50];
	[tilespmem:s21+$0x650] =	vst v15  }
0x1a4: {  	v34 =	vld [tilespmem:s29+$0x8600];
	[tilespmem:s21+$0xA50] =	vst v14  }
0x1a5: {  	v31 =	vld [tilespmem:s29+$0x4A70];
	[tilespmem:s21+$0x670] =	vst v17  }
0x1a6: {  	v17 =	vld [tilespmem:s29+$0x670];
	[tilespmem:s21+$0x620] =	vst v28  }
0x1a7: {  	v14 =	vld [tilespmem:s29+$0x8640];
	[tilespmem:s21+$0xA60] =	vst v20  }
0x1a8: {  	v37 =	vld [tilespmem:s29+$0x4A00];
	[tilespmem:s21+$0xA20] =	vst v22;
	s21 =	smov.u32 s29  }
0x1a9: {  	v22 =	vld [tilespmem:s21+$0x8630]  }
0x1aa: {  	v26 =	vld [tilespmem:s21+$0x8A70]  }
0x1ab: {  	v32 =	vld [tilespmem:s21+$0x8A40]  }
0x1ac: {  	v24 =	vld [tilespmem:s21+$0x4670]  }
0x1ad: {  	v35 =	vld [tilespmem:s21+$0xA00]  }
0x1ae: {  	v28 =	vld [tilespmem:s21+$0x600]  }
0x1af: {  	v25 =	vld [tilespmem:s21+$0x4A40]  }
0x1b0: {  	v18 =	vld.msk [tilespmem:s26+$0x0 ss:$0x0], $0xffff  }
0x1b1: {  	v20 =	vld.msk [tilespmem:s17+$0x0 ss:$0x0], $0xffff  }
0x1b2: {  	v33 =	vld [tilespmem:s21+$0x630]  }
0x1b3: {  	v15 =	vld.msk [tilespmem:s25+$0x0 ss:$0x0], $0xffff  }
0x1b4: {  	v36 =	vld [tilespmem:s21+$0xA60]  }
0x1b5: {  	v41 =	vld [tilespmem:s21+$0xA40]  }
0x1b6: {  	v38 =	vmul.f32 v29, v18;
	v40 =	vmul.f32 v25, v18;
	v39 =	vld [tilespmem:s21+$0xA20]  }
0x1b7: {  	v21 =	vmul.f32 v21, v18;
	v25 =	vmul.f32 v33, v20;
	v46 =	vld [tilespmem:s21+$0xA10]  }
.Ltmp2:
0x1b8: {  	v42 =	vmul.f32 v28, v20;
	v33 =	vmul.f32 v30, v18;
	v45 =	vld [tilespmem:s21+$0x640];
	(pc) =	sbr.rel @p0 .LBB2_3-.Ltmp2, $4  }
0x1b9: {  	v24 =	vmul.f32 v24, v18;
	v28 =	vmul.f32 v26, v15;
	v29 =	vld [tilespmem:s21+$0x650]  }
0x1ba: {  	v44 =	vadd.f32 v38, v42;
	v26 =	vmul.f32 v22, v15;
	v38 =	vmul.f32 v31, v18;
	v30 =	vld [tilespmem:s21+$0x610]  }
0x1bb: {  	s24 =	sadd.s32 $0x80, s24;
	s17 =	sadd.s32 $0x1, s17;
	v42 =	vmul.f32 v32, v15;
	v43 =	vld [tilespmem:s21+$0x660];
	v22 =	vmul.f32 v39, v20  }
0x1bc: {  	s0 =	smov.u32 s28;
	s26 =	sadd.s32 $0x1, s26;
	s25 =	sadd.s32 $0x1, s25;
	v39 =	vmul.f32 v47, v20;
	v31 =	vld [tilespmem:s21+$0x620];
	v32 =	vmul.f32 v46, v20  }
0x1bd: {  	v41 =	vmul.f32 v41, v20;
	v34 =	vmul.f32 v34, v15  }
0x1be: {  	v56 =	vmul.f32 v45, v20;
	v37 =	vmul.f32 v37, v18  }
0x1bf: {  	v35 =	vmul.f32 v35, v20;
	v27 =	vmul.f32 v27, v18  }
0x1c0: {  	v11 =	vmul.f32 v11, v18;
	v16 =	vmul.f32 v16, v18  }
0x1c1: {  	v23 =	vmul.f32 v23, v15;
	v10 =	vmul.f32 v10, v15  }
0x1c2: {  	v36 =	vmul.f32 v36, v20;
	v8 =	vmul.f32 v8, v18  }
0x1c3: {  	v19 =	vmul.f32 v19, v15;
	v12 =	vmul.f32 v12, v18  }
0x1c4: {  	v6 =	vmul.f32 v6, v18;
	v13 =	vmul.f32 v13, v15  }
0x1c5: {  	v9 =	vmul.f32 v9, v18;
	v47 =	vmul.f32 v14, v15  }
0x1c6: {  	v57 =	vld [tilespmem:s21+$0x8650];
	v51 =	vmul.f32 v17, v20;
	v38 =	vadd.f32 v38, v39;
	v40 =	vadd.f32 v40, v41  }
0x1c7: {  	v58 =	vld [tilespmem:s21+$0xA30];
	v3 =	vmul.f32 v3, v15;
	v34 =	vadd.f32 v34, v44;
	v35 =	vadd.f32 v37, v35  }
0x1c8: {  	v61 =	vld [tilespmem:s21+$0x4A10];
	v30 =	vmul.f32 v30, v20;
	v8 =	vadd.f32 v8, v25;
	v40 =	vadd.f32 v42, v40  }
0x1c9: {  	v60 =	vld [tilespmem:s21+$0x8670];
	v29 =	vmul.f32 v29, v20;
	v6 =	vadd.f32 v6, v56;
	[tilespmem:s21+$0x600] =	vst v34;
	v23 =	vadd.f32 v23, v35  }
0x1ca: {  	v63 =	vld [tilespmem:s21+$0xA50];
	v59 =	vmul.f32 v43, v20;
	v30 =	vadd.f32 v33, v30;
	v8 =	vadd.f32 v26, v8;
	[tilespmem:s21+$0xA40] =	vst v40  }
0x1cb: {  	v16 =	vadd.f32 v16, v29;
	v6 =	vadd.f32 v47, v6;
	v52 =	vmul.f32 v31, v20;
	[tilespmem:s21+$0xA00] =	vst v23  }
0x1cc: {  	v45 =	vld [tilespmem:s21+$0x8A50];
	v62 =	vmul.f32 v57, v15;
	v12 =	vadd.f32 v12, v59;
	v13 =	vadd.f32 v13, v30;
	[tilespmem:s21+$0x630] =	vst v8  }
0x1cd: {  	v39 =	vmul.f32 v61, v18;
	v44 =	vmul.f32 v58, v20;
	v23 =	vadd.f32 v28, v38;
	[tilespmem:s21+$0x640] =	vst v6  }
0x1ce: {  	v43 =	vld [tilespmem:s21+$0x8A30];
	v57 =	vmul.f32 v60, v15;
	v58 =	vadd.f32 v24, v51;
	v53 =	vadd.f32 v10, v12;
	[tilespmem:s21+$0x610] =	vst v13  }
0x1cf: {  	v48 =	vmul.f32 v63, v20;
	v63 =	vadd.f32 v27, v36;
	v59 =	vadd.f32 v62, v16;
	[tilespmem:s21+$0xA70] =	vst v23  }
0x1d0: {  	v4 =	vmul.f32 v4, v15;
	v46 =	vadd.f32 v39, v32;
	v8 =	vadd.f32 v57, v58;
	[tilespmem:s21+$0x660] =	vst v53  }
0x1d1: {  	v54 =	vmul.f32 v45, v15;
	v61 =	vadd.f32 v11, v52;
	v3 =	vadd.f32 v3, v63;
	[tilespmem:s21+$0x650] =	vst v59  }
0x1d2: {  	v60 =	vmul.f32 v7, v18;
	v55 =	vadd.f32 v21, v48;
	v4 =	vadd.f32 v4, v46;
	[tilespmem:s21+$0x670] =	vst v8  }
0x1d3: {  	v49 =	vadd.f32 v9, v44;
	v50 =	vmul.f32 v43, v15;
	v7 =	vadd.f32 v19, v61;
	[tilespmem:s21+$0xA60] =	vst v3  }
0x1d4: {  	v5 =	vmul.f32 v5, v15;
	v62 =	vadd.f32 v54, v55;
	[tilespmem:s21+$0xA10] =	vst v4;
	v4 =	vadd.f32 v60, v22  }
0x1d5: {  	v56 =	vadd.f32 v50, v49;
	[tilespmem:s21+$0x620] =	vst v7  }
0x1d6: {  	[tilespmem:s21+$0xA50] =	vst v62;
	v4 =	vadd.f32 v5, v4  }
0x1d7: {  	s17 =	sshll.u32 s16, $0xC;
	p0 =	seq.s32 s16, $0x7;
	[tilespmem:s21+$0xA30] =	vst v56  }
.Ltmp3:
0x1d8: {  	s0 =	sadd.s32 s17, s18;
	[tilespmem:s21+$0xA20] =	vst v4;
	(pc) =	sbr.rel @p0 .LBB2_6-.Ltmp3, $4  }
0x1d9: {  	[hbm4b:s0+s3] =	stream.linear.scatter [tilespmem:s30], [sflag:$0x3], $0x4000, $0x38;
	[tilespmem:$0x18600] =	vst v63  }
0x1da: {  	_ =	swait.ge [sflag:s23], $0x4000  }
0x1db: {  	[sflag:s23] =	ssyncset.done $0x0  }
0x1dc: {  	s21 =	sshll.u32 s16, $0x9;
	[sflag:s23] =	ssyncadd.s32 $0xFFFFC000  }
0x1dd: {  	s0 =	rddreg [dreg:$0xf]  }
0x1de: {  	s0 =	sadd.s32 s21, s0  }
0x1df: {  	s0 =	sshrl.u32 s0, $0x3  }
0x1e0: {  	s19 =	sadd.s32 s4, s0  }
0x1e1: {  	[tilespmem:s3], [sflag:$0x3] =	stream.linear.gather [hbm4b:s19+s3], $0x40, $0x38;
	[tilespmem:$0x18600] =	vst v63  }
0x1e2: {  	_ =	swait.ge [sflag:s23], $0x40  }
0x1e3: {  	s28 =	sor.u32 $0x10, s0;
	[sflag:s23] =	ssyncset.done $0x0  }
0x1e4: {  	s2 =	simm.s32 $0x100;
	s24 =	sadd.s32 s4, s28;
	[sflag:s23] =	ssyncadd.s32 $0xFFFFFFC0  }
0x1e5: {  	[tilespmem:s2], [sflag:$0x3] =	stream.linear.gather [hbm4b:s24+s3], $0x40, $0x38;
	[tilespmem:$0x18600] =	vst v63  }
0x1e6: {  	_ =	swait.ge [sflag:s23], $0x40  }
0x1e7: {  	s29 =	sor.u32 $0x20, s0;
	[sflag:s23] =	ssyncset.done $0x0  }
0x1e8: {  	s31 =	simm.s32 $0x200;
	s25 =	sadd.s32 s4, s29;
	[sflag:s23] =	ssyncadd.s32 $0xFFFFFFC0  }
0x1e9: {  	[tilespmem:s31], [sflag:$0x3] =	stream.linear.gather [hbm4b:s25+s3], $0x40, $0x38;
	[tilespmem:$0x18600] =	vst v63  }
0x1ea: {  	_ =	swait.ge [sflag:s23], $0x40  }
0x1eb: {  	[sflag:s23] =	ssyncset.done $0x0  }
0x1ec: {  	s0 =	sadd.s32 s5, s0;
	s25 =	simm.s32 $0x300;
	[sflag:s23] =	ssyncadd.s32 $0xFFFFFFC0  }
0x1ed: {  	[tilespmem:s25], [sflag:$0x3] =	stream.linear.gather [hbm4b:s0+s3], $0x40, $0x38;
	[tilespmem:$0x18600] =	vst v63  }
0x1ee: {  	_ =	swait.ge [sflag:s23], $0x40  }
0x1ef: {  	[sflag:s23] =	ssyncset.done $0x0  }
0x1f0: {  	s26 =	sadd.s32 s5, s28;
	s28 =	simm.s32 $0x400;
	[sflag:s23] =	ssyncadd.s32 $0xFFFFFFC0  }
0x1f1: {  	[tilespmem:s28], [sflag:$0x3] =	stream.linear.gather [hbm4b:s26+s3], $0x40, $0x38;
	[tilespmem:$0x18600] =	vst v63  }
0x1f2: {  	_ =	swait.ge [sflag:s23], $0x40  }
0x1f3: {  	[sflag:s23] =	ssyncset.done $0x0  }
0x1f4: {  	s29 =	sadd.s32 s5, s29;
	s31 =	simm.s32 $0x500;
	[sflag:s23] =	ssyncadd.s32 $0xFFFFFFC0  }
0x1f5: {  	[tilespmem:s31], [sflag:$0x3] =	stream.linear.gather [hbm4b:s29+s3], $0x40, $0x38;
	[tilespmem:$0x18600] =	vst v63  }
0x1f6: {  	_ =	swait.ge [sflag:s23], $0x40  }
0x1f7: {  	[sflag:s23] =	ssyncset.done $0x0  }
0x1f8: {  	[sflag:s23] =	ssyncadd.s32 $0xFFFFFFC0  }
0x1f9: {  	v3 =	vld [tilespmem:$0x0];
	_ =	sdelay $0x4  }
0x1fa: {  	v4 =	vshll.u32 v3, $0x1  }
0x1fb: {  	v3 =	vand.u32 $0x7, v3;
	v4 =	vand.u32 $0xFFFFFFF0, v4  }
0x1fc: {  	v3 =	vor.u32 v3, v4  }
0x1fd: {  	v4 =	vperm.xlane v3, v0;
	_ =	sdelay $0x1  }
0x1fe: {  	v3 =	vperm.xlane v3, v2;
	v4 =	vadd.s32 v1, v4;
	_ =	sdelay $0x1  }
0x1ff: {  	v3 =	vadd.s32 v1, v3;
	_ =	sdelay $0x2  }
0x200: {  	[tilespmem:s30], [sflag:$0x1] =	stream.indirect_vreg.gather [hbm4b:s1+s3], $0x80, v4, vm0, $0xb8;
	[tilespmem:$0x18600] =	vst v63  }
0x201: {  	s19 =	simm.s32 $0xE00  }
0x202: {  	[tilespmem:s19], [sflag:$0x1] =	stream.indirect_vreg.gather [hbm4b:s1+s3], $0x80, v3, vm0, $0xb8;
	[tilespmem:$0x18600] =	vst v63  }
0x203: {  	v3 =	vld [tilespmem:$0x10];
	_ =	sdelay $0x4  }
0x204: {  	v53 =	vshll.u32 v3, $0x1  }
0x205: {  	v3 =	vand.u32 $0x7, v3;
	v4 =	vand.u32 $0xFFFFFFF0, v53  }
0x206: {  	v3 =	vor.u32 v3, v4  }
0x207: {  	v4 =	vperm.xlane v3, v0;
	_ =	sdelay $0x1  }
0x208: {  	v3 =	vperm.xlane v3, v2;
	v4 =	vadd.s32 v1, v4;
	_ =	sdelay $0x1  }
0x209: {  	v3 =	vadd.s32 v1, v3;
	_ =	sdelay $0x1  }
0x20a: {  	s24 =	simm.s32 $0x1600  }
0x20b: {  	[tilespmem:s24], [sflag:$0x1] =	stream.indirect_vreg.gather [hbm4b:s1+s3], $0x80, v4, vm0, $0xb8;
	[tilespmem:$0x18600] =	vst v63  }
0x20c: {  	s25 =	simm.s32 $0x1E00  }
0x20d: {  	[tilespmem:s25], [sflag:$0x1] =	stream.indirect_vreg.gather [hbm4b:s1+s3], $0x80, v3, vm0, $0xb8;
	[tilespmem:$0x18600] =	vst v63  }
0x20e: {  	v3 =	vld [tilespmem:$0x20];
	_ =	sdelay $0x4  }
0x20f: {  	v54 =	vshll.u32 v3, $0x1  }
0x210: {  	v3 =	vand.u32 $0x7, v3;
	v4 =	vand.u32 $0xFFFFFFF0, v54  }
0x211: {  	v3 =	vor.u32 v3, v4  }
0x212: {  	v4 =	vperm.xlane v3, v0;
	_ =	sdelay $0x1  }
0x213: {  	v3 =	vperm.xlane v3, v2;
	v4 =	vadd.s32 v1, v4;
	_ =	sdelay $0x1  }
0x214: {  	v3 =	vadd.s32 v1, v3;
	_ =	sdelay $0x1  }
0x215: {  	s26 =	simm.s32 $0x2600  }
0x216: {  	[tilespmem:s26], [sflag:$0x1] =	stream.indirect_vreg.gather [hbm4b:s1+s3], $0x80, v4, vm0, $0xb8;
	[tilespmem:$0x18600] =	vst v63  }
0x217: {  	s28 =	simm.s32 $0x2E00  }
0x218: {  	[tilespmem:s28], [sflag:$0x1] =	stream.indirect_vreg.gather [hbm4b:s1+s3], $0x80, v3, vm0, $0xb8;
	[tilespmem:$0x18600] =	vst v63  }
0x219: {  	v3 =	vld [tilespmem:$0x30];
	_ =	sdelay $0x4  }
0x21a: {  	v55 =	vshll.u32 v3, $0x1  }
0x21b: {  	v3 =	vand.u32 $0x7, v3;
	v4 =	vand.u32 $0xFFFFFFF0, v55  }
0x21c: {  	v3 =	vor.u32 v3, v4  }
0x21d: {  	v4 =	vperm.xlane v3, v0;
	_ =	sdelay $0x1  }
0x21e: {  	v3 =	vperm.xlane v3, v2;
	v4 =	vadd.s32 v1, v4;
	_ =	sdelay $0x1  }
0x21f: {  	v3 =	vadd.s32 v1, v3;
	_ =	sdelay $0x1  }
0x220: {  	s29 =	simm.s32 $0x3600  }
0x221: {  	[tilespmem:s29], [sflag:$0x1] =	stream.indirect_vreg.gather [hbm4b:s1+s3], $0x80, v4, vm0, $0xb8;
	[tilespmem:$0x18600] =	vst v63  }
0x222: {  	s31 =	simm.s32 $0x3E00  }
0x223: {  	[tilespmem:s31], [sflag:$0x1] =	stream.indirect_vreg.gather [hbm4b:s1+s3], $0x80, v3, vm0, $0xb8;
	[tilespmem:$0x18600] =	vst v63  }
0x224: {  	v3 =	vld [tilespmem:$0x100];
	_ =	sdelay $0x4  }
0x225: {  	v56 =	vshll.u32 v3, $0x1  }
0x226: {  	v3 =	vand.u32 $0x7, v3;
	v4 =	vand.u32 $0xFFFFFFF0, v56  }
0x227: {  	v3 =	vor.u32 v3, v4  }
0x228: {  	v4 =	vperm.xlane v3, v0;
	_ =	sdelay $0x1  }
0x229: {  	v3 =	vperm.xlane v3, v2;
	v4 =	vadd.s32 v1, v4;
	_ =	sdelay $0x1  }
0x22a: {  	v3 =	vadd.s32 v1, v3;
	_ =	sdelay $0x1  }
0x22b: {  	s2 =	simm.s32 $0x4600  }
0x22c: {  	[tilespmem:s2], [sflag:$0x1] =	stream.indirect_vreg.gather [hbm4b:s1+s3], $0x80, v4, vm0, $0xb8;
	[tilespmem:$0x18600] =	vst v63  }
0x22d: {  	s19 =	simm.s32 $0x4E00  }
0x22e: {  	[tilespmem:s19], [sflag:$0x1] =	stream.indirect_vreg.gather [hbm4b:s1+s3], $0x80, v3, vm0, $0xb8;
	[tilespmem:$0x18600] =	vst v63  }
0x22f: {  	v3 =	vld [tilespmem:$0x110];
	_ =	sdelay $0x4  }
0x230: {  	v57 =	vshll.u32 v3, $0x1  }
0x231: {  	v3 =	vand.u32 $0x7, v3;
	v4 =	vand.u32 $0xFFFFFFF0, v57  }
0x232: {  	v3 =	vor.u32 v3, v4  }
0x233: {  	v4 =	vperm.xlane v3, v0;
	_ =	sdelay $0x1  }
0x234: {  	v3 =	vperm.xlane v3, v2;
	v4 =	vadd.s32 v1, v4;
	_ =	sdelay $0x1  }
0x235: {  	v3 =	vadd.s32 v1, v3;
	_ =	sdelay $0x1  }
0x236: {  	s24 =	simm.s32 $0x5600  }
0x237: {  	[tilespmem:s24], [sflag:$0x1] =	stream.indirect_vreg.gather [hbm4b:s1+s3], $0x80, v4, vm0, $0xb8;
	[tilespmem:$0x18600] =	vst v63  }
0x238: {  	s25 =	simm.s32 $0x5E00  }
0x239: {  	[tilespmem:s25], [sflag:$0x1] =	stream.indirect_vreg.gather [hbm4b:s1+s3], $0x80, v3, vm0, $0xb8;
	[tilespmem:$0x18600] =	vst v63  }
0x23a: {  	v3 =	vld [tilespmem:$0x120];
	_ =	sdelay $0x4  }
0x23b: {  	v58 =	vshll.u32 v3, $0x1  }
0x23c: {  	v3 =	vand.u32 $0x7, v3;
	v4 =	vand.u32 $0xFFFFFFF0, v58  }
0x23d: {  	v3 =	vor.u32 v3, v4  }
0x23e: {  	v4 =	vperm.xlane v3, v0;
	_ =	sdelay $0x1  }
0x23f: {  	v3 =	vperm.xlane v3, v2;
	v4 =	vadd.s32 v1, v4;
	_ =	sdelay $0x1  }
0x240: {  	v3 =	vadd.s32 v1, v3;
	_ =	sdelay $0x1  }
0x241: {  	s26 =	simm.s32 $0x6600  }
0x242: {  	[tilespmem:s26], [sflag:$0x1] =	stream.indirect_vreg.gather [hbm4b:s1+s3], $0x80, v4, vm0, $0xb8;
	[tilespmem:$0x18600] =	vst v63  }
0x243: {  	s28 =	simm.s32 $0x6E00  }
0x244: {  	[tilespmem:s28], [sflag:$0x1] =	stream.indirect_vreg.gather [hbm4b:s1+s3], $0x80, v3, vm0, $0xb8;
	[tilespmem:$0x18600] =	vst v63  }
0x245: {  	v3 =	vld [tilespmem:$0x130];
	_ =	sdelay $0x4  }
0x246: {  	v59 =	vshll.u32 v3, $0x1  }
0x247: {  	v3 =	vand.u32 $0x7, v3;
	v4 =	vand.u32 $0xFFFFFFF0, v59  }
0x248: {  	v3 =	vor.u32 v3, v4  }
0x249: {  	v4 =	vperm.xlane v3, v0;
	_ =	sdelay $0x1  }
0x24a: {  	v3 =	vperm.xlane v3, v2;
	v4 =	vadd.s32 v1, v4;
	_ =	sdelay $0x1  }
0x24b: {  	v3 =	vadd.s32 v1, v3;
	_ =	sdelay $0x1  }
0x24c: {  	s29 =	simm.s32 $0x7600  }
0x24d: {  	[tilespmem:s29], [sflag:$0x1] =	stream.indirect_vreg.gather [hbm4b:s1+s3], $0x80, v4, vm0, $0xb8;
	[tilespmem:$0x18600] =	vst v63  }
0x24e: {  	s31 =	simm.s32 $0x7E00  }
0x24f: {  	[tilespmem:s31], [sflag:$0x1] =	stream.indirect_vreg.gather [hbm4b:s1+s3], $0x80, v3, vm0, $0xb8;
	[tilespmem:$0x18600] =	vst v63  }
0x250: {  	v3 =	vld [tilespmem:$0x200];
	_ =	sdelay $0x4  }
0x251: {  	v60 =	vshll.u32 v3, $0x1  }
0x252: {  	v3 =	vand.u32 $0x7, v3;
	v4 =	vand.u32 $0xFFFFFFF0, v60  }
0x253: {  	v3 =	vor.u32 v3, v4  }
0x254: {  	v4 =	vperm.xlane v3, v0;
	_ =	sdelay $0x1  }
0x255: {  	v3 =	vperm.xlane v3, v2;
	v4 =	vadd.s32 v1, v4;
	_ =	sdelay $0x1  }
0x256: {  	v3 =	vadd.s32 v1, v3;
	_ =	sdelay $0x1  }
0x257: {  	s2 =	simm.s32 $0x8600  }
0x258: {  	[tilespmem:s2], [sflag:$0x1] =	stream.indirect_vreg.gather [hbm4b:s1+s3], $0x80, v4, vm0, $0xb8;
	[tilespmem:$0x18600] =	vst v63  }
0x259: {  	s19 =	simm.s32 $0x8E00  }
0x25a: {  	[tilespmem:s19], [sflag:$0x1] =	stream.indirect_vreg.gather [hbm4b:s1+s3], $0x80, v3, vm0, $0xb8;
	[tilespmem:$0x18600] =	vst v63  }
0x25b: {  	v3 =	vld [tilespmem:$0x210];
	_ =	sdelay $0x4  }
0x25c: {  	v61 =	vshll.u32 v3, $0x1  }
0x25d: {  	v3 =	vand.u32 $0x7, v3;
	v4 =	vand.u32 $0xFFFFFFF0, v61  }
0x25e: {  	v3 =	vor.u32 v3, v4  }
0x25f: {  	v4 =	vperm.xlane v3, v0;
	_ =	sdelay $0x1  }
0x260: {  	v3 =	vperm.xlane v3, v2;
	v4 =	vadd.s32 v1, v4;
	_ =	sdelay $0x1  }
0x261: {  	v3 =	vadd.s32 v1, v3;
	_ =	sdelay $0x1  }
0x262: {  	s24 =	simm.s32 $0x9600  }
0x263: {  	[tilespmem:s24], [sflag:$0x1] =	stream.indirect_vreg.gather [hbm4b:s1+s3], $0x80, v4, vm0, $0xb8;
	[tilespmem:$0x18600] =	vst v63  }
0x264: {  	s25 =	simm.s32 $0x9E00  }
0x265: {  	[tilespmem:s25], [sflag:$0x1] =	stream.indirect_vreg.gather [hbm4b:s1+s3], $0x80, v3, vm0, $0xb8;
	[tilespmem:$0x18600] =	vst v63  }
0x266: {  	v3 =	vld [tilespmem:$0x220];
	_ =	sdelay $0x4  }
0x267: {  	v62 =	vshll.u32 v3, $0x1  }
0x268: {  	v3 =	vand.u32 $0x7, v3;
	v4 =	vand.u32 $0xFFFFFFF0, v62  }
0x269: {  	v3 =	vor.u32 v3, v4  }
0x26a: {  	v4 =	vperm.xlane v3, v0;
	_ =	sdelay $0x1  }
0x26b: {  	v3 =	vperm.xlane v3, v2;
	v4 =	vadd.s32 v1, v4;
	_ =	sdelay $0x1  }
0x26c: {  	v3 =	vadd.s32 v1, v3;
	_ =	sdelay $0x1  }
0x26d: {  	s26 =	simm.s32 $0xA600  }
0x26e: {  	[tilespmem:s26], [sflag:$0x1] =	stream.indirect_vreg.gather [hbm4b:s1+s3], $0x80, v4, vm0, $0xb8;
	[tilespmem:$0x18600] =	vst v63  }
0x26f: {  	s28 =	simm.s32 $0xAE00  }
0x270: {  	[tilespmem:s28], [sflag:$0x1] =	stream.indirect_vreg.gather [hbm4b:s1+s3], $0x80, v3, vm0, $0xb8;
	[tilespmem:$0x18600] =	vst v63  }
0x271: {  	v3 =	vld [tilespmem:$0x230];
	_ =	sdelay $0x4  }
0x272: {  	v63 =	vshll.u32 v3, $0x1  }
0x273: {  	v3 =	vand.u32 $0x7, v3;
	v4 =	vand.u32 $0xFFFFFFF0, v63  }
0x274: {  	v3 =	vor.u32 v3, v4  }
0x275: {  	v4 =	vperm.xlane v3, v0;
	_ =	sdelay $0x1  }
0x276: {  	v3 =	vperm.xlane v3, v2;
	v4 =	vadd.s32 v1, v4;
	_ =	sdelay $0x1  }
0x277: {  	v3 =	vadd.s32 v1, v3;
	_ =	sdelay $0x1  }
0x278: {  	s29 =	simm.s32 $0xB600  }
0x279: {  	[tilespmem:s29], [sflag:$0x1] =	stream.indirect_vreg.gather [hbm4b:s1+s3], $0x80, v4, vm0, $0xb8;
	[tilespmem:$0x18600] =	vst v63  }
0x27a: {  	s31 =	simm.s32 $0xBE00  }
0x27b: {  	[tilespmem:s31], [sflag:$0x1] =	stream.indirect_vreg.gather [hbm4b:s1+s3], $0x80, v3, vm0, $0xb8;
	[tilespmem:$0x18600] =	vst v63  }
.LBB2_6:
0x27c: {  	_ =	swait.ge [sflag:s15], $0x4000  }
0x27d: {  	[sflag:s15] =	ssyncset.done $0x0  }
0x27e: {  	[sflag:s15] =	ssyncadd.s32 $0xFFFFC000  }
0x27f: {  	_ =	swait.ge [sflag:s15], $0x4000  }
0x280: {  	[sflag:s15] =	ssyncset.done $0x0  }
0x281: {  	[sflag:s15] =	ssyncadd.s32 $0xFFFFC000  }
0x282: {  	s0 =	simm.s32 $0x0;
	_ =	swait.ge [sflag:s15], $0x4000  }
0x283: {  	s19 =	sand.u32 $0x3800, s0;
	s0 =	sand.u32 $0x380, s0;
	[sflag:s15] =	ssyncset.done $0x0  }
0x284: {  	s24 =	sor.u32 s0, s19;
	[sflag:s15] =	ssyncadd.s32 $0xFFFFC000  }
0x285: {  	v10 =	vld [tilespmem:s24+$0x14660]  }
0x286: {  	v21 =	vld [tilespmem:s24+$0x10600]  }
0x287: {  	v3 =	vld [tilespmem:s24+$0x14A60]  }
0x288: {  	v22 =	vld [tilespmem:s24+$0x10610]  }
0x289: {  	v11 =	vld [tilespmem:s24+$0x10620]  }
0x28a: {  	v8 =	vld [tilespmem:s24+$0x10630]  }
0x28b: {  	v6 =	vld [tilespmem:s24+$0x10640]  }
0x28c: {  	v16 =	vld [tilespmem:s24+$0x10650]  }
0x28d: {  	v12 =	vld [tilespmem:s24+$0x10660]  }
0x28e: {  	v4 =	vld [tilespmem:s24+$0x14A10]  }
0x28f: {  	v9 =	vld [tilespmem:s24+$0x10A30]  }
0x290: {  	v13 =	vld [tilespmem:s24+$0x14610]  }
0x291: {  	v5 =	vld [tilespmem:s24+$0x14A20]  }
0x292: {  	v39 =	vld [tilespmem:s24+$0xCA70]  }
0x293: {  	v7 =	vld [tilespmem:s24+$0x10A20]  }
0x294: {  	v19 =	vld [tilespmem:s24+$0x14620]  }
0x295: {  	v23 =	vld [tilespmem:s24+$0x14A00]  }
0x296: {  	v27 =	vld [tilespmem:s24+$0x10A60]  }
0x297: {  	v24 =	vld [tilespmem:s24+$0x10A50]  }
0x298: {  	v34 =	vld [tilespmem:s24+$0x14600]  }
0x299: {  	v31 =	vld [tilespmem:s24+$0x10A70]  }
0x29a: {  	v17 =	vld [tilespmem:s24+$0xC670]  }
0x29b: {  	v14 =	vld [tilespmem:s24+$0x14640]  }
0x29c: {  	v37 =	vld [tilespmem:s24+$0x10A00]  }
0x29d: {  	v26 =	vld [tilespmem:s24+$0x14630]  }
0x29e: {  	v28 =	vld [tilespmem:s24+$0x14A70]  }
0x29f: {  	v32 =	vld [tilespmem:s24+$0x14A40]  }
0x2a0: {  	v30 =	vld [tilespmem:s24+$0x10670]  }
0x2a1: {  	v35 =	vld [tilespmem:s24+$0xCA00]  }
0x2a2: {  	v29 =	vld [tilespmem:s24+$0xC600]  }
0x2a3: {  	s19 =	simm.s32 $0x480;
	v25 =	vld [tilespmem:s24+$0x10A40]  }
0x2a4: {  	s25 =	simm.s32 $0x380;
	v18 =	vld.msk [tilespmem:s19+$0x0 ss:$0x0], $0xffff  }
0x2a5: {  	v20 =	vld.msk [tilespmem:s25+$0x0 ss:$0x0], $0xffff  }
0x2a6: {  	s26 =	simm.s32 $0x580;
	v33 =	vld [tilespmem:s24+$0xC630]  }
0x2a7: {  	v15 =	vld.msk [tilespmem:s26+$0x0 ss:$0x0], $0xffff  }
0x2a8: {  	v36 =	vld [tilespmem:s24+$0xCA60]  }
0x2a9: {  	v41 =	vld [tilespmem:s24+$0xCA40]  }
0x2aa: {  	v42 =	vld [tilespmem:s24+$0xCA20];
	v44 =	vmul.f32 v21, v18;
	v40 =	vmul.f32 v25, v18  }
0x2ab: {  	v46 =	vld [tilespmem:s24+$0xCA10];
	v25 =	vmul.f32 v33, v20;
	v21 =	vmul.f32 v24, v18  }
0x2ac: {  	v45 =	vld [tilespmem:s24+$0xC640];
	v47 =	vmul.f32 v29, v20;
	v33 =	vmul.f32 v22, v18  }
0x2ad: {  	v43 =	vld [tilespmem:s24+$0xC660];
	v24 =	vmul.f32 v30, v18;
	v28 =	vmul.f32 v28, v15  }
0x2ae: {  	v29 =	vld [tilespmem:s24+$0xC650];
	v26 =	vmul.f32 v26, v15;
	v38 =	vmul.f32 v31, v18  }
0x2af: {  	s31 =	simm.s32 $0x100;
	s28 =	simm.s32 $0x381;
	v30 =	vld [tilespmem:s24+$0xC610];
	v22 =	vmul.f32 v42, v20;
	v42 =	vmul.f32 v32, v15  }
0x2b0: {  	s29 =	simm.s32 $0x481;
	s25 =	simm.s32 $0x581;
	s26 =	simm.s32 $0x80;
	v31 =	vld [tilespmem:s24+$0xC620];
	v32 =	vmul.f32 v46, v20;
	v39 =	vmul.f32 v39, v20;
	v44 =	vadd.f32 v44, v47  }
.LBB2_7:
0x2b1: {  	s19 =	smov.u32 s31  }
0x2b2: {  	s0 =	sand.u32 $0x3800, s31;
	s2 =	sand.u32 $0x380, s26;
	v45 =	vmul.f32 v45, v20;
	v46 =	vld [tilespmem:s24+$0x14650];
	v37 =	vmul.f32 v37, v18;
	s19 =	sadd.s32 $0x100, s31  }
0x2b3: {  	p1 =	sne.s32 s31, $0x3F00;
	v41 =	vmul.f32 v41, v20;
	s0 =	sor.u32 s2, s0;
	v47 =	vmul.f32 v29, v20;
	v48 =	vld [tilespmem:s24+$0xCA30]  }
0x2b4: {  	v34 =	vmul.f32 v34, v15;
	v50 =	vmul.f32 v30, v20;
	v49 =	vld [tilespmem:s0+$0x14660]  }
0x2b5: {  	v27 =	vmul.f32 v27, v18;
	v40 =	vadd.f32 v40, v41;
	v43 =	vmul.f32 v43, v20;
	v29 =	vld [tilespmem:s0+$0x10600]  }
0x2b6: {  	v35 =	vmul.f32 v35, v20;
	v34 =	vadd.f32 v34, v44;
	v44 =	vmul.f32 v11, v18;
	v41 =	vld [tilespmem:s0+$0x14A60]  }
0x2b7: {  	v16 =	vmul.f32 v16, v18;
	v51 =	vmul.f32 v10, v15;
	v52 =	vadd.f32 v42, v40;
	v30 =	vld [tilespmem:s0+$0x10610]  }
0x2b8: {  	v36 =	vmul.f32 v36, v20;
	[tilespmem:s24+$0xC600] =	vst v34;
	v34 =	vmul.f32 v46, v15;
	v40 =	vld [tilespmem:s24+$0x14670]  }
0x2b9: {  	v35 =	vadd.f32 v37, v35;
	v37 =	vmul.f32 v3, v15;
	v42 =	vmul.f32 v8, v18;
	v11 =	vld [tilespmem:s0+$0x10620];
	[tilespmem:s24+$0xCA40] =	vst v52  }
0x2ba: {  	v27 =	vadd.f32 v27, v36;
	v46 =	vadd.f32 v16, v47;
	v16 =	vmul.f32 v23, v15;
	v10 =	vmovc v49;
	v23 =	vld [tilespmem:s24+$0x10A10]  }
0x2bb: {  	v12 =	vmul.f32 v12, v18;
	v36 =	vmul.f32 v19, v15;
	v19 =	vadd.f32 v38, v39;
	v8 =	vld [tilespmem:s0+$0x10630];
	v3 =	vmovc v41  }
0x2bc: {  	v38 =	vmul.f32 v6, v18;
	v16 =	vadd.f32 v16, v35;
	v35 =	vmul.f32 v5, v15;
	v5 =	vld [tilespmem:s24+$0xCA50]  }
0x2bd: {  	v39 =	vadd.f32 v12, v43;
	v12 =	vmul.f32 v17, v20;
	v6 =	vld [tilespmem:s0+$0x10640];
	v17 =	vmul.f32 v40, v15  }
0x2be: {  	v13 =	vmul.f32 v13, v15;
	v7 =	vmul.f32 v7, v18;
	v33 =	vadd.f32 v33, v50;
	[tilespmem:s24+$0xCA00] =	vst v16;
	v40 =	vld [tilespmem:s24+$0x14A50]  }
0x2bf: {  	v24 =	vadd.f32 v24, v12;
	v16 =	vld [tilespmem:s0+$0x10650];
	v23 =	vmul.f32 v23, v18;
	v18 =	vmul.f32 v9, v18  }
0x2c0: {  	v9 =	vadd.f32 v13, v33;
	v13 =	vmul.f32 v31, v20;
	v31 =	vmul.f32 v48, v20;
	v33 =	vld [tilespmem:s24+$0x14A30]  }
0x2c1: {  	v19 =	vadd.f32 v28, v19;
	v25 =	vadd.f32 v42, v25;
	v12 =	vld [tilespmem:s0+$0x10660];
	v5 =	vmul.f32 v5, v20  }
0x2c2: {  	v28 =	vmul.f32 v4, v15;
	v20 =	vadd.f32 v38, v45;
	v23 =	vadd.f32 v23, v32;
	[tilespmem:s24+$0xC610] =	vst v9;
	v4 =	vld [tilespmem:s0+$0x14A10]  }
0x2c3: {  	v25 =	vadd.f32 v26, v25;
	v32 =	vadd.f32 v44, v13;
	v9 =	vld [tilespmem:s0+$0x10A30];
	v26 =	vmul.f32 v40, v15;
	[tilespmem:s24+$0xCA70] =	vst v19  }
0x2c4: {  	v14 =	vmul.f32 v14, v15;
	v19 =	vadd.f32 v28, v23;
	v21 =	vadd.f32 v21, v5;
	v13 =	vld [tilespmem:s0+$0x14610]  }
0x2c5: {  	v22 =	vadd.f32 v7, v22;
	v18 =	vadd.f32 v18, v31;
	v5 =	vld [tilespmem:s0+$0x14A20];
	[tilespmem:s24+$0xC630] =	vst v25  }
0x2c6: {  	v14 =	vadd.f32 v14, v20;
	v20 =	vadd.f32 v37, v27;
	v15 =	vmul.f32 v33, v15;
	v47 =	vld [tilespmem:s0+$0xCA70];
	[tilespmem:s24+$0xCA10] =	vst v19  }
0x2c7: {  	v22 =	vadd.f32 v35, v22;
	v25 =	vadd.f32 v51, v39;
	v7 =	vld [tilespmem:s0+$0x10A20]  }
0x2c8: {  	v28 =	vadd.f32 v36, v32;
	v19 =	vld [tilespmem:s0+$0x14620];
	[tilespmem:s24+$0xC640] =	vst v14;
	v14 =	vadd.f32 v15, v18  }
0x2c9: {  	v17 =	vadd.f32 v17, v24;
	v15 =	vadd.f32 v34, v46;
	v23 =	vld [tilespmem:s0+$0x14A00];
	[tilespmem:s24+$0xC660] =	vst v25  }
0x2ca: {  	v27 =	vld [tilespmem:s0+$0x10A60];
	[tilespmem:s24+$0xCA30] =	vst v14;
	v14 =	vadd.f32 v26, v21  }
0x2cb: {  	v21 =	vld [tilespmem:s0+$0x10A50];
	[tilespmem:s24+$0xC650] =	vst v15  }
0x2cc: {  	v34 =	vld [tilespmem:s0+$0x14600];
	[tilespmem:s24+$0xCA50] =	vst v14  }
0x2cd: {  	v31 =	vld [tilespmem:s0+$0x10A70];
	[tilespmem:s24+$0xC670] =	vst v17  }
0x2ce: {  	v17 =	vld [tilespmem:s0+$0xC670];
	[tilespmem:s24+$0xC620] =	vst v28  }
0x2cf: {  	v14 =	vld [tilespmem:s0+$0x14640];
	[tilespmem:s24+$0xCA60] =	vst v20  }
0x2d0: {  	v37 =	vld [tilespmem:s0+$0x10A00];
	[tilespmem:s24+$0xCA20] =	vst v22;
	s24 =	smov.u32 s0  }
0x2d1: {  	v22 =	vld [tilespmem:s24+$0x14630]  }
0x2d2: {  	v26 =	vld [tilespmem:s24+$0x14A70]  }
0x2d3: {  	v32 =	vld [tilespmem:s24+$0x14A40]  }
0x2d4: {  	v24 =	vld [tilespmem:s24+$0x10670]  }
0x2d5: {  	v35 =	vld [tilespmem:s24+$0xCA00]  }
0x2d6: {  	v28 =	vld [tilespmem:s24+$0xC600]  }
0x2d7: {  	v25 =	vld [tilespmem:s24+$0x10A40]  }
0x2d8: {  	v18 =	vld.msk [tilespmem:s29+$0x0 ss:$0x0], $0xffff  }
0x2d9: {  	v20 =	vld.msk [tilespmem:s28+$0x0 ss:$0x0], $0xffff  }
0x2da: {  	v33 =	vld [tilespmem:s24+$0xC630]  }
0x2db: {  	v15 =	vld.msk [tilespmem:s25+$0x0 ss:$0x0], $0xffff  }
0x2dc: {  	v36 =	vld [tilespmem:s24+$0xCA60]  }
0x2dd: {  	v41 =	vld [tilespmem:s24+$0xCA40]  }
0x2de: {  	v38 =	vmul.f32 v29, v18;
	v40 =	vmul.f32 v25, v18;
	v39 =	vld [tilespmem:s24+$0xCA20]  }
0x2df: {  	v21 =	vmul.f32 v21, v18;
	v25 =	vmul.f32 v33, v20;
	v46 =	vld [tilespmem:s24+$0xCA10]  }
.Ltmp4:
0x2e0: {  	v42 =	vmul.f32 v28, v20;
	v33 =	vmul.f32 v30, v18;
	v45 =	vld [tilespmem:s24+$0xC640];
	(pc) =	sbr.rel @p1 .LBB2_7-.Ltmp4, $4  }
0x2e1: {  	v24 =	vmul.f32 v24, v18;
	v28 =	vmul.f32 v26, v15;
	v29 =	vld [tilespmem:s24+$0xC650]  }
0x2e2: {  	v44 =	vadd.f32 v38, v42;
	v26 =	vmul.f32 v22, v15;
	v38 =	vmul.f32 v31, v18;
	v30 =	vld [tilespmem:s24+$0xC610]  }
0x2e3: {  	s26 =	sadd.s32 $0x80, s26;
	s25 =	sadd.s32 $0x1, s25;
	v42 =	vmul.f32 v32, v15;
	v43 =	vld [tilespmem:s24+$0xC660];
	v22 =	vmul.f32 v39, v20  }
0x2e4: {  	s31 =	smov.u32 s19;
	s29 =	sadd.s32 $0x1, s29;
	s28 =	sadd.s32 $0x1, s28;
	v39 =	vmul.f32 v47, v20;
	v31 =	vld [tilespmem:s24+$0xC620];
	v32 =	vmul.f32 v46, v20  }
0x2e5: {  	v41 =	vmul.f32 v41, v20;
	v34 =	vmul.f32 v34, v15  }
0x2e6: {  	v56 =	vmul.f32 v45, v20;
	v37 =	vmul.f32 v37, v18  }
0x2e7: {  	v35 =	vmul.f32 v35, v20;
	v27 =	vmul.f32 v27, v18  }
0x2e8: {  	v11 =	vmul.f32 v11, v18;
	v16 =	vmul.f32 v16, v18  }
0x2e9: {  	v23 =	vmul.f32 v23, v15;
	v10 =	vmul.f32 v10, v15  }
0x2ea: {  	v36 =	vmul.f32 v36, v20;
	v8 =	vmul.f32 v8, v18  }
0x2eb: {  	v19 =	vmul.f32 v19, v15;
	v12 =	vmul.f32 v12, v18  }
0x2ec: {  	v6 =	vmul.f32 v6, v18;
	v13 =	vmul.f32 v13, v15  }
0x2ed: {  	v9 =	vmul.f32 v9, v18;
	v47 =	vmul.f32 v14, v15  }
0x2ee: {  	v57 =	vld [tilespmem:s24+$0x14650];
	v51 =	vmul.f32 v17, v20;
	v38 =	vadd.f32 v38, v39;
	v40 =	vadd.f32 v40, v41  }
0x2ef: {  	v58 =	vld [tilespmem:s24+$0xCA30];
	v3 =	vmul.f32 v3, v15;
	v34 =	vadd.f32 v34, v44;
	v35 =	vadd.f32 v37, v35  }
0x2f0: {  	v61 =	vld [tilespmem:s24+$0x10A10];
	v30 =	vmul.f32 v30, v20;
	v8 =	vadd.f32 v8, v25;
	v40 =	vadd.f32 v42, v40  }
0x2f1: {  	v60 =	vld [tilespmem:s24+$0x14670];
	v29 =	vmul.f32 v29, v20;
	v6 =	vadd.f32 v6, v56;
	[tilespmem:s24+$0xC600] =	vst v34;
	v23 =	vadd.f32 v23, v35  }
0x2f2: {  	v63 =	vld [tilespmem:s24+$0xCA50];
	v59 =	vmul.f32 v43, v20;
	v30 =	vadd.f32 v33, v30;
	v8 =	vadd.f32 v26, v8;
	[tilespmem:s24+$0xCA40] =	vst v40  }
0x2f3: {  	v16 =	vadd.f32 v16, v29;
	v6 =	vadd.f32 v47, v6;
	v52 =	vmul.f32 v31, v20;
	[tilespmem:s24+$0xCA00] =	vst v23  }
0x2f4: {  	v45 =	vld [tilespmem:s24+$0x14A50];
	v62 =	vmul.f32 v57, v15;
	v12 =	vadd.f32 v12, v59;
	v13 =	vadd.f32 v13, v30;
	[tilespmem:s24+$0xC630] =	vst v8  }
0x2f5: {  	v39 =	vmul.f32 v61, v18;
	v44 =	vmul.f32 v58, v20;
	v23 =	vadd.f32 v28, v38;
	[tilespmem:s24+$0xC640] =	vst v6  }
0x2f6: {  	v43 =	vld [tilespmem:s24+$0x14A30];
	v57 =	vmul.f32 v60, v15;
	v58 =	vadd.f32 v24, v51;
	v53 =	vadd.f32 v10, v12;
	[tilespmem:s24+$0xC610] =	vst v13  }
0x2f7: {  	v48 =	vmul.f32 v63, v20;
	v63 =	vadd.f32 v27, v36;
	v59 =	vadd.f32 v62, v16;
	[tilespmem:s24+$0xCA70] =	vst v23  }
0x2f8: {  	v4 =	vmul.f32 v4, v15;
	v46 =	vadd.f32 v39, v32;
	v8 =	vadd.f32 v57, v58;
	[tilespmem:s24+$0xC660] =	vst v53  }
0x2f9: {  	v54 =	vmul.f32 v45, v15;
	v61 =	vadd.f32 v11, v52;
	v3 =	vadd.f32 v3, v63;
	[tilespmem:s24+$0xC650] =	vst v59  }
0x2fa: {  	v60 =	vmul.f32 v7, v18;
	v55 =	vadd.f32 v21, v48;
	v4 =	vadd.f32 v4, v46;
	[tilespmem:s24+$0xC670] =	vst v8  }
0x2fb: {  	v49 =	vadd.f32 v9, v44;
	v50 =	vmul.f32 v43, v15;
	v7 =	vadd.f32 v19, v61;
	[tilespmem:s24+$0xCA60] =	vst v3  }
0x2fc: {  	v5 =	vmul.f32 v5, v15;
	v62 =	vadd.f32 v54, v55;
	[tilespmem:s24+$0xCA10] =	vst v4;
	v4 =	vadd.f32 v60, v22  }
0x2fd: {  	v56 =	vadd.f32 v50, v49;
	[tilespmem:s24+$0xC620] =	vst v7  }
0x2fe: {  	[tilespmem:s24+$0xCA50] =	vst v62;
	v4 =	vadd.f32 v5, v4  }
0x2ff: {  	[tilespmem:s24+$0xCA30] =	vst v56  }
.Ltmp5:
0x300: {  	s0 =	sadd.s32 s22, s17;
	[tilespmem:s24+$0xCA20] =	vst v4;
	(pc) =	sbr.rel @p0 .LBB2_10-.Ltmp5, $4  }
0x301: {  	[hbm4b:s0+s3] =	stream.linear.scatter [tilespmem:s11], [sflag:$0x3], $0x4000, $0x38;
	[tilespmem:$0x18600] =	vst v63  }
0x302: {  	_ =	swait.ge [sflag:s23], $0x4000  }
0x303: {  	[sflag:s23] =	ssyncset.done $0x0  }
0x304: {  	[sflag:s23] =	ssyncadd.s32 $0xFFFFC000  }
0x305: {  	s0 =	sadd.s32 s21, s20  }
0x306: {  	s0 =	sshrl.u32 s0, $0x3  }
0x307: {  	s2 =	sand.u32 $0x7FC0, s0  }
0x308: {  	s17 =	sor.u32 $0x8, s2  }
0x309: {  	s24 =	simm.s32 $0x80;
	s19 =	sadd.s32 s4, s17  }
0x30a: {  	[tilespmem:s24], [sflag:$0x3] =	stream.linear.gather [hbm4b:s19+s3], $0x40, $0x38;
	[tilespmem:$0x18600] =	vst v63  }
0x30b: {  	_ =	swait.ge [sflag:s23], $0x40  }
0x30c: {  	s2 =	sor.u32 $0x18, s2;
	[sflag:s23] =	ssyncset.done $0x0  }
0x30d: {  	s26 =	simm.s32 $0x180;
	s25 =	sadd.s32 s4, s2;
	[sflag:s23] =	ssyncadd.s32 $0xFFFFFFC0  }
0x30e: {  	[tilespmem:s26], [sflag:$0x3] =	stream.linear.gather [hbm4b:s25+s3], $0x40, $0x38;
	[tilespmem:$0x18600] =	vst v63  }
0x30f: {  	_ =	swait.ge [sflag:s23], $0x40  }
0x310: {  	s0 =	sor.u32 $0x8, s0;
	[sflag:s23] =	ssyncset.done $0x0  }
0x311: {  	s29 =	simm.s32 $0x280;
	s28 =	sadd.s32 s4, s0;
	[sflag:s23] =	ssyncadd.s32 $0xFFFFFFC0  }
0x312: {  	[tilespmem:s29], [sflag:$0x3] =	stream.linear.gather [hbm4b:s28+s3], $0x40, $0x38;
	[tilespmem:$0x18600] =	vst v63  }
0x313: {  	_ =	swait.ge [sflag:s23], $0x40  }
0x314: {  	[sflag:s23] =	ssyncset.done $0x0  }
0x315: {  	s31 =	simm.s32 $0x380;
	s17 =	sadd.s32 s5, s17;
	[sflag:s23] =	ssyncadd.s32 $0xFFFFFFC0  }
0x316: {  	[tilespmem:s31], [sflag:$0x3] =	stream.linear.gather [hbm4b:s17+s3], $0x40, $0x38;
	[tilespmem:$0x18600] =	vst v63  }
0x317: {  	_ =	swait.ge [sflag:s23], $0x40  }
0x318: {  	[sflag:s23] =	ssyncset.done $0x0  }
0x319: {  	s2 =	sadd.s32 s5, s2;
	s19 =	simm.s32 $0x480;
	[sflag:s23] =	ssyncadd.s32 $0xFFFFFFC0  }
0x31a: {  	[tilespmem:s19], [sflag:$0x3] =	stream.linear.gather [hbm4b:s2+s3], $0x40, $0x38;
	[tilespmem:$0x18600] =	vst v63  }
0x31b: {  	_ =	swait.ge [sflag:s23], $0x40  }
0x31c: {  	[sflag:s23] =	ssyncset.done $0x0  }
0x31d: {  	s21 =	simm.s32 $0x580;
	s0 =	sadd.s32 s5, s0;
	[sflag:s23] =	ssyncadd.s32 $0xFFFFFFC0  }
0x31e: {  	[tilespmem:s21], [sflag:$0x3] =	stream.linear.gather [hbm4b:s0+s3], $0x40, $0x38;
	[tilespmem:$0x18600] =	vst v63  }
0x31f: {  	_ =	swait.ge [sflag:s23], $0x40  }
0x320: {  	[sflag:s23] =	ssyncset.done $0x0  }
0x321: {  	[sflag:s23] =	ssyncadd.s32 $0xFFFFFFC0  }
0x322: {  	v3 =	vld [tilespmem:$0x80];
	_ =	sdelay $0x4  }
0x323: {  	v4 =	vshll.u32 v3, $0x1  }
0x324: {  	v3 =	vand.u32 $0x7, v3;
	v4 =	vand.u32 $0xFFFFFFF0, v4  }
0x325: {  	v3 =	vor.u32 v3, v4  }
0x326: {  	v4 =	vperm.xlane v3, v0;
	_ =	sdelay $0x1  }
0x327: {  	v3 =	vperm.xlane v3, v2;
	v4 =	vadd.s32 v1, v4;
	_ =	sdelay $0x1  }
0x328: {  	v3 =	vadd.s32 v1, v3;
	_ =	sdelay $0x2  }
0x329: {  	[tilespmem:s11], [sflag:$0x2] =	stream.indirect_vreg.gather [hbm4b:s1+s3], $0x80, v4, vm0, $0xb8;
	[tilespmem:$0x18600] =	vst v63  }
0x32a: {  	s24 =	simm.s32 $0xCE00  }
0x32b: {  	[tilespmem:s24], [sflag:$0x2] =	stream.indirect_vreg.gather [hbm4b:s1+s3], $0x80, v3, vm0, $0xb8;
	[tilespmem:$0x18600] =	vst v63  }
0x32c: {  	v3 =	vld [tilespmem:$0x90];
	_ =	sdelay $0x4  }
0x32d: {  	v53 =	vshll.u32 v3, $0x1  }
0x32e: {  	v3 =	vand.u32 $0x7, v3;
	v4 =	vand.u32 $0xFFFFFFF0, v53  }
0x32f: {  	v3 =	vor.u32 v3, v4  }
0x330: {  	v4 =	vperm.xlane v3, v0;
	_ =	sdelay $0x1  }
0x331: {  	v3 =	vperm.xlane v3, v2;
	v4 =	vadd.s32 v1, v4;
	_ =	sdelay $0x1  }
0x332: {  	v3 =	vadd.s32 v1, v3;
	_ =	sdelay $0x1  }
0x333: {  	s25 =	simm.s32 $0xD600  }
0x334: {  	[tilespmem:s25], [sflag:$0x2] =	stream.indirect_vreg.gather [hbm4b:s1+s3], $0x80, v4, vm0, $0xb8;
	[tilespmem:$0x18600] =	vst v63  }
0x335: {  	s26 =	simm.s32 $0xDE00  }
0x336: {  	[tilespmem:s26], [sflag:$0x2] =	stream.indirect_vreg.gather [hbm4b:s1+s3], $0x80, v3, vm0, $0xb8;
	[tilespmem:$0x18600] =	vst v63  }
0x337: {  	v3 =	vld [tilespmem:$0xA0];
	_ =	sdelay $0x4  }
0x338: {  	v54 =	vshll.u32 v3, $0x1  }
0x339: {  	v3 =	vand.u32 $0x7, v3;
	v4 =	vand.u32 $0xFFFFFFF0, v54  }
0x33a: {  	v3 =	vor.u32 v3, v4  }
0x33b: {  	v4 =	vperm.xlane v3, v0;
	_ =	sdelay $0x1  }
0x33c: {  	v3 =	vperm.xlane v3, v2;
	v4 =	vadd.s32 v1, v4;
	_ =	sdelay $0x1  }
0x33d: {  	v3 =	vadd.s32 v1, v3;
	_ =	sdelay $0x1  }
0x33e: {  	s28 =	simm.s32 $0xE600  }
0x33f: {  	[tilespmem:s28], [sflag:$0x2] =	stream.indirect_vreg.gather [hbm4b:s1+s3], $0x80, v4, vm0, $0xb8;
	[tilespmem:$0x18600] =	vst v63  }
0x340: {  	s29 =	simm.s32 $0xEE00  }
0x341: {  	[tilespmem:s29], [sflag:$0x2] =	stream.indirect_vreg.gather [hbm4b:s1+s3], $0x80, v3, vm0, $0xb8;
	[tilespmem:$0x18600] =	vst v63  }
0x342: {  	v3 =	vld [tilespmem:$0xB0];
	_ =	sdelay $0x4  }
0x343: {  	v55 =	vshll.u32 v3, $0x1  }
0x344: {  	v3 =	vand.u32 $0x7, v3;
	v4 =	vand.u32 $0xFFFFFFF0, v55  }
0x345: {  	v3 =	vor.u32 v3, v4  }
0x346: {  	v4 =	vperm.xlane v3, v0;
	_ =	sdelay $0x1  }
0x347: {  	v3 =	vperm.xlane v3, v2;
	v4 =	vadd.s32 v1, v4;
	_ =	sdelay $0x1  }
0x348: {  	v3 =	vadd.s32 v1, v3;
	_ =	sdelay $0x1  }
0x349: {  	s31 =	simm.s32 $0xF600  }
0x34a: {  	[tilespmem:s31], [sflag:$0x2] =	stream.indirect_vreg.gather [hbm4b:s1+s3], $0x80, v4, vm0, $0xb8;
	[tilespmem:$0x18600] =	vst v63  }
0x34b: {  	s2 =	simm.s32 $0xFE00  }
0x34c: {  	[tilespmem:s2], [sflag:$0x2] =	stream.indirect_vreg.gather [hbm4b:s1+s3], $0x80, v3, vm0, $0xb8;
	[tilespmem:$0x18600] =	vst v63  }
0x34d: {  	v3 =	vld [tilespmem:$0x180];
	_ =	sdelay $0x4  }
0x34e: {  	v56 =	vshll.u32 v3, $0x1  }
0x34f: {  	v3 =	vand.u32 $0x7, v3;
	v4 =	vand.u32 $0xFFFFFFF0, v56  }
0x350: {  	v3 =	vor.u32 v3, v4  }
0x351: {  	v4 =	vperm.xlane v3, v0;
	_ =	sdelay $0x1  }
0x352: {  	v3 =	vperm.xlane v3, v2;
	v4 =	vadd.s32 v1, v4;
	_ =	sdelay $0x1  }
0x353: {  	v3 =	vadd.s32 v1, v3;
	_ =	sdelay $0x1  }
0x354: {  	s17 =	simm.s32 $0x10600  }
0x355: {  	[tilespmem:s17], [sflag:$0x2] =	stream.indirect_vreg.gather [hbm4b:s1+s3], $0x80, v4, vm0, $0xb8;
	[tilespmem:$0x18600] =	vst v63  }
0x356: {  	s19 =	simm.s32 $0x10E00  }
0x357: {  	[tilespmem:s19], [sflag:$0x2] =	stream.indirect_vreg.gather [hbm4b:s1+s3], $0x80, v3, vm0, $0xb8;
	[tilespmem:$0x18600] =	vst v63  }
0x358: {  	v3 =	vld [tilespmem:$0x190];
	_ =	sdelay $0x4  }
0x359: {  	v57 =	vshll.u32 v3, $0x1  }
0x35a: {  	v3 =	vand.u32 $0x7, v3;
	v4 =	vand.u32 $0xFFFFFFF0, v57  }
0x35b: {  	v3 =	vor.u32 v3, v4  }
0x35c: {  	v4 =	vperm.xlane v3, v0;
	_ =	sdelay $0x1  }
0x35d: {  	v3 =	vperm.xlane v3, v2;
	v4 =	vadd.s32 v1, v4;
	_ =	sdelay $0x1  }
0x35e: {  	v3 =	vadd.s32 v1, v3;
	_ =	sdelay $0x1  }
0x35f: {  	s21 =	simm.s32 $0x11600  }
0x360: {  	[tilespmem:s21], [sflag:$0x2] =	stream.indirect_vreg.gather [hbm4b:s1+s3], $0x80, v4, vm0, $0xb8;
	[tilespmem:$0x18600] =	vst v63  }
0x361: {  	s24 =	simm.s32 $0x11E00  }
0x362: {  	[tilespmem:s24], [sflag:$0x2] =	stream.indirect_vreg.gather [hbm4b:s1+s3], $0x80, v3, vm0, $0xb8;
	[tilespmem:$0x18600] =	vst v63  }
0x363: {  	v3 =	vld [tilespmem:$0x1A0];
	_ =	sdelay $0x4  }
0x364: {  	v58 =	vshll.u32 v3, $0x1  }
0x365: {  	v3 =	vand.u32 $0x7, v3;
	v4 =	vand.u32 $0xFFFFFFF0, v58  }
0x366: {  	v3 =	vor.u32 v3, v4  }
0x367: {  	v4 =	vperm.xlane v3, v0;
	_ =	sdelay $0x1  }
0x368: {  	v3 =	vperm.xlane v3, v2;
	v4 =	vadd.s32 v1, v4;
	_ =	sdelay $0x1  }
0x369: {  	v3 =	vadd.s32 v1, v3;
	_ =	sdelay $0x1  }
0x36a: {  	s25 =	simm.s32 $0x12600  }
0x36b: {  	[tilespmem:s25], [sflag:$0x2] =	stream.indirect_vreg.gather [hbm4b:s1+s3], $0x80, v4, vm0, $0xb8;
	[tilespmem:$0x18600] =	vst v63  }
0x36c: {  	s26 =	simm.s32 $0x12E00  }
0x36d: {  	[tilespmem:s26], [sflag:$0x2] =	stream.indirect_vreg.gather [hbm4b:s1+s3], $0x80, v3, vm0, $0xb8;
	[tilespmem:$0x18600] =	vst v63  }
0x36e: {  	v3 =	vld [tilespmem:$0x1B0];
	_ =	sdelay $0x4  }
0x36f: {  	v59 =	vshll.u32 v3, $0x1  }
0x370: {  	v3 =	vand.u32 $0x7, v3;
	v4 =	vand.u32 $0xFFFFFFF0, v59  }
0x371: {  	v3 =	vor.u32 v3, v4  }
0x372: {  	v4 =	vperm.xlane v3, v0;
	_ =	sdelay $0x1  }
0x373: {  	v3 =	vperm.xlane v3, v2;
	v4 =	vadd.s32 v1, v4;
	_ =	sdelay $0x1  }
0x374: {  	v3 =	vadd.s32 v1, v3;
	_ =	sdelay $0x1  }
0x375: {  	s28 =	simm.s32 $0x13600  }
0x376: {  	[tilespmem:s28], [sflag:$0x2] =	stream.indirect_vreg.gather [hbm4b:s1+s3], $0x80, v4, vm0, $0xb8;
	[tilespmem:$0x18600] =	vst v63  }
0x377: {  	s29 =	simm.s32 $0x13E00  }
0x378: {  	[tilespmem:s29], [sflag:$0x2] =	stream.indirect_vreg.gather [hbm4b:s1+s3], $0x80, v3, vm0, $0xb8;
	[tilespmem:$0x18600] =	vst v63  }
0x379: {  	v3 =	vld [tilespmem:$0x280];
	_ =	sdelay $0x4  }
0x37a: {  	v60 =	vshll.u32 v3, $0x1  }
0x37b: {  	v3 =	vand.u32 $0x7, v3;
	v4 =	vand.u32 $0xFFFFFFF0, v60  }
0x37c: {  	v3 =	vor.u32 v3, v4  }
0x37d: {  	v4 =	vperm.xlane v3, v0;
	_ =	sdelay $0x1  }
0x37e: {  	v3 =	vperm.xlane v3, v2;
	v4 =	vadd.s32 v1, v4;
	_ =	sdelay $0x1  }
0x37f: {  	v3 =	vadd.s32 v1, v3;
	_ =	sdelay $0x1  }
0x380: {  	s31 =	simm.s32 $0x14600  }
0x381: {  	[tilespmem:s31], [sflag:$0x2] =	stream.indirect_vreg.gather [hbm4b:s1+s3], $0x80, v4, vm0, $0xb8;
	[tilespmem:$0x18600] =	vst v63  }
0x382: {  	_ = 	snop  }
0x383: {  	[tilespmem:s6], [sflag:$0x2] =	stream.indirect_vreg.gather [hbm4b:s1+s3], $0x80, v3, vm0, $0xb8;
	[tilespmem:$0x18600] =	vst v63  }
0x384: {  	v3 =	vld [tilespmem:$0x290];
	_ =	sdelay $0x4  }
0x385: {  	v61 =	vshll.u32 v3, $0x1  }
0x386: {  	v3 =	vand.u32 $0x7, v3;
	v4 =	vand.u32 $0xFFFFFFF0, v61  }
0x387: {  	v3 =	vor.u32 v3, v4  }
0x388: {  	v4 =	vperm.xlane v3, v0;
	_ =	sdelay $0x1  }
0x389: {  	v3 =	vperm.xlane v3, v2;
	v4 =	vadd.s32 v1, v4;
	_ =	sdelay $0x1  }
0x38a: {  	v3 =	vadd.s32 v1, v3;
	_ =	sdelay $0x2  }
0x38b: {  	[tilespmem:s7], [sflag:$0x2] =	stream.indirect_vreg.gather [hbm4b:s1+s3], $0x80, v4, vm0, $0xb8;
	[tilespmem:$0x18600] =	vst v63  }
0x38c: {  	_ = 	snop  }
0x38d: {  	[tilespmem:s8], [sflag:$0x2] =	stream.indirect_vreg.gather [hbm4b:s1+s3], $0x80, v3, vm0, $0xb8;
	[tilespmem:$0x18600] =	vst v63  }
0x38e: {  	v3 =	vld [tilespmem:$0x2A0];
	_ =	sdelay $0x4  }
0x38f: {  	v62 =	vshll.u32 v3, $0x1  }
0x390: {  	v3 =	vand.u32 $0x7, v3;
	v4 =	vand.u32 $0xFFFFFFF0, v62  }
0x391: {  	v3 =	vor.u32 v3, v4  }
0x392: {  	v4 =	vperm.xlane v3, v0;
	_ =	sdelay $0x1  }
0x393: {  	v3 =	vperm.xlane v3, v2;
	v4 =	vadd.s32 v1, v4;
	_ =	sdelay $0x1  }
0x394: {  	v3 =	vadd.s32 v1, v3;
	_ =	sdelay $0x2  }
0x395: {  	[tilespmem:s9], [sflag:$0x2] =	stream.indirect_vreg.gather [hbm4b:s1+s3], $0x80, v4, vm0, $0xb8;
	[tilespmem:$0x18600] =	vst v63  }
0x396: {  	_ = 	snop  }
0x397: {  	[tilespmem:s10], [sflag:$0x2] =	stream.indirect_vreg.gather [hbm4b:s1+s3], $0x80, v3, vm0, $0xb8;
	[tilespmem:$0x18600] =	vst v63  }
0x398: {  	v3 =	vld [tilespmem:$0x2B0];
	_ =	sdelay $0x4  }
0x399: {  	v63 =	vshll.u32 v3, $0x1  }
0x39a: {  	v3 =	vand.u32 $0x7, v3;
	v4 =	vand.u32 $0xFFFFFFF0, v63  }
0x39b: {  	v3 =	vor.u32 v3, v4  }
0x39c: {  	v4 =	vperm.xlane v3, v0;
	_ =	sdelay $0x1  }
0x39d: {  	v3 =	vperm.xlane v3, v2;
	v4 =	vadd.s32 v1, v4;
	_ =	sdelay $0x1  }
0x39e: {  	v3 =	vadd.s32 v1, v3  }
.Ltmp6:
0x39f: {  	_ = 	snop;
	(pc) =	sbr.rel .LBB2_2-.Ltmp6, $4  }
0x3a0: {  	_ = 	snop  }
0x3a1: {  	[tilespmem:s12], [sflag:$0x2] =	stream.indirect_vreg.gather [hbm4b:s1+s3], $0x80, v4, vm0, $0xb8;
	[tilespmem:$0x18600] =	vst v63  }
0x3a2: {  	s16 =	sadd.s32 $0x1, s16  }
0x3a3: {  	[tilespmem:s13], [sflag:$0x2] =	stream.indirect_vreg.gather [hbm4b:s1+s3], $0x80, v3, vm0, $0xb8;
	[tilespmem:$0x18600] =	vst v63  }
.LBB2_11:
0x3a4: {  	_ =	sfence.sel $0x180000  }
0x3a5: {  	[bflag:$0x0] =	sbarrier.arrive $0xFFFF  }
0x3a6: {  	_ =	strace $0x90000047  }
0x3a7: {  	s0 =	stileid.u32;
	[bflag:$0x2] =	sbarrier.arrive $0xFFFF  }
0x3a8: {  	p0 =	sne.s32 s0, $0x0;
	s0 =	rddreg [dreg:$0x2]  }
0x3a9: {  	s0 =	sadd.s32 @!p0 $0x100000, s0  }
0x3aa: {  	[sflag:s0] =	ssyncadd.tile.s32 @!p0 $0x1;
	_ =	shalt  }
.Lfunc_end2:
_tile_overlayer_lowered:
.L_overlay_start_2:
0x3ab: {  	(tag) =	ssettag $0x2  }
0x3ac: {  	s0 =	rddreg [dreg:$0x0];
	s2 =	stileid.u32  }
0x3ad: {  	s1 =	rddreg [dreg:$0x1];
	p0 =	sne.s32 s2, $0x0  }
0x3ae: {  	s3 =	rddreg [dreg:$0x2];
	[bflag:$0x3] =	sbarrier.arrive $0xFFFF;
	s2 =	simm.s32 @!p0 $0x1C03  }
0x3af: {  	[timem:s3], [sflag:s2] =	dma.local @!p0 [hbm:s0], s1  }
0x3b0: {  	s0 =	simm.s32 @!p0 $0x3  }
0x3b1: {  	_ =	swait.ge @!p0 [sflag:s0], s1  }
0x3b2: {  	s1 =	ssub.s32 @!p0 $0x0, s1;
	[sflag:s0] =	ssyncset.done @!p0 $0x0  }
0x3b3: {  	[sflag:s0] =	ssyncadd.s32 @!p0 s1  }
0x3b4: {  	[bflag:$0x3] =	sbarrier.arrive $0xFFFF  }
0x3b5: {  	_ =	shalt  }

</sc_bundles>
